<compile_context>
chip_gen: v7x
topology: tpu7x:2x2x1
jax: 0.10.2.dev20260603
libtpu: 0.0.44.dev20260713+nightly
codegen_flags: <defaults>
</compile_context>

<pallas_src>
import functools

import jax
import jax.numpy as jnp
from jax import lax
from jax.experimental import pallas as pl
from jax.experimental.pallas import tpu as pltpu
from jax.experimental.pallas import tpu_sc as plsc

N = 10000
E = 320000
D = 128
H = 128
G = 128
OUT = 16

N_PAD = 10240
BLK = 1024
NBLK = N_PAD // BLK

NC = 2
NS = 16
NW = NC * NS
EPW = E // NW
CH = 80
NCH = EPW // CH
RPT = N_PAD // NS

NBUF = 3
NGRP = NCH // NBUF
NTAIL = NCH - NGRP * NBUF


@functools.lru_cache(maxsize=1)
def _sc_mesh():
    return plsc.VectorSubcoreMesh(core_axis_name="c", subcore_axis_name="s",
                                  num_cores=NC, num_subcores=NS)



MAXQ = 8


def _deg_body(col2d_hbm, zeros1_hbm, deg_hbm, acc_sh, colslab, onesv, sem):
    c = lax.axis_index("c")
    s = lax.axis_index("s")
    wid = c * NS + s
    pltpu.sync_copy(zeros1_hbm.at[pl.ds(s * RPT, RPT)], acc_sh.at[pl.ds(s * RPT, RPT)])
    pltpu.sync_copy(col2d_hbm.at[wid], colslab)
    for k in range(CH // 16):
        onesv[pl.ds(k * 16, 16)] = jnp.ones((16,), jnp.float32)
    plsc.subcore_barrier()

    def chunk(j, carry):
        @pl.when(j >= MAXQ)
        def _():
            pltpu.make_async_copy(onesv, acc_sh.at[colslab.at[j - MAXQ]],
                                  sem).wait()

        pltpu.async_copy(onesv, acc_sh.at[colslab.at[j]], sem, add=True)
        return carry

    lax.fori_loop(0, NCH, chunk, 0)
    for k in range(NCH - MAXQ, NCH):
        pltpu.make_async_copy(onesv, acc_sh.at[colslab.at[k]], sem).wait()
    plsc.subcore_barrier()
    pltpu.sync_copy(acc_sh.at[pl.ds(s * RPT, RPT)], deg_hbm.at[c, pl.ds(s * RPT, RPT)])


@functools.lru_cache(maxsize=1)
def _deg_call():
    return pl.kernel(
        _deg_body,
        out_type=jax.ShapeDtypeStruct((NC, N_PAD), jnp.float32),
        mesh=_sc_mesh(),
        scratch_types=[
            pltpu.VMEM_SHARED((N_PAD,), jnp.float32),
            pltpu.VMEM((NCH, CH), jnp.int32),
            pltpu.VMEM((CH,), jnp.float32),
            pltpu.SemaphoreType.DMA,
        ],
    )



def _agg_body(u_hbm, row2d_hbm, col4d_hbm, zeros2_hbm, p_hbm,
              acc_sh, rowslab, rowsv, coltmp, gsems, csems, ssems, zsem):
    c = lax.axis_index("c")
    s = lax.axis_index("s")
    wid = c * NS + s
    dz = pltpu.async_copy(zeros2_hbm, acc_sh.at[pl.ds(s * RPT, RPT)], zsem)
    pltpu.sync_copy(row2d_hbm.at[wid], rowslab)

    def fire(j, b):
        pltpu.async_copy(u_hbm.at[rowslab.at[j]], rowsv.at[b], gsems.at[b])
        pltpu.async_copy(col4d_hbm.at[wid, j], coltmp.at[b], csems.at[b])

    def wait_gather(j, b):
        pltpu.make_async_copy(u_hbm.at[rowslab.at[j]], rowsv.at[b],
                              gsems.at[b]).wait()
        pltpu.make_async_copy(col4d_hbm.at[wid, j], coltmp.at[b],
                              csems.at[b]).wait()

    def fire_scatter(b):
        pltpu.async_copy(rowsv.at[b], acc_sh.at[coltmp.at[b, 0]],
                         ssems.at[b], add=True)

    def wait_scatter(b):
        pltpu.make_async_copy(rowsv.at[b], acc_sh.at[coltmp.at[b, 0]],
                              ssems.at[b]).wait()

    fire(0, 0)
    fire(1, 1)
    dz.wait()
    plsc.subcore_barrier()

    def step(j, b):
        wait_gather(j, b)
        fire_scatter(b)
        b2 = (b + 2) % NBUF

        @pl.when(j >= 1)
        def _():
            wait_scatter(b2)

        fire(j + 2, b2)

    def outer(g, carry):
        for b in range(NBUF):
            step(g * NBUF + b, b)
        return carry

    lax.fori_loop(0, (NCH - NTAIL) // NBUF, outer, 0)
    for j in range(NCH - NTAIL, NCH):
        b = j % NBUF
        wait_gather(j, b)
        wait_scatter((b + 2) % NBUF)
        fire_scatter(b)
    wait_scatter((NCH - 1) % NBUF)
    plsc.subcore_barrier()
    pltpu.sync_copy(acc_sh.at[pl.ds(s * RPT, RPT)], p_hbm.at[c, pl.ds(s * RPT, RPT)])


@functools.lru_cache(maxsize=1)
def _agg_call():
    return pl.kernel(
        _agg_body,
        out_type=jax.ShapeDtypeStruct((NC, N_PAD, H), jnp.float32),
        mesh=_sc_mesh(),
        scratch_types=[
            pltpu.VMEM_SHARED((N_PAD, H), jnp.float32),
            pltpu.VMEM((NCH, CH), jnp.int32),
            pltpu.VMEM((NBUF, CH, H), jnp.float32),
            pltpu.VMEM((NBUF, 1, CH), jnp.int32),
            pltpu.SemaphoreType.DMA((NBUF,)),
            pltpu.SemaphoreType.DMA((NBUF,)),
            pltpu.SemaphoreType.DMA((NBUF,)),
            pltpu.SemaphoreType.DMA,
        ],
    )



def _dinv_from(deg_ref):
    deg = 1.0 + jnp.sum(deg_ref[...], axis=1, keepdims=True)
    return lax.rsqrt(deg)


def _onehot(b_ref):
    bb = b_ref[0]
    gid = lax.broadcasted_iota(jnp.int32, (G, BLK), 0)
    return (jnp.broadcast_to(bb, (G, BLK)) == gid).astype(jnp.float32)


def _first_body(x_ref, w_ref, deg_ref, b_ref, u_ref, cnt_ref):
    i = pl.program_id(0)
    dinv = _dinv_from(deg_ref)
    xw = jnp.dot(x_ref[...], w_ref[...], preferred_element_type=jnp.float32)
    u_ref[...] = dinv * xw
    oh = _onehot(b_ref)

    @pl.when(i == 0)
    def _():
        cnt_ref[...] = jnp.zeros_like(cnt_ref)

    cnt_ref[...] += jnp.dot(oh, jnp.ones((BLK, G), jnp.float32),
                            preferred_element_type=jnp.float32)


def _first_call(x, W, deg2, batch3):
    return pl.pallas_call(
        _first_body,
        grid=(NBLK,),
        in_specs=[
            pl.BlockSpec((BLK, D), lambda i: (i, 0)),
            pl.BlockSpec((D, H), lambda i: (0, 0)),
            pl.BlockSpec((BLK, 2), lambda i: (i, 0)),
            pl.BlockSpec((1, 1, BLK), lambda i: (i, 0, 0)),
        ],
        out_specs=[
            pl.BlockSpec((BLK, H), lambda i: (i, 0)),
            pl.BlockSpec((G, G), lambda i: (0, 0)),
        ],
        out_shape=[
            jax.ShapeDtypeStruct((N_PAD, H), jnp.float32),
            jax.ShapeDtypeStruct((G, G), jnp.float32),
        ],
    )(x, W, deg2, batch3)


def _layer_body(p_ref, u_ref, deg_ref, bias_ref, w_ref, b_ref,
                unext_ref, pool_ref):
    i = pl.program_id(0)
    dinv = _dinv_from(deg_ref)
    agg = p_ref[0] + p_ref[1]
    h = dinv * (agg + u_ref[...]) + bias_ref[...]
    unext_ref[...] = dinv * jnp.dot(h, w_ref[...], preferred_element_type=jnp.float32)
    oh = _onehot(b_ref)

    @pl.when(i == 0)
    def _():
        pool_ref[...] = jnp.zeros_like(pool_ref)

    pool_ref[...] += jnp.dot(oh, h, preferred_element_type=jnp.float32)


def _layer_call(p, u, deg2, bias, W, batch3):
    return pl.pallas_call(
        _layer_body,
        grid=(NBLK,),
        in_specs=[
            pl.BlockSpec((NC, BLK, H), lambda i: (0, i, 0)),
            pl.BlockSpec((BLK, H), lambda i: (i, 0)),
            pl.BlockSpec((BLK, 2), lambda i: (i, 0)),
            pl.BlockSpec((1, H), lambda i: (0, 0)),
            pl.BlockSpec((H, H), lambda i: (0, 0)),
            pl.BlockSpec((1, 1, BLK), lambda i: (i, 0, 0)),
        ],
        out_specs=[
            pl.BlockSpec((BLK, H), lambda i: (i, 0)),
            pl.BlockSpec((G, H), lambda i: (0, 0)),
        ],
        out_shape=[
            jax.ShapeDtypeStruct((N_PAD, H), jnp.float32),
            jax.ShapeDtypeStruct((G, H), jnp.float32),
        ],
    )(p, u, deg2, bias, W, batch3)


def _last_body(p_ref, u_ref, deg_ref, bias_ref, b_ref,
               pool1_ref, pool2_ref, cnt_ref, w1_ref, b1_ref, w2_ref, b2_ref,
               h_ref, ls_ref, pool_scr):
    i = pl.program_id(0)
    dinv = _dinv_from(deg_ref)
    agg = p_ref[0] + p_ref[1]
    h = dinv * (agg + u_ref[...]) + bias_ref[...]
    oh = _onehot(b_ref)

    @pl.when(i == 0)
    def _():
        pool_scr[...] = jnp.zeros_like(pool_scr)

    pool_scr[...] += jnp.dot(oh, h, preferred_element_type=jnp.float32)

    @pl.when(i == NBLK - 1)
    def _():
        cnt = jnp.maximum(cnt_ref[...][:, 0:1], 1.0)
        poolcat = jnp.concatenate(
            [pool1_ref[...], pool2_ref[...], pool_scr[...]], axis=1) / cnt
        t = jnp.dot(poolcat, w1_ref[...],
                    preferred_element_type=jnp.float32) + b1_ref[...]
        t = jnp.maximum(t, 0.0)
        o = jnp.dot(t, w2_ref[...],
                    preferred_element_type=jnp.float32) + b2_ref[...]
        h_ref[...] = o
        colid = lax.broadcasted_iota(jnp.int32, (G, 128), 1)
        valid = colid < OUT
        om = jnp.where(valid, o, -1e30)
        m = jnp.max(om, axis=1, keepdims=True)
        ssum = jnp.sum(jnp.where(valid, jnp.exp(om - m), 0.0),
                       axis=1, keepdims=True)
        ls_ref[...] = om - m - jnp.log(ssum)


def _last_call(p, u, deg2, bias, batch3, pool1, pool2, counts,
               lin1_W, lin1_b, lin2_Wp, lin2_bp):
    HH = 3 * H
    return pl.pallas_call(
        _last_body,
        grid=(NBLK,),
        in_specs=[
            pl.BlockSpec((NC, BLK, H), lambda i: (0, i, 0)),
            pl.BlockSpec((BLK, H), lambda i: (i, 0)),
            pl.BlockSpec((BLK, 2), lambda i: (i, 0)),
            pl.BlockSpec((1, H), lambda i: (0, 0)),
            pl.BlockSpec((1, 1, BLK), lambda i: (i, 0, 0)),
            pl.BlockSpec((G, H), lambda i: (0, 0)),
            pl.BlockSpec((G, H), lambda i: (0, 0)),
            pl.BlockSpec((G, G), lambda i: (0, 0)),
            pl.BlockSpec((HH, HH), lambda i: (0, 0)),
            pl.BlockSpec((1, HH), lambda i: (0, 0)),
            pl.BlockSpec((HH, 128), lambda i: (0, 0)),
            pl.BlockSpec((1, 128), lambda i: (0, 0)),
        ],
        out_specs=[
            pl.BlockSpec((G, 128), lambda i: (0, 0)),
            pl.BlockSpec((G, 128), lambda i: (0, 0)),
        ],
        out_shape=[
            jax.ShapeDtypeStruct((G, 128), jnp.float32),
            jax.ShapeDtypeStruct((G, 128), jnp.float32),
        ],
        scratch_shapes=[pltpu.VMEM((G, H), jnp.float32)],
    )(p, u, deg2, bias, batch3, pool1, pool2, counts,
      lin1_W, lin1_b, lin2_Wp, lin2_bp)



def kernel(x, edge_index, batch, W1, b1, W2, b2, W3, b3,
           lin1_W, lin1_b, lin2_W, lin2_b):
    f32 = jnp.float32
    row2d = edge_index[0].reshape(NW, NCH, CH)
    col2d = edge_index[1].reshape(NW, NCH, CH)
    col4d = edge_index[1].reshape(NW, NCH, 1, CH)
    x_pad = jnp.pad(x, ((0, N_PAD - N), (0, 0)))
    batch_pad = jnp.concatenate([batch, jnp.full((N_PAD - N,), G, jnp.int32)])
    batch3 = batch_pad.reshape(NBLK, 1, BLK)
    zeros1 = jnp.zeros((N_PAD,), f32)
    zeros2 = jnp.zeros((RPT, H), f32)

    degT = _deg_call()(col2d, zeros1)
    deg2 = degT.T

    u1, counts = _first_call(x_pad, W1, deg2, batch3)
    p = _agg_call()(u1, row2d, col4d, zeros2)
    u2, pool1 = _layer_call(p, u1, deg2, b1.reshape(1, H), W2, batch3)
    p = _agg_call()(u2, row2d, col4d, zeros2)
    u3, pool2 = _layer_call(p, u2, deg2, b2.reshape(1, H), W3, batch3)
    p = _agg_call()(u3, row2d, col4d, zeros2)
    lin2_Wp = jnp.pad(lin2_W, ((0, 0), (0, 128 - OUT)))
    lin2_bp = jnp.pad(lin2_b, (0, 128 - OUT)).reshape(1, 128)
    hout, ls = _last_call(p, u3, deg2, b3.reshape(1, H), batch3,
                          pool1, pool2, counts,
                          lin1_W, lin1_b.reshape(1, 3 * H), lin2_Wp, lin2_bp)
    return (hout[:, :OUT], ls[:, :OUT])

# --- scband reference (transcript-rebuilt; emitter-appended) ---
"""Pipeline reference for scband-gcnwith-dynamic-layers-number-60584808678014 (READ-ONLY COPY).

The authoritative reference and input builder live on the scoring server;
editing this copy changes nothing except your own understanding.
"""

import jax, jax.numpy as jnp
import numpy as np

N = 10000
E = 320000
D = 128
H = 128
HOPS = 3
G = 128
OUT = 16


def setup_inputs(seed: int = 0) -> dict:
    key = jax.random.key(seed)
    ks = jax.random.split(key, 16)
    x = jax.random.normal(ks[0], (N, D), dtype=jnp.float32)
    edge_index = jax.random.randint(ks[1], (2, E), 0, N, dtype=jnp.int32)
    batch = jnp.sort(jax.random.randint(ks[2], (N,), 0, G, dtype=jnp.int32))
    def lin(k, fan_in, shape):
        return (jax.random.uniform(k, shape, dtype=jnp.float32) * 2.0 - 1.0) / np.sqrt(fan_in)
    W1 = lin(ks[3], D, (D, H)); b1 = lin(ks[4], D, (H,))
    W2 = lin(ks[5], H, (H, H)); b2 = lin(ks[6], H, (H,))
    W3 = lin(ks[7], H, (H, H)); b3 = lin(ks[8], H, (H,))
    lin1_W = lin(ks[9], H * HOPS, (H * HOPS, H * HOPS)); lin1_b = lin(ks[10], H * HOPS, (H * HOPS,))
    lin2_W = lin(ks[11], H * HOPS, (H * HOPS, OUT)); lin2_b = lin(ks[12], H * HOPS, (OUT,))
    return {"x": x, "edge_index": edge_index, "batch": batch,
            "W1": W1, "b1": b1, "W2": W2, "b2": b2, "W3": W3, "b3": b3,
            "lin1_W": lin1_W, "lin1_b": lin1_b, "lin2_W": lin2_W, "lin2_b": lin2_b}


def _gcn_conv(x, edge_index, W, b):
    n = x.shape[0]
    loop = jnp.arange(n, dtype=edge_index.dtype)
    row = jnp.concatenate([edge_index[0], loop])
    col = jnp.concatenate([edge_index[1], loop])
    xw = x @ W
    deg = jax.ops.segment_sum(jnp.ones(row.shape[0], dtype=xw.dtype), col, num_segments=n)
    dinv = jnp.where(deg > 0, 1.0 / jnp.sqrt(deg), 0.0)
    norm = dinv[row] * dinv[col]
    msg = xw[row] * norm[:, None]
    out = jax.ops.segment_sum(msg, col, num_segments=n)
    return out + b


def _global_mean_pool(h, batch):
    sums = jax.ops.segment_sum(h, batch, num_segments=G)
    cnt = jax.ops.segment_sum(jnp.ones(h.shape[0], dtype=h.dtype), batch, num_segments=G)
    return sums / jnp.maximum(cnt, 1.0)[:, None]


def reference(x, edge_index, batch, W1, b1, W2, b2, W3, b3, lin1_W, lin1_b, lin2_W, lin2_b):
    h1 = _gcn_conv(x, edge_index, W1, b1)
    pooled = [_global_mean_pool(h1, batch)]
    prev = h1
    for W, b in ((W2, b2), (W3, b3)):
        cur = _gcn_conv(prev, edge_index, W, b)
        pooled.append(_global_mean_pool(cur, batch))
        prev = cur
    h = jnp.concatenate(pooled, axis=1)
    h = h @ lin1_W + lin1_b
    h = jax.nn.relu(h)
    # dropout is identity in eval mode
    h = h @ lin2_W + lin2_b
    return (h, jax.nn.log_softmax(h, axis=1))

if __name__ == "__main__":
    import jax
    _d = setup_inputs()
    print(jax.jit(kernel)(*tuple(_d.values())))

</pallas_src>

<mosaic_0001>
#map = affine_map<(d0, d1) -> (0, 0, 0)>
#map1 = affine_map<(d0, d1) -> (0)>
#map2 = affine_map<(d0, d1) -> (0, 0)>
module attributes {stable_mosaic.version = 14 : i64} {
  func.func @_deg_body(%arg0: i32, %arg1: i32, %arg2: memref<32x125x80xi32, #tpu.memory_space<hbm>>, %arg3: memref<10240xf32, #tpu.memory_space<hbm>>, %arg4: memref<2x10240xf32, #tpu.memory_space<hbm>>, %arg5: memref<10240xf32, #tpu.memory_space<vmem_shared>>, %arg6: memref<125x80xi32, #tpu.memory_space<vmem>>, %arg7: memref<80xf32, #tpu.memory_space<vmem>>, %arg8: memref<!tpu.dma_semaphore, #tpu.memory_space<semaphore_mem>>) attributes {dimension_semantics = [#tpu.dimension_semantics<core_parallel>, #tpu.dimension_semantics<subcore_parallel>], iteration_bounds = array<i64: 2, 16>, scalar_prefetch = 0 : i64, scratch_operands = 4 : i64, tpu.core_type = #tpu.core_type<sc_vector_subcore>, window_params = [{transform_indices = #map}, {transform_indices = #map1}, {transform_indices = #map2}]} {
    %mul3A = arith.constant 16 : i32
    %mul3A_0 = arith.muli %arg0, %mul3A : i32
    %add3A = arith.addi %mul3A_0, %arg1 : i32
    %mul3A_1 = arith.constant 640 : i32
    %mul3A_2 = arith.muli %arg1, %mul3A_1 : i32
    %mul3A_3 = arith.constant 640 : i32
    %mul3A_4 = arith.muli %arg1, %mul3A_3 : i32
    "tpu.region"() ({
      %run_scoped3A = tpu.sem_alloc : memref<!tpu.dma_semaphore, #tpu.memory_space<semaphore_mem>>
      %dma_start3A = tpu.memref_slice %arg5[%mul3A_4] : memref<10240xf32, #tpu.memory_space<vmem_shared>> -> memref<640xf32, #tpu.memory_space<vmem_shared>>
      %dma_start3A_90 = tpu.memref_slice %arg3[%mul3A_2] : memref<10240xf32, #tpu.memory_space<hbm>> -> memref<640xf32, #tpu.memory_space<hbm>>
      tpu.enqueue_dma source(%dma_start3A_90 : memref<640xf32, #tpu.memory_space<hbm>>) target(%dma_start3A : memref<640xf32, #tpu.memory_space<vmem_shared>>) target_semaphore(%run_scoped3A : memref<!tpu.dma_semaphore, #tpu.memory_space<semaphore_mem>>)
      %dma_wait3A_91 = tpu.memref_slice %arg5[%mul3A_4] : memref<10240xf32, #tpu.memory_space<vmem_shared>> -> memref<640xf32, #tpu.memory_space<vmem_shared>>
      %dma_wait3A_92 = tpu.memref_slice %arg3[%mul3A_2] : memref<10240xf32, #tpu.memory_space<hbm>> -> memref<640xf32, #tpu.memory_space<hbm>>
      tpu.wait_dma2 semaphore(%run_scoped3A : memref<!tpu.dma_semaphore, #tpu.memory_space<semaphore_mem>>) src(%dma_wait3A_92 : memref<640xf32, #tpu.memory_space<hbm>>) dst(%dma_wait3A_91 : memref<640xf32, #tpu.memory_space<vmem_shared>>)
      tpu.yield
    }) : () -> ()
    "tpu.region"() ({
      %run_scoped3A = tpu.sem_alloc : memref<!tpu.dma_semaphore, #tpu.memory_space<semaphore_mem>>
      %dma_start3A = arith.constant 0 : i32
      %dma_start3A_90 = arith.constant 0 : i32
      %dma_start3A_91 = tpu.memref_slice %arg2[%add3A, %dma_start3A, %dma_start3A_90] : memref<32x125x80xi32, #tpu.memory_space<hbm>> -> memref<1x125x80xi32, #tpu.memory_space<hbm>>
      %dma_start3A_92 = tpu.memref_squeeze %dma_start3A_91 : memref<1x125x80xi32, #tpu.memory_space<hbm>> -> memref<125x80xi32, #tpu.memory_space<hbm>>
      %dma_start3A_93 = arith.constant 0 : i32
      %dma_start3A_94 = arith.constant 0 : i32
      %dma_start3A_95 = tpu.memref_slice %arg2[%add3A, %dma_start3A_93, %dma_start3A_94] : memref<32x125x80xi32, #tpu.memory_space<hbm>> -> memref<1x125x80xi32, #tpu.memory_space<hbm>>
      %dma_start3A_96 = tpu.memref_squeeze %dma_start3A_95 : memref<1x125x80xi32, #tpu.memory_space<hbm>> -> memref<125x80xi32, #tpu.memory_space<hbm>>
      tpu.enqueue_dma source(%dma_start3A_96 : memref<125x80xi32, #tpu.memory_space<hbm>>) target(%arg6 : memref<125x80xi32, #tpu.memory_space<vmem>>) target_semaphore(%run_scoped3A : memref<!tpu.dma_semaphore, #tpu.memory_space<semaphore_mem>>)
      %dma_wait3A_97 = arith.constant 0 : i32
      %dma_wait3A_98 = arith.constant 0 : i32
      %dma_wait3A_99 = tpu.memref_slice %arg2[%add3A, %dma_wait3A_97, %dma_wait3A_98] : memref<32x125x80xi32, #tpu.memory_space<hbm>> -> memref<1x125x80xi32, #tpu.memory_space<hbm>>
      %dma_wait3A_100 = tpu.memref_squeeze %dma_wait3A_99 : memref<1x125x80xi32, #tpu.memory_space<hbm>> -> memref<125x80xi32, #tpu.memory_space<hbm>>
      %dma_wait3A_101 = arith.constant 0 : i32
      %dma_wait3A_102 = arith.constant 0 : i32
      %dma_wait3A_103 = tpu.memref_slice %arg2[%add3A, %dma_wait3A_101, %dma_wait3A_102] : memref<32x125x80xi32, #tpu.memory_space<hbm>> -> memref<1x125x80xi32, #tpu.memory_space<hbm>>
      %dma_wait3A_104 = tpu.memref_squeeze %dma_wait3A_103 : memref<1x125x80xi32, #tpu.memory_space<hbm>> -> memref<125x80xi32, #tpu.memory_space<hbm>>
      tpu.wait_dma2 semaphore(%run_scoped3A : memref<!tpu.dma_semaphore, #tpu.memory_space<semaphore_mem>>) src(%dma_wait3A_104 : memref<125x80xi32, #tpu.memory_space<hbm>>) dst(%arg6 : memref<125x80xi32, #tpu.memory_space<vmem>>)
      tpu.yield
    }) : () -> ()
    %broadcast_in_dim3A = arith.constant 1.000000e+00 : f32
    %broadcast_in_dim3A_5 = vector.broadcast %broadcast_in_dim3A : f32 to vector<16xf32>
    %swap3A = arith.constant 0 : index
    %swap3A_6 = tpu.vector_load %arg7[%swap3A] {strides = array<i32>} : memref<80xf32, #tpu.memory_space<vmem>>, vector<16xf32>,
    %swap3A_7 = vector.shape_cast %swap3A_6 : vector<16xf32> to vector<16xf32>
    %swap3A_8 = vector.shape_cast %broadcast_in_dim3A_5 : vector<16xf32> to vector<16xf32>
    tpu.vector_store %arg7[%swap3A], %swap3A_8 {strides = array<i32>} : memref<80xf32, #tpu.memory_space<vmem>>, vector<16xf32>,
    %broadcast_in_dim3A_9 = arith.constant 1.000000e+00 : f32
    %broadcast_in_dim3A_10 = vector.broadcast %broadcast_in_dim3A_9 : f32 to vector<16xf32>
    %swap3A_11 = arith.constant 16 : index
    %swap3A_12 = tpu.vector_load %arg7[%swap3A_11] {strides = array<i32>} : memref<80xf32, #tpu.memory_space<vmem>>, vector<16xf32>,
    %swap3A_13 = vector.shape_cast %swap3A_12 : vector<16xf32> to vector<16xf32>
    %swap3A_14 = vector.shape_cast %broadcast_in_dim3A_10 : vector<16xf32> to vector<16xf32>
    tpu.vector_store %arg7[%swap3A_11], %swap3A_14 {strides = array<i32>} : memref<80xf32, #tpu.memory_space<vmem>>, vector<16xf32>,
    %broadcast_in_dim3A_15 = arith.constant 1.000000e+00 : f32
    %broadcast_in_dim3A_16 = vector.broadcast %broadcast_in_dim3A_15 : f32 to vector<16xf32>
    %swap3A_17 = arith.constant 32 : index
    %swap3A_18 = tpu.vector_load %arg7[%swap3A_17] {strides = array<i32>} : memref<80xf32, #tpu.memory_space<vmem>>, vector<16xf32>,
    %swap3A_19 = vector.shape_cast %swap3A_18 : vector<16xf32> to vector<16xf32>
    %swap3A_20 = vector.shape_cast %broadcast_in_dim3A_16 : vector<16xf32> to vector<16xf32>
    tpu.vector_store %arg7[%swap3A_17], %swap3A_20 {strides = array<i32>} : memref<80xf32, #tpu.memory_space<vmem>>, vector<16xf32>,
    %broadcast_in_dim3A_21 = arith.constant 1.000000e+00 : f32
    %broadcast_in_dim3A_22 = vector.broadcast %broadcast_in_dim3A_21 : f32 to vector<16xf32>
    %swap3A_23 = arith.constant 48 : index
    %swap3A_24 = tpu.vector_load %arg7[%swap3A_23] {strides = array<i32>} : memref<80xf32, #tpu.memory_space<vmem>>, vector<16xf32>,
    %swap3A_25 = vector.shape_cast %swap3A_24 : vector<16xf32> to vector<16xf32>
    %swap3A_26 = vector.shape_cast %broadcast_in_dim3A_22 : vector<16xf32> to vector<16xf32>
    tpu.vector_store %arg7[%swap3A_23], %swap3A_26 {strides = array<i32>} : memref<80xf32, #tpu.memory_space<vmem>>, vector<16xf32>,
    %broadcast_in_dim3A_27 = arith.constant 1.000000e+00 : f32
    %broadcast_in_dim3A_28 = vector.broadcast %broadcast_in_dim3A_27 : f32 to vector<16xf32>
    %swap3A_29 = arith.constant 64 : index
    %swap3A_30 = tpu.vector_load %arg7[%swap3A_29] {strides = array<i32>} : memref<80xf32, #tpu.memory_space<vmem>>, vector<16xf32>,
    %swap3A_31 = vector.shape_cast %swap3A_30 : vector<16xf32> to vector<16xf32>
    %swap3A_32 = vector.shape_cast %broadcast_in_dim3A_28 : vector<16xf32> to vector<16xf32>
    tpu.vector_store %arg7[%swap3A_29], %swap3A_32 {strides = array<i32>} : memref<80xf32, #tpu.memory_space<vmem>>, vector<16xf32>,
    %barrier3A = arith.constant 0 : index
    tpu.barrier barrier_id(%barrier3A)
    %scan3A = arith.constant 0 : i32
    %scan3A_33 = arith.constant 0 : i32
    %scan3A_34 = arith.constant 125 : i32
    %scan3A_35 = arith.addi %scan3A_33, %scan3A_34 : i32
    %scan3A_36 = arith.constant 1 : i32
    scf.for %scan3A_90 = %scan3A_33 to %scan3A_35 step %scan3A_36  : i32 {
      %ge3A = arith.constant 8 : i32
      %ge3A_91 = arith.cmpi sge, %scan3A_90, %ge3A : i32
      %convert_element_type3A = arith.extui %ge3A_91 : i1 to i32
      %cond3A = arith.constant 0 : i32
      %cond3A_92 = arith.cmpi ne, %convert_element_type3A, %cond3A : i32
      scf.if %cond3A_92 {
        %sub3A = arith.constant 8 : i32
        %sub3A_97 = arith.subi %scan3A_90, %sub3A : i32
        %dma_wait3A_98 = arith.constant 0 : i32
        %dma_wait3A_99 = tpu.memref_slice %arg6[%sub3A_97, %dma_wait3A_98] : memref<125x80xi32, #tpu.memory_space<vmem>> -> memref<1x80xi32, #tpu.memory_space<vmem>>
        %dma_wait3A_100 = tpu.memref_squeeze %dma_wait3A_99 : memref<1x80xi32, #tpu.memory_space<vmem>> -> memref<80xi32, #tpu.memory_space<vmem>>
        %dma_wait3A_101 = arith.constant 0 : i32
        %dma_wait3A_102 = tpu.memref_slice %arg5[%dma_wait3A_101] : memref<10240xf32, #tpu.memory_space<vmem_shared>> -> memref<10240xf32, #tpu.memory_space<vmem_shared>>
        tpu.wait_indirect_dma semaphore(%arg8 : memref<!tpu.dma_semaphore, #tpu.memory_space<semaphore_mem>>) src(%arg7 : memref<80xf32, #tpu.memory_space<vmem>>) dst(%dma_wait3A_102 : memref<10240xf32, #tpu.memory_space<vmem_shared>>)
      } else {
      }
      %dma_start3A = arith.constant 0 : i32
      %dma_start3A_93 = tpu.memref_slice %arg6[%scan3A_90, %dma_start3A] : memref<125x80xi32, #tpu.memory_space<vmem>> -> memref<1x80xi32, #tpu.memory_space<vmem>>
      %dma_start3A_94 = tpu.memref_squeeze %dma_start3A_93 : memref<1x80xi32, #tpu.memory_space<vmem>> -> memref<80xi32, #tpu.memory_space<vmem>>
      %dma_start3A_95 = arith.constant 0 : i32
      %dma_start3A_96 = tpu.memref_slice %arg5[%dma_start3A_95] : memref<10240xf32, #tpu.memory_space<vmem_shared>> -> memref<10240xf32, #tpu.memory_space<vmem_shared>>
      tpu.enqueue_indirect_dma source(%arg7 : memref<80xf32, #tpu.memory_space<vmem>>) target(%dma_start3A_96 : memref<10240xf32, #tpu.memory_space<vmem_shared>>) offsets(%dma_start3A_94 : memref<80xi32, #tpu.memory_space<vmem>>) semaphore(%arg8 : memref<!tpu.dma_semaphore, #tpu.memory_space<semaphore_mem>>) {add = true}
    }
    %scan3A_37 = arith.constant 125 : i32
    %dma_wait3A = arith.constant 117 : i32
    %dma_wait3A_38 = arith.constant 0 : i32
    %dma_wait3A_39 = tpu.memref_slice %arg6[%dma_wait3A, %dma_wait3A_38] : memref<125x80xi32, #tpu.memory_space<vmem>> -> memref<1x80xi32, #tpu.memory_space<vmem>>
    %dma_wait3A_40 = tpu.memref_squeeze %dma_wait3A_39 : memref<1x80xi32, #tpu.memory_space<vmem>> -> memref<80xi32, #tpu.memory_space<vmem>>
    %dma_wait3A_41 = arith.constant 0 : i32
    %dma_wait3A_42 = tpu.memref_slice %arg5[%dma_wait3A_41] : memref<10240xf32, #tpu.memory_space<vmem_shared>> -> memref<10240xf32, #tpu.memory_space<vmem_shared>>
    tpu.wait_indirect_dma semaphore(%arg8 : memref<!tpu.dma_semaphore, #tpu.memory_space<semaphore_mem>>) src(%arg7 : memref<80xf32, #tpu.memory_space<vmem>>) dst(%dma_wait3A_42 : memref<10240xf32, #tpu.memory_space<vmem_shared>>)
    %dma_wait3A_43 = arith.constant 118 : i32
    %dma_wait3A_44 = arith.constant 0 : i32
    %dma_wait3A_45 = tpu.memref_slice %arg6[%dma_wait3A_43, %dma_wait3A_44] : memref<125x80xi32, #tpu.memory_space<vmem>> -> memref<1x80xi32, #tpu.memory_space<vmem>>
    %dma_wait3A_46 = tpu.memref_squeeze %dma_wait3A_45 : memref<1x80xi32, #tpu.memory_space<vmem>> -> memref<80xi32, #tpu.memory_space<vmem>>
    %dma_wait3A_47 = arith.constant 0 : i32
    %dma_wait3A_48 = tpu.memref_slice %arg5[%dma_wait3A_47] : memref<10240xf32, #tpu.memory_space<vmem_shared>> -> memref<10240xf32, #tpu.memory_space<vmem_shared>>
    tpu.wait_indirect_dma semaphore(%arg8 : memref<!tpu.dma_semaphore, #tpu.memory_space<semaphore_mem>>) src(%arg7 : memref<80xf32, #tpu.memory_space<vmem>>) dst(%dma_wait3A_48 : memref<10240xf32, #tpu.memory_space<vmem_shared>>)
    %dma_wait3A_49 = arith.constant 119 : i32
    %dma_wait3A_50 = arith.constant 0 : i32
    %dma_wait3A_51 = tpu.memref_slice %arg6[%dma_wait3A_49, %dma_wait3A_50] : memref<125x80xi32, #tpu.memory_space<vmem>> -> memref<1x80xi32, #tpu.memory_space<vmem>>
    %dma_wait3A_52 = tpu.memref_squeeze %dma_wait3A_51 : memref<1x80xi32, #tpu.memory_space<vmem>> -> memref<80xi32, #tpu.memory_space<vmem>>
    %dma_wait3A_53 = arith.constant 0 : i32
    %dma_wait3A_54 = tpu.memref_slice %arg5[%dma_wait3A_53] : memref<10240xf32, #tpu.memory_space<vmem_shared>> -> memref<10240xf32, #tpu.memory_space<vmem_shared>>
    tpu.wait_indirect_dma semaphore(%arg8 : memref<!tpu.dma_semaphore, #tpu.memory_space<semaphore_mem>>) src(%arg7 : memref<80xf32, #tpu.memory_space<vmem>>) dst(%dma_wait3A_54 : memref<10240xf32, #tpu.memory_space<vmem_shared>>)
    %dma_wait3A_55 = arith.constant 120 : i32
    %dma_wait3A_56 = arith.constant 0 : i32
    %dma_wait3A_57 = tpu.memref_slice %arg6[%dma_wait3A_55, %dma_wait3A_56] : memref<125x80xi32, #tpu.memory_space<vmem>> -> memref<1x80xi32, #tpu.memory_space<vmem>>
    %dma_wait3A_58 = tpu.memref_squeeze %dma_wait3A_57 : memref<1x80xi32, #tpu.memory_space<vmem>> -> memref<80xi32, #tpu.memory_space<vmem>>
    %dma_wait3A_59 = arith.constant 0 : i32
    %dma_wait3A_60 = tpu.memref_slice %arg5[%dma_wait3A_59] : memref<10240xf32, #tpu.memory_space<vmem_shared>> -> memref<10240xf32, #tpu.memory_space<vmem_shared>>
    tpu.wait_indirect_dma semaphore(%arg8 : memref<!tpu.dma_semaphore, #tpu.memory_space<semaphore_mem>>) src(%arg7 : memref<80xf32, #tpu.memory_space<vmem>>) dst(%dma_wait3A_60 : memref<10240xf32, #tpu.memory_space<vmem_shared>>)
    %dma_wait3A_61 = arith.constant 121 : i32
    %dma_wait3A_62 = arith.constant 0 : i32
    %dma_wait3A_63 = tpu.memref_slice %arg6[%dma_wait3A_61, %dma_wait3A_62] : memref<125x80xi32, #tpu.memory_space<vmem>> -> memref<1x80xi32, #tpu.memory_space<vmem>>
    %dma_wait3A_64 = tpu.memref_squeeze %dma_wait3A_63 : memref<1x80xi32, #tpu.memory_space<vmem>> -> memref<80xi32, #tpu.memory_space<vmem>>
    %dma_wait3A_65 = arith.constant 0 : i32
    %dma_wait3A_66 = tpu.memref_slice %arg5[%dma_wait3A_65] : memref<10240xf32, #tpu.memory_space<vmem_shared>> -> memref<10240xf32, #tpu.memory_space<vmem_shared>>
    tpu.wait_indirect_dma semaphore(%arg8 : memref<!tpu.dma_semaphore, #tpu.memory_space<semaphore_mem>>) src(%arg7 : memref<80xf32, #tpu.memory_space<vmem>>) dst(%dma_wait3A_66 : memref<10240xf32, #tpu.memory_space<vmem_shared>>)
    %dma_wait3A_67 = arith.constant 122 : i32
    %dma_wait3A_68 = arith.constant 0 : i32
    %dma_wait3A_69 = tpu.memref_slice %arg6[%dma_wait3A_67, %dma_wait3A_68] : memref<125x80xi32, #tpu.memory_space<vmem>> -> memref<1x80xi32, #tpu.memory_space<vmem>>
    %dma_wait3A_70 = tpu.memref_squeeze %dma_wait3A_69 : memref<1x80xi32, #tpu.memory_space<vmem>> -> memref<80xi32, #tpu.memory_space<vmem>>
    %dma_wait3A_71 = arith.constant 0 : i32
    %dma_wait3A_72 = tpu.memref_slice %arg5[%dma_wait3A_71] : memref<10240xf32, #tpu.memory_space<vmem_shared>> -> memref<10240xf32, #tpu.memory_space<vmem_shared>>
    tpu.wait_indirect_dma semaphore(%arg8 : memref<!tpu.dma_semaphore, #tpu.memory_space<semaphore_mem>>) src(%arg7 : memref<80xf32, #tpu.memory_space<vmem>>) dst(%dma_wait3A_72 : memref<10240xf32, #tpu.memory_space<vmem_shared>>)
    %dma_wait3A_73 = arith.constant 123 : i32
    %dma_wait3A_74 = arith.constant 0 : i32
    %dma_wait3A_75 = tpu.memref_slice %arg6[%dma_wait3A_73, %dma_wait3A_74] : memref<125x80xi32, #tpu.memory_space<vmem>> -> memref<1x80xi32, #tpu.memory_space<vmem>>
    %dma_wait3A_76 = tpu.memref_squeeze %dma_wait3A_75 : memref<1x80xi32, #tpu.memory_space<vmem>> -> memref<80xi32, #tpu.memory_space<vmem>>
    %dma_wait3A_77 = arith.constant 0 : i32
    %dma_wait3A_78 = tpu.memref_slice %arg5[%dma_wait3A_77] : memref<10240xf32, #tpu.memory_space<vmem_shared>> -> memref<10240xf32, #tpu.memory_space<vmem_shared>>
    tpu.wait_indirect_dma semaphore(%arg8 : memref<!tpu.dma_semaphore, #tpu.memory_space<semaphore_mem>>) src(%arg7 : memref<80xf32, #tpu.memory_space<vmem>>) dst(%dma_wait3A_78 : memref<10240xf32, #tpu.memory_space<vmem_shared>>)
    %dma_wait3A_79 = arith.constant 124 : i32
    %dma_wait3A_80 = arith.constant 0 : i32
    %dma_wait3A_81 = tpu.memref_slice %arg6[%dma_wait3A_79, %dma_wait3A_80] : memref<125x80xi32, #tpu.memory_space<vmem>> -> memref<1x80xi32, #tpu.memory_space<vmem>>
    %dma_wait3A_82 = tpu.memref_squeeze %dma_wait3A_81 : memref<1x80xi32, #tpu.memory_space<vmem>> -> memref<80xi32, #tpu.memory_space<vmem>>
    %dma_wait3A_83 = arith.constant 0 : i32
    %dma_wait3A_84 = tpu.memref_slice %arg5[%dma_wait3A_83] : memref<10240xf32, #tpu.memory_space<vmem_shared>> -> memref<10240xf32, #tpu.memory_space<vmem_shared>>
    tpu.wait_indirect_dma semaphore(%arg8 : memref<!tpu.dma_semaphore, #tpu.memory_space<semaphore_mem>>) src(%arg7 : memref<80xf32, #tpu.memory_space<vmem>>) dst(%dma_wait3A_84 : memref<10240xf32, #tpu.memory_space<vmem_shared>>)
    %barrier3A_85 = arith.constant 0 : index
    tpu.barrier barrier_id(%barrier3A_85)
    %mul3A_86 = arith.constant 640 : i32
    %mul3A_87 = arith.muli %arg1, %mul3A_86 : i32
    %mul3A_88 = arith.constant 640 : i32
    %mul3A_89 = arith.muli %arg1, %mul3A_88 : i32
    "tpu.region"() ({
      %run_scoped3A = tpu.sem_alloc : memref<!tpu.dma_semaphore, #tpu.memory_space<semaphore_mem>>
      %dma_start3A = tpu.memref_slice %arg4[%arg0, %mul3A_89] : memref<2x10240xf32, #tpu.memory_space<hbm>> -> memref<1x640xf32, #tpu.memory_space<hbm>>
      %dma_start3A_90 = tpu.memref_squeeze %dma_start3A : memref<1x640xf32, #tpu.memory_space<hbm>> -> memref<640xf32, #tpu.memory_space<hbm>>
      %dma_start3A_91 = tpu.memref_slice %arg5[%mul3A_87] : memref<10240xf32, #tpu.memory_space<vmem_shared>> -> memref<640xf32, #tpu.memory_space<vmem_shared>>
      tpu.enqueue_dma source(%dma_start3A_91 : memref<640xf32, #tpu.memory_space<vmem_shared>>) target(%dma_start3A_90 : memref<640xf32, #tpu.memory_space<hbm>>) target_semaphore(%run_scoped3A : memref<!tpu.dma_semaphore, #tpu.memory_space<semaphore_mem>>)
      %dma_wait3A_92 = tpu.memref_slice %arg4[%arg0, %mul3A_89] : memref<2x10240xf32, #tpu.memory_space<hbm>> -> memref<1x640xf32, #tpu.memory_space<hbm>>
      %dma_wait3A_93 = tpu.memref_squeeze %dma_wait3A_92 : memref<1x640xf32, #tpu.memory_space<hbm>> -> memref<640xf32, #tpu.memory_space<hbm>>
      %dma_wait3A_94 = tpu.memref_slice %arg5[%mul3A_87] : memref<10240xf32, #tpu.memory_space<vmem_shared>> -> memref<640xf32, #tpu.memory_space<vmem_shared>>
      tpu.wait_dma2 semaphore(%run_scoped3A : memref<!tpu.dma_semaphore, #tpu.memory_space<semaphore_mem>>) src(%dma_wait3A_94 : memref<640xf32, #tpu.memory_space<vmem_shared>>) dst(%dma_wait3A_93 : memref<640xf32, #tpu.memory_space<hbm>>)
      tpu.yield
    }) : () -> ()
    return
  }
}

#map = affine_map<(d0, d1) -> (0, 0)>
#map1 = affine_map<(d0, d1) -> (0, 0, 0)>
#map2 = affine_map<(d0, d1) -> (0, 0, 0, 0)>
module attributes {stable_mosaic.version = 14 : i64} {
  func.func @_agg_body(%arg0: i32, %arg1: i32, %arg2: memref<10240x128xf32, #tpu.memory_space<hbm>>, %arg3: memref<32x125x80xi32, #tpu.memory_space<hbm>>, %arg4: memref<32x125x1x80xi32, #tpu.memory_space<hbm>>, %arg5: memref<640x128xf32, #tpu.memory_space<hbm>>, %arg6: memref<2x10240x128xf32, #tpu.memory_space<hbm>>, %arg7: memref<10240x128xf32, #tpu.memory_space<vmem_shared>>, %arg8: memref<125x80xi32, #tpu.memory_space<vmem>>, %arg9: memref<3x80x128xf32, #tpu.memory_space<vmem>>, %arg10: memref<3x1x80xi32, #tpu.memory_space<vmem>>, %arg11: memref<3x!tpu.dma_semaphore, #tpu.memory_space<semaphore_mem>>, %arg12: memref<3x!tpu.dma_semaphore, #tpu.memory_space<semaphore_mem>>, %arg13: memref<3x!tpu.dma_semaphore, #tpu.memory_space<semaphore_mem>>, %arg14: memref<!tpu.dma_semaphore, #tpu.memory_space<semaphore_mem>>) attributes {dimension_semantics = [#tpu.dimension_semantics<core_parallel>, #tpu.dimension_semantics<subcore_parallel>], iteration_bounds = array<i64: 2, 16>, scalar_prefetch = 0 : i64, scratch_operands = 8 : i64, tpu.core_type = #tpu.core_type<sc_vector_subcore>, window_params = [{transform_indices = #map}, {transform_indices = #map1}, {transform_indices = #map2}, {transform_indices = #map}, {transform_indices = #map1}]} {
    %mul3A = arith.constant 16 : i32
    %mul3A_0 = arith.muli %arg0, %mul3A : i32
    %add3A = arith.addi %mul3A_0, %arg1 : i32
    %mul3A_1 = arith.constant 640 : i32
    %mul3A_2 = arith.muli %arg1, %mul3A_1 : i32
    %dma_start3A = arith.constant 0 : i32
    %dma_start3A_3 = tpu.memref_slice %arg7[%mul3A_2, %dma_start3A] : memref<10240x128xf32, #tpu.memory_space<vmem_shared>> -> memref<640x128xf32, #tpu.memory_space<vmem_shared>>
    tpu.enqueue_dma source(%arg5 : memref<640x128xf32, #tpu.memory_space<hbm>>) target(%dma_start3A_3 : memref<640x128xf32, #tpu.memory_space<vmem_shared>>) target_semaphore(%arg14 : memref<!tpu.dma_semaphore, #tpu.memory_space<semaphore_mem>>)
    "tpu.region"() ({
      %run_scoped3A = tpu.sem_alloc : memref<!tpu.dma_semaphore, #tpu.memory_space<semaphore_mem>>
      %dma_start3A_239 = arith.constant 0 : i32
      %dma_start3A_240 = arith.constant 0 : i32
      %dma_start3A_241 = tpu.memref_slice %arg3[%add3A, %dma_start3A_239, %dma_start3A_240] : memref<32x125x80xi32, #tpu.memory_space<hbm>> -> memref<1x125x80xi32, #tpu.memory_space<hbm>>
      %dma_start3A_242 = tpu.memref_squeeze %dma_start3A_241 : memref<1x125x80xi32, #tpu.memory_space<hbm>> -> memref<125x80xi32, #tpu.memory_space<hbm>>
      %dma_start3A_243 = arith.constant 0 : i32
      %dma_start3A_244 = arith.constant 0 : i32
      %dma_start3A_245 = tpu.memref_slice %arg3[%add3A, %dma_start3A_243, %dma_start3A_244] : memref<32x125x80xi32, #tpu.memory_space<hbm>> -> memref<1x125x80xi32, #tpu.memory_space<hbm>>
      %dma_start3A_246 = tpu.memref_squeeze %dma_start3A_245 : memref<1x125x80xi32, #tpu.memory_space<hbm>> -> memref<125x80xi32, #tpu.memory_space<hbm>>
      tpu.enqueue_dma source(%dma_start3A_246 : memref<125x80xi32, #tpu.memory_space<hbm>>) target(%arg8 : memref<125x80xi32, #tpu.memory_space<vmem>>) target_semaphore(%run_scoped3A : memref<!tpu.dma_semaphore, #tpu.memory_space<semaphore_mem>>)
      %dma_wait3A_247 = arith.constant 0 : i32
      %dma_wait3A_248 = arith.constant 0 : i32
      %dma_wait3A_249 = tpu.memref_slice %arg3[%add3A, %dma_wait3A_247, %dma_wait3A_248] : memref<32x125x80xi32, #tpu.memory_space<hbm>> -> memref<1x125x80xi32, #tpu.memory_space<hbm>>
      %dma_wait3A_250 = tpu.memref_squeeze %dma_wait3A_249 : memref<1x125x80xi32, #tpu.memory_space<hbm>> -> memref<125x80xi32, #tpu.memory_space<hbm>>
      %dma_wait3A_251 = arith.constant 0 : i32
      %dma_wait3A_252 = arith.constant 0 : i32
      %dma_wait3A_253 = tpu.memref_slice %arg3[%add3A, %dma_wait3A_251, %dma_wait3A_252] : memref<32x125x80xi32, #tpu.memory_space<hbm>> -> memref<1x125x80xi32, #tpu.memory_space<hbm>>
      %dma_wait3A_254 = tpu.memref_squeeze %dma_wait3A_253 : memref<1x125x80xi32, #tpu.memory_space<hbm>> -> memref<125x80xi32, #tpu.memory_space<hbm>>
      tpu.wait_dma2 semaphore(%run_scoped3A : memref<!tpu.dma_semaphore, #tpu.memory_space<semaphore_mem>>) src(%dma_wait3A_254 : memref<125x80xi32, #tpu.memory_space<hbm>>) dst(%arg8 : memref<125x80xi32, #tpu.memory_space<vmem>>)
      tpu.yield
    }) : () -> ()
    %dma_start3A_4 = arith.constant 0 : i32
    %dma_start3A_5 = arith.constant 0 : i32
    %dma_start3A_6 = arith.constant 0 : i32
    %dma_start3A_7 = arith.constant 0 : i32
    %dma_start3A_8 = arith.constant 0 : i32
    %dma_start3A_9 = tpu.memref_slice %arg9[%dma_start3A_5, %dma_start3A_7, %dma_start3A_8] : memref<3x80x128xf32, #tpu.memory_space<vmem>> -> memref<1x80x128xf32, #tpu.memory_space<vmem>>
    %dma_start3A_10 = tpu.memref_squeeze %dma_start3A_9 : memref<1x80x128xf32, #tpu.memory_space<vmem>> -> memref<80x128xf32, #tpu.memory_space<vmem>>
    %dma_start3A_11 = arith.constant 0 : i32
    %dma_start3A_12 = tpu.memref_slice %arg8[%dma_start3A_4, %dma_start3A_11] : memref<125x80xi32, #tpu.memory_space<vmem>> -> memref<1x80xi32, #tpu.memory_space<vmem>>
    %dma_start3A_13 = tpu.memref_squeeze %dma_start3A_12 : memref<1x80xi32, #tpu.memory_space<vmem>> -> memref<80xi32, #tpu.memory_space<vmem>>
    %dma_start3A_14 = arith.constant 0 : i32
    %dma_start3A_15 = arith.constant 0 : i32
    %dma_start3A_16 = tpu.memref_slice %arg2[%dma_start3A_14, %dma_start3A_15] : memref<10240x128xf32, #tpu.memory_space<hbm>> -> memref<10240x128xf32, #tpu.memory_space<hbm>>
    %dma_start3A_17 = tpu.memref_slice %arg11[%dma_start3A_6] : memref<3x!tpu.dma_semaphore, #tpu.memory_space<semaphore_mem>> -> memref<1x!tpu.dma_semaphore, #tpu.memory_space<semaphore_mem>>
    %dma_start3A_18 = tpu.memref_squeeze %dma_start3A_17 : memref<1x!tpu.dma_semaphore, #tpu.memory_space<semaphore_mem>> -> memref<!tpu.dma_semaphore, #tpu.memory_space<semaphore_mem>>
    tpu.enqueue_indirect_dma source(%dma_start3A_16 : memref<10240x128xf32, #tpu.memory_space<hbm>>) target(%dma_start3A_10 : memref<80x128xf32, #tpu.memory_space<vmem>>) offsets(%dma_start3A_13 : memref<80xi32, #tpu.memory_space<vmem>>) semaphore(%dma_start3A_18 : memref<!tpu.dma_semaphore, #tpu.memory_space<semaphore_mem>>)
    %dma_start3A_19 = arith.constant 0 : i32
    %dma_start3A_20 = arith.constant 0 : i32
    %dma_start3A_21 = arith.constant 0 : i32
    %dma_start3A_22 = arith.constant 0 : i32
    %dma_start3A_23 = arith.constant 0 : i32
    %dma_start3A_24 = tpu.memref_slice %arg10[%dma_start3A_20, %dma_start3A_22, %dma_start3A_23] : memref<3x1x80xi32, #tpu.memory_space<vmem>> -> memref<1x1x80xi32, #tpu.memory_space<vmem>>
    %dma_start3A_25 = tpu.memref_squeeze %dma_start3A_24 : memref<1x1x80xi32, #tpu.memory_space<vmem>> -> memref<1x80xi32, #tpu.memory_space<vmem>>
    %dma_start3A_26 = arith.constant 0 : i32
    %dma_start3A_27 = arith.constant 0 : i32
    %dma_start3A_28 = tpu.memref_slice %arg4[%add3A, %dma_start3A_19, %dma_start3A_26, %dma_start3A_27] : memref<32x125x1x80xi32, #tpu.memory_space<hbm>> -> memref<1x1x1x80xi32, #tpu.memory_space<hbm>>
    %dma_start3A_29 = tpu.memref_squeeze %dma_start3A_28 : memref<1x1x1x80xi32, #tpu.memory_space<hbm>> -> memref<1x80xi32, #tpu.memory_space<hbm>>
    %dma_start3A_30 = tpu.memref_slice %arg12[%dma_start3A_21] : memref<3x!tpu.dma_semaphore, #tpu.memory_space<semaphore_mem>> -> memref<1x!tpu.dma_semaphore, #tpu.memory_space<semaphore_mem>>
    %dma_start3A_31 = tpu.memref_squeeze %dma_start3A_30 : memref<1x!tpu.dma_semaphore, #tpu.memory_space<semaphore_mem>> -> memref<!tpu.dma_semaphore, #tpu.memory_space<semaphore_mem>>
    %dma_start3A_32 = arith.constant 0 : i32
    %dma_start3A_33 = arith.constant 0 : i32
    %dma_start3A_34 = tpu.memref_slice %arg10[%dma_start3A_20, %dma_start3A_32, %dma_start3A_33] : memref<3x1x80xi32, #tpu.memory_space<vmem>> -> memref<1x1x80xi32, #tpu.memory_space<vmem>>
    %dma_start3A_35 = tpu.memref_squeeze %dma_start3A_34 : memref<1x1x80xi32, #tpu.memory_space<vmem>> -> memref<1x80xi32, #tpu.memory_space<vmem>>
    %dma_start3A_36 = arith.constant 0 : i32
    %dma_start3A_37 = arith.constant 0 : i32
    %dma_start3A_38 = tpu.memref_slice %arg4[%add3A, %dma_start3A_19, %dma_start3A_36, %dma_start3A_37] : memref<32x125x1x80xi32, #tpu.memory_space<hbm>> -> memref<1x1x1x80xi32, #tpu.memory_space<hbm>>
    %dma_start3A_39 = tpu.memref_squeeze %dma_start3A_38 : memref<1x1x1x80xi32, #tpu.memory_space<hbm>> -> memref<1x80xi32, #tpu.memory_space<hbm>>
    tpu.enqueue_dma source(%dma_start3A_39 : memref<1x80xi32, #tpu.memory_space<hbm>>) target(%dma_start3A_35 : memref<1x80xi32, #tpu.memory_space<vmem>>) target_semaphore(%dma_start3A_31 : memref<!tpu.dma_semaphore, #tpu.memory_space<semaphore_mem>>)
    %dma_start3A_40 = arith.constant 1 : i32
    %dma_start3A_41 = arith.constant 1 : i32
    %dma_start3A_42 = arith.constant 1 : i32
    %dma_start3A_43 = arith.constant 0 : i32
    %dma_start3A_44 = arith.constant 0 : i32
    %dma_start3A_45 = tpu.memref_slice %arg9[%dma_start3A_41, %dma_start3A_43, %dma_start3A_44] : memref<3x80x128xf32, #tpu.memory_space<vmem>> -> memref<1x80x128xf32, #tpu.memory_space<vmem>>
    %dma_start3A_46 = tpu.memref_squeeze %dma_start3A_45 : memref<1x80x128xf32, #tpu.memory_space<vmem>> -> memref<80x128xf32, #tpu.memory_space<vmem>>
    %dma_start3A_47 = arith.constant 0 : i32
    %dma_start3A_48 = tpu.memref_slice %arg8[%dma_start3A_40, %dma_start3A_47] : memref<125x80xi32, #tpu.memory_space<vmem>> -> memref<1x80xi32, #tpu.memory_space<vmem>>
    %dma_start3A_49 = tpu.memref_squeeze %dma_start3A_48 : memref<1x80xi32, #tpu.memory_space<vmem>> -> memref<80xi32, #tpu.memory_space<vmem>>
    %dma_start3A_50 = arith.constant 0 : i32
    %dma_start3A_51 = arith.constant 0 : i32
    %dma_start3A_52 = tpu.memref_slice %arg2[%dma_start3A_50, %dma_start3A_51] : memref<10240x128xf32, #tpu.memory_space<hbm>> -> memref<10240x128xf32, #tpu.memory_space<hbm>>
    %dma_start3A_53 = tpu.memref_slice %arg11[%dma_start3A_42] : memref<3x!tpu.dma_semaphore, #tpu.memory_space<semaphore_mem>> -> memref<1x!tpu.dma_semaphore, #tpu.memory_space<semaphore_mem>>
    %dma_start3A_54 = tpu.memref_squeeze %dma_start3A_53 : memref<1x!tpu.dma_semaphore, #tpu.memory_space<semaphore_mem>> -> memref<!tpu.dma_semaphore, #tpu.memory_space<semaphore_mem>>
    tpu.enqueue_indirect_dma source(%dma_start3A_52 : memref<10240x128xf32, #tpu.memory_space<hbm>>) target(%dma_start3A_46 : memref<80x128xf32, #tpu.memory_space<vmem>>) offsets(%dma_start3A_49 : memref<80xi32, #tpu.memory_space<vmem>>) semaphore(%dma_start3A_54 : memref<!tpu.dma_semaphore, #tpu.memory_space<semaphore_mem>>)
    %dma_start3A_55 = arith.constant 1 : i32
    %dma_start3A_56 = arith.constant 1 : i32
    %dma_start3A_57 = arith.constant 1 : i32
    %dma_start3A_58 = arith.constant 0 : i32
    %dma_start3A_59 = arith.constant 0 : i32
    %dma_start3A_60 = tpu.memref_slice %arg10[%dma_start3A_56, %dma_start3A_58, %dma_start3A_59] : memref<3x1x80xi32, #tpu.memory_space<vmem>> -> memref<1x1x80xi32, #tpu.memory_space<vmem>>
    %dma_start3A_61 = tpu.memref_squeeze %dma_start3A_60 : memref<1x1x80xi32, #tpu.memory_space<vmem>> -> memref<1x80xi32, #tpu.memory_space<vmem>>
    %dma_start3A_62 = arith.constant 0 : i32
    %dma_start3A_63 = arith.constant 0 : i32
    %dma_start3A_64 = tpu.memref_slice %arg4[%add3A, %dma_start3A_55, %dma_start3A_62, %dma_start3A_63] : memref<32x125x1x80xi32, #tpu.memory_space<hbm>> -> memref<1x1x1x80xi32, #tpu.memory_space<hbm>>
    %dma_start3A_65 = tpu.memref_squeeze %dma_start3A_64 : memref<1x1x1x80xi32, #tpu.memory_space<hbm>> -> memref<1x80xi32, #tpu.memory_space<hbm>>
    %dma_start3A_66 = tpu.memref_slice %arg12[%dma_start3A_57] : memref<3x!tpu.dma_semaphore, #tpu.memory_space<semaphore_mem>> -> memref<1x!tpu.dma_semaphore, #tpu.memory_space<semaphore_mem>>
    %dma_start3A_67 = tpu.memref_squeeze %dma_start3A_66 : memref<1x!tpu.dma_semaphore, #tpu.memory_space<semaphore_mem>> -> memref<!tpu.dma_semaphore, #tpu.memory_space<semaphore_mem>>
    %dma_start3A_68 = arith.constant 0 : i32
    %dma_start3A_69 = arith.constant 0 : i32
    %dma_start3A_70 = tpu.memref_slice %arg10[%dma_start3A_56, %dma_start3A_68, %dma_start3A_69] : memref<3x1x80xi32, #tpu.memory_space<vmem>> -> memref<1x1x80xi32, #tpu.memory_space<vmem>>
    %dma_start3A_71 = tpu.memref_squeeze %dma_start3A_70 : memref<1x1x80xi32, #tpu.memory_space<vmem>> -> memref<1x80xi32, #tpu.memory_space<vmem>>
    %dma_start3A_72 = arith.constant 0 : i32
    %dma_start3A_73 = arith.constant 0 : i32
    %dma_start3A_74 = tpu.memref_slice %arg4[%add3A, %dma_start3A_55, %dma_start3A_72, %dma_start3A_73] : memref<32x125x1x80xi32, #tpu.memory_space<hbm>> -> memref<1x1x1x80xi32, #tpu.memory_space<hbm>>
    %dma_start3A_75 = tpu.memref_squeeze %dma_start3A_74 : memref<1x1x1x80xi32, #tpu.memory_space<hbm>> -> memref<1x80xi32, #tpu.memory_space<hbm>>
    tpu.enqueue_dma source(%dma_start3A_75 : memref<1x80xi32, #tpu.memory_space<hbm>>) target(%dma_start3A_71 : memref<1x80xi32, #tpu.memory_space<vmem>>) target_semaphore(%dma_start3A_67 : memref<!tpu.dma_semaphore, #tpu.memory_space<semaphore_mem>>)
    %dma_wait3A = arith.constant 0 : i32
    %dma_wait3A_76 = tpu.memref_slice %arg7[%mul3A_2, %dma_wait3A] : memref<10240x128xf32, #tpu.memory_space<vmem_shared>> -> memref<640x128xf32, #tpu.memory_space<vmem_shared>>
    tpu.wait_dma2 semaphore(%arg14 : memref<!tpu.dma_semaphore, #tpu.memory_space<semaphore_mem>>) src(%arg5 : memref<640x128xf32, #tpu.memory_space<hbm>>) dst(%dma_wait3A_76 : memref<640x128xf32, #tpu.memory_space<vmem_shared>>)
    %barrier3A = arith.constant 0 : index
    tpu.barrier barrier_id(%barrier3A)
    %scan3A = arith.constant 0 : i32
    %scan3A_77 = arith.constant 0 : i32
    %scan3A_78 = arith.constant 41 : i32
    %scan3A_79 = arith.addi %scan3A_77, %scan3A_78 : i32
    %scan3A_80 = arith.constant 1 : i32
    scf.for %scan3A_239 = %scan3A_77 to %scan3A_79 step %scan3A_80  : i32 {
      %mul3A_240 = arith.constant 3 : i32
      %mul3A_241 = arith.muli %scan3A_239, %mul3A_240 : i32
      %add3A_242 = arith.constant 0 : i32
      %add3A_243 = arith.addi %mul3A_241, %add3A_242 : i32
      %dma_wait3A_244 = arith.constant 0 : i32
      %dma_wait3A_245 = arith.constant 0 : i32
      %dma_wait3A_246 = arith.constant 0 : i32
      %dma_wait3A_247 = arith.constant 0 : i32
      %dma_wait3A_248 = tpu.memref_slice %arg9[%dma_wait3A_244, %dma_wait3A_246, %dma_wait3A_247] : memref<3x80x128xf32, #tpu.memory_space<vmem>> -> memref<1x80x128xf32, #tpu.memory_space<vmem>>
      %dma_wait3A_249 = tpu.memref_squeeze %dma_wait3A_248 : memref<1x80x128xf32, #tpu.memory_space<vmem>> -> memref<80x128xf32, #tpu.memory_space<vmem>>
      %dma_wait3A_250 = arith.constant 0 : i32
      %dma_wait3A_251 = tpu.memref_slice %arg8[%add3A_243, %dma_wait3A_250] : memref<125x80xi32, #tpu.memory_space<vmem>> -> memref<1x80xi32, #tpu.memory_space<vmem>>
      %dma_wait3A_252 = tpu.memref_squeeze %dma_wait3A_251 : memref<1x80xi32, #tpu.memory_space<vmem>> -> memref<80xi32, #tpu.memory_space<vmem>>
      %dma_wait3A_253 = arith.constant 0 : i32
      %dma_wait3A_254 = arith.constant 0 : i32
      %dma_wait3A_255 = tpu.memref_slice %arg2[%dma_wait3A_253, %dma_wait3A_254] : memref<10240x128xf32, #tpu.memory_space<hbm>> -> memref<10240x128xf32, #tpu.memory_space<hbm>>
      %dma_wait3A_256 = tpu.memref_slice %arg11[%dma_wait3A_245] : memref<3x!tpu.dma_semaphore, #tpu.memory_space<semaphore_mem>> -> memref<1x!tpu.dma_semaphore, #tpu.memory_space<semaphore_mem>>
      %dma_wait3A_257 = tpu.memref_squeeze %dma_wait3A_256 : memref<1x!tpu.dma_semaphore, #tpu.memory_space<semaphore_mem>> -> memref<!tpu.dma_semaphore, #tpu.memory_space<semaphore_mem>>
      tpu.wait_indirect_dma semaphore(%dma_wait3A_257 : memref<!tpu.dma_semaphore, #tpu.memory_space<semaphore_mem>>) src(%dma_wait3A_255 : memref<10240x128xf32, #tpu.memory_space<hbm>>) dst(%dma_wait3A_249 : memref<80x128xf32, #tpu.memory_space<vmem>>)
      %dma_wait3A_258 = arith.constant 0 : i32
      %dma_wait3A_259 = arith.constant 0 : i32
      %dma_wait3A_260 = arith.constant 0 : i32
      %dma_wait3A_261 = arith.constant 0 : i32
      %dma_wait3A_262 = tpu.memref_slice %arg10[%dma_wait3A_258, %dma_wait3A_260, %dma_wait3A_261] : memref<3x1x80xi32, #tpu.memory_space<vmem>> -> memref<1x1x80xi32, #tpu.memory_space<vmem>>
      %dma_wait3A_263 = tpu.memref_squeeze %dma_wait3A_262 : memref<1x1x80xi32, #tpu.memory_space<vmem>> -> memref<1x80xi32, #tpu.memory_space<vmem>>
      %dma_wait3A_264 = arith.constant 0 : i32
      %dma_wait3A_265 = arith.constant 0 : i32
      %dma_wait3A_266 = tpu.memref_slice %arg4[%add3A, %add3A_243, %dma_wait3A_264, %dma_wait3A_265] : memref<32x125x1x80xi32, #tpu.memory_space<hbm>> -> memref<1x1x1x80xi32, #tpu.memory_space<hbm>>
      %dma_wait3A_267 = tpu.memref_squeeze %dma_wait3A_266 : memref<1x1x1x80xi32, #tpu.memory_space<hbm>> -> memref<1x80xi32, #tpu.memory_space<hbm>>
      %dma_wait3A_268 = tpu.memref_slice %arg12[%dma_wait3A_259] : memref<3x!tpu.dma_semaphore, #tpu.memory_space<semaphore_mem>> -> memref<1x!tpu.dma_semaphore, #tpu.memory_space<semaphore_mem>>
      %dma_wait3A_269 = tpu.memref_squeeze %dma_wait3A_268 : memref<1x!tpu.dma_semaphore, #tpu.memory_space<semaphore_mem>> -> memref<!tpu.dma_semaphore, #tpu.memory_space<semaphore_mem>>
      %dma_wait3A_270 = arith.constant 0 : i32
      %dma_wait3A_271 = arith.constant 0 : i32
      %dma_wait3A_272 = tpu.memref_slice %arg10[%dma_wait3A_258, %dma_wait3A_270, %dma_wait3A_271] : memref<3x1x80xi32, #tpu.memory_space<vmem>> -> memref<1x1x80xi32, #tpu.memory_space<vmem>>
      %dma_wait3A_273 = tpu.memref_squeeze %dma_wait3A_272 : memref<1x1x80xi32, #tpu.memory_space<vmem>> -> memref<1x80xi32, #tpu.memory_space<vmem>>
      %dma_wait3A_274 = arith.constant 0 : i32
      %dma_wait3A_275 = arith.constant 0 : i32
      %dma_wait3A_276 = tpu.memref_slice %arg4[%add3A, %add3A_243, %dma_wait3A_274, %dma_wait3A_275] : memref<32x125x1x80xi32, #tpu.memory_space<hbm>> -> memref<1x1x1x80xi32, #tpu.memory_space<hbm>>
      %dma_wait3A_277 = tpu.memref_squeeze %dma_wait3A_276 : memref<1x1x1x80xi32, #tpu.memory_space<hbm>> -> memref<1x80xi32, #tpu.memory_space<hbm>>
      tpu.wait_dma2 semaphore(%dma_wait3A_269 : memref<!tpu.dma_semaphore, #tpu.memory_space<semaphore_mem>>) src(%dma_wait3A_277 : memref<1x80xi32, #tpu.memory_space<hbm>>) dst(%dma_wait3A_273 : memref<1x80xi32, #tpu.memory_space<vmem>>)
      %dma_start3A_278 = arith.constant 0 : i32
      %dma_start3A_279 = arith.constant 0 : i32
      %dma_start3A_280 = arith.constant 0 : i32
      %dma_start3A_281 = arith.constant 0 : i32
      %dma_start3A_282 = arith.constant 0 : i32
      %dma_start3A_283 = arith.constant 0 : i32
      %dma_start3A_284 = tpu.memref_slice %arg9[%dma_start3A_278, %dma_start3A_282, %dma_start3A_283] : memref<3x80x128xf32, #tpu.memory_space<vmem>> -> memref<1x80x128xf32, #tpu.memory_space<vmem>>
      %dma_start3A_285 = tpu.memref_squeeze %dma_start3A_284 : memref<1x80x128xf32, #tpu.memory_space<vmem>> -> memref<80x128xf32, #tpu.memory_space<vmem>>
      %dma_start3A_286 = arith.constant 0 : i32
      %dma_start3A_287 = tpu.memref_slice %arg10[%dma_start3A_279, %dma_start3A_280, %dma_start3A_286] : memref<3x1x80xi32, #tpu.memory_space<vmem>> -> memref<1x1x80xi32, #tpu.memory_space<vmem>>
      %dma_start3A_288 = tpu.memref_squeeze %dma_start3A_287 : memref<1x1x80xi32, #tpu.memory_space<vmem>> -> memref<80xi32, #tpu.memory_space<vmem>>
      %dma_start3A_289 = arith.constant 0 : i32
      %dma_start3A_290 = arith.constant 0 : i32
      %dma_start3A_291 = tpu.memref_slice %arg7[%dma_start3A_289, %dma_start3A_290] : memref<10240x128xf32, #tpu.memory_space<vmem_shared>> -> memref<10240x128xf32, #tpu.memory_space<vmem_shared>>
      %dma_start3A_292 = tpu.memref_slice %arg13[%dma_start3A_281] : memref<3x!tpu.dma_semaphore, #tpu.memory_space<semaphore_mem>> -> memref<1x!tpu.dma_semaphore, #tpu.memory_space<semaphore_mem>>
      %dma_start3A_293 = tpu.memref_squeeze %dma_start3A_292 : memref<1x!tpu.dma_semaphore, #tpu.memory_space<semaphore_mem>> -> memref<!tpu.dma_semaphore, #tpu.memory_space<semaphore_mem>>
      tpu.enqueue_indirect_dma source(%dma_start3A_285 : memref<80x128xf32, #tpu.memory_space<vmem>>) target(%dma_start3A_291 : memref<10240x128xf32, #tpu.memory_space<vmem_shared>>) offsets(%dma_start3A_288 : memref<80xi32, #tpu.memory_space<vmem>>) semaphore(%dma_start3A_293 : memref<!tpu.dma_semaphore, #tpu.memory_space<semaphore_mem>>) {add = true}
      %ge3A = arith.constant 1 : i32
      %ge3A_294 = arith.cmpi sge, %add3A_243, %ge3A : i32
      %convert_element_type3A = arith.extui %ge3A_294 : i1 to i32
      %cond3A = arith.constant 0 : i32
      %cond3A_295 = arith.cmpi ne, %convert_element_type3A, %cond3A : i32
      scf.if %cond3A_295 {
        %dma_wait3A_522 = arith.constant 2 : i32
        %dma_wait3A_523 = arith.constant 2 : i32
        %dma_wait3A_524 = arith.constant 0 : i32
        %dma_wait3A_525 = arith.constant 2 : i32
        %dma_wait3A_526 = arith.constant 0 : i32
        %dma_wait3A_527 = arith.constant 0 : i32
        %dma_wait3A_528 = tpu.memref_slice %arg9[%dma_wait3A_522, %dma_wait3A_526, %dma_wait3A_527] : memref<3x80x128xf32, #tpu.memory_space<vmem>> -> memref<1x80x128xf32, #tpu.memory_space<vmem>>
        %dma_wait3A_529 = tpu.memref_squeeze %dma_wait3A_528 : memref<1x80x128xf32, #tpu.memory_space<vmem>> -> memref<80x128xf32, #tpu.memory_space<vmem>>
        %dma_wait3A_530 = arith.constant 0 : i32
        %dma_wait3A_531 = tpu.memref_slice %arg10[%dma_wait3A_523, %dma_wait3A_524, %dma_wait3A_530] : memref<3x1x80xi32, #tpu.memory_space<vmem>> -> memref<1x1x80xi32, #tpu.memory_space<vmem>>
        %dma_wait3A_532 = tpu.memref_squeeze %dma_wait3A_531 : memref<1x1x80xi32, #tpu.memory_space<vmem>> -> memref<80xi32, #tpu.memory_space<vmem>>
        %dma_wait3A_533 = arith.constant 0 : i32
        %dma_wait3A_534 = arith.constant 0 : i32
        %dma_wait3A_535 = tpu.memref_slice %arg7[%dma_wait3A_533, %dma_wait3A_534] : memref<10240x128xf32, #tpu.memory_space<vmem_shared>> -> memref<10240x128xf32, #tpu.memory_space<vmem_shared>>
        %dma_wait3A_536 = tpu.memref_slice %arg13[%dma_wait3A_525] : memref<3x!tpu.dma_semaphore, #tpu.memory_space<semaphore_mem>> -> memref<1x!tpu.dma_semaphore, #tpu.memory_space<semaphore_mem>>
        %dma_wait3A_537 = tpu.memref_squeeze %dma_wait3A_536 : memref<1x!tpu.dma_semaphore, #tpu.memory_space<semaphore_mem>> -> memref<!tpu.dma_semaphore, #tpu.memory_space<semaphore_mem>>
        tpu.wait_indirect_dma semaphore(%dma_wait3A_537 : memref<!tpu.dma_semaphore, #tpu.memory_space<semaphore_mem>>) src(%dma_wait3A_529 : memref<80x128xf32, #tpu.memory_space<vmem>>) dst(%dma_wait3A_535 : memref<10240x128xf32, #tpu.memory_space<vmem_shared>>)
      } else {
      }
      %add3A_296 = arith.constant 2 : i32
      %add3A_297 = arith.addi %add3A_243, %add3A_296 : i32
      %dma_start3A_298 = arith.constant 2 : i32
      %dma_start3A_299 = arith.constant 2 : i32
      %dma_start3A_300 = arith.constant 0 : i32
      %dma_start3A_301 = arith.constant 0 : i32
      %dma_start3A_302 = tpu.memref_slice %arg9[%dma_start3A_298, %dma_start3A_300, %dma_start3A_301] : memref<3x80x128xf32, #tpu.memory_space<vmem>> -> memref<1x80x128xf32, #tpu.memory_space<vmem>>
      %dma_start3A_303 = tpu.memref_squeeze %dma_start3A_302 : memref<1x80x128xf32, #tpu.memory_space<vmem>> -> memref<80x128xf32, #tpu.memory_space<vmem>>
      %dma_start3A_304 = arith.constant 0 : i32
      %dma_start3A_305 = tpu.memref_slice %arg8[%add3A_297, %dma_start3A_304] : memref<125x80xi32, #tpu.memory_space<vmem>> -> memref<1x80xi32, #tpu.memory_space<vmem>>
      %dma_start3A_306 = tpu.memref_squeeze %dma_start3A_305 : memref<1x80xi32, #tpu.memory_space<vmem>> -> memref<80xi32, #tpu.memory_space<vmem>>
      %dma_start3A_307 = arith.constant 0 : i32
      %dma_start3A_308 = arith.constant 0 : i32
      %dma_start3A_309 = tpu.memref_slice %arg2[%dma_start3A_307, %dma_start3A_308] : memref<10240x128xf32, #tpu.memory_space<hbm>> -> memref<10240x128xf32, #tpu.memory_space<hbm>>
      %dma_start3A_310 = tpu.memref_slice %arg11[%dma_start3A_299] : memref<3x!tpu.dma_semaphore, #tpu.memory_space<semaphore_mem>> -> memref<1x!tpu.dma_semaphore, #tpu.memory_space<semaphore_mem>>
      %dma_start3A_311 = tpu.memref_squeeze %dma_start3A_310 : memref<1x!tpu.dma_semaphore, #tpu.memory_space<semaphore_mem>> -> memref<!tpu.dma_semaphore, #tpu.memory_space<semaphore_mem>>
      tpu.enqueue_indirect_dma source(%dma_start3A_309 : memref<10240x128xf32, #tpu.memory_space<hbm>>) target(%dma_start3A_303 : memref<80x128xf32, #tpu.memory_space<vmem>>) offsets(%dma_start3A_306 : memref<80xi32, #tpu.memory_space<vmem>>) semaphore(%dma_start3A_311 : memref<!tpu.dma_semaphore, #tpu.memory_space<semaphore_mem>>)
      %dma_start3A_312 = arith.constant 2 : i32
      %dma_start3A_313 = arith.constant 2 : i32
      %dma_start3A_314 = arith.constant 0 : i32
      %dma_start3A_315 = arith.constant 0 : i32
      %dma_start3A_316 = tpu.memref_slice %arg10[%dma_start3A_312, %dma_start3A_314, %dma_start3A_315] : memref<3x1x80xi32, #tpu.memory_space<vmem>> -> memref<1x1x80xi32, #tpu.memory_space<vmem>>
      %dma_start3A_317 = tpu.memref_squeeze %dma_start3A_316 : memref<1x1x80xi32, #tpu.memory_space<vmem>> -> memref<1x80xi32, #tpu.memory_space<vmem>>
      %dma_start3A_318 = arith.constant 0 : i32
      %dma_start3A_319 = arith.constant 0 : i32
      %dma_start3A_320 = tpu.memref_slice %arg4[%add3A, %add3A_297, %dma_start3A_318, %dma_start3A_319] : memref<32x125x1x80xi32, #tpu.memory_space<hbm>> -> memref<1x1x1x80xi32, #tpu.memory_space<hbm>>
      %dma_start3A_321 = tpu.memref_squeeze %dma_start3A_320 : memref<1x1x1x80xi32, #tpu.memory_space<hbm>> -> memref<1x80xi32, #tpu.memory_space<hbm>>
      %dma_start3A_322 = tpu.memref_slice %arg12[%dma_start3A_313] : memref<3x!tpu.dma_semaphore, #tpu.memory_space<semaphore_mem>> -> memref<1x!tpu.dma_semaphore, #tpu.memory_space<semaphore_mem>>
      %dma_start3A_323 = tpu.memref_squeeze %dma_start3A_322 : memref<1x!tpu.dma_semaphore, #tpu.memory_space<semaphore_mem>> -> memref<!tpu.dma_semaphore, #tpu.memory_space<semaphore_mem>>
      %dma_start3A_324 = arith.constant 0 : i32
      %dma_start3A_325 = arith.constant 0 : i32
      %dma_start3A_326 = tpu.memref_slice %arg10[%dma_start3A_312, %dma_start3A_324, %dma_start3A_325] : memref<3x1x80xi32, #tpu.memory_space<vmem>> -> memref<1x1x80xi32, #tpu.memory_space<vmem>>
      %dma_start3A_327 = tpu.memref_squeeze %dma_start3A_326 : memref<1x1x80xi32, #tpu.memory_space<vmem>> -> memref<1x80xi32, #tpu.memory_space<vmem>>
      %dma_start3A_328 = arith.constant 0 : i32
      %dma_start3A_329 = arith.constant 0 : i32
      %dma_start3A_330 = tpu.memref_slice %arg4[%add3A, %add3A_297, %dma_start3A_328, %dma_start3A_329] : memref<32x125x1x80xi32, #tpu.memory_space<hbm>> -> memref<1x1x1x80xi32, #tpu.memory_space<hbm>>
      %dma_start3A_331 = tpu.memref_squeeze %dma_start3A_330 : memref<1x1x1x80xi32, #tpu.memory_space<hbm>> -> memref<1x80xi32, #tpu.memory_space<hbm>>
      tpu.enqueue_dma source(%dma_start3A_331 : memref<1x80xi32, #tpu.memory_space<hbm>>) target(%dma_start3A_327 : memref<1x80xi32, #tpu.memory_space<vmem>>) target_semaphore(%dma_start3A_323 : memref<!tpu.dma_semaphore, #tpu.memory_space<semaphore_mem>>)
      %mul3A_332 = arith.constant 3 : i32
      %mul3A_333 = arith.muli %scan3A_239, %mul3A_332 : i32
      %add3A_334 = arith.constant 1 : i32
      %add3A_335 = arith.addi %mul3A_333, %add3A_334 : i32
      %dma_wait3A_336 = arith.constant 1 : i32
      %dma_wait3A_337 = arith.constant 1 : i32
      %dma_wait3A_338 = arith.constant 0 : i32
      %dma_wait3A_339 = arith.constant 0 : i32
      %dma_wait3A_340 = tpu.memref_slice %arg9[%dma_wait3A_336, %dma_wait3A_338, %dma_wait3A_339] : memref<3x80x128xf32, #tpu.memory_space<vmem>> -> memref<1x80x128xf32, #tpu.memory_space<vmem>>
      %dma_wait3A_341 = tpu.memref_squeeze %dma_wait3A_340 : memref<1x80x128xf32, #tpu.memory_space<vmem>> -> memref<80x128xf32, #tpu.memory_space<vmem>>
      %dma_wait3A_342 = arith.constant 0 : i32
      %dma_wait3A_343 = tpu.memref_slice %arg8[%add3A_335, %dma_wait3A_342] : memref<125x80xi32, #tpu.memory_space<vmem>> -> memref<1x80xi32, #tpu.memory_space<vmem>>
      %dma_wait3A_344 = tpu.memref_squeeze %dma_wait3A_343 : memref<1x80xi32, #tpu.memory_space<vmem>> -> memref<80xi32, #tpu.memory_space<vmem>>
      %dma_wait3A_345 = arith.constant 0 : i32
      %dma_wait3A_346 = arith.constant 0 : i32
      %dma_wait3A_347 = tpu.memref_slice %arg2[%dma_wait3A_345, %dma_wait3A_346] : memref<10240x128xf32, #tpu.memory_space<hbm>> -> memref<10240x128xf32, #tpu.memory_space<hbm>>
      %dma_wait3A_348 = tpu.memref_slice %arg11[%dma_wait3A_337] : memref<3x!tpu.dma_semaphore, #tpu.memory_space<semaphore_mem>> -> memref<1x!tpu.dma_semaphore, #tpu.memory_space<semaphore_mem>>
      %dma_wait3A_349 = tpu.memref_squeeze %dma_wait3A_348 : memref<1x!tpu.dma_semaphore, #tpu.memory_space<semaphore_mem>> -> memref<!tpu.dma_semaphore, #tpu.memory_space<semaphore_mem>>
      tpu.wait_indirect_dma semaphore(%dma_wait3A_349 : memref<!tpu.dma_semaphore, #tpu.memory_space<semaphore_mem>>) src(%dma_wait3A_347 : memref<10240x128xf32, #tpu.memory_space<hbm>>) dst(%dma_wait3A_341 : memref<80x128xf32, #tpu.memory_space<vmem>>)
      %dma_wait3A_350 = arith.constant 1 : i32
      %dma_wait3A_351 = arith.constant 1 : i32
      %dma_wait3A_352 = arith.constant 0 : i32
      %dma_wait3A_353 = arith.constant 0 : i32
      %dma_wait3A_354 = tpu.memref_slice %arg10[%dma_wait3A_350, %dma_wait3A_352, %dma_wait3A_353] : memref<3x1x80xi32, #tpu.memory_space<vmem>> -> memref<1x1x80xi32, #tpu.memory_space<vmem>>
      %dma_wait3A_355 = tpu.memref_squeeze %dma_wait3A_354 : memref<1x1x80xi32, #tpu.memory_space<vmem>> -> memref<1x80xi32, #tpu.memory_space<vmem>>
      %dma_wait3A_356 = arith.constant 0 : i32
      %dma_wait3A_357 = arith.constant 0 : i32
      %dma_wait3A_358 = tpu.memref_slice %arg4[%add3A, %add3A_335, %dma_wait3A_356, %dma_wait3A_357] : memref<32x125x1x80xi32, #tpu.memory_space<hbm>> -> memref<1x1x1x80xi32, #tpu.memory_space<hbm>>
      %dma_wait3A_359 = tpu.memref_squeeze %dma_wait3A_358 : memref<1x1x1x80xi32, #tpu.memory_space<hbm>> -> memref<1x80xi32, #tpu.memory_space<hbm>>
      %dma_wait3A_360 = tpu.memref_slice %arg12[%dma_wait3A_351] : memref<3x!tpu.dma_semaphore, #tpu.memory_space<semaphore_mem>> -> memref<1x!tpu.dma_semaphore, #tpu.memory_space<semaphore_mem>>
      %dma_wait3A_361 = tpu.memref_squeeze %dma_wait3A_360 : memref<1x!tpu.dma_semaphore, #tpu.memory_space<semaphore_mem>> -> memref<!tpu.dma_semaphore, #tpu.memory_space<semaphore_mem>>
      %dma_wait3A_362 = arith.constant 0 : i32
      %dma_wait3A_363 = arith.constant 0 : i32
      %dma_wait3A_364 = tpu.memref_slice %arg10[%dma_wait3A_350, %dma_wait3A_362, %dma_wait3A_363] : memref<3x1x80xi32, #tpu.memory_space<vmem>> -> memref<1x1x80xi32, #tpu.memory_space<vmem>>
      %dma_wait3A_365 = tpu.memref_squeeze %dma_wait3A_364 : memref<1x1x80xi32, #tpu.memory_space<vmem>> -> memref<1x80xi32, #tpu.memory_space<vmem>>
      %dma_wait3A_366 = arith.constant 0 : i32
      %dma_wait3A_367 = arith.constant 0 : i32
      %dma_wait3A_368 = tpu.memref_slice %arg4[%add3A, %add3A_335, %dma_wait3A_366, %dma_wait3A_367] : memref<32x125x1x80xi32, #tpu.memory_space<hbm>> -> memref<1x1x1x80xi32, #tpu.memory_space<hbm>>
      %dma_wait3A_369 = tpu.memref_squeeze %dma_wait3A_368 : memref<1x1x1x80xi32, #tpu.memory_space<hbm>> -> memref<1x80xi32, #tpu.memory_space<hbm>>
      tpu.wait_dma2 semaphore(%dma_wait3A_361 : memref<!tpu.dma_semaphore, #tpu.memory_space<semaphore_mem>>) src(%dma_wait3A_369 : memref<1x80xi32, #tpu.memory_space<hbm>>) dst(%dma_wait3A_365 : memref<1x80xi32, #tpu.memory_space<vmem>>)
      %dma_start3A_370 = arith.constant 1 : i32
      %dma_start3A_371 = arith.constant 1 : i32
      %dma_start3A_372 = arith.constant 0 : i32
      %dma_start3A_373 = arith.constant 1 : i32
      %dma_start3A_374 = arith.constant 0 : i32
      %dma_start3A_375 = arith.constant 0 : i32
      %dma_start3A_376 = tpu.memref_slice %arg9[%dma_start3A_370, %dma_start3A_374, %dma_start3A_375] : memref<3x80x128xf32, #tpu.memory_space<vmem>> -> memref<1x80x128xf32, #tpu.memory_space<vmem>>
      %dma_start3A_377 = tpu.memref_squeeze %dma_start3A_376 : memref<1x80x128xf32, #tpu.memory_space<vmem>> -> memref<80x128xf32, #tpu.memory_space<vmem>>
      %dma_start3A_378 = arith.constant 0 : i32
      %dma_start3A_379 = tpu.memref_slice %arg10[%dma_start3A_371, %dma_start3A_372, %dma_start3A_378] : memref<3x1x80xi32, #tpu.memory_space<vmem>> -> memref<1x1x80xi32, #tpu.memory_space<vmem>>
      %dma_start3A_380 = tpu.memref_squeeze %dma_start3A_379 : memref<1x1x80xi32, #tpu.memory_space<vmem>> -> memref<80xi32, #tpu.memory_space<vmem>>
      %dma_start3A_381 = arith.constant 0 : i32
      %dma_start3A_382 = arith.constant 0 : i32
      %dma_start3A_383 = tpu.memref_slice %arg7[%dma_start3A_381, %dma_start3A_382] : memref<10240x128xf32, #tpu.memory_space<vmem_shared>> -> memref<10240x128xf32, #tpu.memory_space<vmem_shared>>
      %dma_start3A_384 = tpu.memref_slice %arg13[%dma_start3A_373] : memref<3x!tpu.dma_semaphore, #tpu.memory_space<semaphore_mem>> -> memref<1x!tpu.dma_semaphore, #tpu.memory_space<semaphore_mem>>
      %dma_start3A_385 = tpu.memref_squeeze %dma_start3A_384 : memref<1x!tpu.dma_semaphore, #tpu.memory_space<semaphore_mem>> -> memref<!tpu.dma_semaphore, #tpu.memory_space<semaphore_mem>>
      tpu.enqueue_indirect_dma source(%dma_start3A_377 : memref<80x128xf32, #tpu.memory_space<vmem>>) target(%dma_start3A_383 : memref<10240x128xf32, #tpu.memory_space<vmem_shared>>) offsets(%dma_start3A_380 : memref<80xi32, #tpu.memory_space<vmem>>) semaphore(%dma_start3A_385 : memref<!tpu.dma_semaphore, #tpu.memory_space<semaphore_mem>>) {add = true}
      %ge3A_386 = arith.constant 1 : i32
      %ge3A_387 = arith.cmpi sge, %add3A_335, %ge3A_386 : i32
      %convert_element_type3A_388 = arith.extui %ge3A_387 : i1 to i32
      %cond3A_389 = arith.constant 0 : i32
      %cond3A_390 = arith.cmpi ne, %convert_element_type3A_388, %cond3A_389 : i32
      scf.if %cond3A_390 {
        %dma_wait3A_522 = arith.constant 0 : i32
        %dma_wait3A_523 = arith.constant 0 : i32
        %dma_wait3A_524 = arith.constant 0 : i32
        %dma_wait3A_525 = arith.constant 0 : i32
        %dma_wait3A_526 = arith.constant 0 : i32
        %dma_wait3A_527 = arith.constant 0 : i32
        %dma_wait3A_528 = tpu.memref_slice %arg9[%dma_wait3A_522, %dma_wait3A_526, %dma_wait3A_527] : memref<3x80x128xf32, #tpu.memory_space<vmem>> -> memref<1x80x128xf32, #tpu.memory_space<vmem>>
        %dma_wait3A_529 = tpu.memref_squeeze %dma_wait3A_528 : memref<1x80x128xf32, #tpu.memory_space<vmem>> -> memref<80x128xf32, #tpu.memory_space<vmem>>
        %dma_wait3A_530 = arith.constant 0 : i32
        %dma_wait3A_531 = tpu.memref_slice %arg10[%dma_wait3A_523, %dma_wait3A_524, %dma_wait3A_530] : memref<3x1x80xi32, #tpu.memory_space<vmem>> -> memref<1x1x80xi32, #tpu.memory_space<vmem>>
        %dma_wait3A_532 = tpu.memref_squeeze %dma_wait3A_531 : memref<1x1x80xi32, #tpu.memory_space<vmem>> -> memref<80xi32, #tpu.memory_space<vmem>>
        %dma_wait3A_533 = arith.constant 0 : i32
        %dma_wait3A_534 = arith.constant 0 : i32
        %dma_wait3A_535 = tpu.memref_slice %arg7[%dma_wait3A_533, %dma_wait3A_534] : memref<10240x128xf32, #tpu.memory_space<vmem_shared>> -> memref<10240x128xf32, #tpu.memory_space<vmem_shared>>
        %dma_wait3A_536 = tpu.memref_slice %arg13[%dma_wait3A_525] : memref<3x!tpu.dma_semaphore, #tpu.memory_space<semaphore_mem>> -> memref<1x!tpu.dma_semaphore, #tpu.memory_space<semaphore_mem>>
        %dma_wait3A_537 = tpu.memref_squeeze %dma_wait3A_536 : memref<1x!tpu.dma_semaphore, #tpu.memory_space<semaphore_mem>> -> memref<!tpu.dma_semaphore, #tpu.memory_space<semaphore_mem>>
        tpu.wait_indirect_dma semaphore(%dma_wait3A_537 : memref<!tpu.dma_semaphore, #tpu.memory_space<semaphore_mem>>) src(%dma_wait3A_529 : memref<80x128xf32, #tpu.memory_space<vmem>>) dst(%dma_wait3A_535 : memref<10240x128xf32, #tpu.memory_space<vmem_shared>>)
      } else {
      }
      %add3A_391 = arith.constant 2 : i32
      %add3A_392 = arith.addi %add3A_335, %add3A_391 : i32
      %dma_start3A_393 = arith.constant 0 : i32
      %dma_start3A_394 = arith.constant 0 : i32
      %dma_start3A_395 = arith.constant 0 : i32
      %dma_start3A_396 = arith.constant 0 : i32
      %dma_start3A_397 = tpu.memref_slice %arg9[%dma_start3A_393, %dma_start3A_395, %dma_start3A_396] : memref<3x80x128xf32, #tpu.memory_space<vmem>> -> memref<1x80x128xf32, #tpu.memory_space<vmem>>
      %dma_start3A_398 = tpu.memref_squeeze %dma_start3A_397 : memref<1x80x128xf32, #tpu.memory_space<vmem>> -> memref<80x128xf32, #tpu.memory_space<vmem>>
      %dma_start3A_399 = arith.constant 0 : i32
      %dma_start3A_400 = tpu.memref_slice %arg8[%add3A_392, %dma_start3A_399] : memref<125x80xi32, #tpu.memory_space<vmem>> -> memref<1x80xi32, #tpu.memory_space<vmem>>
      %dma_start3A_401 = tpu.memref_squeeze %dma_start3A_400 : memref<1x80xi32, #tpu.memory_space<vmem>> -> memref<80xi32, #tpu.memory_space<vmem>>
      %dma_start3A_402 = arith.constant 0 : i32
      %dma_start3A_403 = arith.constant 0 : i32
      %dma_start3A_404 = tpu.memref_slice %arg2[%dma_start3A_402, %dma_start3A_403] : memref<10240x128xf32, #tpu.memory_space<hbm>> -> memref<10240x128xf32, #tpu.memory_space<hbm>>
      %dma_start3A_405 = tpu.memref_slice %arg11[%dma_start3A_394] : memref<3x!tpu.dma_semaphore, #tpu.memory_space<semaphore_mem>> -> memref<1x!tpu.dma_semaphore, #tpu.memory_space<semaphore_mem>>
      %dma_start3A_406 = tpu.memref_squeeze %dma_start3A_405 : memref<1x!tpu.dma_semaphore, #tpu.memory_space<semaphore_mem>> -> memref<!tpu.dma_semaphore, #tpu.memory_space<semaphore_mem>>
      tpu.enqueue_indirect_dma source(%dma_start3A_404 : memref<10240x128xf32, #tpu.memory_space<hbm>>) target(%dma_start3A_398 : memref<80x128xf32, #tpu.memory_space<vmem>>) offsets(%dma_start3A_401 : memref<80xi32, #tpu.memory_space<vmem>>) semaphore(%dma_start3A_406 : memref<!tpu.dma_semaphore, #tpu.memory_space<semaphore_mem>>)
      %dma_start3A_407 = arith.constant 0 : i32
      %dma_start3A_408 = arith.constant 0 : i32
      %dma_start3A_409 = arith.constant 0 : i32
      %dma_start3A_410 = arith.constant 0 : i32
      %dma_start3A_411 = tpu.memref_slice %arg10[%dma_start3A_407, %dma_start3A_409, %dma_start3A_410] : memref<3x1x80xi32, #tpu.memory_space<vmem>> -> memref<1x1x80xi32, #tpu.memory_space<vmem>>
      %dma_start3A_412 = tpu.memref_squeeze %dma_start3A_411 : memref<1x1x80xi32, #tpu.memory_space<vmem>> -> memref<1x80xi32, #tpu.memory_space<vmem>>
      %dma_start3A_413 = arith.constant 0 : i32
      %dma_start3A_414 = arith.constant 0 : i32
      %dma_start3A_415 = tpu.memref_slice %arg4[%add3A, %add3A_392, %dma_start3A_413, %dma_start3A_414] : memref<32x125x1x80xi32, #tpu.memory_space<hbm>> -> memref<1x1x1x80xi32, #tpu.memory_space<hbm>>
      %dma_start3A_416 = tpu.memref_squeeze %dma_start3A_415 : memref<1x1x1x80xi32, #tpu.memory_space<hbm>> -> memref<1x80xi32, #tpu.memory_space<hbm>>
      %dma_start3A_417 = tpu.memref_slice %arg12[%dma_start3A_408] : memref<3x!tpu.dma_semaphore, #tpu.memory_space<semaphore_mem>> -> memref<1x!tpu.dma_semaphore, #tpu.memory_space<semaphore_mem>>
      %dma_start3A_418 = tpu.memref_squeeze %dma_start3A_417 : memref<1x!tpu.dma_semaphore, #tpu.memory_space<semaphore_mem>> -> memref<!tpu.dma_semaphore, #tpu.memory_space<semaphore_mem>>
      %dma_start3A_419 = arith.constant 0 : i32
      %dma_start3A_420 = arith.constant 0 : i32
      %dma_start3A_421 = tpu.memref_slice %arg10[%dma_start3A_407, %dma_start3A_419, %dma_start3A_420] : memref<3x1x80xi32, #tpu.memory_space<vmem>> -> memref<1x1x80xi32, #tpu.memory_space<vmem>>
      %dma_start3A_422 = tpu.memref_squeeze %dma_start3A_421 : memref<1x1x80xi32, #tpu.memory_space<vmem>> -> memref<1x80xi32, #tpu.memory_space<vmem>>
      %dma_start3A_423 = arith.constant 0 : i32
      %dma_start3A_424 = arith.constant 0 : i32
      %dma_start3A_425 = tpu.memref_slice %arg4[%add3A, %add3A_392, %dma_start3A_423, %dma_start3A_424] : memref<32x125x1x80xi32, #tpu.memory_space<hbm>> -> memref<1x1x1x80xi32, #tpu.memory_space<hbm>>
      %dma_start3A_426 = tpu.memref_squeeze %dma_start3A_425 : memref<1x1x1x80xi32, #tpu.memory_space<hbm>> -> memref<1x80xi32, #tpu.memory_space<hbm>>
      tpu.enqueue_dma source(%dma_start3A_426 : memref<1x80xi32, #tpu.memory_space<hbm>>) target(%dma_start3A_422 : memref<1x80xi32, #tpu.memory_space<vmem>>) target_semaphore(%dma_start3A_418 : memref<!tpu.dma_semaphore, #tpu.memory_space<semaphore_mem>>)
      %mul3A_427 = arith.constant 3 : i32
      %mul3A_428 = arith.muli %scan3A_239, %mul3A_427 : i32
      %add3A_429 = arith.constant 2 : i32
      %add3A_430 = arith.addi %mul3A_428, %add3A_429 : i32
      %dma_wait3A_431 = arith.constant 2 : i32
      %dma_wait3A_432 = arith.constant 2 : i32
      %dma_wait3A_433 = arith.constant 0 : i32
      %dma_wait3A_434 = arith.constant 0 : i32
      %dma_wait3A_435 = tpu.memref_slice %arg9[%dma_wait3A_431, %dma_wait3A_433, %dma_wait3A_434] : memref<3x80x128xf32, #tpu.memory_space<vmem>> -> memref<1x80x128xf32, #tpu.memory_space<vmem>>
      %dma_wait3A_436 = tpu.memref_squeeze %dma_wait3A_435 : memref<1x80x128xf32, #tpu.memory_space<vmem>> -> memref<80x128xf32, #tpu.memory_space<vmem>>
      %dma_wait3A_437 = arith.constant 0 : i32
      %dma_wait3A_438 = tpu.memref_slice %arg8[%add3A_430, %dma_wait3A_437] : memref<125x80xi32, #tpu.memory_space<vmem>> -> memref<1x80xi32, #tpu.memory_space<vmem>>
      %dma_wait3A_439 = tpu.memref_squeeze %dma_wait3A_438 : memref<1x80xi32, #tpu.memory_space<vmem>> -> memref<80xi32, #tpu.memory_space<vmem>>
      %dma_wait3A_440 = arith.constant 0 : i32
      %dma_wait3A_441 = arith.constant 0 : i32
      %dma_wait3A_442 = tpu.memref_slice %arg2[%dma_wait3A_440, %dma_wait3A_441] : memref<10240x128xf32, #tpu.memory_space<hbm>> -> memref<10240x128xf32, #tpu.memory_space<hbm>>
      %dma_wait3A_443 = tpu.memref_slice %arg11[%dma_wait3A_432] : memref<3x!tpu.dma_semaphore, #tpu.memory_space<semaphore_mem>> -> memref<1x!tpu.dma_semaphore, #tpu.memory_space<semaphore_mem>>
      %dma_wait3A_444 = tpu.memref_squeeze %dma_wait3A_443 : memref<1x!tpu.dma_semaphore, #tpu.memory_space<semaphore_mem>> -> memref<!tpu.dma_semaphore, #tpu.memory_space<semaphore_mem>>
      tpu.wait_indirect_dma semaphore(%dma_wait3A_444 : memref<!tpu.dma_semaphore, #tpu.memory_space<semaphore_mem>>) src(%dma_wait3A_442 : memref<10240x128xf32, #tpu.memory_space<hbm>>) dst(%dma_wait3A_436 : memref<80x128xf32, #tpu.memory_space<vmem>>)
      %dma_wait3A_445 = arith.constant 2 : i32
      %dma_wait3A_446 = arith.constant 2 : i32
      %dma_wait3A_447 = arith.constant 0 : i32
      %dma_wait3A_448 = arith.constant 0 : i32
      %dma_wait3A_449 = tpu.memref_slice %arg10[%dma_wait3A_445, %dma_wait3A_447, %dma_wait3A_448] : memref<3x1x80xi32, #tpu.memory_space<vmem>> -> memref<1x1x80xi32, #tpu.memory_space<vmem>>
      %dma_wait3A_450 = tpu.memref_squeeze %dma_wait3A_449 : memref<1x1x80xi32, #tpu.memory_space<vmem>> -> memref<1x80xi32, #tpu.memory_space<vmem>>
      %dma_wait3A_451 = arith.constant 0 : i32
      %dma_wait3A_452 = arith.constant 0 : i32
      %dma_wait3A_453 = tpu.memref_slice %arg4[%add3A, %add3A_430, %dma_wait3A_451, %dma_wait3A_452] : memref<32x125x1x80xi32, #tpu.memory_space<hbm>> -> memref<1x1x1x80xi32, #tpu.memory_space<hbm>>
      %dma_wait3A_454 = tpu.memref_squeeze %dma_wait3A_453 : memref<1x1x1x80xi32, #tpu.memory_space<hbm>> -> memref<1x80xi32, #tpu.memory_space<hbm>>
      %dma_wait3A_455 = tpu.memref_slice %arg12[%dma_wait3A_446] : memref<3x!tpu.dma_semaphore, #tpu.memory_space<semaphore_mem>> -> memref<1x!tpu.dma_semaphore, #tpu.memory_space<semaphore_mem>>
      %dma_wait3A_456 = tpu.memref_squeeze %dma_wait3A_455 : memref<1x!tpu.dma_semaphore, #tpu.memory_space<semaphore_mem>> -> memref<!tpu.dma_semaphore, #tpu.memory_space<semaphore_mem>>
      %dma_wait3A_457 = arith.constant 0 : i32
      %dma_wait3A_458 = arith.constant 0 : i32
      %dma_wait3A_459 = tpu.memref_slice %arg10[%dma_wait3A_445, %dma_wait3A_457, %dma_wait3A_458] : memref<3x1x80xi32, #tpu.memory_space<vmem>> -> memref<1x1x80xi32, #tpu.memory_space<vmem>>
      %dma_wait3A_460 = tpu.memref_squeeze %dma_wait3A_459 : memref<1x1x80xi32, #tpu.memory_space<vmem>> -> memref<1x80xi32, #tpu.memory_space<vmem>>
      %dma_wait3A_461 = arith.constant 0 : i32
      %dma_wait3A_462 = arith.constant 0 : i32
      %dma_wait3A_463 = tpu.memref_slice %arg4[%add3A, %add3A_430, %dma_wait3A_461, %dma_wait3A_462] : memref<32x125x1x80xi32, #tpu.memory_space<hbm>> -> memref<1x1x1x80xi32, #tpu.memory_space<hbm>>
      %dma_wait3A_464 = tpu.memref_squeeze %dma_wait3A_463 : memref<1x1x1x80xi32, #tpu.memory_space<hbm>> -> memref<1x80xi32, #tpu.memory_space<hbm>>
      tpu.wait_dma2 semaphore(%dma_wait3A_456 : memref<!tpu.dma_semaphore, #tpu.memory_space<semaphore_mem>>) src(%dma_wait3A_464 : memref<1x80xi32, #tpu.memory_space<hbm>>) dst(%dma_wait3A_460 : memref<1x80xi32, #tpu.memory_space<vmem>>)
      %dma_start3A_465 = arith.constant 2 : i32
      %dma_start3A_466 = arith.constant 2 : i32
      %dma_start3A_467 = arith.constant 0 : i32
      %dma_start3A_468 = arith.constant 2 : i32
      %dma_start3A_469 = arith.constant 0 : i32
      %dma_start3A_470 = arith.constant 0 : i32
      %dma_start3A_471 = tpu.memref_slice %arg9[%dma_start3A_465, %dma_start3A_469, %dma_start3A_470] : memref<3x80x128xf32, #tpu.memory_space<vmem>> -> memref<1x80x128xf32, #tpu.memory_space<vmem>>
      %dma_start3A_472 = tpu.memref_squeeze %dma_start3A_471 : memref<1x80x128xf32, #tpu.memory_space<vmem>> -> memref<80x128xf32, #tpu.memory_space<vmem>>
      %dma_start3A_473 = arith.constant 0 : i32
      %dma_start3A_474 = tpu.memref_slice %arg10[%dma_start3A_466, %dma_start3A_467, %dma_start3A_473] : memref<3x1x80xi32, #tpu.memory_space<vmem>> -> memref<1x1x80xi32, #tpu.memory_space<vmem>>
      %dma_start3A_475 = tpu.memref_squeeze %dma_start3A_474 : memref<1x1x80xi32, #tpu.memory_space<vmem>> -> memref<80xi32, #tpu.memory_space<vmem>>
      %dma_start3A_476 = arith.constant 0 : i32
      %dma_start3A_477 = arith.constant 0 : i32
      %dma_start3A_478 = tpu.memref_slice %arg7[%dma_start3A_476, %dma_start3A_477] : memref<10240x128xf32, #tpu.memory_space<vmem_shared>> -> memref<10240x128xf32, #tpu.memory_space<vmem_shared>>
      %dma_start3A_479 = tpu.memref_slice %arg13[%dma_start3A_468] : memref<3x!tpu.dma_semaphore, #tpu.memory_space<semaphore_mem>> -> memref<1x!tpu.dma_semaphore, #tpu.memory_space<semaphore_mem>>
      %dma_start3A_480 = tpu.memref_squeeze %dma_start3A_479 : memref<1x!tpu.dma_semaphore, #tpu.memory_space<semaphore_mem>> -> memref<!tpu.dma_semaphore, #tpu.memory_space<semaphore_mem>>
      tpu.enqueue_indirect_dma source(%dma_start3A_472 : memref<80x128xf32, #tpu.memory_space<vmem>>) target(%dma_start3A_478 : memref<10240x128xf32, #tpu.memory_space<vmem_shared>>) offsets(%dma_start3A_475 : memref<80xi32, #tpu.memory_space<vmem>>) semaphore(%dma_start3A_480 : memref<!tpu.dma_semaphore, #tpu.memory_space<semaphore_mem>>) {add = true}
      %ge3A_481 = arith.constant 1 : i32
      %ge3A_482 = arith.cmpi sge, %add3A_430, %ge3A_481 : i32
      %convert_element_type3A_483 = arith.extui %ge3A_482 : i1 to i32
      %cond3A_484 = arith.constant 0 : i32
      %cond3A_485 = arith.cmpi ne, %convert_element_type3A_483, %cond3A_484 : i32
      scf.if %cond3A_485 {
        %dma_wait3A_522 = arith.constant 1 : i32
        %dma_wait3A_523 = arith.constant 1 : i32
        %dma_wait3A_524 = arith.constant 0 : i32
        %dma_wait3A_525 = arith.constant 1 : i32
        %dma_wait3A_526 = arith.constant 0 : i32
        %dma_wait3A_527 = arith.constant 0 : i32
        %dma_wait3A_528 = tpu.memref_slice %arg9[%dma_wait3A_522, %dma_wait3A_526, %dma_wait3A_527] : memref<3x80x128xf32, #tpu.memory_space<vmem>> -> memref<1x80x128xf32, #tpu.memory_space<vmem>>
        %dma_wait3A_529 = tpu.memref_squeeze %dma_wait3A_528 : memref<1x80x128xf32, #tpu.memory_space<vmem>> -> memref<80x128xf32, #tpu.memory_space<vmem>>
        %dma_wait3A_530 = arith.constant 0 : i32
        %dma_wait3A_531 = tpu.memref_slice %arg10[%dma_wait3A_523, %dma_wait3A_524, %dma_wait3A_530] : memref<3x1x80xi32, #tpu.memory_space<vmem>> -> memref<1x1x80xi32, #tpu.memory_space<vmem>>
        %dma_wait3A_532 = tpu.memref_squeeze %dma_wait3A_531 : memref<1x1x80xi32, #tpu.memory_space<vmem>> -> memref<80xi32, #tpu.memory_space<vmem>>
        %dma_wait3A_533 = arith.constant 0 : i32
        %dma_wait3A_534 = arith.constant 0 : i32
        %dma_wait3A_535 = tpu.memref_slice %arg7[%dma_wait3A_533, %dma_wait3A_534] : memref<10240x128xf32, #tpu.memory_space<vmem_shared>> -> memref<10240x128xf32, #tpu.memory_space<vmem_shared>>
        %dma_wait3A_536 = tpu.memref_slice %arg13[%dma_wait3A_525] : memref<3x!tpu.dma_semaphore, #tpu.memory_space<semaphore_mem>> -> memref<1x!tpu.dma_semaphore, #tpu.memory_space<semaphore_mem>>
        %dma_wait3A_537 = tpu.memref_squeeze %dma_wait3A_536 : memref<1x!tpu.dma_semaphore, #tpu.memory_space<semaphore_mem>> -> memref<!tpu.dma_semaphore, #tpu.memory_space<semaphore_mem>>
        tpu.wait_indirect_dma semaphore(%dma_wait3A_537 : memref<!tpu.dma_semaphore, #tpu.memory_space<semaphore_mem>>) src(%dma_wait3A_529 : memref<80x128xf32, #tpu.memory_space<vmem>>) dst(%dma_wait3A_535 : memref<10240x128xf32, #tpu.memory_space<vmem_shared>>)
      } else {
      }
      %add3A_486 = arith.constant 2 : i32
      %add3A_487 = arith.addi %add3A_430, %add3A_486 : i32
      %dma_start3A_488 = arith.constant 1 : i32
      %dma_start3A_489 = arith.constant 1 : i32
      %dma_start3A_490 = arith.constant 0 : i32
      %dma_start3A_491 = arith.constant 0 : i32
      %dma_start3A_492 = tpu.memref_slice %arg9[%dma_start3A_488, %dma_start3A_490, %dma_start3A_491] : memref<3x80x128xf32, #tpu.memory_space<vmem>> -> memref<1x80x128xf32, #tpu.memory_space<vmem>>
      %dma_start3A_493 = tpu.memref_squeeze %dma_start3A_492 : memref<1x80x128xf32, #tpu.memory_space<vmem>> -> memref<80x128xf32, #tpu.memory_space<vmem>>
      %dma_start3A_494 = arith.constant 0 : i32
      %dma_start3A_495 = tpu.memref_slice %arg8[%add3A_487, %dma_start3A_494] : memref<125x80xi32, #tpu.memory_space<vmem>> -> memref<1x80xi32, #tpu.memory_space<vmem>>
      %dma_start3A_496 = tpu.memref_squeeze %dma_start3A_495 : memref<1x80xi32, #tpu.memory_space<vmem>> -> memref<80xi32, #tpu.memory_space<vmem>>
      %dma_start3A_497 = arith.constant 0 : i32
      %dma_start3A_498 = arith.constant 0 : i32
      %dma_start3A_499 = tpu.memref_slice %arg2[%dma_start3A_497, %dma_start3A_498] : memref<10240x128xf32, #tpu.memory_space<hbm>> -> memref<10240x128xf32, #tpu.memory_space<hbm>>
      %dma_start3A_500 = tpu.memref_slice %arg11[%dma_start3A_489] : memref<3x!tpu.dma_semaphore, #tpu.memory_space<semaphore_mem>> -> memref<1x!tpu.dma_semaphore, #tpu.memory_space<semaphore_mem>>
      %dma_start3A_501 = tpu.memref_squeeze %dma_start3A_500 : memref<1x!tpu.dma_semaphore, #tpu.memory_space<semaphore_mem>> -> memref<!tpu.dma_semaphore, #tpu.memory_space<semaphore_mem>>
      tpu.enqueue_indirect_dma source(%dma_start3A_499 : memref<10240x128xf32, #tpu.memory_space<hbm>>) target(%dma_start3A_493 : memref<80x128xf32, #tpu.memory_space<vmem>>) offsets(%dma_start3A_496 : memref<80xi32, #tpu.memory_space<vmem>>) semaphore(%dma_start3A_501 : memref<!tpu.dma_semaphore, #tpu.memory_space<semaphore_mem>>)
      %dma_start3A_502 = arith.constant 1 : i32
      %dma_start3A_503 = arith.constant 1 : i32
      %dma_start3A_504 = arith.constant 0 : i32
      %dma_start3A_505 = arith.constant 0 : i32
      %dma_start3A_506 = tpu.memref_slice %arg10[%dma_start3A_502, %dma_start3A_504, %dma_start3A_505] : memref<3x1x80xi32, #tpu.memory_space<vmem>> -> memref<1x1x80xi32, #tpu.memory_space<vmem>>
      %dma_start3A_507 = tpu.memref_squeeze %dma_start3A_506 : memref<1x1x80xi32, #tpu.memory_space<vmem>> -> memref<1x80xi32, #tpu.memory_space<vmem>>
      %dma_start3A_508 = arith.constant 0 : i32
      %dma_start3A_509 = arith.constant 0 : i32
      %dma_start3A_510 = tpu.memref_slice %arg4[%add3A, %add3A_487, %dma_start3A_508, %dma_start3A_509] : memref<32x125x1x80xi32, #tpu.memory_space<hbm>> -> memref<1x1x1x80xi32, #tpu.memory_space<hbm>>
      %dma_start3A_511 = tpu.memref_squeeze %dma_start3A_510 : memref<1x1x1x80xi32, #tpu.memory_space<hbm>> -> memref<1x80xi32, #tpu.memory_space<hbm>>
      %dma_start3A_512 = tpu.memref_slice %arg12[%dma_start3A_503] : memref<3x!tpu.dma_semaphore, #tpu.memory_space<semaphore_mem>> -> memref<1x!tpu.dma_semaphore, #tpu.memory_space<semaphore_mem>>
      %dma_start3A_513 = tpu.memref_squeeze %dma_start3A_512 : memref<1x!tpu.dma_semaphore, #tpu.memory_space<semaphore_mem>> -> memref<!tpu.dma_semaphore, #tpu.memory_space<semaphore_mem>>
      %dma_start3A_514 = arith.constant 0 : i32
      %dma_start3A_515 = arith.constant 0 : i32
      %dma_start3A_516 = tpu.memref_slice %arg10[%dma_start3A_502, %dma_start3A_514, %dma_start3A_515] : memref<3x1x80xi32, #tpu.memory_space<vmem>> -> memref<1x1x80xi32, #tpu.memory_space<vmem>>
      %dma_start3A_517 = tpu.memref_squeeze %dma_start3A_516 : memref<1x1x80xi32, #tpu.memory_space<vmem>> -> memref<1x80xi32, #tpu.memory_space<vmem>>
      %dma_start3A_518 = arith.constant 0 : i32
      %dma_start3A_519 = arith.constant 0 : i32
      %dma_start3A_520 = tpu.memref_slice %arg4[%add3A, %add3A_487, %dma_start3A_518, %dma_start3A_519] : memref<32x125x1x80xi32, #tpu.memory_space<hbm>> -> memref<1x1x1x80xi32, #tpu.memory_space<hbm>>
      %dma_start3A_521 = tpu.memref_squeeze %dma_start3A_520 : memref<1x1x1x80xi32, #tpu.memory_space<hbm>> -> memref<1x80xi32, #tpu.memory_space<hbm>>
      tpu.enqueue_dma source(%dma_start3A_521 : memref<1x80xi32, #tpu.memory_space<hbm>>) target(%dma_start3A_517 : memref<1x80xi32, #tpu.memory_space<vmem>>) target_semaphore(%dma_start3A_513 : memref<!tpu.dma_semaphore, #tpu.memory_space<semaphore_mem>>)
    }
    %scan3A_81 = arith.constant 41 : i32
    %dma_wait3A_82 = arith.constant 123 : i32
    %dma_wait3A_83 = arith.constant 0 : i32
    %dma_wait3A_84 = arith.constant 0 : i32
    %dma_wait3A_85 = arith.constant 0 : i32
    %dma_wait3A_86 = arith.constant 0 : i32
    %dma_wait3A_87 = tpu.memref_slice %arg9[%dma_wait3A_83, %dma_wait3A_85, %dma_wait3A_86] : memref<3x80x128xf32, #tpu.memory_space<vmem>> -> memref<1x80x128xf32, #tpu.memory_space<vmem>>
    %dma_wait3A_88 = tpu.memref_squeeze %dma_wait3A_87 : memref<1x80x128xf32, #tpu.memory_space<vmem>> -> memref<80x128xf32, #tpu.memory_space<vmem>>
    %dma_wait3A_89 = arith.constant 0 : i32
    %dma_wait3A_90 = tpu.memref_slice %arg8[%dma_wait3A_82, %dma_wait3A_89] : memref<125x80xi32, #tpu.memory_space<vmem>> -> memref<1x80xi32, #tpu.memory_space<vmem>>
    %dma_wait3A_91 = tpu.memref_squeeze %dma_wait3A_90 : memref<1x80xi32, #tpu.memory_space<vmem>> -> memref<80xi32, #tpu.memory_space<vmem>>
    %dma_wait3A_92 = arith.constant 0 : i32
    %dma_wait3A_93 = arith.constant 0 : i32
    %dma_wait3A_94 = tpu.memref_slice %arg2[%dma_wait3A_92, %dma_wait3A_93] : memref<10240x128xf32, #tpu.memory_space<hbm>> -> memref<10240x128xf32, #tpu.memory_space<hbm>>
    %dma_wait3A_95 = tpu.memref_slice %arg11[%dma_wait3A_84] : memref<3x!tpu.dma_semaphore, #tpu.memory_space<semaphore_mem>> -> memref<1x!tpu.dma_semaphore, #tpu.memory_space<semaphore_mem>>
    %dma_wait3A_96 = tpu.memref_squeeze %dma_wait3A_95 : memref<1x!tpu.dma_semaphore, #tpu.memory_space<semaphore_mem>> -> memref<!tpu.dma_semaphore, #tpu.memory_space<semaphore_mem>>
    tpu.wait_indirect_dma semaphore(%dma_wait3A_96 : memref<!tpu.dma_semaphore, #tpu.memory_space<semaphore_mem>>) src(%dma_wait3A_94 : memref<10240x128xf32, #tpu.memory_space<hbm>>) dst(%dma_wait3A_88 : memref<80x128xf32, #tpu.memory_space<vmem>>)
    %dma_wait3A_97 = arith.constant 123 : i32
    %dma_wait3A_98 = arith.constant 0 : i32
    %dma_wait3A_99 = arith.constant 0 : i32
    %dma_wait3A_100 = arith.constant 0 : i32
    %dma_wait3A_101 = arith.constant 0 : i32
    %dma_wait3A_102 = tpu.memref_slice %arg10[%dma_wait3A_98, %dma_wait3A_100, %dma_wait3A_101] : memref<3x1x80xi32, #tpu.memory_space<vmem>> -> memref<1x1x80xi32, #tpu.memory_space<vmem>>
    %dma_wait3A_103 = tpu.memref_squeeze %dma_wait3A_102 : memref<1x1x80xi32, #tpu.memory_space<vmem>> -> memref<1x80xi32, #tpu.memory_space<vmem>>
    %dma_wait3A_104 = arith.constant 0 : i32
    %dma_wait3A_105 = arith.constant 0 : i32
    %dma_wait3A_106 = tpu.memref_slice %arg4[%add3A, %dma_wait3A_97, %dma_wait3A_104, %dma_wait3A_105] : memref<32x125x1x80xi32, #tpu.memory_space<hbm>> -> memref<1x1x1x80xi32, #tpu.memory_space<hbm>>
    %dma_wait3A_107 = tpu.memref_squeeze %dma_wait3A_106 : memref<1x1x1x80xi32, #tpu.memory_space<hbm>> -> memref<1x80xi32, #tpu.memory_space<hbm>>
    %dma_wait3A_108 = tpu.memref_slice %arg12[%dma_wait3A_99] : memref<3x!tpu.dma_semaphore, #tpu.memory_space<semaphore_mem>> -> memref<1x!tpu.dma_semaphore, #tpu.memory_space<semaphore_mem>>
    %dma_wait3A_109 = tpu.memref_squeeze %dma_wait3A_108 : memref<1x!tpu.dma_semaphore, #tpu.memory_space<semaphore_mem>> -> memref<!tpu.dma_semaphore, #tpu.memory_space<semaphore_mem>>
    %dma_wait3A_110 = arith.constant 0 : i32
    %dma_wait3A_111 = arith.constant 0 : i32
    %dma_wait3A_112 = tpu.memref_slice %arg10[%dma_wait3A_98, %dma_wait3A_110, %dma_wait3A_111] : memref<3x1x80xi32, #tpu.memory_space<vmem>> -> memref<1x1x80xi32, #tpu.memory_space<vmem>>
    %dma_wait3A_113 = tpu.memref_squeeze %dma_wait3A_112 : memref<1x1x80xi32, #tpu.memory_space<vmem>> -> memref<1x80xi32, #tpu.memory_space<vmem>>
    %dma_wait3A_114 = arith.constant 0 : i32
    %dma_wait3A_115 = arith.constant 0 : i32
    %dma_wait3A_116 = tpu.memref_slice %arg4[%add3A, %dma_wait3A_97, %dma_wait3A_114, %dma_wait3A_115] : memref<32x125x1x80xi32, #tpu.memory_space<hbm>> -> memref<1x1x1x80xi32, #tpu.memory_space<hbm>>
    %dma_wait3A_117 = tpu.memref_squeeze %dma_wait3A_116 : memref<1x1x1x80xi32, #tpu.memory_space<hbm>> -> memref<1x80xi32, #tpu.memory_space<hbm>>
    tpu.wait_dma2 semaphore(%dma_wait3A_109 : memref<!tpu.dma_semaphore, #tpu.memory_space<semaphore_mem>>) src(%dma_wait3A_117 : memref<1x80xi32, #tpu.memory_space<hbm>>) dst(%dma_wait3A_113 : memref<1x80xi32, #tpu.memory_space<vmem>>)
    %dma_wait3A_118 = arith.constant 2 : i32
    %dma_wait3A_119 = arith.constant 2 : i32
    %dma_wait3A_120 = arith.constant 0 : i32
    %dma_wait3A_121 = arith.constant 2 : i32
    %dma_wait3A_122 = arith.constant 0 : i32
    %dma_wait3A_123 = arith.constant 0 : i32
    %dma_wait3A_124 = tpu.memref_slice %arg9[%dma_wait3A_118, %dma_wait3A_122, %dma_wait3A_123] : memref<3x80x128xf32, #tpu.memory_space<vmem>> -> memref<1x80x128xf32, #tpu.memory_space<vmem>>
    %dma_wait3A_125 = tpu.memref_squeeze %dma_wait3A_124 : memref<1x80x128xf32, #tpu.memory_space<vmem>> -> memref<80x128xf32, #tpu.memory_space<vmem>>
    %dma_wait3A_126 = arith.constant 0 : i32
    %dma_wait3A_127 = tpu.memref_slice %arg10[%dma_wait3A_119, %dma_wait3A_120, %dma_wait3A_126] : memref<3x1x80xi32, #tpu.memory_space<vmem>> -> memref<1x1x80xi32, #tpu.memory_space<vmem>>
    %dma_wait3A_128 = tpu.memref_squeeze %dma_wait3A_127 : memref<1x1x80xi32, #tpu.memory_space<vmem>> -> memref<80xi32, #tpu.memory_space<vmem>>
    %dma_wait3A_129 = arith.constant 0 : i32
    %dma_wait3A_130 = arith.constant 0 : i32
    %dma_wait3A_131 = tpu.memref_slice %arg7[%dma_wait3A_129, %dma_wait3A_130] : memref<10240x128xf32, #tpu.memory_space<vmem_shared>> -> memref<10240x128xf32, #tpu.memory_space<vmem_shared>>
    %dma_wait3A_132 = tpu.memref_slice %arg13[%dma_wait3A_121] : memref<3x!tpu.dma_semaphore, #tpu.memory_space<semaphore_mem>> -> memref<1x!tpu.dma_semaphore, #tpu.memory_space<semaphore_mem>>
    %dma_wait3A_133 = tpu.memref_squeeze %dma_wait3A_132 : memref<1x!tpu.dma_semaphore, #tpu.memory_space<semaphore_mem>> -> memref<!tpu.dma_semaphore, #tpu.memory_space<semaphore_mem>>
    tpu.wait_indirect_dma semaphore(%dma_wait3A_133 : memref<!tpu.dma_semaphore, #tpu.memory_space<semaphore_mem>>) src(%dma_wait3A_125 : memref<80x128xf32, #tpu.memory_space<vmem>>) dst(%dma_wait3A_131 : memref<10240x128xf32, #tpu.memory_space<vmem_shared>>)
    %dma_start3A_134 = arith.constant 0 : i32
    %dma_start3A_135 = arith.constant 0 : i32
    %dma_start3A_136 = arith.constant 0 : i32
    %dma_start3A_137 = arith.constant 0 : i32
    %dma_start3A_138 = arith.constant 0 : i32
    %dma_start3A_139 = arith.constant 0 : i32
    %dma_start3A_140 = tpu.memref_slice %arg9[%dma_start3A_134, %dma_start3A_138, %dma_start3A_139] : memref<3x80x128xf32, #tpu.memory_space<vmem>> -> memref<1x80x128xf32, #tpu.memory_space<vmem>>
    %dma_start3A_141 = tpu.memref_squeeze %dma_start3A_140 : memref<1x80x128xf32, #tpu.memory_space<vmem>> -> memref<80x128xf32, #tpu.memory_space<vmem>>
    %dma_start3A_142 = arith.constant 0 : i32
    %dma_start3A_143 = tpu.memref_slice %arg10[%dma_start3A_135, %dma_start3A_136, %dma_start3A_142] : memref<3x1x80xi32, #tpu.memory_space<vmem>> -> memref<1x1x80xi32, #tpu.memory_space<vmem>>
    %dma_start3A_144 = tpu.memref_squeeze %dma_start3A_143 : memref<1x1x80xi32, #tpu.memory_space<vmem>> -> memref<80xi32, #tpu.memory_space<vmem>>
    %dma_start3A_145 = arith.constant 0 : i32
    %dma_start3A_146 = arith.constant 0 : i32
    %dma_start3A_147 = tpu.memref_slice %arg7[%dma_start3A_145, %dma_start3A_146] : memref<10240x128xf32, #tpu.memory_space<vmem_shared>> -> memref<10240x128xf32, #tpu.memory_space<vmem_shared>>
    %dma_start3A_148 = tpu.memref_slice %arg13[%dma_start3A_137] : memref<3x!tpu.dma_semaphore, #tpu.memory_space<semaphore_mem>> -> memref<1x!tpu.dma_semaphore, #tpu.memory_space<semaphore_mem>>
    %dma_start3A_149 = tpu.memref_squeeze %dma_start3A_148 : memref<1x!tpu.dma_semaphore, #tpu.memory_space<semaphore_mem>> -> memref<!tpu.dma_semaphore, #tpu.memory_space<semaphore_mem>>
    tpu.enqueue_indirect_dma source(%dma_start3A_141 : memref<80x128xf32, #tpu.memory_space<vmem>>) target(%dma_start3A_147 : memref<10240x128xf32, #tpu.memory_space<vmem_shared>>) offsets(%dma_start3A_144 : memref<80xi32, #tpu.memory_space<vmem>>) semaphore(%dma_start3A_149 : memref<!tpu.dma_semaphore, #tpu.memory_space<semaphore_mem>>) {add = true}
    %dma_wait3A_150 = arith.constant 124 : i32
    %dma_wait3A_151 = arith.constant 1 : i32
    %dma_wait3A_152 = arith.constant 1 : i32
    %dma_wait3A_153 = arith.constant 0 : i32
    %dma_wait3A_154 = arith.constant 0 : i32
    %dma_wait3A_155 = tpu.memref_slice %arg9[%dma_wait3A_151, %dma_wait3A_153, %dma_wait3A_154] : memref<3x80x128xf32, #tpu.memory_space<vmem>> -> memref<1x80x128xf32, #tpu.memory_space<vmem>>
    %dma_wait3A_156 = tpu.memref_squeeze %dma_wait3A_155 : memref<1x80x128xf32, #tpu.memory_space<vmem>> -> memref<80x128xf32, #tpu.memory_space<vmem>>
    %dma_wait3A_157 = arith.constant 0 : i32
    %dma_wait3A_158 = tpu.memref_slice %arg8[%dma_wait3A_150, %dma_wait3A_157] : memref<125x80xi32, #tpu.memory_space<vmem>> -> memref<1x80xi32, #tpu.memory_space<vmem>>
    %dma_wait3A_159 = tpu.memref_squeeze %dma_wait3A_158 : memref<1x80xi32, #tpu.memory_space<vmem>> -> memref<80xi32, #tpu.memory_space<vmem>>
    %dma_wait3A_160 = arith.constant 0 : i32
    %dma_wait3A_161 = arith.constant 0 : i32
    %dma_wait3A_162 = tpu.memref_slice %arg2[%dma_wait3A_160, %dma_wait3A_161] : memref<10240x128xf32, #tpu.memory_space<hbm>> -> memref<10240x128xf32, #tpu.memory_space<hbm>>
    %dma_wait3A_163 = tpu.memref_slice %arg11[%dma_wait3A_152] : memref<3x!tpu.dma_semaphore, #tpu.memory_space<semaphore_mem>> -> memref<1x!tpu.dma_semaphore, #tpu.memory_space<semaphore_mem>>
    %dma_wait3A_164 = tpu.memref_squeeze %dma_wait3A_163 : memref<1x!tpu.dma_semaphore, #tpu.memory_space<semaphore_mem>> -> memref<!tpu.dma_semaphore, #tpu.memory_space<semaphore_mem>>
    tpu.wait_indirect_dma semaphore(%dma_wait3A_164 : memref<!tpu.dma_semaphore, #tpu.memory_space<semaphore_mem>>) src(%dma_wait3A_162 : memref<10240x128xf32, #tpu.memory_space<hbm>>) dst(%dma_wait3A_156 : memref<80x128xf32, #tpu.memory_space<vmem>>)
    %dma_wait3A_165 = arith.constant 124 : i32
    %dma_wait3A_166 = arith.constant 1 : i32
    %dma_wait3A_167 = arith.constant 1 : i32
    %dma_wait3A_168 = arith.constant 0 : i32
    %dma_wait3A_169 = arith.constant 0 : i32
    %dma_wait3A_170 = tpu.memref_slice %arg10[%dma_wait3A_166, %dma_wait3A_168, %dma_wait3A_169] : memref<3x1x80xi32, #tpu.memory_space<vmem>> -> memref<1x1x80xi32, #tpu.memory_space<vmem>>
    %dma_wait3A_171 = tpu.memref_squeeze %dma_wait3A_170 : memref<1x1x80xi32, #tpu.memory_space<vmem>> -> memref<1x80xi32, #tpu.memory_space<vmem>>
    %dma_wait3A_172 = arith.constant 0 : i32
    %dma_wait3A_173 = arith.constant 0 : i32
    %dma_wait3A_174 = tpu.memref_slice %arg4[%add3A, %dma_wait3A_165, %dma_wait3A_172, %dma_wait3A_173] : memref<32x125x1x80xi32, #tpu.memory_space<hbm>> -> memref<1x1x1x80xi32, #tpu.memory_space<hbm>>
    %dma_wait3A_175 = tpu.memref_squeeze %dma_wait3A_174 : memref<1x1x1x80xi32, #tpu.memory_space<hbm>> -> memref<1x80xi32, #tpu.memory_space<hbm>>
    %dma_wait3A_176 = tpu.memref_slice %arg12[%dma_wait3A_167] : memref<3x!tpu.dma_semaphore, #tpu.memory_space<semaphore_mem>> -> memref<1x!tpu.dma_semaphore, #tpu.memory_space<semaphore_mem>>
    %dma_wait3A_177 = tpu.memref_squeeze %dma_wait3A_176 : memref<1x!tpu.dma_semaphore, #tpu.memory_space<semaphore_mem>> -> memref<!tpu.dma_semaphore, #tpu.memory_space<semaphore_mem>>
    %dma_wait3A_178 = arith.constant 0 : i32
    %dma_wait3A_179 = arith.constant 0 : i32
    %dma_wait3A_180 = tpu.memref_slice %arg10[%dma_wait3A_166, %dma_wait3A_178, %dma_wait3A_179] : memref<3x1x80xi32, #tpu.memory_space<vmem>> -> memref<1x1x80xi32, #tpu.memory_space<vmem>>
    %dma_wait3A_181 = tpu.memref_squeeze %dma_wait3A_180 : memref<1x1x80xi32, #tpu.memory_space<vmem>> -> memref<1x80xi32, #tpu.memory_space<vmem>>
    %dma_wait3A_182 = arith.constant 0 : i32
    %dma_wait3A_183 = arith.constant 0 : i32
    %dma_wait3A_184 = tpu.memref_slice %arg4[%add3A, %dma_wait3A_165, %dma_wait3A_182, %dma_wait3A_183] : memref<32x125x1x80xi32, #tpu.memory_space<hbm>> -> memref<1x1x1x80xi32, #tpu.memory_space<hbm>>
    %dma_wait3A_185 = tpu.memref_squeeze %dma_wait3A_184 : memref<1x1x1x80xi32, #tpu.memory_space<hbm>> -> memref<1x80xi32, #tpu.memory_space<hbm>>
    tpu.wait_dma2 semaphore(%dma_wait3A_177 : memref<!tpu.dma_semaphore, #tpu.memory_space<semaphore_mem>>) src(%dma_wait3A_185 : memref<1x80xi32, #tpu.memory_space<hbm>>) dst(%dma_wait3A_181 : memref<1x80xi32, #tpu.memory_space<vmem>>)
    %dma_wait3A_186 = arith.constant 0 : i32
    %dma_wait3A_187 = arith.constant 0 : i32
    %dma_wait3A_188 = arith.constant 0 : i32
    %dma_wait3A_189 = arith.constant 0 : i32
    %dma_wait3A_190 = arith.constant 0 : i32
    %dma_wait3A_191 = arith.constant 0 : i32
    %dma_wait3A_192 = tpu.memref_slice %arg9[%dma_wait3A_186, %dma_wait3A_190, %dma_wait3A_191] : memref<3x80x128xf32, #tpu.memory_space<vmem>> -> memref<1x80x128xf32, #tpu.memory_space<vmem>>
    %dma_wait3A_193 = tpu.memref_squeeze %dma_wait3A_192 : memref<1x80x128xf32, #tpu.memory_space<vmem>> -> memref<80x128xf32, #tpu.memory_space<vmem>>
    %dma_wait3A_194 = arith.constant 0 : i32
    %dma_wait3A_195 = tpu.memref_slice %arg10[%dma_wait3A_187, %dma_wait3A_188, %dma_wait3A_194] : memref<3x1x80xi32, #tpu.memory_space<vmem>> -> memref<1x1x80xi32, #tpu.memory_space<vmem>>
    %dma_wait3A_196 = tpu.memref_squeeze %dma_wait3A_195 : memref<1x1x80xi32, #tpu.memory_space<vmem>> -> memref<80xi32, #tpu.memory_space<vmem>>
    %dma_wait3A_197 = arith.constant 0 : i32
    %dma_wait3A_198 = arith.constant 0 : i32
    %dma_wait3A_199 = tpu.memref_slice %arg7[%dma_wait3A_197, %dma_wait3A_198] : memref<10240x128xf32, #tpu.memory_space<vmem_shared>> -> memref<10240x128xf32, #tpu.memory_space<vmem_shared>>
    %dma_wait3A_200 = tpu.memref_slice %arg13[%dma_wait3A_189] : memref<3x!tpu.dma_semaphore, #tpu.memory_space<semaphore_mem>> -> memref<1x!tpu.dma_semaphore, #tpu.memory_space<semaphore_mem>>
    %dma_wait3A_201 = tpu.memref_squeeze %dma_wait3A_200 : memref<1x!tpu.dma_semaphore, #tpu.memory_space<semaphore_mem>> -> memref<!tpu.dma_semaphore, #tpu.memory_space<semaphore_mem>>
    tpu.wait_indirect_dma semaphore(%dma_wait3A_201 : memref<!tpu.dma_semaphore, #tpu.memory_space<semaphore_mem>>) src(%dma_wait3A_193 : memref<80x128xf32, #tpu.memory_space<vmem>>) dst(%dma_wait3A_199 : memref<10240x128xf32, #tpu.memory_space<vmem_shared>>)
    %dma_start3A_202 = arith.constant 1 : i32
    %dma_start3A_203 = arith.constant 1 : i32
    %dma_start3A_204 = arith.constant 0 : i32
    %dma_start3A_205 = arith.constant 1 : i32
    %dma_start3A_206 = arith.constant 0 : i32
    %dma_start3A_207 = arith.constant 0 : i32
    %dma_start3A_208 = tpu.memref_slice %arg9[%dma_start3A_202, %dma_start3A_206, %dma_start3A_207] : memref<3x80x128xf32, #tpu.memory_space<vmem>> -> memref<1x80x128xf32, #tpu.memory_space<vmem>>
    %dma_start3A_209 = tpu.memref_squeeze %dma_start3A_208 : memref<1x80x128xf32, #tpu.memory_space<vmem>> -> memref<80x128xf32, #tpu.memory_space<vmem>>
    %dma_start3A_210 = arith.constant 0 : i32
    %dma_start3A_211 = tpu.memref_slice %arg10[%dma_start3A_203, %dma_start3A_204, %dma_start3A_210] : memref<3x1x80xi32, #tpu.memory_space<vmem>> -> memref<1x1x80xi32, #tpu.memory_space<vmem>>
    %dma_start3A_212 = tpu.memref_squeeze %dma_start3A_211 : memref<1x1x80xi32, #tpu.memory_space<vmem>> -> memref<80xi32, #tpu.memory_space<vmem>>
    %dma_start3A_213 = arith.constant 0 : i32
    %dma_start3A_214 = arith.constant 0 : i32
    %dma_start3A_215 = tpu.memref_slice %arg7[%dma_start3A_213, %dma_start3A_214] : memref<10240x128xf32, #tpu.memory_space<vmem_shared>> -> memref<10240x128xf32, #tpu.memory_space<vmem_shared>>
    %dma_start3A_216 = tpu.memref_slice %arg13[%dma_start3A_205] : memref<3x!tpu.dma_semaphore, #tpu.memory_space<semaphore_mem>> -> memref<1x!tpu.dma_semaphore, #tpu.memory_space<semaphore_mem>>
    %dma_start3A_217 = tpu.memref_squeeze %dma_start3A_216 : memref<1x!tpu.dma_semaphore, #tpu.memory_space<semaphore_mem>> -> memref<!tpu.dma_semaphore, #tpu.memory_space<semaphore_mem>>
    tpu.enqueue_indirect_dma source(%dma_start3A_209 : memref<80x128xf32, #tpu.memory_space<vmem>>) target(%dma_start3A_215 : memref<10240x128xf32, #tpu.memory_space<vmem_shared>>) offsets(%dma_start3A_212 : memref<80xi32, #tpu.memory_space<vmem>>) semaphore(%dma_start3A_217 : memref<!tpu.dma_semaphore, #tpu.memory_space<semaphore_mem>>) {add = true}
    %dma_wait3A_218 = arith.constant 1 : i32
    %dma_wait3A_219 = arith.constant 1 : i32
    %dma_wait3A_220 = arith.constant 0 : i32
    %dma_wait3A_221 = arith.constant 1 : i32
    %dma_wait3A_222 = arith.constant 0 : i32
    %dma_wait3A_223 = arith.constant 0 : i32
    %dma_wait3A_224 = tpu.memref_slice %arg9[%dma_wait3A_218, %dma_wait3A_222, %dma_wait3A_223] : memref<3x80x128xf32, #tpu.memory_space<vmem>> -> memref<1x80x128xf32, #tpu.memory_space<vmem>>
    %dma_wait3A_225 = tpu.memref_squeeze %dma_wait3A_224 : memref<1x80x128xf32, #tpu.memory_space<vmem>> -> memref<80x128xf32, #tpu.memory_space<vmem>>
    %dma_wait3A_226 = arith.constant 0 : i32
    %dma_wait3A_227 = tpu.memref_slice %arg10[%dma_wait3A_219, %dma_wait3A_220, %dma_wait3A_226] : memref<3x1x80xi32, #tpu.memory_space<vmem>> -> memref<1x1x80xi32, #tpu.memory_space<vmem>>
    %dma_wait3A_228 = tpu.memref_squeeze %dma_wait3A_227 : memref<1x1x80xi32, #tpu.memory_space<vmem>> -> memref<80xi32, #tpu.memory_space<vmem>>
    %dma_wait3A_229 = arith.constant 0 : i32
    %dma_wait3A_230 = arith.constant 0 : i32
    %dma_wait3A_231 = tpu.memref_slice %arg7[%dma_wait3A_229, %dma_wait3A_230] : memref<10240x128xf32, #tpu.memory_space<vmem_shared>> -> memref<10240x128xf32, #tpu.memory_space<vmem_shared>>
    %dma_wait3A_232 = tpu.memref_slice %arg13[%dma_wait3A_221] : memref<3x!tpu.dma_semaphore, #tpu.memory_space<semaphore_mem>> -> memref<1x!tpu.dma_semaphore, #tpu.memory_space<semaphore_mem>>
    %dma_wait3A_233 = tpu.memref_squeeze %dma_wait3A_232 : memref<1x!tpu.dma_semaphore, #tpu.memory_space<semaphore_mem>> -> memref<!tpu.dma_semaphore, #tpu.memory_space<semaphore_mem>>
    tpu.wait_indirect_dma semaphore(%dma_wait3A_233 : memref<!tpu.dma_semaphore, #tpu.memory_space<semaphore_mem>>) src(%dma_wait3A_225 : memref<80x128xf32, #tpu.memory_space<vmem>>) dst(%dma_wait3A_231 : memref<10240x128xf32, #tpu.memory_space<vmem_shared>>)
    %barrier3A_234 = arith.constant 0 : index
    tpu.barrier barrier_id(%barrier3A_234)
    %mul3A_235 = arith.constant 640 : i32
    %mul3A_236 = arith.muli %arg1, %mul3A_235 : i32
    %mul3A_237 = arith.constant 640 : i32
    %mul3A_238 = arith.muli %arg1, %mul3A_237 : i32
    "tpu.region"() ({
      %run_scoped3A = tpu.sem_alloc : memref<!tpu.dma_semaphore, #tpu.memory_space<semaphore_mem>>
      %dma_start3A_239 = arith.constant 0 : i32
      %dma_start3A_240 = tpu.memref_slice %arg6[%arg0, %mul3A_238, %dma_start3A_239] : memref<2x10240x128xf32, #tpu.memory_space<hbm>> -> memref<1x640x128xf32, #tpu.memory_space<hbm>>
      %dma_start3A_241 = tpu.memref_squeeze %dma_start3A_240 : memref<1x640x128xf32, #tpu.memory_space<hbm>> -> memref<640x128xf32, #tpu.memory_space<hbm>>
      %dma_start3A_242 = arith.constant 0 : i32
      %dma_start3A_243 = tpu.memref_slice %arg7[%mul3A_236, %dma_start3A_242] : memref<10240x128xf32, #tpu.memory_space<vmem_shared>> -> memref<640x128xf32, #tpu.memory_space<vmem_shared>>
      tpu.enqueue_dma source(%dma_start3A_243 : memref<640x128xf32, #tpu.memory_space<vmem_shared>>) target(%dma_start3A_241 : memref<640x128xf32, #tpu.memory_space<hbm>>) target_semaphore(%run_scoped3A : memref<!tpu.dma_semaphore, #tpu.memory_space<semaphore_mem>>)
      %dma_wait3A_244 = arith.constant 0 : i32
      %dma_wait3A_245 = tpu.memref_slice %arg6[%arg0, %mul3A_238, %dma_wait3A_244] : memref<2x10240x128xf32, #tpu.memory_space<hbm>> -> memref<1x640x128xf32, #tpu.memory_space<hbm>>
      %dma_wait3A_246 = tpu.memref_squeeze %dma_wait3A_245 : memref<1x640x128xf32, #tpu.memory_space<hbm>> -> memref<640x128xf32, #tpu.memory_space<hbm>>
      %dma_wait3A_247 = arith.constant 0 : i32
      %dma_wait3A_248 = tpu.memref_slice %arg7[%mul3A_236, %dma_wait3A_247] : memref<10240x128xf32, #tpu.memory_space<vmem_shared>> -> memref<640x128xf32, #tpu.memory_space<vmem_shared>>
      tpu.wait_dma2 semaphore(%run_scoped3A : memref<!tpu.dma_semaphore, #tpu.memory_space<semaphore_mem>>) src(%dma_wait3A_248 : memref<640x128xf32, #tpu.memory_space<vmem_shared>>) dst(%dma_wait3A_246 : memref<640x128xf32, #tpu.memory_space<hbm>>)
      tpu.yield
    }) : () -> ()
    return
  }
}

#map = affine_map<(d0, d1) -> (0, 0)>
#map1 = affine_map<(d0, d1) -> (0, 0, 0)>
#map2 = affine_map<(d0, d1) -> (0, 0, 0, 0)>
module attributes {stable_mosaic.version = 14 : i64} {
  func.func @_agg_body(%arg0: i32, %arg1: i32, %arg2: memref<10240x128xf32, #tpu.memory_space<hbm>>, %arg3: memref<32x125x80xi32, #tpu.memory_space<hbm>>, %arg4: memref<32x125x1x80xi32, #tpu.memory_space<hbm>>, %arg5: memref<640x128xf32, #tpu.memory_space<hbm>>, %arg6: memref<2x10240x128xf32, #tpu.memory_space<hbm>>, %arg7: memref<10240x128xf32, #tpu.memory_space<vmem_shared>>, %arg8: memref<125x80xi32, #tpu.memory_space<vmem>>, %arg9: memref<3x80x128xf32, #tpu.memory_space<vmem>>, %arg10: memref<3x1x80xi32, #tpu.memory_space<vmem>>, %arg11: memref<3x!tpu.dma_semaphore, #tpu.memory_space<semaphore_mem>>, %arg12: memref<3x!tpu.dma_semaphore, #tpu.memory_space<semaphore_mem>>, %arg13: memref<3x!tpu.dma_semaphore, #tpu.memory_space<semaphore_mem>>, %arg14: memref<!tpu.dma_semaphore, #tpu.memory_space<semaphore_mem>>) attributes {dimension_semantics = [#tpu.dimension_semantics<core_parallel>, #tpu.dimension_semantics<subcore_parallel>], iteration_bounds = array<i64: 2, 16>, scalar_prefetch = 0 : i64, scratch_operands = 8 : i64, tpu.core_type = #tpu.core_type<sc_vector_subcore>, window_params = [{transform_indices = #map}, {transform_indices = #map1}, {transform_indices = #map2}, {transform_indices = #map}, {transform_indices = #map1}]} {
    %mul3A = arith.constant 16 : i32
    %mul3A_0 = arith.muli %arg0, %mul3A : i32
    %add3A = arith.addi %mul3A_0, %arg1 : i32
    %mul3A_1 = arith.constant 640 : i32
    %mul3A_2 = arith.muli %arg1, %mul3A_1 : i32
    %dma_start3A = arith.constant 0 : i32
    %dma_start3A_3 = tpu.memref_slice %arg7[%mul3A_2, %dma_start3A] : memref<10240x128xf32, #tpu.memory_space<vmem_shared>> -> memref<640x128xf32, #tpu.memory_space<vmem_shared>>
    tpu.enqueue_dma source(%arg5 : memref<640x128xf32, #tpu.memory_space<hbm>>) target(%dma_start3A_3 : memref<640x128xf32, #tpu.memory_space<vmem_shared>>) target_semaphore(%arg14 : memref<!tpu.dma_semaphore, #tpu.memory_space<semaphore_mem>>)
    "tpu.region"() ({
      %run_scoped3A = tpu.sem_alloc : memref<!tpu.dma_semaphore, #tpu.memory_space<semaphore_mem>>
      %dma_start3A_239 = arith.constant 0 : i32
      %dma_start3A_240 = arith.constant 0 : i32
      %dma_start3A_241 = tpu.memref_slice %arg3[%add3A, %dma_start3A_239, %dma_start3A_240] : memref<32x125x80xi32, #tpu.memory_space<hbm>> -> memref<1x125x80xi32, #tpu.memory_space<hbm>>
      %dma_start3A_242 = tpu.memref_squeeze %dma_start3A_241 : memref<1x125x80xi32, #tpu.memory_space<hbm>> -> memref<125x80xi32, #tpu.memory_space<hbm>>
      %dma_start3A_243 = arith.constant 0 : i32
      %dma_start3A_244 = arith.constant 0 : i32
      %dma_start3A_245 = tpu.memref_slice %arg3[%add3A, %dma_start3A_243, %dma_start3A_244] : memref<32x125x80xi32, #tpu.memory_space<hbm>> -> memref<1x125x80xi32, #tpu.memory_space<hbm>>
      %dma_start3A_246 = tpu.memref_squeeze %dma_start3A_245 : memref<1x125x80xi32, #tpu.memory_space<hbm>> -> memref<125x80xi32, #tpu.memory_space<hbm>>
      tpu.enqueue_dma source(%dma_start3A_246 : memref<125x80xi32, #tpu.memory_space<hbm>>) target(%arg8 : memref<125x80xi32, #tpu.memory_space<vmem>>) target_semaphore(%run_scoped3A : memref<!tpu.dma_semaphore, #tpu.memory_space<semaphore_mem>>)
      %dma_wait3A_247 = arith.constant 0 : i32
      %dma_wait3A_248 = arith.constant 0 : i32
      %dma_wait3A_249 = tpu.memref_slice %arg3[%add3A, %dma_wait3A_247, %dma_wait3A_248] : memref<32x125x80xi32, #tpu.memory_space<hbm>> -> memref<1x125x80xi32, #tpu.memory_space<hbm>>
      %dma_wait3A_250 = tpu.memref_squeeze %dma_wait3A_249 : memref<1x125x80xi32, #tpu.memory_space<hbm>> -> memref<125x80xi32, #tpu.memory_space<hbm>>
      %dma_wait3A_251 = arith.constant 0 : i32
      %dma_wait3A_252 = arith.constant 0 : i32
      %dma_wait3A_253 = tpu.memref_slice %arg3[%add3A, %dma_wait3A_251, %dma_wait3A_252] : memref<32x125x80xi32, #tpu.memory_space<hbm>> -> memref<1x125x80xi32, #tpu.memory_space<hbm>>
      %dma_wait3A_254 = tpu.memref_squeeze %dma_wait3A_253 : memref<1x125x80xi32, #tpu.memory_space<hbm>> -> memref<125x80xi32, #tpu.memory_space<hbm>>
      tpu.wait_dma2 semaphore(%run_scoped3A : memref<!tpu.dma_semaphore, #tpu.memory_space<semaphore_mem>>) src(%dma_wait3A_254 : memref<125x80xi32, #tpu.memory_space<hbm>>) dst(%arg8 : memref<125x80xi32, #tpu.memory_space<vmem>>)
      tpu.yield
    }) : () -> ()
    %dma_start3A_4 = arith.constant 0 : i32
    %dma_start3A_5 = arith.constant 0 : i32
    %dma_start3A_6 = arith.constant 0 : i32
    %dma_start3A_7 = arith.constant 0 : i32
    %dma_start3A_8 = arith.constant 0 : i32
    %dma_start3A_9 = tpu.memref_slice %arg9[%dma_start3A_5, %dma_start3A_7, %dma_start3A_8] : memref<3x80x128xf32, #tpu.memory_space<vmem>> -> memref<1x80x128xf32, #tpu.memory_space<vmem>>
    %dma_start3A_10 = tpu.memref_squeeze %dma_start3A_9 : memref<1x80x128xf32, #tpu.memory_space<vmem>> -> memref<80x128xf32, #tpu.memory_space<vmem>>
    %dma_start3A_11 = arith.constant 0 : i32
    %dma_start3A_12 = tpu.memref_slice %arg8[%dma_start3A_4, %dma_start3A_11] : memref<125x80xi32, #tpu.memory_space<vmem>> -> memref<1x80xi32, #tpu.memory_space<vmem>>
    %dma_start3A_13 = tpu.memref_squeeze %dma_start3A_12 : memref<1x80xi32, #tpu.memory_space<vmem>> -> memref<80xi32, #tpu.memory_space<vmem>>
    %dma_start3A_14 = arith.constant 0 : i32
    %dma_start3A_15 = arith.constant 0 : i32
    %dma_start3A_16 = tpu.memref_slice %arg2[%dma_start3A_14, %dma_start3A_15] : memref<10240x128xf32, #tpu.memory_space<hbm>> -> memref<10240x128xf32, #tpu.memory_space<hbm>>
    %dma_start3A_17 = tpu.memref_slice %arg11[%dma_start3A_6] : memref<3x!tpu.dma_semaphore, #tpu.memory_space<semaphore_mem>> -> memref<1x!tpu.dma_semaphore, #tpu.memory_space<semaphore_mem>>
    %dma_start3A_18 = tpu.memref_squeeze %dma_start3A_17 : memref<1x!tpu.dma_semaphore, #tpu.memory_space<semaphore_mem>> -> memref<!tpu.dma_semaphore, #tpu.memory_space<semaphore_mem>>
    tpu.enqueue_indirect_dma source(%dma_start3A_16 : memref<10240x128xf32, #tpu.memory_space<hbm>>) target(%dma_start3A_10 : memref<80x128xf32, #tpu.memory_space<vmem>>) offsets(%dma_start3A_13 : memref<80xi32, #tpu.memory_space<vmem>>) semaphore(%dma_start3A_18 : memref<!tpu.dma_semaphore, #tpu.memory_space<semaphore_mem>>)
    %dma_start3A_19 = arith.constant 0 : i32
    %dma_start3A_20 = arith.constant 0 : i32
    %dma_start3A_21 = arith.constant 0 : i32
    %dma_start3A_22 = arith.constant 0 : i32
    %dma_start3A_23 = arith.constant 0 : i32
    %dma_start3A_24 = tpu.memref_slice %arg10[%dma_start3A_20, %dma_start3A_22, %dma_start3A_23] : memref<3x1x80xi32, #tpu.memory_space<vmem>> -> memref<1x1x80xi32, #tpu.memory_space<vmem>>
    %dma_start3A_25 = tpu.memref_squeeze %dma_start3A_24 : memref<1x1x80xi32, #tpu.memory_space<vmem>> -> memref<1x80xi32, #tpu.memory_space<vmem>>
    %dma_start3A_26 = arith.constant 0 : i32
    %dma_start3A_27 = arith.constant 0 : i32
    %dma_start3A_28 = tpu.memref_slice %arg4[%add3A, %dma_start3A_19, %dma_start3A_26, %dma_start3A_27] : memref<32x125x1x80xi32, #tpu.memory_space<hbm>> -> memref<1x1x1x80xi32, #tpu.memory_space<hbm>>
    %dma_start3A_29 = tpu.memref_squeeze %dma_start3A_28 : memref<1x1x1x80xi32, #tpu.memory_space<hbm>> -> memref<1x80xi32, #tpu.memory_space<hbm>>
    %dma_start3A_30 = tpu.memref_slice %arg12[%dma_start3A_21] : memref<3x!tpu.dma_semaphore, #tpu.memory_space<semaphore_mem>> -> memref<1x!tpu.dma_semaphore, #tpu.memory_space<semaphore_mem>>
    %dma_start3A_31 = tpu.memref_squeeze %dma_start3A_30 : memref<1x!tpu.dma_semaphore, #tpu.memory_space<semaphore_mem>> -> memref<!tpu.dma_semaphore, #tpu.memory_space<semaphore_mem>>
    %dma_start3A_32 = arith.constant 0 : i32
    %dma_start3A_33 = arith.constant 0 : i32
    %dma_start3A_34 = tpu.memref_slice %arg10[%dma_start3A_20, %dma_start3A_32, %dma_start3A_33] : memref<3x1x80xi32, #tpu.memory_space<vmem>> -> memref<1x1x80xi32, #tpu.memory_space<vmem>>
    %dma_start3A_35 = tpu.memref_squeeze %dma_start3A_34 : memref<1x1x80xi32, #tpu.memory_space<vmem>> -> memref<1x80xi32, #tpu.memory_space<vmem>>
    %dma_start3A_36 = arith.constant 0 : i32
    %dma_start3A_37 = arith.constant 0 : i32
    %dma_start3A_38 = tpu.memref_slice %arg4[%add3A, %dma_start3A_19, %dma_start3A_36, %dma_start3A_37] : memref<32x125x1x80xi32, #tpu.memory_space<hbm>> -> memref<1x1x1x80xi32, #tpu.memory_space<hbm>>
    %dma_start3A_39 = tpu.memref_squeeze %dma_start3A_38 : memref<1x1x1x80xi32, #tpu.memory_space<hbm>> -> memref<1x80xi32, #tpu.memory_space<hbm>>
    tpu.enqueue_dma source(%dma_start3A_39 : memref<1x80xi32, #tpu.memory_space<hbm>>) target(%dma_start3A_35 : memref<1x80xi32, #tpu.memory_space<vmem>>) target_semaphore(%dma_start3A_31 : memref<!tpu.dma_semaphore, #tpu.memory_space<semaphore_mem>>)
    %dma_start3A_40 = arith.constant 1 : i32
    %dma_start3A_41 = arith.constant 1 : i32
    %dma_start3A_42 = arith.constant 1 : i32
    %dma_start3A_43 = arith.constant 0 : i32
    %dma_start3A_44 = arith.constant 0 : i32
    %dma_start3A_45 = tpu.memref_slice %arg9[%dma_start3A_41, %dma_start3A_43, %dma_start3A_44] : memref<3x80x128xf32, #tpu.memory_space<vmem>> -> memref<1x80x128xf32, #tpu.memory_space<vmem>>
    %dma_start3A_46 = tpu.memref_squeeze %dma_start3A_45 : memref<1x80x128xf32, #tpu.memory_space<vmem>> -> memref<80x128xf32, #tpu.memory_space<vmem>>
    %dma_start3A_47 = arith.constant 0 : i32
    %dma_start3A_48 = tpu.memref_slice %arg8[%dma_start3A_40, %dma_start3A_47] : memref<125x80xi32, #tpu.memory_space<vmem>> -> memref<1x80xi32, #tpu.memory_space<vmem>>
    %dma_start3A_49 = tpu.memref_squeeze %dma_start3A_48 : memref<1x80xi32, #tpu.memory_space<vmem>> -> memref<80xi32, #tpu.memory_space<vmem>>
    %dma_start3A_50 = arith.constant 0 : i32
    %dma_start3A_51 = arith.constant 0 : i32
    %dma_start3A_52 = tpu.memref_slice %arg2[%dma_start3A_50, %dma_start3A_51] : memref<10240x128xf32, #tpu.memory_space<hbm>> -> memref<10240x128xf32, #tpu.memory_space<hbm>>
    %dma_start3A_53 = tpu.memref_slice %arg11[%dma_start3A_42] : memref<3x!tpu.dma_semaphore, #tpu.memory_space<semaphore_mem>> -> memref<1x!tpu.dma_semaphore, #tpu.memory_space<semaphore_mem>>
    %dma_start3A_54 = tpu.memref_squeeze %dma_start3A_53 : memref<1x!tpu.dma_semaphore, #tpu.memory_space<semaphore_mem>> -> memref<!tpu.dma_semaphore, #tpu.memory_space<semaphore_mem>>
    tpu.enqueue_indirect_dma source(%dma_start3A_52 : memref<10240x128xf32, #tpu.memory_space<hbm>>) target(%dma_start3A_46 : memref<80x128xf32, #tpu.memory_space<vmem>>) offsets(%dma_start3A_49 : memref<80xi32, #tpu.memory_space<vmem>>) semaphore(%dma_start3A_54 : memref<!tpu.dma_semaphore, #tpu.memory_space<semaphore_mem>>)
    %dma_start3A_55 = arith.constant 1 : i32
    %dma_start3A_56 = arith.constant 1 : i32
    %dma_start3A_57 = arith.constant 1 : i32
    %dma_start3A_58 = arith.constant 0 : i32
    %dma_start3A_59 = arith.constant 0 : i32
    %dma_start3A_60 = tpu.memref_slice %arg10[%dma_start3A_56, %dma_start3A_58, %dma_start3A_59] : memref<3x1x80xi32, #tpu.memory_space<vmem>> -> memref<1x1x80xi32, #tpu.memory_space<vmem>>
    %dma_start3A_61 = tpu.memref_squeeze %dma_start3A_60 : memref<1x1x80xi32, #tpu.memory_space<vmem>> -> memref<1x80xi32, #tpu.memory_space<vmem>>
    %dma_start3A_62 = arith.constant 0 : i32
    %dma_start3A_63 = arith.constant 0 : i32
    %dma_start3A_64 = tpu.memref_slice %arg4[%add3A, %dma_start3A_55, %dma_start3A_62, %dma_start3A_63] : memref<32x125x1x80xi32, #tpu.memory_space<hbm>> -> memref<1x1x1x80xi32, #tpu.memory_space<hbm>>
    %dma_start3A_65 = tpu.memref_squeeze %dma_start3A_64 : memref<1x1x1x80xi32, #tpu.memory_space<hbm>> -> memref<1x80xi32, #tpu.memory_space<hbm>>
    %dma_start3A_66 = tpu.memref_slice %arg12[%dma_start3A_57] : memref<3x!tpu.dma_semaphore, #tpu.memory_space<semaphore_mem>> -> memref<1x!tpu.dma_semaphore, #tpu.memory_space<semaphore_mem>>
    %dma_start3A_67 = tpu.memref_squeeze %dma_start3A_66 : memref<1x!tpu.dma_semaphore, #tpu.memory_space<semaphore_mem>> -> memref<!tpu.dma_semaphore, #tpu.memory_space<semaphore_mem>>
    %dma_start3A_68 = arith.constant 0 : i32
    %dma_start3A_69 = arith.constant 0 : i32
    %dma_start3A_70 = tpu.memref_slice %arg10[%dma_start3A_56, %dma_start3A_68, %dma_start3A_69] : memref<3x1x80xi32, #tpu.memory_space<vmem>> -> memref<1x1x80xi32, #tpu.memory_space<vmem>>
    %dma_start3A_71 = tpu.memref_squeeze %dma_start3A_70 : memref<1x1x80xi32, #tpu.memory_space<vmem>> -> memref<1x80xi32, #tpu.memory_space<vmem>>
    %dma_start3A_72 = arith.constant 0 : i32
    %dma_start3A_73 = arith.constant 0 : i32
    %dma_start3A_74 = tpu.memref_slice %arg4[%add3A, %dma_start3A_55, %dma_start3A_72, %dma_start3A_73] : memref<32x125x1x80xi32, #tpu.memory_space<hbm>> -> memref<1x1x1x80xi32, #tpu.memory_space<hbm>>
    %dma_start3A_75 = tpu.memref_squeeze %dma_start3A_74 : memref<1x1x1x80xi32, #tpu.memory_space<hbm>> -> memref<1x80xi32, #tpu.memory_space<hbm>>
    tpu.enqueue_dma source(%dma_start3A_75 : memref<1x80xi32, #tpu.memory_space<hbm>>) target(%dma_start3A_71 : memref<1x80xi32, #tpu.memory_space<vmem>>) target_semaphore(%dma_start3A_67 : memref<!tpu.dma_semaphore, #tpu.memory_space<semaphore_mem>>)
    %dma_wait3A = arith.constant 0 : i32
    %dma_wait3A_76 = tpu.memref_slice %arg7[%mul3A_2, %dma_wait3A] : memref<10240x128xf32, #tpu.memory_space<vmem_shared>> -> memref<640x128xf32, #tpu.memory_space<vmem_shared>>
    tpu.wait_dma2 semaphore(%arg14 : memref<!tpu.dma_semaphore, #tpu.memory_space<semaphore_mem>>) src(%arg5 : memref<640x128xf32, #tpu.memory_space<hbm>>) dst(%dma_wait3A_76 : memref<640x128xf32, #tpu.memory_space<vmem_shared>>)
    %barrier3A = arith.constant 0 : index
    tpu.barrier barrier_id(%barrier3A)
    %scan3A = arith.constant 0 : i32
    %scan3A_77 = arith.constant 0 : i32
    %scan3A_78 = arith.constant 41 : i32
    %scan3A_79 = arith.addi %scan3A_77, %scan3A_78 : i32
    %scan3A_80 = arith.constant 1 : i32
    scf.for %scan3A_239 = %scan3A_77 to %scan3A_79 step %scan3A_80  : i32 {
      %mul3A_240 = arith.constant 3 : i32
      %mul3A_241 = arith.muli %scan3A_239, %mul3A_240 : i32
      %add3A_242 = arith.constant 0 : i32
      %add3A_243 = arith.addi %mul3A_241, %add3A_242 : i32
      %dma_wait3A_244 = arith.constant 0 : i32
      %dma_wait3A_245 = arith.constant 0 : i32
      %dma_wait3A_246 = arith.constant 0 : i32
      %dma_wait3A_247 = arith.constant 0 : i32
      %dma_wait3A_248 = tpu.memref_slice %arg9[%dma_wait3A_244, %dma_wait3A_246, %dma_wait3A_247] : memref<3x80x128xf32, #tpu.memory_space<vmem>> -> memref<1x80x128xf32, #tpu.memory_space<vmem>>
      %dma_wait3A_249 = tpu.memref_squeeze %dma_wait3A_248 : memref<1x80x128xf32, #tpu.memory_space<vmem>> -> memref<80x128xf32, #tpu.memory_space<vmem>>
      %dma_wait3A_250 = arith.constant 0 : i32
      %dma_wait3A_251 = tpu.memref_slice %arg8[%add3A_243, %dma_wait3A_250] : memref<125x80xi32, #tpu.memory_space<vmem>> -> memref<1x80xi32, #tpu.memory_space<vmem>>
      %dma_wait3A_252 = tpu.memref_squeeze %dma_wait3A_251 : memref<1x80xi32, #tpu.memory_space<vmem>> -> memref<80xi32, #tpu.memory_space<vmem>>
      %dma_wait3A_253 = arith.constant 0 : i32
      %dma_wait3A_254 = arith.constant 0 : i32
      %dma_wait3A_255 = tpu.memref_slice %arg2[%dma_wait3A_253, %dma_wait3A_254] : memref<10240x128xf32, #tpu.memory_space<hbm>> -> memref<10240x128xf32, #tpu.memory_space<hbm>>
      %dma_wait3A_256 = tpu.memref_slice %arg11[%dma_wait3A_245] : memref<3x!tpu.dma_semaphore, #tpu.memory_space<semaphore_mem>> -> memref<1x!tpu.dma_semaphore, #tpu.memory_space<semaphore_mem>>
      %dma_wait3A_257 = tpu.memref_squeeze %dma_wait3A_256 : memref<1x!tpu.dma_semaphore, #tpu.memory_space<semaphore_mem>> -> memref<!tpu.dma_semaphore, #tpu.memory_space<semaphore_mem>>
      tpu.wait_indirect_dma semaphore(%dma_wait3A_257 : memref<!tpu.dma_semaphore, #tpu.memory_space<semaphore_mem>>) src(%dma_wait3A_255 : memref<10240x128xf32, #tpu.memory_space<hbm>>) dst(%dma_wait3A_249 : memref<80x128xf32, #tpu.memory_space<vmem>>)
      %dma_wait3A_258 = arith.constant 0 : i32
      %dma_wait3A_259 = arith.constant 0 : i32
      %dma_wait3A_260 = arith.constant 0 : i32
      %dma_wait3A_261 = arith.constant 0 : i32
      %dma_wait3A_262 = tpu.memref_slice %arg10[%dma_wait3A_258, %dma_wait3A_260, %dma_wait3A_261] : memref<3x1x80xi32, #tpu.memory_space<vmem>> -> memref<1x1x80xi32, #tpu.memory_space<vmem>>
      %dma_wait3A_263 = tpu.memref_squeeze %dma_wait3A_262 : memref<1x1x80xi32, #tpu.memory_space<vmem>> -> memref<1x80xi32, #tpu.memory_space<vmem>>
      %dma_wait3A_264 = arith.constant 0 : i32
      %dma_wait3A_265 = arith.constant 0 : i32
      %dma_wait3A_266 = tpu.memref_slice %arg4[%add3A, %add3A_243, %dma_wait3A_264, %dma_wait3A_265] : memref<32x125x1x80xi32, #tpu.memory_space<hbm>> -> memref<1x1x1x80xi32, #tpu.memory_space<hbm>>
      %dma_wait3A_267 = tpu.memref_squeeze %dma_wait3A_266 : memref<1x1x1x80xi32, #tpu.memory_space<hbm>> -> memref<1x80xi32, #tpu.memory_space<hbm>>
      %dma_wait3A_268 = tpu.memref_slice %arg12[%dma_wait3A_259] : memref<3x!tpu.dma_semaphore, #tpu.memory_space<semaphore_mem>> -> memref<1x!tpu.dma_semaphore, #tpu.memory_space<semaphore_mem>>
      %dma_wait3A_269 = tpu.memref_squeeze %dma_wait3A_268 : memref<1x!tpu.dma_semaphore, #tpu.memory_space<semaphore_mem>> -> memref<!tpu.dma_semaphore, #tpu.memory_space<semaphore_mem>>
      %dma_wait3A_270 = arith.constant 0 : i32
      %dma_wait3A_271 = arith.constant 0 : i32
      %dma_wait3A_272 = tpu.memref_slice %arg10[%dma_wait3A_258, %dma_wait3A_270, %dma_wait3A_271] : memref<3x1x80xi32, #tpu.memory_space<vmem>> -> memref<1x1x80xi32, #tpu.memory_space<vmem>>
      %dma_wait3A_273 = tpu.memref_squeeze %dma_wait3A_272 : memref<1x1x80xi32, #tpu.memory_space<vmem>> -> memref<1x80xi32, #tpu.memory_space<vmem>>
      %dma_wait3A_274 = arith.constant 0 : i32
      %dma_wait3A_275 = arith.constant 0 : i32
      %dma_wait3A_276 = tpu.memref_slice %arg4[%add3A, %add3A_243, %dma_wait3A_274, %dma_wait3A_275] : memref<32x125x1x80xi32, #tpu.memory_space<hbm>> -> memref<1x1x1x80xi32, #tpu.memory_space<hbm>>
      %dma_wait3A_277 = tpu.memref_squeeze %dma_wait3A_276 : memref<1x1x1x80xi32, #tpu.memory_space<hbm>> -> memref<1x80xi32, #tpu.memory_space<hbm>>
      tpu.wait_dma2 semaphore(%dma_wait3A_269 : memref<!tpu.dma_semaphore, #tpu.memory_space<semaphore_mem>>) src(%dma_wait3A_277 : memref<1x80xi32, #tpu.memory_space<hbm>>) dst(%dma_wait3A_273 : memref<1x80xi32, #tpu.memory_space<vmem>>)
      %dma_start3A_278 = arith.constant 0 : i32
      %dma_start3A_279 = arith.constant 0 : i32
      %dma_start3A_280 = arith.constant 0 : i32
      %dma_start3A_281 = arith.constant 0 : i32
      %dma_start3A_282 = arith.constant 0 : i32
      %dma_start3A_283 = arith.constant 0 : i32
      %dma_start3A_284 = tpu.memref_slice %arg9[%dma_start3A_278, %dma_start3A_282, %dma_start3A_283] : memref<3x80x128xf32, #tpu.memory_space<vmem>> -> memref<1x80x128xf32, #tpu.memory_space<vmem>>
      %dma_start3A_285 = tpu.memref_squeeze %dma_start3A_284 : memref<1x80x128xf32, #tpu.memory_space<vmem>> -> memref<80x128xf32, #tpu.memory_space<vmem>>
      %dma_start3A_286 = arith.constant 0 : i32
      %dma_start3A_287 = tpu.memref_slice %arg10[%dma_start3A_279, %dma_start3A_280, %dma_start3A_286] : memref<3x1x80xi32, #tpu.memory_space<vmem>> -> memref<1x1x80xi32, #tpu.memory_space<vmem>>
      %dma_start3A_288 = tpu.memref_squeeze %dma_start3A_287 : memref<1x1x80xi32, #tpu.memory_space<vmem>> -> memref<80xi32, #tpu.memory_space<vmem>>
      %dma_start3A_289 = arith.constant 0 : i32
      %dma_start3A_290 = arith.constant 0 : i32
      %dma_start3A_291 = tpu.memref_slice %arg7[%dma_start3A_289, %dma_start3A_290] : memref<10240x128xf32, #tpu.memory_space<vmem_shared>> -> memref<10240x128xf32, #tpu.memory_space<vmem_shared>>
      %dma_start3A_292 = tpu.memref_slice %arg13[%dma_start3A_281] : memref<3x!tpu.dma_semaphore, #tpu.memory_space<semaphore_mem>> -> memref<1x!tpu.dma_semaphore, #tpu.memory_space<semaphore_mem>>
      %dma_start3A_293 = tpu.memref_squeeze %dma_start3A_292 : memref<1x!tpu.dma_semaphore, #tpu.memory_space<semaphore_mem>> -> memref<!tpu.dma_semaphore, #tpu.memory_space<semaphore_mem>>
      tpu.enqueue_indirect_dma source(%dma_start3A_285 : memref<80x128xf32, #tpu.memory_space<vmem>>) target(%dma_start3A_291 : memref<10240x128xf32, #tpu.memory_space<vmem_shared>>) offsets(%dma_start3A_288 : memref<80xi32, #tpu.memory_space<vmem>>) semaphore(%dma_start3A_293 : memref<!tpu.dma_semaphore, #tpu.memory_space<semaphore_mem>>) {add = true}
      %ge3A = arith.constant 1 : i32
      %ge3A_294 = arith.cmpi sge, %add3A_243, %ge3A : i32
      %convert_element_type3A = arith.extui %ge3A_294 : i1 to i32
      %cond3A = arith.constant 0 : i32
      %cond3A_295 = arith.cmpi ne, %convert_element_type3A, %cond3A : i32
      scf.if %cond3A_295 {
        %dma_wait3A_522 = arith.constant 2 : i32
        %dma_wait3A_523 = arith.constant 2 : i32
        %dma_wait3A_524 = arith.constant 0 : i32
        %dma_wait3A_525 = arith.constant 2 : i32
        %dma_wait3A_526 = arith.constant 0 : i32
        %dma_wait3A_527 = arith.constant 0 : i32
        %dma_wait3A_528 = tpu.memref_slice %arg9[%dma_wait3A_522, %dma_wait3A_526, %dma_wait3A_527] : memref<3x80x128xf32, #tpu.memory_space<vmem>> -> memref<1x80x128xf32, #tpu.memory_space<vmem>>
        %dma_wait3A_529 = tpu.memref_squeeze %dma_wait3A_528 : memref<1x80x128xf32, #tpu.memory_space<vmem>> -> memref<80x128xf32, #tpu.memory_space<vmem>>
        %dma_wait3A_530 = arith.constant 0 : i32
        %dma_wait3A_531 = tpu.memref_slice %arg10[%dma_wait3A_523, %dma_wait3A_524, %dma_wait3A_530] : memref<3x1x80xi32, #tpu.memory_space<vmem>> -> memref<1x1x80xi32, #tpu.memory_space<vmem>>
        %dma_wait3A_532 = tpu.memref_squeeze %dma_wait3A_531 : memref<1x1x80xi32, #tpu.memory_space<vmem>> -> memref<80xi32, #tpu.memory_space<vmem>>
        %dma_wait3A_533 = arith.constant 0 : i32
        %dma_wait3A_534 = arith.constant 0 : i32
        %dma_wait3A_535 = tpu.memref_slice %arg7[%dma_wait3A_533, %dma_wait3A_534] : memref<10240x128xf32, #tpu.memory_space<vmem_shared>> -> memref<10240x128xf32, #tpu.memory_space<vmem_shared>>
        %dma_wait3A_536 = tpu.memref_slice %arg13[%dma_wait3A_525] : memref<3x!tpu.dma_semaphore, #tpu.memory_space<semaphore_mem>> -> memref<1x!tpu.dma_semaphore, #tpu.memory_space<semaphore_mem>>
        %dma_wait3A_537 = tpu.memref_squeeze %dma_wait3A_536 : memref<1x!tpu.dma_semaphore, #tpu.memory_space<semaphore_mem>> -> memref<!tpu.dma_semaphore, #tpu.memory_space<semaphore_mem>>
        tpu.wait_indirect_dma semaphore(%dma_wait3A_537 : memref<!tpu.dma_semaphore, #tpu.memory_space<semaphore_mem>>) src(%dma_wait3A_529 : memref<80x128xf32, #tpu.memory_space<vmem>>) dst(%dma_wait3A_535 : memref<10240x128xf32, #tpu.memory_space<vmem_shared>>)
      } else {
      }
      %add3A_296 = arith.constant 2 : i32
      %add3A_297 = arith.addi %add3A_243, %add3A_296 : i32
      %dma_start3A_298 = arith.constant 2 : i32
      %dma_start3A_299 = arith.constant 2 : i32
      %dma_start3A_300 = arith.constant 0 : i32
      %dma_start3A_301 = arith.constant 0 : i32
      %dma_start3A_302 = tpu.memref_slice %arg9[%dma_start3A_298, %dma_start3A_300, %dma_start3A_301] : memref<3x80x128xf32, #tpu.memory_space<vmem>> -> memref<1x80x128xf32, #tpu.memory_space<vmem>>
      %dma_start3A_303 = tpu.memref_squeeze %dma_start3A_302 : memref<1x80x128xf32, #tpu.memory_space<vmem>> -> memref<80x128xf32, #tpu.memory_space<vmem>>
      %dma_start3A_304 = arith.constant 0 : i32
      %dma_start3A_305 = tpu.memref_slice %arg8[%add3A_297, %dma_start3A_304] : memref<125x80xi32, #tpu.memory_space<vmem>> -> memref<1x80xi32, #tpu.memory_space<vmem>>
      %dma_start3A_306 = tpu.memref_squeeze %dma_start3A_305 : memref<1x80xi32, #tpu.memory_space<vmem>> -> memref<80xi32, #tpu.memory_space<vmem>>
      %dma_start3A_307 = arith.constant 0 : i32
      %dma_start3A_308 = arith.constant 0 : i32
      %dma_start3A_309 = tpu.memref_slice %arg2[%dma_start3A_307, %dma_start3A_308] : memref<10240x128xf32, #tpu.memory_space<hbm>> -> memref<10240x128xf32, #tpu.memory_space<hbm>>
      %dma_start3A_310 = tpu.memref_slice %arg11[%dma_start3A_299] : memref<3x!tpu.dma_semaphore, #tpu.memory_space<semaphore_mem>> -> memref<1x!tpu.dma_semaphore, #tpu.memory_space<semaphore_mem>>
      %dma_start3A_311 = tpu.memref_squeeze %dma_start3A_310 : memref<1x!tpu.dma_semaphore, #tpu.memory_space<semaphore_mem>> -> memref<!tpu.dma_semaphore, #tpu.memory_space<semaphore_mem>>
      tpu.enqueue_indirect_dma source(%dma_start3A_309 : memref<10240x128xf32, #tpu.memory_space<hbm>>) target(%dma_start3A_303 : memref<80x128xf32, #tpu.memory_space<vmem>>) offsets(%dma_start3A_306 : memref<80xi32, #tpu.memory_space<vmem>>) semaphore(%dma_start3A_311 : memref<!tpu.dma_semaphore, #tpu.memory_space<semaphore_mem>>)
      %dma_start3A_312 = arith.constant 2 : i32
      %dma_start3A_313 = arith.constant 2 : i32
      %dma_start3A_314 = arith.constant 0 : i32
      %dma_start3A_315 = arith.constant 0 : i32
      %dma_start3A_316 = tpu.memref_slice %arg10[%dma_start3A_312, %dma_start3A_314, %dma_start3A_315] : memref<3x1x80xi32, #tpu.memory_space<vmem>> -> memref<1x1x80xi32, #tpu.memory_space<vmem>>
      %dma_start3A_317 = tpu.memref_squeeze %dma_start3A_316 : memref<1x1x80xi32, #tpu.memory_space<vmem>> -> memref<1x80xi32, #tpu.memory_space<vmem>>
      %dma_start3A_318 = arith.constant 0 : i32
      %dma_start3A_319 = arith.constant 0 : i32
      %dma_start3A_320 = tpu.memref_slice %arg4[%add3A, %add3A_297, %dma_start3A_318, %dma_start3A_319] : memref<32x125x1x80xi32, #tpu.memory_space<hbm>> -> memref<1x1x1x80xi32, #tpu.memory_space<hbm>>
      %dma_start3A_321 = tpu.memref_squeeze %dma_start3A_320 : memref<1x1x1x80xi32, #tpu.memory_space<hbm>> -> memref<1x80xi32, #tpu.memory_space<hbm>>
      %dma_start3A_322 = tpu.memref_slice %arg12[%dma_start3A_313] : memref<3x!tpu.dma_semaphore, #tpu.memory_space<semaphore_mem>> -> memref<1x!tpu.dma_semaphore, #tpu.memory_space<semaphore_mem>>
      %dma_start3A_323 = tpu.memref_squeeze %dma_start3A_322 : memref<1x!tpu.dma_semaphore, #tpu.memory_space<semaphore_mem>> -> memref<!tpu.dma_semaphore, #tpu.memory_space<semaphore_mem>>
      %dma_start3A_324 = arith.constant 0 : i32
      %dma_start3A_325 = arith.constant 0 : i32
      %dma_start3A_326 = tpu.memref_slice %arg10[%dma_start3A_312, %dma_start3A_324, %dma_start3A_325] : memref<3x1x80xi32, #tpu.memory_space<vmem>> -> memref<1x1x80xi32, #tpu.memory_space<vmem>>
      %dma_start3A_327 = tpu.memref_squeeze %dma_start3A_326 : memref<1x1x80xi32, #tpu.memory_space<vmem>> -> memref<1x80xi32, #tpu.memory_space<vmem>>
      %dma_start3A_328 = arith.constant 0 : i32
      %dma_start3A_329 = arith.constant 0 : i32
      %dma_start3A_330 = tpu.memref_slice %arg4[%add3A, %add3A_297, %dma_start3A_328, %dma_start3A_329] : memref<32x125x1x80xi32, #tpu.memory_space<hbm>> -> memref<1x1x1x80xi32, #tpu.memory_space<hbm>>
      %dma_start3A_331 = tpu.memref_squeeze %dma_start3A_330 : memref<1x1x1x80xi32, #tpu.memory_space<hbm>> -> memref<1x80xi32, #tpu.memory_space<hbm>>
      tpu.enqueue_dma source(%dma_start3A_331 : memref<1x80xi32, #tpu.memory_space<hbm>>) target(%dma_start3A_327 : memref<1x80xi32, #tpu.memory_space<vmem>>) target_semaphore(%dma_start3A_323 : memref<!tpu.dma_semaphore, #tpu.memory_space<semaphore_mem>>)
      %mul3A_332 = arith.constant 3 : i32
      %mul3A_333 = arith.muli %scan3A_239, %mul3A_332 : i32
      %add3A_334 = arith.constant 1 : i32
      %add3A_335 = arith.addi %mul3A_333, %add3A_334 : i32
      %dma_wait3A_336 = arith.constant 1 : i32
      %dma_wait3A_337 = arith.constant 1 : i32
      %dma_wait3A_338 = arith.constant 0 : i32
      %dma_wait3A_339 = arith.constant 0 : i32
      %dma_wait3A_340 = tpu.memref_slice %arg9[%dma_wait3A_336, %dma_wait3A_338, %dma_wait3A_339] : memref<3x80x128xf32, #tpu.memory_space<vmem>> -> memref<1x80x128xf32, #tpu.memory_space<vmem>>
      %dma_wait3A_341 = tpu.memref_squeeze %dma_wait3A_340 : memref<1x80x128xf32, #tpu.memory_space<vmem>> -> memref<80x128xf32, #tpu.memory_space<vmem>>
      %dma_wait3A_342 = arith.constant 0 : i32
      %dma_wait3A_343 = tpu.memref_slice %arg8[%add3A_335, %dma_wait3A_342] : memref<125x80xi32, #tpu.memory_space<vmem>> -> memref<1x80xi32, #tpu.memory_space<vmem>>
      %dma_wait3A_344 = tpu.memref_squeeze %dma_wait3A_343 : memref<1x80xi32, #tpu.memory_space<vmem>> -> memref<80xi32, #tpu.memory_space<vmem>>
      %dma_wait3A_345 = arith.constant 0 : i32
      %dma_wait3A_346 = arith.constant 0 : i32
      %dma_wait3A_347 = tpu.memref_slice %arg2[%dma_wait3A_345, %dma_wait3A_346] : memref<10240x128xf32, #tpu.memory_space<hbm>> -> memref<10240x128xf32, #tpu.memory_space<hbm>>
      %dma_wait3A_348 = tpu.memref_slice %arg11[%dma_wait3A_337] : memref<3x!tpu.dma_semaphore, #tpu.memory_space<semaphore_mem>> -> memref<1x!tpu.dma_semaphore, #tpu.memory_space<semaphore_mem>>
      %dma_wait3A_349 = tpu.memref_squeeze %dma_wait3A_348 : memref<1x!tpu.dma_semaphore, #tpu.memory_space<semaphore_mem>> -> memref<!tpu.dma_semaphore, #tpu.memory_space<semaphore_mem>>
      tpu.wait_indirect_dma semaphore(%dma_wait3A_349 : memref<!tpu.dma_semaphore, #tpu.memory_space<semaphore_mem>>) src(%dma_wait3A_347 : memref<10240x128xf32, #tpu.memory_space<hbm>>) dst(%dma_wait3A_341 : memref<80x128xf32, #tpu.memory_space<vmem>>)
      %dma_wait3A_350 = arith.constant 1 : i32
      %dma_wait3A_351 = arith.constant 1 : i32
      %dma_wait3A_352 = arith.constant 0 : i32
      %dma_wait3A_353 = arith.constant 0 : i32
      %dma_wait3A_354 = tpu.memref_slice %arg10[%dma_wait3A_350, %dma_wait3A_352, %dma_wait3A_353] : memref<3x1x80xi32, #tpu.memory_space<vmem>> -> memref<1x1x80xi32, #tpu.memory_space<vmem>>
      %dma_wait3A_355 = tpu.memref_squeeze %dma_wait3A_354 : memref<1x1x80xi32, #tpu.memory_space<vmem>> -> memref<1x80xi32, #tpu.memory_space<vmem>>
      %dma_wait3A_356 = arith.constant 0 : i32
      %dma_wait3A_357 = arith.constant 0 : i32
      %dma_wait3A_358 = tpu.memref_slice %arg4[%add3A, %add3A_335, %dma_wait3A_356, %dma_wait3A_357] : memref<32x125x1x80xi32, #tpu.memory_space<hbm>> -> memref<1x1x1x80xi32, #tpu.memory_space<hbm>>
      %dma_wait3A_359 = tpu.memref_squeeze %dma_wait3A_358 : memref<1x1x1x80xi32, #tpu.memory_space<hbm>> -> memref<1x80xi32, #tpu.memory_space<hbm>>
      %dma_wait3A_360 = tpu.memref_slice %arg12[%dma_wait3A_351] : memref<3x!tpu.dma_semaphore, #tpu.memory_space<semaphore_mem>> -> memref<1x!tpu.dma_semaphore, #tpu.memory_space<semaphore_mem>>
      %dma_wait3A_361 = tpu.memref_squeeze %dma_wait3A_360 : memref<1x!tpu.dma_semaphore, #tpu.memory_space<semaphore_mem>> -> memref<!tpu.dma_semaphore, #tpu.memory_space<semaphore_mem>>
      %dma_wait3A_362 = arith.constant 0 : i32
      %dma_wait3A_363 = arith.constant 0 : i32
      %dma_wait3A_364 = tpu.memref_slice %arg10[%dma_wait3A_350, %dma_wait3A_362, %dma_wait3A_363] : memref<3x1x80xi32, #tpu.memory_space<vmem>> -> memref<1x1x80xi32, #tpu.memory_space<vmem>>
      %dma_wait3A_365 = tpu.memref_squeeze %dma_wait3A_364 : memref<1x1x80xi32, #tpu.memory_space<vmem>> -> memref<1x80xi32, #tpu.memory_space<vmem>>
      %dma_wait3A_366 = arith.constant 0 : i32
      %dma_wait3A_367 = arith.constant 0 : i32
      %dma_wait3A_368 = tpu.memref_slice %arg4[%add3A, %add3A_335, %dma_wait3A_366, %dma_wait3A_367] : memref<32x125x1x80xi32, #tpu.memory_space<hbm>> -> memref<1x1x1x80xi32, #tpu.memory_space<hbm>>
      %dma_wait3A_369 = tpu.memref_squeeze %dma_wait3A_368 : memref<1x1x1x80xi32, #tpu.memory_space<hbm>> -> memref<1x80xi32, #tpu.memory_space<hbm>>
      tpu.wait_dma2 semaphore(%dma_wait3A_361 : memref<!tpu.dma_semaphore, #tpu.memory_space<semaphore_mem>>) src(%dma_wait3A_369 : memref<1x80xi32, #tpu.memory_space<hbm>>) dst(%dma_wait3A_365 : memref<1x80xi32, #tpu.memory_space<vmem>>)
      %dma_start3A_370 = arith.constant 1 : i32
      %dma_start3A_371 = arith.constant 1 : i32
      %dma_start3A_372 = arith.constant 0 : i32
      %dma_start3A_373 = arith.constant 1 : i32
      %dma_start3A_374 = arith.constant 0 : i32
      %dma_start3A_375 = arith.constant 0 : i32
      %dma_start3A_376 = tpu.memref_slice %arg9[%dma_start3A_370, %dma_start3A_374, %dma_start3A_375] : memref<3x80x128xf32, #tpu.memory_space<vmem>> -> memref<1x80x128xf32, #tpu.memory_space<vmem>>
      %dma_start3A_377 = tpu.memref_squeeze %dma_start3A_376 : memref<1x80x128xf32, #tpu.memory_space<vmem>> -> memref<80x128xf32, #tpu.memory_space<vmem>>
      %dma_start3A_378 = arith.constant 0 : i32
      %dma_start3A_379 = tpu.memref_slice %arg10[%dma_start3A_371, %dma_start3A_372, %dma_start3A_378] : memref<3x1x80xi32, #tpu.memory_space<vmem>> -> memref<1x1x80xi32, #tpu.memory_space<vmem>>
      %dma_start3A_380 = tpu.memref_squeeze %dma_start3A_379 : memref<1x1x80xi32, #tpu.memory_space<vmem>> -> memref<80xi32, #tpu.memory_space<vmem>>
      %dma_start3A_381 = arith.constant 0 : i32
      %dma_start3A_382 = arith.constant 0 : i32
      %dma_start3A_383 = tpu.memref_slice %arg7[%dma_start3A_381, %dma_start3A_382] : memref<10240x128xf32, #tpu.memory_space<vmem_shared>> -> memref<10240x128xf32, #tpu.memory_space<vmem_shared>>
      %dma_start3A_384 = tpu.memref_slice %arg13[%dma_start3A_373] : memref<3x!tpu.dma_semaphore, #tpu.memory_space<semaphore_mem>> -> memref<1x!tpu.dma_semaphore, #tpu.memory_space<semaphore_mem>>
      %dma_start3A_385 = tpu.memref_squeeze %dma_start3A_384 : memref<1x!tpu.dma_semaphore, #tpu.memory_space<semaphore_mem>> -> memref<!tpu.dma_semaphore, #tpu.memory_space<semaphore_mem>>
      tpu.enqueue_indirect_dma source(%dma_start3A_377 : memref<80x128xf32, #tpu.memory_space<vmem>>) target(%dma_start3A_383 : memref<10240x128xf32, #tpu.memory_space<vmem_shared>>) offsets(%dma_start3A_380 : memref<80xi32, #tpu.memory_space<vmem>>) semaphore(%dma_start3A_385 : memref<!tpu.dma_semaphore, #tpu.memory_space<semaphore_mem>>) {add = true}
      %ge3A_386 = arith.constant 1 : i32
      %ge3A_387 = arith.cmpi sge, %add3A_335, %ge3A_386 : i32
      %convert_element_type3A_388 = arith.extui %ge3A_387 : i1 to i32
      %cond3A_389 = arith.constant 0 : i32
      %cond3A_390 = arith.cmpi ne, %convert_element_type3A_388, %cond3A_389 : i32
      scf.if %cond3A_390 {
        %dma_wait3A_522 = arith.constant 0 : i32
        %dma_wait3A_523 = arith.constant 0 : i32
        %dma_wait3A_524 = arith.constant 0 : i32
        %dma_wait3A_525 = arith.constant 0 : i32
        %dma_wait3A_526 = arith.constant 0 : i32
        %dma_wait3A_527 = arith.constant 0 : i32
        %dma_wait3A_528 = tpu.memref_slice %arg9[%dma_wait3A_522, %dma_wait3A_526, %dma_wait3A_527] : memref<3x80x128xf32, #tpu.memory_space<vmem>> -> memref<1x80x128xf32, #tpu.memory_space<vmem>>
        %dma_wait3A_529 = tpu.memref_squeeze %dma_wait3A_528 : memref<1x80x128xf32, #tpu.memory_space<vmem>> -> memref<80x128xf32, #tpu.memory_space<vmem>>
        %dma_wait3A_530 = arith.constant 0 : i32
        %dma_wait3A_531 = tpu.memref_slice %arg10[%dma_wait3A_523, %dma_wait3A_524, %dma_wait3A_530] : memref<3x1x80xi32, #tpu.memory_space<vmem>> -> memref<1x1x80xi32, #tpu.memory_space<vmem>>
        %dma_wait3A_532 = tpu.memref_squeeze %dma_wait3A_531 : memref<1x1x80xi32, #tpu.memory_space<vmem>> -> memref<80xi32, #tpu.memory_space<vmem>>
        %dma_wait3A_533 = arith.constant 0 : i32
        %dma_wait3A_534 = arith.constant 0 : i32
        %dma_wait3A_535 = tpu.memref_slice %arg7[%dma_wait3A_533, %dma_wait3A_534] : memref<10240x128xf32, #tpu.memory_space<vmem_shared>> -> memref<10240x128xf32, #tpu.memory_space<vmem_shared>>
        %dma_wait3A_536 = tpu.memref_slice %arg13[%dma_wait3A_525] : memref<3x!tpu.dma_semaphore, #tpu.memory_space<semaphore_mem>> -> memref<1x!tpu.dma_semaphore, #tpu.memory_space<semaphore_mem>>
        %dma_wait3A_537 = tpu.memref_squeeze %dma_wait3A_536 : memref<1x!tpu.dma_semaphore, #tpu.memory_space<semaphore_mem>> -> memref<!tpu.dma_semaphore, #tpu.memory_space<semaphore_mem>>
        tpu.wait_indirect_dma semaphore(%dma_wait3A_537 : memref<!tpu.dma_semaphore, #tpu.memory_space<semaphore_mem>>) src(%dma_wait3A_529 : memref<80x128xf32, #tpu.memory_space<vmem>>) dst(%dma_wait3A_535 : memref<10240x128xf32, #tpu.memory_space<vmem_shared>>)
      } else {
      }
      %add3A_391 = arith.constant 2 : i32
      %add3A_392 = arith.addi %add3A_335, %add3A_391 : i32
      %dma_start3A_393 = arith.constant 0 : i32
      %dma_start3A_394 = arith.constant 0 : i32
      %dma_start3A_395 = arith.constant 0 : i32
      %dma_start3A_396 = arith.constant 0 : i32
      %dma_start3A_397 = tpu.memref_slice %arg9[%dma_start3A_393, %dma_start3A_395, %dma_start3A_396] : memref<3x80x128xf32, #tpu.memory_space<vmem>> -> memref<1x80x128xf32, #tpu.memory_space<vmem>>
      %dma_start3A_398 = tpu.memref_squeeze %dma_start3A_397 : memref<1x80x128xf32, #tpu.memory_space<vmem>> -> memref<80x128xf32, #tpu.memory_space<vmem>>
      %dma_start3A_399 = arith.constant 0 : i32
      %dma_start3A_400 = tpu.memref_slice %arg8[%add3A_392, %dma_start3A_399] : memref<125x80xi32, #tpu.memory_space<vmem>> -> memref<1x80xi32, #tpu.memory_space<vmem>>
      %dma_start3A_401 = tpu.memref_squeeze %dma_start3A_400 : memref<1x80xi32, #tpu.memory_space<vmem>> -> memref<80xi32, #tpu.memory_space<vmem>>
      %dma_start3A_402 = arith.constant 0 : i32
      %dma_start3A_403 = arith.constant 0 : i32
      %dma_start3A_404 = tpu.memref_slice %arg2[%dma_start3A_402, %dma_start3A_403] : memref<10240x128xf32, #tpu.memory_space<hbm>> -> memref<10240x128xf32, #tpu.memory_space<hbm>>
      %dma_start3A_405 = tpu.memref_slice %arg11[%dma_start3A_394] : memref<3x!tpu.dma_semaphore, #tpu.memory_space<semaphore_mem>> -> memref<1x!tpu.dma_semaphore, #tpu.memory_space<semaphore_mem>>
      %dma_start3A_406 = tpu.memref_squeeze %dma_start3A_405 : memref<1x!tpu.dma_semaphore, #tpu.memory_space<semaphore_mem>> -> memref<!tpu.dma_semaphore, #tpu.memory_space<semaphore_mem>>
      tpu.enqueue_indirect_dma source(%dma_start3A_404 : memref<10240x128xf32, #tpu.memory_space<hbm>>) target(%dma_start3A_398 : memref<80x128xf32, #tpu.memory_space<vmem>>) offsets(%dma_start3A_401 : memref<80xi32, #tpu.memory_space<vmem>>) semaphore(%dma_start3A_406 : memref<!tpu.dma_semaphore, #tpu.memory_space<semaphore_mem>>)
      %dma_start3A_407 = arith.constant 0 : i32
      %dma_start3A_408 = arith.constant 0 : i32
      %dma_start3A_409 = arith.constant 0 : i32
      %dma_start3A_410 = arith.constant 0 : i32
      %dma_start3A_411 = tpu.memref_slice %arg10[%dma_start3A_407, %dma_start3A_409, %dma_start3A_410] : memref<3x1x80xi32, #tpu.memory_space<vmem>> -> memref<1x1x80xi32, #tpu.memory_space<vmem>>
      %dma_start3A_412 = tpu.memref_squeeze %dma_start3A_411 : memref<1x1x80xi32, #tpu.memory_space<vmem>> -> memref<1x80xi32, #tpu.memory_space<vmem>>
      %dma_start3A_413 = arith.constant 0 : i32
      %dma_start3A_414 = arith.constant 0 : i32
      %dma_start3A_415 = tpu.memref_slice %arg4[%add3A, %add3A_392, %dma_start3A_413, %dma_start3A_414] : memref<32x125x1x80xi32, #tpu.memory_space<hbm>> -> memref<1x1x1x80xi32, #tpu.memory_space<hbm>>
      %dma_start3A_416 = tpu.memref_squeeze %dma_start3A_415 : memref<1x1x1x80xi32, #tpu.memory_space<hbm>> -> memref<1x80xi32, #tpu.memory_space<hbm>>
      %dma_start3A_417 = tpu.memref_slice %arg12[%dma_start3A_408] : memref<3x!tpu.dma_semaphore, #tpu.memory_space<semaphore_mem>> -> memref<1x!tpu.dma_semaphore, #tpu.memory_space<semaphore_mem>>
      %dma_start3A_418 = tpu.memref_squeeze %dma_start3A_417 : memref<1x!tpu.dma_semaphore, #tpu.memory_space<semaphore_mem>> -> memref<!tpu.dma_semaphore, #tpu.memory_space<semaphore_mem>>
      %dma_start3A_419 = arith.constant 0 : i32
      %dma_start3A_420 = arith.constant 0 : i32
      %dma_start3A_421 = tpu.memref_slice %arg10[%dma_start3A_407, %dma_start3A_419, %dma_start3A_420] : memref<3x1x80xi32, #tpu.memory_space<vmem>> -> memref<1x1x80xi32, #tpu.memory_space<vmem>>
      %dma_start3A_422 = tpu.memref_squeeze %dma_start3A_421 : memref<1x1x80xi32, #tpu.memory_space<vmem>> -> memref<1x80xi32, #tpu.memory_space<vmem>>
      %dma_start3A_423 = arith.constant 0 : i32
      %dma_start3A_424 = arith.constant 0 : i32
      %dma_start3A_425 = tpu.memref_slice %arg4[%add3A, %add3A_392, %dma_start3A_423, %dma_start3A_424] : memref<32x125x1x80xi32, #tpu.memory_space<hbm>> -> memref<1x1x1x80xi32, #tpu.memory_space<hbm>>
      %dma_start3A_426 = tpu.memref_squeeze %dma_start3A_425 : memref<1x1x1x80xi32, #tpu.memory_space<hbm>> -> memref<1x80xi32, #tpu.memory_space<hbm>>
      tpu.enqueue_dma source(%dma_start3A_426 : memref<1x80xi32, #tpu.memory_space<hbm>>) target(%dma_start3A_422 : memref<1x80xi32, #tpu.memory_space<vmem>>) target_semaphore(%dma_start3A_418 : memref<!tpu.dma_semaphore, #tpu.memory_space<semaphore_mem>>)
      %mul3A_427 = arith.constant 3 : i32
      %mul3A_428 = arith.muli %scan3A_239, %mul3A_427 : i32
      %add3A_429 = arith.constant 2 : i32
      %add3A_430 = arith.addi %mul3A_428, %add3A_429 : i32
      %dma_wait3A_431 = arith.constant 2 : i32
      %dma_wait3A_432 = arith.constant 2 : i32
      %dma_wait3A_433 = arith.constant 0 : i32
      %dma_wait3A_434 = arith.constant 0 : i32
      %dma_wait3A_435 = tpu.memref_slice %arg9[%dma_wait3A_431, %dma_wait3A_433, %dma_wait3A_434] : memref<3x80x128xf32, #tpu.memory_space<vmem>> -> memref<1x80x128xf32, #tpu.memory_space<vmem>>
      %dma_wait3A_436 = tpu.memref_squeeze %dma_wait3A_435 : memref<1x80x128xf32, #tpu.memory_space<vmem>> -> memref<80x128xf32, #tpu.memory_space<vmem>>
      %dma_wait3A_437 = arith.constant 0 : i32
      %dma_wait3A_438 = tpu.memref_slice %arg8[%add3A_430, %dma_wait3A_437] : memref<125x80xi32, #tpu.memory_space<vmem>> -> memref<1x80xi32, #tpu.memory_space<vmem>>
      %dma_wait3A_439 = tpu.memref_squeeze %dma_wait3A_438 : memref<1x80xi32, #tpu.memory_space<vmem>> -> memref<80xi32, #tpu.memory_space<vmem>>
      %dma_wait3A_440 = arith.constant 0 : i32
      %dma_wait3A_441 = arith.constant 0 : i32
      %dma_wait3A_442 = tpu.memref_slice %arg2[%dma_wait3A_440, %dma_wait3A_441] : memref<10240x128xf32, #tpu.memory_space<hbm>> -> memref<10240x128xf32, #tpu.memory_space<hbm>>
      %dma_wait3A_443 = tpu.memref_slice %arg11[%dma_wait3A_432] : memref<3x!tpu.dma_semaphore, #tpu.memory_space<semaphore_mem>> -> memref<1x!tpu.dma_semaphore, #tpu.memory_space<semaphore_mem>>
      %dma_wait3A_444 = tpu.memref_squeeze %dma_wait3A_443 : memref<1x!tpu.dma_semaphore, #tpu.memory_space<semaphore_mem>> -> memref<!tpu.dma_semaphore, #tpu.memory_space<semaphore_mem>>
      tpu.wait_indirect_dma semaphore(%dma_wait3A_444 : memref<!tpu.dma_semaphore, #tpu.memory_space<semaphore_mem>>) src(%dma_wait3A_442 : memref<10240x128xf32, #tpu.memory_space<hbm>>) dst(%dma_wait3A_436 : memref<80x128xf32, #tpu.memory_space<vmem>>)
      %dma_wait3A_445 = arith.constant 2 : i32
      %dma_wait3A_446 = arith.constant 2 : i32
      %dma_wait3A_447 = arith.constant 0 : i32
      %dma_wait3A_448 = arith.constant 0 : i32
      %dma_wait3A_449 = tpu.memref_slice %arg10[%dma_wait3A_445, %dma_wait3A_447, %dma_wait3A_448] : memref<3x1x80xi32, #tpu.memory_space<vmem>> -> memref<1x1x80xi32, #tpu.memory_space<vmem>>
      %dma_wait3A_450 = tpu.memref_squeeze %dma_wait3A_449 : memref<1x1x80xi32, #tpu.memory_space<vmem>> -> memref<1x80xi32, #tpu.memory_space<vmem>>
      %dma_wait3A_451 = arith.constant 0 : i32
      %dma_wait3A_452 = arith.constant 0 : i32
      %dma_wait3A_453 = tpu.memref_slice %arg4[%add3A, %add3A_430, %dma_wait3A_451, %dma_wait3A_452] : memref<32x125x1x80xi32, #tpu.memory_space<hbm>> -> memref<1x1x1x80xi32, #tpu.memory_space<hbm>>
      %dma_wait3A_454 = tpu.memref_squeeze %dma_wait3A_453 : memref<1x1x1x80xi32, #tpu.memory_space<hbm>> -> memref<1x80xi32, #tpu.memory_space<hbm>>
      %dma_wait3A_455 = tpu.memref_slice %arg12[%dma_wait3A_446] : memref<3x!tpu.dma_semaphore, #tpu.memory_space<semaphore_mem>> -> memref<1x!tpu.dma_semaphore, #tpu.memory_space<semaphore_mem>>
      %dma_wait3A_456 = tpu.memref_squeeze %dma_wait3A_455 : memref<1x!tpu.dma_semaphore, #tpu.memory_space<semaphore_mem>> -> memref<!tpu.dma_semaphore, #tpu.memory_space<semaphore_mem>>
      %dma_wait3A_457 = arith.constant 0 : i32
      %dma_wait3A_458 = arith.constant 0 : i32
      %dma_wait3A_459 = tpu.memref_slice %arg10[%dma_wait3A_445, %dma_wait3A_457, %dma_wait3A_458] : memref<3x1x80xi32, #tpu.memory_space<vmem>> -> memref<1x1x80xi32, #tpu.memory_space<vmem>>
      %dma_wait3A_460 = tpu.memref_squeeze %dma_wait3A_459 : memref<1x1x80xi32, #tpu.memory_space<vmem>> -> memref<1x80xi32, #tpu.memory_space<vmem>>
      %dma_wait3A_461 = arith.constant 0 : i32
      %dma_wait3A_462 = arith.constant 0 : i32
      %dma_wait3A_463 = tpu.memref_slice %arg4[%add3A, %add3A_430, %dma_wait3A_461, %dma_wait3A_462] : memref<32x125x1x80xi32, #tpu.memory_space<hbm>> -> memref<1x1x1x80xi32, #tpu.memory_space<hbm>>
      %dma_wait3A_464 = tpu.memref_squeeze %dma_wait3A_463 : memref<1x1x1x80xi32, #tpu.memory_space<hbm>> -> memref<1x80xi32, #tpu.memory_space<hbm>>
      tpu.wait_dma2 semaphore(%dma_wait3A_456 : memref<!tpu.dma_semaphore, #tpu.memory_space<semaphore_mem>>) src(%dma_wait3A_464 : memref<1x80xi32, #tpu.memory_space<hbm>>) dst(%dma_wait3A_460 : memref<1x80xi32, #tpu.memory_space<vmem>>)
      %dma_start3A_465 = arith.constant 2 : i32
      %dma_start3A_466 = arith.constant 2 : i32
      %dma_start3A_467 = arith.constant 0 : i32
      %dma_start3A_468 = arith.constant 2 : i32
      %dma_start3A_469 = arith.constant 0 : i32
      %dma_start3A_470 = arith.constant 0 : i32
      %dma_start3A_471 = tpu.memref_slice %arg9[%dma_start3A_465, %dma_start3A_469, %dma_start3A_470] : memref<3x80x128xf32, #tpu.memory_space<vmem>> -> memref<1x80x128xf32, #tpu.memory_space<vmem>>
      %dma_start3A_472 = tpu.memref_squeeze %dma_start3A_471 : memref<1x80x128xf32, #tpu.memory_space<vmem>> -> memref<80x128xf32, #tpu.memory_space<vmem>>
      %dma_start3A_473 = arith.constant 0 : i32
      %dma_start3A_474 = tpu.memref_slice %arg10[%dma_start3A_466, %dma_start3A_467, %dma_start3A_473] : memref<3x1x80xi32, #tpu.memory_space<vmem>> -> memref<1x1x80xi32, #tpu.memory_space<vmem>>
      %dma_start3A_475 = tpu.memref_squeeze %dma_start3A_474 : memref<1x1x80xi32, #tpu.memory_space<vmem>> -> memref<80xi32, #tpu.memory_space<vmem>>
      %dma_start3A_476 = arith.constant 0 : i32
      %dma_start3A_477 = arith.constant 0 : i32
      %dma_start3A_478 = tpu.memref_slice %arg7[%dma_start3A_476, %dma_start3A_477] : memref<10240x128xf32, #tpu.memory_space<vmem_shared>> -> memref<10240x128xf32, #tpu.memory_space<vmem_shared>>
      %dma_start3A_479 = tpu.memref_slice %arg13[%dma_start3A_468] : memref<3x!tpu.dma_semaphore, #tpu.memory_space<semaphore_mem>> -> memref<1x!tpu.dma_semaphore, #tpu.memory_space<semaphore_mem>>
      %dma_start3A_480 = tpu.memref_squeeze %dma_start3A_479 : memref<1x!tpu.dma_semaphore, #tpu.memory_space<semaphore_mem>> -> memref<!tpu.dma_semaphore, #tpu.memory_space<semaphore_mem>>
      tpu.enqueue_indirect_dma source(%dma_start3A_472 : memref<80x128xf32, #tpu.memory_space<vmem>>) target(%dma_start3A_478 : memref<10240x128xf32, #tpu.memory_space<vmem_shared>>) offsets(%dma_start3A_475 : memref<80xi32, #tpu.memory_space<vmem>>) semaphore(%dma_start3A_480 : memref<!tpu.dma_semaphore, #tpu.memory_space<semaphore_mem>>) {add = true}
      %ge3A_481 = arith.constant 1 : i32
      %ge3A_482 = arith.cmpi sge, %add3A_430, %ge3A_481 : i32
      %convert_element_type3A_483 = arith.extui %ge3A_482 : i1 to i32
      %cond3A_484 = arith.constant 0 : i32
      %cond3A_485 = arith.cmpi ne, %convert_element_type3A_483, %cond3A_484 : i32
      scf.if %cond3A_485 {
        %dma_wait3A_522 = arith.constant 1 : i32
        %dma_wait3A_523 = arith.constant 1 : i32
        %dma_wait3A_524 = arith.constant 0 : i32
        %dma_wait3A_525 = arith.constant 1 : i32
        %dma_wait3A_526 = arith.constant 0 : i32
        %dma_wait3A_527 = arith.constant 0 : i32
        %dma_wait3A_528 = tpu.memref_slice %arg9[%dma_wait3A_522, %dma_wait3A_526, %dma_wait3A_527] : memref<3x80x128xf32, #tpu.memory_space<vmem>> -> memref<1x80x128xf32, #tpu.memory_space<vmem>>
        %dma_wait3A_529 = tpu.memref_squeeze %dma_wait3A_528 : memref<1x80x128xf32, #tpu.memory_space<vmem>> -> memref<80x128xf32, #tpu.memory_space<vmem>>
        %dma_wait3A_530 = arith.constant 0 : i32
        %dma_wait3A_531 = tpu.memref_slice %arg10[%dma_wait3A_523, %dma_wait3A_524, %dma_wait3A_530] : memref<3x1x80xi32, #tpu.memory_space<vmem>> -> memref<1x1x80xi32, #tpu.memory_space<vmem>>
        %dma_wait3A_532 = tpu.memref_squeeze %dma_wait3A_531 : memref<1x1x80xi32, #tpu.memory_space<vmem>> -> memref<80xi32, #tpu.memory_space<vmem>>
        %dma_wait3A_533 = arith.constant 0 : i32
        %dma_wait3A_534 = arith.constant 0 : i32
        %dma_wait3A_535 = tpu.memref_slice %arg7[%dma_wait3A_533, %dma_wait3A_534] : memref<10240x128xf32, #tpu.memory_space<vmem_shared>> -> memref<10240x128xf32, #tpu.memory_space<vmem_shared>>
        %dma_wait3A_536 = tpu.memref_slice %arg13[%dma_wait3A_525] : memref<3x!tpu.dma_semaphore, #tpu.memory_space<semaphore_mem>> -> memref<1x!tpu.dma_semaphore, #tpu.memory_space<semaphore_mem>>
        %dma_wait3A_537 = tpu.memref_squeeze %dma_wait3A_536 : memref<1x!tpu.dma_semaphore, #tpu.memory_space<semaphore_mem>> -> memref<!tpu.dma_semaphore, #tpu.memory_space<semaphore_mem>>
        tpu.wait_indirect_dma semaphore(%dma_wait3A_537 : memref<!tpu.dma_semaphore, #tpu.memory_space<semaphore_mem>>) src(%dma_wait3A_529 : memref<80x128xf32, #tpu.memory_space<vmem>>) dst(%dma_wait3A_535 : memref<10240x128xf32, #tpu.memory_space<vmem_shared>>)
      } else {
      }
      %add3A_486 = arith.constant 2 : i32
      %add3A_487 = arith.addi %add3A_430, %add3A_486 : i32
      %dma_start3A_488 = arith.constant 1 : i32
      %dma_start3A_489 = arith.constant 1 : i32
      %dma_start3A_490 = arith.constant 0 : i32
      %dma_start3A_491 = arith.constant 0 : i32
      %dma_start3A_492 = tpu.memref_slice %arg9[%dma_start3A_488, %dma_start3A_490, %dma_start3A_491] : memref<3x80x128xf32, #tpu.memory_space<vmem>> -> memref<1x80x128xf32, #tpu.memory_space<vmem>>
      %dma_start3A_493 = tpu.memref_squeeze %dma_start3A_492 : memref<1x80x128xf32, #tpu.memory_space<vmem>> -> memref<80x128xf32, #tpu.memory_space<vmem>>
      %dma_start3A_494 = arith.constant 0 : i32
      %dma_start3A_495 = tpu.memref_slice %arg8[%add3A_487, %dma_start3A_494] : memref<125x80xi32, #tpu.memory_space<vmem>> -> memref<1x80xi32, #tpu.memory_space<vmem>>
      %dma_start3A_496 = tpu.memref_squeeze %dma_start3A_495 : memref<1x80xi32, #tpu.memory_space<vmem>> -> memref<80xi32, #tpu.memory_space<vmem>>
      %dma_start3A_497 = arith.constant 0 : i32
      %dma_start3A_498 = arith.constant 0 : i32
      %dma_start3A_499 = tpu.memref_slice %arg2[%dma_start3A_497, %dma_start3A_498] : memref<10240x128xf32, #tpu.memory_space<hbm>> -> memref<10240x128xf32, #tpu.memory_space<hbm>>
      %dma_start3A_500 = tpu.memref_slice %arg11[%dma_start3A_489] : memref<3x!tpu.dma_semaphore, #tpu.memory_space<semaphore_mem>> -> memref<1x!tpu.dma_semaphore, #tpu.memory_space<semaphore_mem>>
      %dma_start3A_501 = tpu.memref_squeeze %dma_start3A_500 : memref<1x!tpu.dma_semaphore, #tpu.memory_space<semaphore_mem>> -> memref<!tpu.dma_semaphore, #tpu.memory_space<semaphore_mem>>
      tpu.enqueue_indirect_dma source(%dma_start3A_499 : memref<10240x128xf32, #tpu.memory_space<hbm>>) target(%dma_start3A_493 : memref<80x128xf32, #tpu.memory_space<vmem>>) offsets(%dma_start3A_496 : memref<80xi32, #tpu.memory_space<vmem>>) semaphore(%dma_start3A_501 : memref<!tpu.dma_semaphore, #tpu.memory_space<semaphore_mem>>)
      %dma_start3A_502 = arith.constant 1 : i32
      %dma_start3A_503 = arith.constant 1 : i32
      %dma_start3A_504 = arith.constant 0 : i32
      %dma_start3A_505 = arith.constant 0 : i32
      %dma_start3A_506 = tpu.memref_slice %arg10[%dma_start3A_502, %dma_start3A_504, %dma_start3A_505] : memref<3x1x80xi32, #tpu.memory_space<vmem>> -> memref<1x1x80xi32, #tpu.memory_space<vmem>>
      %dma_start3A_507 = tpu.memref_squeeze %dma_start3A_506 : memref<1x1x80xi32, #tpu.memory_space<vmem>> -> memref<1x80xi32, #tpu.memory_space<vmem>>
      %dma_start3A_508 = arith.constant 0 : i32
      %dma_start3A_509 = arith.constant 0 : i32
      %dma_start3A_510 = tpu.memref_slice %arg4[%add3A, %add3A_487, %dma_start3A_508, %dma_start3A_509] : memref<32x125x1x80xi32, #tpu.memory_space<hbm>> -> memref<1x1x1x80xi32, #tpu.memory_space<hbm>>
      %dma_start3A_511 = tpu.memref_squeeze %dma_start3A_510 : memref<1x1x1x80xi32, #tpu.memory_space<hbm>> -> memref<1x80xi32, #tpu.memory_space<hbm>>
      %dma_start3A_512 = tpu.memref_slice %arg12[%dma_start3A_503] : memref<3x!tpu.dma_semaphore, #tpu.memory_space<semaphore_mem>> -> memref<1x!tpu.dma_semaphore, #tpu.memory_space<semaphore_mem>>
      %dma_start3A_513 = tpu.memref_squeeze %dma_start3A_512 : memref<1x!tpu.dma_semaphore, #tpu.memory_space<semaphore_mem>> -> memref<!tpu.dma_semaphore, #tpu.memory_space<semaphore_mem>>
      %dma_start3A_514 = arith.constant 0 : i32
      %dma_start3A_515 = arith.constant 0 : i32
      %dma_start3A_516 = tpu.memref_slice %arg10[%dma_start3A_502, %dma_start3A_514, %dma_start3A_515] : memref<3x1x80xi32, #tpu.memory_space<vmem>> -> memref<1x1x80xi32, #tpu.memory_space<vmem>>
      %dma_start3A_517 = tpu.memref_squeeze %dma_start3A_516 : memref<1x1x80xi32, #tpu.memory_space<vmem>> -> memref<1x80xi32, #tpu.memory_space<vmem>>
      %dma_start3A_518 = arith.constant 0 : i32
      %dma_start3A_519 = arith.constant 0 : i32
      %dma_start3A_520 = tpu.memref_slice %arg4[%add3A, %add3A_487, %dma_start3A_518, %dma_start3A_519] : memref<32x125x1x80xi32, #tpu.memory_space<hbm>> -> memref<1x1x1x80xi32, #tpu.memory_space<hbm>>
      %dma_start3A_521 = tpu.memref_squeeze %dma_start3A_520 : memref<1x1x1x80xi32, #tpu.memory_space<hbm>> -> memref<1x80xi32, #tpu.memory_space<hbm>>
      tpu.enqueue_dma source(%dma_start3A_521 : memref<1x80xi32, #tpu.memory_space<hbm>>) target(%dma_start3A_517 : memref<1x80xi32, #tpu.memory_space<vmem>>) target_semaphore(%dma_start3A_513 : memref<!tpu.dma_semaphore, #tpu.memory_space<semaphore_mem>>)
    }
    %scan3A_81 = arith.constant 41 : i32
    %dma_wait3A_82 = arith.constant 123 : i32
    %dma_wait3A_83 = arith.constant 0 : i32
    %dma_wait3A_84 = arith.constant 0 : i32
    %dma_wait3A_85 = arith.constant 0 : i32
    %dma_wait3A_86 = arith.constant 0 : i32
    %dma_wait3A_87 = tpu.memref_slice %arg9[%dma_wait3A_83, %dma_wait3A_85, %dma_wait3A_86] : memref<3x80x128xf32, #tpu.memory_space<vmem>> -> memref<1x80x128xf32, #tpu.memory_space<vmem>>
    %dma_wait3A_88 = tpu.memref_squeeze %dma_wait3A_87 : memref<1x80x128xf32, #tpu.memory_space<vmem>> -> memref<80x128xf32, #tpu.memory_space<vmem>>
    %dma_wait3A_89 = arith.constant 0 : i32
    %dma_wait3A_90 = tpu.memref_slice %arg8[%dma_wait3A_82, %dma_wait3A_89] : memref<125x80xi32, #tpu.memory_space<vmem>> -> memref<1x80xi32, #tpu.memory_space<vmem>>
    %dma_wait3A_91 = tpu.memref_squeeze %dma_wait3A_90 : memref<1x80xi32, #tpu.memory_space<vmem>> -> memref<80xi32, #tpu.memory_space<vmem>>
    %dma_wait3A_92 = arith.constant 0 : i32
    %dma_wait3A_93 = arith.constant 0 : i32
    %dma_wait3A_94 = tpu.memref_slice %arg2[%dma_wait3A_92, %dma_wait3A_93] : memref<10240x128xf32, #tpu.memory_space<hbm>> -> memref<10240x128xf32, #tpu.memory_space<hbm>>
    %dma_wait3A_95 = tpu.memref_slice %arg11[%dma_wait3A_84] : memref<3x!tpu.dma_semaphore, #tpu.memory_space<semaphore_mem>> -> memref<1x!tpu.dma_semaphore, #tpu.memory_space<semaphore_mem>>
    %dma_wait3A_96 = tpu.memref_squeeze %dma_wait3A_95 : memref<1x!tpu.dma_semaphore, #tpu.memory_space<semaphore_mem>> -> memref<!tpu.dma_semaphore, #tpu.memory_space<semaphore_mem>>
    tpu.wait_indirect_dma semaphore(%dma_wait3A_96 : memref<!tpu.dma_semaphore, #tpu.memory_space<semaphore_mem>>) src(%dma_wait3A_94 : memref<10240x128xf32, #tpu.memory_space<hbm>>) dst(%dma_wait3A_88 : memref<80x128xf32, #tpu.memory_space<vmem>>)
    %dma_wait3A_97 = arith.constant 123 : i32
    %dma_wait3A_98 = arith.constant 0 : i32
    %dma_wait3A_99 = arith.constant 0 : i32
    %dma_wait3A_100 = arith.constant 0 : i32
    %dma_wait3A_101 = arith.constant 0 : i32
    %dma_wait3A_102 = tpu.memref_slice %arg10[%dma_wait3A_98, %dma_wait3A_100, %dma_wait3A_101] : memref<3x1x80xi32, #tpu.memory_space<vmem>> -> memref<1x1x80xi32, #tpu.memory_space<vmem>>
    %dma_wait3A_103 = tpu.memref_squeeze %dma_wait3A_102 : memref<1x1x80xi32, #tpu.memory_space<vmem>> -> memref<1x80xi32, #tpu.memory_space<vmem>>
    %dma_wait3A_104 = arith.constant 0 : i32
    %dma_wait3A_105 = arith.constant 0 : i32
    %dma_wait3A_106 = tpu.memref_slice %arg4[%add3A, %dma_wait3A_97, %dma_wait3A_104, %dma_wait3A_105] : memref<32x125x1x80xi32, #tpu.memory_space<hbm>> -> memref<1x1x1x80xi32, #tpu.memory_space<hbm>>
    %dma_wait3A_107 = tpu.memref_squeeze %dma_wait3A_106 : memref<1x1x1x80xi32, #tpu.memory_space<hbm>> -> memref<1x80xi32, #tpu.memory_space<hbm>>
    %dma_wait3A_108 = tpu.memref_slice %arg12[%dma_wait3A_99] : memref<3x!tpu.dma_semaphore, #tpu.memory_space<semaphore_mem>> -> memref<1x!tpu.dma_semaphore, #tpu.memory_space<semaphore_mem>>
    %dma_wait3A_109 = tpu.memref_squeeze %dma_wait3A_108 : memref<1x!tpu.dma_semaphore, #tpu.memory_space<semaphore_mem>> -> memref<!tpu.dma_semaphore, #tpu.memory_space<semaphore_mem>>
    %dma_wait3A_110 = arith.constant 0 : i32
    %dma_wait3A_111 = arith.constant 0 : i32
    %dma_wait3A_112 = tpu.memref_slice %arg10[%dma_wait3A_98, %dma_wait3A_110, %dma_wait3A_111] : memref<3x1x80xi32, #tpu.memory_space<vmem>> -> memref<1x1x80xi32, #tpu.memory_space<vmem>>
    %dma_wait3A_113 = tpu.memref_squeeze %dma_wait3A_112 : memref<1x1x80xi32, #tpu.memory_space<vmem>> -> memref<1x80xi32, #tpu.memory_space<vmem>>
    %dma_wait3A_114 = arith.constant 0 : i32
    %dma_wait3A_115 = arith.constant 0 : i32
    %dma_wait3A_116 = tpu.memref_slice %arg4[%add3A, %dma_wait3A_97, %dma_wait3A_114, %dma_wait3A_115] : memref<32x125x1x80xi32, #tpu.memory_space<hbm>> -> memref<1x1x1x80xi32, #tpu.memory_space<hbm>>
    %dma_wait3A_117 = tpu.memref_squeeze %dma_wait3A_116 : memref<1x1x1x80xi32, #tpu.memory_space<hbm>> -> memref<1x80xi32, #tpu.memory_space<hbm>>
    tpu.wait_dma2 semaphore(%dma_wait3A_109 : memref<!tpu.dma_semaphore, #tpu.memory_space<semaphore_mem>>) src(%dma_wait3A_117 : memref<1x80xi32, #tpu.memory_space<hbm>>) dst(%dma_wait3A_113 : memref<1x80xi32, #tpu.memory_space<vmem>>)
    %dma_wait3A_118 = arith.constant 2 : i32
    %dma_wait3A_119 = arith.constant 2 : i32
    %dma_wait3A_120 = arith.constant 0 : i32
    %dma_wait3A_121 = arith.constant 2 : i32
    %dma_wait3A_122 = arith.constant 0 : i32
    %dma_wait3A_123 = arith.constant 0 : i32
    %dma_wait3A_124 = tpu.memref_slice %arg9[%dma_wait3A_118, %dma_wait3A_122, %dma_wait3A_123] : memref<3x80x128xf32, #tpu.memory_space<vmem>> -> memref<1x80x128xf32, #tpu.memory_space<vmem>>
    %dma_wait3A_125 = tpu.memref_squeeze %dma_wait3A_124 : memref<1x80x128xf32, #tpu.memory_space<vmem>> -> memref<80x128xf32, #tpu.memory_space<vmem>>
    %dma_wait3A_126 = arith.constant 0 : i32
    %dma_wait3A_127 = tpu.memref_slice %arg10[%dma_wait3A_119, %dma_wait3A_120, %dma_wait3A_126] : memref<3x1x80xi32, #tpu.memory_space<vmem>> -> memref<1x1x80xi32, #tpu.memory_space<vmem>>
    %dma_wait3A_128 = tpu.memref_squeeze %dma_wait3A_127 : memref<1x1x80xi32, #tpu.memory_space<vmem>> -> memref<80xi32, #tpu.memory_space<vmem>>
    %dma_wait3A_129 = arith.constant 0 : i32
    %dma_wait3A_130 = arith.constant 0 : i32
    %dma_wait3A_131 = tpu.memref_slice %arg7[%dma_wait3A_129, %dma_wait3A_130] : memref<10240x128xf32, #tpu.memory_space<vmem_shared>> -> memref<10240x128xf32, #tpu.memory_space<vmem_shared>>
    %dma_wait3A_132 = tpu.memref_slice %arg13[%dma_wait3A_121] : memref<3x!tpu.dma_semaphore, #tpu.memory_space<semaphore_mem>> -> memref<1x!tpu.dma_semaphore, #tpu.memory_space<semaphore_mem>>
    %dma_wait3A_133 = tpu.memref_squeeze %dma_wait3A_132 : memref<1x!tpu.dma_semaphore, #tpu.memory_space<semaphore_mem>> -> memref<!tpu.dma_semaphore, #tpu.memory_space<semaphore_mem>>
    tpu.wait_indirect_dma semaphore(%dma_wait3A_133 : memref<!tpu.dma_semaphore, #tpu.memory_space<semaphore_mem>>) src(%dma_wait3A_125 : memref<80x128xf32, #tpu.memory_space<vmem>>) dst(%dma_wait3A_131 : memref<10240x128xf32, #tpu.memory_space<vmem_shared>>)
    %dma_start3A_134 = arith.constant 0 : i32
    %dma_start3A_135 = arith.constant 0 : i32
    %dma_start3A_136 = arith.constant 0 : i32
    %dma_start3A_137 = arith.constant 0 : i32
    %dma_start3A_138 = arith.constant 0 : i32
    %dma_start3A_139 = arith.constant 0 : i32
    %dma_start3A_140 = tpu.memref_slice %arg9[%dma_start3A_134, %dma_start3A_138, %dma_start3A_139] : memref<3x80x128xf32, #tpu.memory_space<vmem>> -> memref<1x80x128xf32, #tpu.memory_space<vmem>>
    %dma_start3A_141 = tpu.memref_squeeze %dma_start3A_140 : memref<1x80x128xf32, #tpu.memory_space<vmem>> -> memref<80x128xf32, #tpu.memory_space<vmem>>
    %dma_start3A_142 = arith.constant 0 : i32
    %dma_start3A_143 = tpu.memref_slice %arg10[%dma_start3A_135, %dma_start3A_136, %dma_start3A_142] : memref<3x1x80xi32, #tpu.memory_space<vmem>> -> memref<1x1x80xi32, #tpu.memory_space<vmem>>
    %dma_start3A_144 = tpu.memref_squeeze %dma_start3A_143 : memref<1x1x80xi32, #tpu.memory_space<vmem>> -> memref<80xi32, #tpu.memory_space<vmem>>
    %dma_start3A_145 = arith.constant 0 : i32
    %dma_start3A_146 = arith.constant 0 : i32
    %dma_start3A_147 = tpu.memref_slice %arg7[%dma_start3A_145, %dma_start3A_146] : memref<10240x128xf32, #tpu.memory_space<vmem_shared>> -> memref<10240x128xf32, #tpu.memory_space<vmem_shared>>
    %dma_start3A_148 = tpu.memref_slice %arg13[%dma_start3A_137] : memref<3x!tpu.dma_semaphore, #tpu.memory_space<semaphore_mem>> -> memref<1x!tpu.dma_semaphore, #tpu.memory_space<semaphore_mem>>
    %dma_start3A_149 = tpu.memref_squeeze %dma_start3A_148 : memref<1x!tpu.dma_semaphore, #tpu.memory_space<semaphore_mem>> -> memref<!tpu.dma_semaphore, #tpu.memory_space<semaphore_mem>>
    tpu.enqueue_indirect_dma source(%dma_start3A_141 : memref<80x128xf32, #tpu.memory_space<vmem>>) target(%dma_start3A_147 : memref<10240x128xf32, #tpu.memory_space<vmem_shared>>) offsets(%dma_start3A_144 : memref<80xi32, #tpu.memory_space<vmem>>) semaphore(%dma_start3A_149 : memref<!tpu.dma_semaphore, #tpu.memory_space<semaphore_mem>>) {add = true}
    %dma_wait3A_150 = arith.constant 124 : i32
    %dma_wait3A_151 = arith.constant 1 : i32
    %dma_wait3A_152 = arith.constant 1 : i32
    %dma_wait3A_153 = arith.constant 0 : i32
    %dma_wait3A_154 = arith.constant 0 : i32
    %dma_wait3A_155 = tpu.memref_slice %arg9[%dma_wait3A_151, %dma_wait3A_153, %dma_wait3A_154] : memref<3x80x128xf32, #tpu.memory_space<vmem>> -> memref<1x80x128xf32, #tpu.memory_space<vmem>>
    %dma_wait3A_156 = tpu.memref_squeeze %dma_wait3A_155 : memref<1x80x128xf32, #tpu.memory_space<vmem>> -> memref<80x128xf32, #tpu.memory_space<vmem>>
    %dma_wait3A_157 = arith.constant 0 : i32
    %dma_wait3A_158 = tpu.memref_slice %arg8[%dma_wait3A_150, %dma_wait3A_157] : memref<125x80xi32, #tpu.memory_space<vmem>> -> memref<1x80xi32, #tpu.memory_space<vmem>>
    %dma_wait3A_159 = tpu.memref_squeeze %dma_wait3A_158 : memref<1x80xi32, #tpu.memory_space<vmem>> -> memref<80xi32, #tpu.memory_space<vmem>>
    %dma_wait3A_160 = arith.constant 0 : i32
    %dma_wait3A_161 = arith.constant 0 : i32
    %dma_wait3A_162 = tpu.memref_slice %arg2[%dma_wait3A_160, %dma_wait3A_161] : memref<10240x128xf32, #tpu.memory_space<hbm>> -> memref<10240x128xf32, #tpu.memory_space<hbm>>
    %dma_wait3A_163 = tpu.memref_slice %arg11[%dma_wait3A_152] : memref<3x!tpu.dma_semaphore, #tpu.memory_space<semaphore_mem>> -> memref<1x!tpu.dma_semaphore, #tpu.memory_space<semaphore_mem>>
    %dma_wait3A_164 = tpu.memref_squeeze %dma_wait3A_163 : memref<1x!tpu.dma_semaphore, #tpu.memory_space<semaphore_mem>> -> memref<!tpu.dma_semaphore, #tpu.memory_space<semaphore_mem>>
    tpu.wait_indirect_dma semaphore(%dma_wait3A_164 : memref<!tpu.dma_semaphore, #tpu.memory_space<semaphore_mem>>) src(%dma_wait3A_162 : memref<10240x128xf32, #tpu.memory_space<hbm>>) dst(%dma_wait3A_156 : memref<80x128xf32, #tpu.memory_space<vmem>>)
    %dma_wait3A_165 = arith.constant 124 : i32
    %dma_wait3A_166 = arith.constant 1 : i32
    %dma_wait3A_167 = arith.constant 1 : i32
    %dma_wait3A_168 = arith.constant 0 : i32
    %dma_wait3A_169 = arith.constant 0 : i32
    %dma_wait3A_170 = tpu.memref_slice %arg10[%dma_wait3A_166, %dma_wait3A_168, %dma_wait3A_169] : memref<3x1x80xi32, #tpu.memory_space<vmem>> -> memref<1x1x80xi32, #tpu.memory_space<vmem>>
    %dma_wait3A_171 = tpu.memref_squeeze %dma_wait3A_170 : memref<1x1x80xi32, #tpu.memory_space<vmem>> -> memref<1x80xi32, #tpu.memory_space<vmem>>
    %dma_wait3A_172 = arith.constant 0 : i32
    %dma_wait3A_173 = arith.constant 0 : i32
    %dma_wait3A_174 = tpu.memref_slice %arg4[%add3A, %dma_wait3A_165, %dma_wait3A_172, %dma_wait3A_173] : memref<32x125x1x80xi32, #tpu.memory_space<hbm>> -> memref<1x1x1x80xi32, #tpu.memory_space<hbm>>
    %dma_wait3A_175 = tpu.memref_squeeze %dma_wait3A_174 : memref<1x1x1x80xi32, #tpu.memory_space<hbm>> -> memref<1x80xi32, #tpu.memory_space<hbm>>
    %dma_wait3A_176 = tpu.memref_slice %arg12[%dma_wait3A_167] : memref<3x!tpu.dma_semaphore, #tpu.memory_space<semaphore_mem>> -> memref<1x!tpu.dma_semaphore, #tpu.memory_space<semaphore_mem>>
    %dma_wait3A_177 = tpu.memref_squeeze %dma_wait3A_176 : memref<1x!tpu.dma_semaphore, #tpu.memory_space<semaphore_mem>> -> memref<!tpu.dma_semaphore, #tpu.memory_space<semaphore_mem>>
    %dma_wait3A_178 = arith.constant 0 : i32
    %dma_wait3A_179 = arith.constant 0 : i32
    %dma_wait3A_180 = tpu.memref_slice %arg10[%dma_wait3A_166, %dma_wait3A_178, %dma_wait3A_179] : memref<3x1x80xi32, #tpu.memory_space<vmem>> -> memref<1x1x80xi32, #tpu.memory_space<vmem>>
    %dma_wait3A_181 = tpu.memref_squeeze %dma_wait3A_180 : memref<1x1x80xi32, #tpu.memory_space<vmem>> -> memref<1x80xi32, #tpu.memory_space<vmem>>
    %dma_wait3A_182 = arith.constant 0 : i32
    %dma_wait3A_183 = arith.constant 0 : i32
    %dma_wait3A_184 = tpu.memref_slice %arg4[%add3A, %dma_wait3A_165, %dma_wait3A_182, %dma_wait3A_183] : memref<32x125x1x80xi32, #tpu.memory_space<hbm>> -> memref<1x1x1x80xi32, #tpu.memory_space<hbm>>
    %dma_wait3A_185 = tpu.memref_squeeze %dma_wait3A_184 : memref<1x1x1x80xi32, #tpu.memory_space<hbm>> -> memref<1x80xi32, #tpu.memory_space<hbm>>
    tpu.wait_dma2 semaphore(%dma_wait3A_177 : memref<!tpu.dma_semaphore, #tpu.memory_space<semaphore_mem>>) src(%dma_wait3A_185 : memref<1x80xi32, #tpu.memory_space<hbm>>) dst(%dma_wait3A_181 : memref<1x80xi32, #tpu.memory_space<vmem>>)
    %dma_wait3A_186 = arith.constant 0 : i32
    %dma_wait3A_187 = arith.constant 0 : i32
    %dma_wait3A_188 = arith.constant 0 : i32
    %dma_wait3A_189 = arith.constant 0 : i32
    %dma_wait3A_190 = arith.constant 0 : i32
    %dma_wait3A_191 = arith.constant 0 : i32
    %dma_wait3A_192 = tpu.memref_slice %arg9[%dma_wait3A_186, %dma_wait3A_190, %dma_wait3A_191] : memref<3x80x128xf32, #tpu.memory_space<vmem>> -> memref<1x80x128xf32, #tpu.memory_space<vmem>>
    %dma_wait3A_193 = tpu.memref_squeeze %dma_wait3A_192 : memref<1x80x128xf32, #tpu.memory_space<vmem>> -> memref<80x128xf32, #tpu.memory_space<vmem>>
    %dma_wait3A_194 = arith.constant 0 : i32
    %dma_wait3A_195 = tpu.memref_slice %arg10[%dma_wait3A_187, %dma_wait3A_188, %dma_wait3A_194] : memref<3x1x80xi32, #tpu.memory_space<vmem>> -> memref<1x1x80xi32, #tpu.memory_space<vmem>>
    %dma_wait3A_196 = tpu.memref_squeeze %dma_wait3A_195 : memref<1x1x80xi32, #tpu.memory_space<vmem>> -> memref<80xi32, #tpu.memory_space<vmem>>
    %dma_wait3A_197 = arith.constant 0 : i32
    %dma_wait3A_198 = arith.constant 0 : i32
    %dma_wait3A_199 = tpu.memref_slice %arg7[%dma_wait3A_197, %dma_wait3A_198] : memref<10240x128xf32, #tpu.memory_space<vmem_shared>> -> memref<10240x128xf32, #tpu.memory_space<vmem_shared>>
    %dma_wait3A_200 = tpu.memref_slice %arg13[%dma_wait3A_189] : memref<3x!tpu.dma_semaphore, #tpu.memory_space<semaphore_mem>> -> memref<1x!tpu.dma_semaphore, #tpu.memory_space<semaphore_mem>>
    %dma_wait3A_201 = tpu.memref_squeeze %dma_wait3A_200 : memref<1x!tpu.dma_semaphore, #tpu.memory_space<semaphore_mem>> -> memref<!tpu.dma_semaphore, #tpu.memory_space<semaphore_mem>>
    tpu.wait_indirect_dma semaphore(%dma_wait3A_201 : memref<!tpu.dma_semaphore, #tpu.memory_space<semaphore_mem>>) src(%dma_wait3A_193 : memref<80x128xf32, #tpu.memory_space<vmem>>) dst(%dma_wait3A_199 : memref<10240x128xf32, #tpu.memory_space<vmem_shared>>)
    %dma_start3A_202 = arith.constant 1 : i32
    %dma_start3A_203 = arith.constant 1 : i32
    %dma_start3A_204 = arith.constant 0 : i32
    %dma_start3A_205 = arith.constant 1 : i32
    %dma_start3A_206 = arith.constant 0 : i32
    %dma_start3A_207 = arith.constant 0 : i32
    %dma_start3A_208 = tpu.memref_slice %arg9[%dma_start3A_202, %dma_start3A_206, %dma_start3A_207] : memref<3x80x128xf32, #tpu.memory_space<vmem>> -> memref<1x80x128xf32, #tpu.memory_space<vmem>>
    %dma_start3A_209 = tpu.memref_squeeze %dma_start3A_208 : memref<1x80x128xf32, #tpu.memory_space<vmem>> -> memref<80x128xf32, #tpu.memory_space<vmem>>
    %dma_start3A_210 = arith.constant 0 : i32
    %dma_start3A_211 = tpu.memref_slice %arg10[%dma_start3A_203, %dma_start3A_204, %dma_start3A_210] : memref<3x1x80xi32, #tpu.memory_space<vmem>> -> memref<1x1x80xi32, #tpu.memory_space<vmem>>
    %dma_start3A_212 = tpu.memref_squeeze %dma_start3A_211 : memref<1x1x80xi32, #tpu.memory_space<vmem>> -> memref<80xi32, #tpu.memory_space<vmem>>
    %dma_start3A_213 = arith.constant 0 : i32
    %dma_start3A_214 = arith.constant 0 : i32
    %dma_start3A_215 = tpu.memref_slice %arg7[%dma_start3A_213, %dma_start3A_214] : memref<10240x128xf32, #tpu.memory_space<vmem_shared>> -> memref<10240x128xf32, #tpu.memory_space<vmem_shared>>
    %dma_start3A_216 = tpu.memref_slice %arg13[%dma_start3A_205] : memref<3x!tpu.dma_semaphore, #tpu.memory_space<semaphore_mem>> -> memref<1x!tpu.dma_semaphore, #tpu.memory_space<semaphore_mem>>
    %dma_start3A_217 = tpu.memref_squeeze %dma_start3A_216 : memref<1x!tpu.dma_semaphore, #tpu.memory_space<semaphore_mem>> -> memref<!tpu.dma_semaphore, #tpu.memory_space<semaphore_mem>>
    tpu.enqueue_indirect_dma source(%dma_start3A_209 : memref<80x128xf32, #tpu.memory_space<vmem>>) target(%dma_start3A_215 : memref<10240x128xf32, #tpu.memory_space<vmem_shared>>) offsets(%dma_start3A_212 : memref<80xi32, #tpu.memory_space<vmem>>) semaphore(%dma_start3A_217 : memref<!tpu.dma_semaphore, #tpu.memory_space<semaphore_mem>>) {add = true}
    %dma_wait3A_218 = arith.constant 1 : i32
    %dma_wait3A_219 = arith.constant 1 : i32
    %dma_wait3A_220 = arith.constant 0 : i32
    %dma_wait3A_221 = arith.constant 1 : i32
    %dma_wait3A_222 = arith.constant 0 : i32
    %dma_wait3A_223 = arith.constant 0 : i32
    %dma_wait3A_224 = tpu.memref_slice %arg9[%dma_wait3A_218, %dma_wait3A_222, %dma_wait3A_223] : memref<3x80x128xf32, #tpu.memory_space<vmem>> -> memref<1x80x128xf32, #tpu.memory_space<vmem>>
    %dma_wait3A_225 = tpu.memref_squeeze %dma_wait3A_224 : memref<1x80x128xf32, #tpu.memory_space<vmem>> -> memref<80x128xf32, #tpu.memory_space<vmem>>
    %dma_wait3A_226 = arith.constant 0 : i32
    %dma_wait3A_227 = tpu.memref_slice %arg10[%dma_wait3A_219, %dma_wait3A_220, %dma_wait3A_226] : memref<3x1x80xi32, #tpu.memory_space<vmem>> -> memref<1x1x80xi32, #tpu.memory_space<vmem>>
    %dma_wait3A_228 = tpu.memref_squeeze %dma_wait3A_227 : memref<1x1x80xi32, #tpu.memory_space<vmem>> -> memref<80xi32, #tpu.memory_space<vmem>>
    %dma_wait3A_229 = arith.constant 0 : i32
    %dma_wait3A_230 = arith.constant 0 : i32
    %dma_wait3A_231 = tpu.memref_slice %arg7[%dma_wait3A_229, %dma_wait3A_230] : memref<10240x128xf32, #tpu.memory_space<vmem_shared>> -> memref<10240x128xf32, #tpu.memory_space<vmem_shared>>
    %dma_wait3A_232 = tpu.memref_slice %arg13[%dma_wait3A_221] : memref<3x!tpu.dma_semaphore, #tpu.memory_space<semaphore_mem>> -> memref<1x!tpu.dma_semaphore, #tpu.memory_space<semaphore_mem>>
    %dma_wait3A_233 = tpu.memref_squeeze %dma_wait3A_232 : memref<1x!tpu.dma_semaphore, #tpu.memory_space<semaphore_mem>> -> memref<!tpu.dma_semaphore, #tpu.memory_space<semaphore_mem>>
    tpu.wait_indirect_dma semaphore(%dma_wait3A_233 : memref<!tpu.dma_semaphore, #tpu.memory_space<semaphore_mem>>) src(%dma_wait3A_225 : memref<80x128xf32, #tpu.memory_space<vmem>>) dst(%dma_wait3A_231 : memref<10240x128xf32, #tpu.memory_space<vmem_shared>>)
    %barrier3A_234 = arith.constant 0 : index
    tpu.barrier barrier_id(%barrier3A_234)
    %mul3A_235 = arith.constant 640 : i32
    %mul3A_236 = arith.muli %arg1, %mul3A_235 : i32
    %mul3A_237 = arith.constant 640 : i32
    %mul3A_238 = arith.muli %arg1, %mul3A_237 : i32
    "tpu.region"() ({
      %run_scoped3A = tpu.sem_alloc : memref<!tpu.dma_semaphore, #tpu.memory_space<semaphore_mem>>
      %dma_start3A_239 = arith.constant 0 : i32
      %dma_start3A_240 = tpu.memref_slice %arg6[%arg0, %mul3A_238, %dma_start3A_239] : memref<2x10240x128xf32, #tpu.memory_space<hbm>> -> memref<1x640x128xf32, #tpu.memory_space<hbm>>
      %dma_start3A_241 = tpu.memref_squeeze %dma_start3A_240 : memref<1x640x128xf32, #tpu.memory_space<hbm>> -> memref<640x128xf32, #tpu.memory_space<hbm>>
      %dma_start3A_242 = arith.constant 0 : i32
      %dma_start3A_243 = tpu.memref_slice %arg7[%mul3A_236, %dma_start3A_242] : memref<10240x128xf32, #tpu.memory_space<vmem_shared>> -> memref<640x128xf32, #tpu.memory_space<vmem_shared>>
      tpu.enqueue_dma source(%dma_start3A_243 : memref<640x128xf32, #tpu.memory_space<vmem_shared>>) target(%dma_start3A_241 : memref<640x128xf32, #tpu.memory_space<hbm>>) target_semaphore(%run_scoped3A : memref<!tpu.dma_semaphore, #tpu.memory_space<semaphore_mem>>)
      %dma_wait3A_244 = arith.constant 0 : i32
      %dma_wait3A_245 = tpu.memref_slice %arg6[%arg0, %mul3A_238, %dma_wait3A_244] : memref<2x10240x128xf32, #tpu.memory_space<hbm>> -> memref<1x640x128xf32, #tpu.memory_space<hbm>>
      %dma_wait3A_246 = tpu.memref_squeeze %dma_wait3A_245 : memref<1x640x128xf32, #tpu.memory_space<hbm>> -> memref<640x128xf32, #tpu.memory_space<hbm>>
      %dma_wait3A_247 = arith.constant 0 : i32
      %dma_wait3A_248 = tpu.memref_slice %arg7[%mul3A_236, %dma_wait3A_247] : memref<10240x128xf32, #tpu.memory_space<vmem_shared>> -> memref<640x128xf32, #tpu.memory_space<vmem_shared>>
      tpu.wait_dma2 semaphore(%run_scoped3A : memref<!tpu.dma_semaphore, #tpu.memory_space<semaphore_mem>>) src(%dma_wait3A_248 : memref<640x128xf32, #tpu.memory_space<vmem_shared>>) dst(%dma_wait3A_246 : memref<640x128xf32, #tpu.memory_space<hbm>>)
      tpu.yield
    }) : () -> ()
    return
  }
}

#map = affine_map<(d0, d1) -> (0, 0)>
#map1 = affine_map<(d0, d1) -> (0, 0, 0)>
#map2 = affine_map<(d0, d1) -> (0, 0, 0, 0)>
module attributes {stable_mosaic.version = 14 : i64} {
  func.func @_agg_body(%arg0: i32, %arg1: i32, %arg2: memref<10240x128xf32, #tpu.memory_space<hbm>>, %arg3: memref<32x125x80xi32, #tpu.memory_space<hbm>>, %arg4: memref<32x125x1x80xi32, #tpu.memory_space<hbm>>, %arg5: memref<640x128xf32, #tpu.memory_space<hbm>>, %arg6: memref<2x10240x128xf32, #tpu.memory_space<hbm>>, %arg7: memref<10240x128xf32, #tpu.memory_space<vmem_shared>>, %arg8: memref<125x80xi32, #tpu.memory_space<vmem>>, %arg9: memref<3x80x128xf32, #tpu.memory_space<vmem>>, %arg10: memref<3x1x80xi32, #tpu.memory_space<vmem>>, %arg11: memref<3x!tpu.dma_semaphore, #tpu.memory_space<semaphore_mem>>, %arg12: memref<3x!tpu.dma_semaphore, #tpu.memory_space<semaphore_mem>>, %arg13: memref<3x!tpu.dma_semaphore, #tpu.memory_space<semaphore_mem>>, %arg14: memref<!tpu.dma_semaphore, #tpu.memory_space<semaphore_mem>>) attributes {dimension_semantics = [#tpu.dimension_semantics<core_parallel>, #tpu.dimension_semantics<subcore_parallel>], iteration_bounds = array<i64: 2, 16>, scalar_prefetch = 0 : i64, scratch_operands = 8 : i64, tpu.core_type = #tpu.core_type<sc_vector_subcore>, window_params = [{transform_indices = #map}, {transform_indices = #map1}, {transform_indices = #map2}, {transform_indices = #map}, {transform_indices = #map1}]} {
    %mul3A = arith.constant 16 : i32
    %mul3A_0 = arith.muli %arg0, %mul3A : i32
    %add3A = arith.addi %mul3A_0, %arg1 : i32
    %mul3A_1 = arith.constant 640 : i32
    %mul3A_2 = arith.muli %arg1, %mul3A_1 : i32
    %dma_start3A = arith.constant 0 : i32
    %dma_start3A_3 = tpu.memref_slice %arg7[%mul3A_2, %dma_start3A] : memref<10240x128xf32, #tpu.memory_space<vmem_shared>> -> memref<640x128xf32, #tpu.memory_space<vmem_shared>>
    tpu.enqueue_dma source(%arg5 : memref<640x128xf32, #tpu.memory_space<hbm>>) target(%dma_start3A_3 : memref<640x128xf32, #tpu.memory_space<vmem_shared>>) target_semaphore(%arg14 : memref<!tpu.dma_semaphore, #tpu.memory_space<semaphore_mem>>)
    "tpu.region"() ({
      %run_scoped3A = tpu.sem_alloc : memref<!tpu.dma_semaphore, #tpu.memory_space<semaphore_mem>>
      %dma_start3A_239 = arith.constant 0 : i32
      %dma_start3A_240 = arith.constant 0 : i32
      %dma_start3A_241 = tpu.memref_slice %arg3[%add3A, %dma_start3A_239, %dma_start3A_240] : memref<32x125x80xi32, #tpu.memory_space<hbm>> -> memref<1x125x80xi32, #tpu.memory_space<hbm>>
      %dma_start3A_242 = tpu.memref_squeeze %dma_start3A_241 : memref<1x125x80xi32, #tpu.memory_space<hbm>> -> memref<125x80xi32, #tpu.memory_space<hbm>>
      %dma_start3A_243 = arith.constant 0 : i32
      %dma_start3A_244 = arith.constant 0 : i32
      %dma_start3A_245 = tpu.memref_slice %arg3[%add3A, %dma_start3A_243, %dma_start3A_244] : memref<32x125x80xi32, #tpu.memory_space<hbm>> -> memref<1x125x80xi32, #tpu.memory_space<hbm>>
      %dma_start3A_246 = tpu.memref_squeeze %dma_start3A_245 : memref<1x125x80xi32, #tpu.memory_space<hbm>> -> memref<125x80xi32, #tpu.memory_space<hbm>>
      tpu.enqueue_dma source(%dma_start3A_246 : memref<125x80xi32, #tpu.memory_space<hbm>>) target(%arg8 : memref<125x80xi32, #tpu.memory_space<vmem>>) target_semaphore(%run_scoped3A : memref<!tpu.dma_semaphore, #tpu.memory_space<semaphore_mem>>)
      %dma_wait3A_247 = arith.constant 0 : i32
      %dma_wait3A_248 = arith.constant 0 : i32
      %dma_wait3A_249 = tpu.memref_slice %arg3[%add3A, %dma_wait3A_247, %dma_wait3A_248] : memref<32x125x80xi32, #tpu.memory_space<hbm>> -> memref<1x125x80xi32, #tpu.memory_space<hbm>>
      %dma_wait3A_250 = tpu.memref_squeeze %dma_wait3A_249 : memref<1x125x80xi32, #tpu.memory_space<hbm>> -> memref<125x80xi32, #tpu.memory_space<hbm>>
      %dma_wait3A_251 = arith.constant 0 : i32
      %dma_wait3A_252 = arith.constant 0 : i32
      %dma_wait3A_253 = tpu.memref_slice %arg3[%add3A, %dma_wait3A_251, %dma_wait3A_252] : memref<32x125x80xi32, #tpu.memory_space<hbm>> -> memref<1x125x80xi32, #tpu.memory_space<hbm>>
      %dma_wait3A_254 = tpu.memref_squeeze %dma_wait3A_253 : memref<1x125x80xi32, #tpu.memory_space<hbm>> -> memref<125x80xi32, #tpu.memory_space<hbm>>
      tpu.wait_dma2 semaphore(%run_scoped3A : memref<!tpu.dma_semaphore, #tpu.memory_space<semaphore_mem>>) src(%dma_wait3A_254 : memref<125x80xi32, #tpu.memory_space<hbm>>) dst(%arg8 : memref<125x80xi32, #tpu.memory_space<vmem>>)
      tpu.yield
    }) : () -> ()
    %dma_start3A_4 = arith.constant 0 : i32
    %dma_start3A_5 = arith.constant 0 : i32
    %dma_start3A_6 = arith.constant 0 : i32
    %dma_start3A_7 = arith.constant 0 : i32
    %dma_start3A_8 = arith.constant 0 : i32
    %dma_start3A_9 = tpu.memref_slice %arg9[%dma_start3A_5, %dma_start3A_7, %dma_start3A_8] : memref<3x80x128xf32, #tpu.memory_space<vmem>> -> memref<1x80x128xf32, #tpu.memory_space<vmem>>
    %dma_start3A_10 = tpu.memref_squeeze %dma_start3A_9 : memref<1x80x128xf32, #tpu.memory_space<vmem>> -> memref<80x128xf32, #tpu.memory_space<vmem>>
    %dma_start3A_11 = arith.constant 0 : i32
    %dma_start3A_12 = tpu.memref_slice %arg8[%dma_start3A_4, %dma_start3A_11] : memref<125x80xi32, #tpu.memory_space<vmem>> -> memref<1x80xi32, #tpu.memory_space<vmem>>
    %dma_start3A_13 = tpu.memref_squeeze %dma_start3A_12 : memref<1x80xi32, #tpu.memory_space<vmem>> -> memref<80xi32, #tpu.memory_space<vmem>>
    %dma_start3A_14 = arith.constant 0 : i32
    %dma_start3A_15 = arith.constant 0 : i32
    %dma_start3A_16 = tpu.memref_slice %arg2[%dma_start3A_14, %dma_start3A_15] : memref<10240x128xf32, #tpu.memory_space<hbm>> -> memref<10240x128xf32, #tpu.memory_space<hbm>>
    %dma_start3A_17 = tpu.memref_slice %arg11[%dma_start3A_6] : memref<3x!tpu.dma_semaphore, #tpu.memory_space<semaphore_mem>> -> memref<1x!tpu.dma_semaphore, #tpu.memory_space<semaphore_mem>>
    %dma_start3A_18 = tpu.memref_squeeze %dma_start3A_17 : memref<1x!tpu.dma_semaphore, #tpu.memory_space<semaphore_mem>> -> memref<!tpu.dma_semaphore, #tpu.memory_space<semaphore_mem>>
    tpu.enqueue_indirect_dma source(%dma_start3A_16 : memref<10240x128xf32, #tpu.memory_space<hbm>>) target(%dma_start3A_10 : memref<80x128xf32, #tpu.memory_space<vmem>>) offsets(%dma_start3A_13 : memref<80xi32, #tpu.memory_space<vmem>>) semaphore(%dma_start3A_18 : memref<!tpu.dma_semaphore, #tpu.memory_space<semaphore_mem>>)
    %dma_start3A_19 = arith.constant 0 : i32
    %dma_start3A_20 = arith.constant 0 : i32
    %dma_start3A_21 = arith.constant 0 : i32
    %dma_start3A_22 = arith.constant 0 : i32
    %dma_start3A_23 = arith.constant 0 : i32
    %dma_start3A_24 = tpu.memref_slice %arg10[%dma_start3A_20, %dma_start3A_22, %dma_start3A_23] : memref<3x1x80xi32, #tpu.memory_space<vmem>> -> memref<1x1x80xi32, #tpu.memory_space<vmem>>
    %dma_start3A_25 = tpu.memref_squeeze %dma_start3A_24 : memref<1x1x80xi32, #tpu.memory_space<vmem>> -> memref<1x80xi32, #tpu.memory_space<vmem>>
    %dma_start3A_26 = arith.constant 0 : i32
    %dma_start3A_27 = arith.constant 0 : i32
    %dma_start3A_28 = tpu.memref_slice %arg4[%add3A, %dma_start3A_19, %dma_start3A_26, %dma_start3A_27] : memref<32x125x1x80xi32, #tpu.memory_space<hbm>> -> memref<1x1x1x80xi32, #tpu.memory_space<hbm>>
    %dma_start3A_29 = tpu.memref_squeeze %dma_start3A_28 : memref<1x1x1x80xi32, #tpu.memory_space<hbm>> -> memref<1x80xi32, #tpu.memory_space<hbm>>
    %dma_start3A_30 = tpu.memref_slice %arg12[%dma_start3A_21] : memref<3x!tpu.dma_semaphore, #tpu.memory_space<semaphore_mem>> -> memref<1x!tpu.dma_semaphore, #tpu.memory_space<semaphore_mem>>
    %dma_start3A_31 = tpu.memref_squeeze %dma_start3A_30 : memref<1x!tpu.dma_semaphore, #tpu.memory_space<semaphore_mem>> -> memref<!tpu.dma_semaphore, #tpu.memory_space<semaphore_mem>>
    %dma_start3A_32 = arith.constant 0 : i32
    %dma_start3A_33 = arith.constant 0 : i32
    %dma_start3A_34 = tpu.memref_slice %arg10[%dma_start3A_20, %dma_start3A_32, %dma_start3A_33] : memref<3x1x80xi32, #tpu.memory_space<vmem>> -> memref<1x1x80xi32, #tpu.memory_space<vmem>>
    %dma_start3A_35 = tpu.memref_squeeze %dma_start3A_34 : memref<1x1x80xi32, #tpu.memory_space<vmem>> -> memref<1x80xi32, #tpu.memory_space<vmem>>
    %dma_start3A_36 = arith.constant 0 : i32
    %dma_start3A_37 = arith.constant 0 : i32
    %dma_start3A_38 = tpu.memref_slice %arg4[%add3A, %dma_start3A_19, %dma_start3A_36, %dma_start3A_37] : memref<32x125x1x80xi32, #tpu.memory_space<hbm>> -> memref<1x1x1x80xi32, #tpu.memory_space<hbm>>
    %dma_start3A_39 = tpu.memref_squeeze %dma_start3A_38 : memref<1x1x1x80xi32, #tpu.memory_space<hbm>> -> memref<1x80xi32, #tpu.memory_space<hbm>>
    tpu.enqueue_dma source(%dma_start3A_39 : memref<1x80xi32, #tpu.memory_space<hbm>>) target(%dma_start3A_35 : memref<1x80xi32, #tpu.memory_space<vmem>>) target_semaphore(%dma_start3A_31 : memref<!tpu.dma_semaphore, #tpu.memory_space<semaphore_mem>>)
    %dma_start3A_40 = arith.constant 1 : i32
    %dma_start3A_41 = arith.constant 1 : i32
    %dma_start3A_42 = arith.constant 1 : i32
    %dma_start3A_43 = arith.constant 0 : i32
    %dma_start3A_44 = arith.constant 0 : i32
    %dma_start3A_45 = tpu.memref_slice %arg9[%dma_start3A_41, %dma_start3A_43, %dma_start3A_44] : memref<3x80x128xf32, #tpu.memory_space<vmem>> -> memref<1x80x128xf32, #tpu.memory_space<vmem>>
    %dma_start3A_46 = tpu.memref_squeeze %dma_start3A_45 : memref<1x80x128xf32, #tpu.memory_space<vmem>> -> memref<80x128xf32, #tpu.memory_space<vmem>>
    %dma_start3A_47 = arith.constant 0 : i32
    %dma_start3A_48 = tpu.memref_slice %arg8[%dma_start3A_40, %dma_start3A_47] : memref<125x80xi32, #tpu.memory_space<vmem>> -> memref<1x80xi32, #tpu.memory_space<vmem>>
    %dma_start3A_49 = tpu.memref_squeeze %dma_start3A_48 : memref<1x80xi32, #tpu.memory_space<vmem>> -> memref<80xi32, #tpu.memory_space<vmem>>
    %dma_start3A_50 = arith.constant 0 : i32
    %dma_start3A_51 = arith.constant 0 : i32
    %dma_start3A_52 = tpu.memref_slice %arg2[%dma_start3A_50, %dma_start3A_51] : memref<10240x128xf32, #tpu.memory_space<hbm>> -> memref<10240x128xf32, #tpu.memory_space<hbm>>
    %dma_start3A_53 = tpu.memref_slice %arg11[%dma_start3A_42] : memref<3x!tpu.dma_semaphore, #tpu.memory_space<semaphore_mem>> -> memref<1x!tpu.dma_semaphore, #tpu.memory_space<semaphore_mem>>
    %dma_start3A_54 = tpu.memref_squeeze %dma_start3A_53 : memref<1x!tpu.dma_semaphore, #tpu.memory_space<semaphore_mem>> -> memref<!tpu.dma_semaphore, #tpu.memory_space<semaphore_mem>>
    tpu.enqueue_indirect_dma source(%dma_start3A_52 : memref<10240x128xf32, #tpu.memory_space<hbm>>) target(%dma_start3A_46 : memref<80x128xf32, #tpu.memory_space<vmem>>) offsets(%dma_start3A_49 : memref<80xi32, #tpu.memory_space<vmem>>) semaphore(%dma_start3A_54 : memref<!tpu.dma_semaphore, #tpu.memory_space<semaphore_mem>>)
    %dma_start3A_55 = arith.constant 1 : i32
    %dma_start3A_56 = arith.constant 1 : i32
    %dma_start3A_57 = arith.constant 1 : i32
    %dma_start3A_58 = arith.constant 0 : i32
    %dma_start3A_59 = arith.constant 0 : i32
    %dma_start3A_60 = tpu.memref_slice %arg10[%dma_start3A_56, %dma_start3A_58, %dma_start3A_59] : memref<3x1x80xi32, #tpu.memory_space<vmem>> -> memref<1x1x80xi32, #tpu.memory_space<vmem>>
    %dma_start3A_61 = tpu.memref_squeeze %dma_start3A_60 : memref<1x1x80xi32, #tpu.memory_space<vmem>> -> memref<1x80xi32, #tpu.memory_space<vmem>>
    %dma_start3A_62 = arith.constant 0 : i32
    %dma_start3A_63 = arith.constant 0 : i32
    %dma_start3A_64 = tpu.memref_slice %arg4[%add3A, %dma_start3A_55, %dma_start3A_62, %dma_start3A_63] : memref<32x125x1x80xi32, #tpu.memory_space<hbm>> -> memref<1x1x1x80xi32, #tpu.memory_space<hbm>>
    %dma_start3A_65 = tpu.memref_squeeze %dma_start3A_64 : memref<1x1x1x80xi32, #tpu.memory_space<hbm>> -> memref<1x80xi32, #tpu.memory_space<hbm>>
    %dma_start3A_66 = tpu.memref_slice %arg12[%dma_start3A_57] : memref<3x!tpu.dma_semaphore, #tpu.memory_space<semaphore_mem>> -> memref<1x!tpu.dma_semaphore, #tpu.memory_space<semaphore_mem>>
    %dma_start3A_67 = tpu.memref_squeeze %dma_start3A_66 : memref<1x!tpu.dma_semaphore, #tpu.memory_space<semaphore_mem>> -> memref<!tpu.dma_semaphore, #tpu.memory_space<semaphore_mem>>
    %dma_start3A_68 = arith.constant 0 : i32
    %dma_start3A_69 = arith.constant 0 : i32
    %dma_start3A_70 = tpu.memref_slice %arg10[%dma_start3A_56, %dma_start3A_68, %dma_start3A_69] : memref<3x1x80xi32, #tpu.memory_space<vmem>> -> memref<1x1x80xi32, #tpu.memory_space<vmem>>
    %dma_start3A_71 = tpu.memref_squeeze %dma_start3A_70 : memref<1x1x80xi32, #tpu.memory_space<vmem>> -> memref<1x80xi32, #tpu.memory_space<vmem>>
    %dma_start3A_72 = arith.constant 0 : i32
    %dma_start3A_73 = arith.constant 0 : i32
    %dma_start3A_74 = tpu.memref_slice %arg4[%add3A, %dma_start3A_55, %dma_start3A_72, %dma_start3A_73] : memref<32x125x1x80xi32, #tpu.memory_space<hbm>> -> memref<1x1x1x80xi32, #tpu.memory_space<hbm>>
    %dma_start3A_75 = tpu.memref_squeeze %dma_start3A_74 : memref<1x1x1x80xi32, #tpu.memory_space<hbm>> -> memref<1x80xi32, #tpu.memory_space<hbm>>
    tpu.enqueue_dma source(%dma_start3A_75 : memref<1x80xi32, #tpu.memory_space<hbm>>) target(%dma_start3A_71 : memref<1x80xi32, #tpu.memory_space<vmem>>) target_semaphore(%dma_start3A_67 : memref<!tpu.dma_semaphore, #tpu.memory_space<semaphore_mem>>)
    %dma_wait3A = arith.constant 0 : i32
    %dma_wait3A_76 = tpu.memref_slice %arg7[%mul3A_2, %dma_wait3A] : memref<10240x128xf32, #tpu.memory_space<vmem_shared>> -> memref<640x128xf32, #tpu.memory_space<vmem_shared>>
    tpu.wait_dma2 semaphore(%arg14 : memref<!tpu.dma_semaphore, #tpu.memory_space<semaphore_mem>>) src(%arg5 : memref<640x128xf32, #tpu.memory_space<hbm>>) dst(%dma_wait3A_76 : memref<640x128xf32, #tpu.memory_space<vmem_shared>>)
    %barrier3A = arith.constant 0 : index
    tpu.barrier barrier_id(%barrier3A)
    %scan3A = arith.constant 0 : i32
    %scan3A_77 = arith.constant 0 : i32
    %scan3A_78 = arith.constant 41 : i32
    %scan3A_79 = arith.addi %scan3A_77, %scan3A_78 : i32
    %scan3A_80 = arith.constant 1 : i32
    scf.for %scan3A_239 = %scan3A_77 to %scan3A_79 step %scan3A_80  : i32 {
      %mul3A_240 = arith.constant 3 : i32
      %mul3A_241 = arith.muli %scan3A_239, %mul3A_240 : i32
      %add3A_242 = arith.constant 0 : i32
      %add3A_243 = arith.addi %mul3A_241, %add3A_242 : i32
      %dma_wait3A_244 = arith.constant 0 : i32
      %dma_wait3A_245 = arith.constant 0 : i32
      %dma_wait3A_246 = arith.constant 0 : i32
      %dma_wait3A_247 = arith.constant 0 : i32
      %dma_wait3A_248 = tpu.memref_slice %arg9[%dma_wait3A_244, %dma_wait3A_246, %dma_wait3A_247] : memref<3x80x128xf32, #tpu.memory_space<vmem>> -> memref<1x80x128xf32, #tpu.memory_space<vmem>>
      %dma_wait3A_249 = tpu.memref_squeeze %dma_wait3A_248 : memref<1x80x128xf32, #tpu.memory_space<vmem>> -> memref<80x128xf32, #tpu.memory_space<vmem>>
      %dma_wait3A_250 = arith.constant 0 : i32
      %dma_wait3A_251 = tpu.memref_slice %arg8[%add3A_243, %dma_wait3A_250] : memref<125x80xi32, #tpu.memory_space<vmem>> -> memref<1x80xi32, #tpu.memory_space<vmem>>
      %dma_wait3A_252 = tpu.memref_squeeze %dma_wait3A_251 : memref<1x80xi32, #tpu.memory_space<vmem>> -> memref<80xi32, #tpu.memory_space<vmem>>
      %dma_wait3A_253 = arith.constant 0 : i32
      %dma_wait3A_254 = arith.constant 0 : i32
      %dma_wait3A_255 = tpu.memref_slice %arg2[%dma_wait3A_253, %dma_wait3A_254] : memref<10240x128xf32, #tpu.memory_space<hbm>> -> memref<10240x128xf32, #tpu.memory_space<hbm>>
      %dma_wait3A_256 = tpu.memref_slice %arg11[%dma_wait3A_245] : memref<3x!tpu.dma_semaphore, #tpu.memory_space<semaphore_mem>> -> memref<1x!tpu.dma_semaphore, #tpu.memory_space<semaphore_mem>>
      %dma_wait3A_257 = tpu.memref_squeeze %dma_wait3A_256 : memref<1x!tpu.dma_semaphore, #tpu.memory_space<semaphore_mem>> -> memref<!tpu.dma_semaphore, #tpu.memory_space<semaphore_mem>>
      tpu.wait_indirect_dma semaphore(%dma_wait3A_257 : memref<!tpu.dma_semaphore, #tpu.memory_space<semaphore_mem>>) src(%dma_wait3A_255 : memref<10240x128xf32, #tpu.memory_space<hbm>>) dst(%dma_wait3A_249 : memref<80x128xf32, #tpu.memory_space<vmem>>)
      %dma_wait3A_258 = arith.constant 0 : i32
      %dma_wait3A_259 = arith.constant 0 : i32
      %dma_wait3A_260 = arith.constant 0 : i32
      %dma_wait3A_261 = arith.constant 0 : i32
      %dma_wait3A_262 = tpu.memref_slice %arg10[%dma_wait3A_258, %dma_wait3A_260, %dma_wait3A_261] : memref<3x1x80xi32, #tpu.memory_space<vmem>> -> memref<1x1x80xi32, #tpu.memory_space<vmem>>
      %dma_wait3A_263 = tpu.memref_squeeze %dma_wait3A_262 : memref<1x1x80xi32, #tpu.memory_space<vmem>> -> memref<1x80xi32, #tpu.memory_space<vmem>>
      %dma_wait3A_264 = arith.constant 0 : i32
      %dma_wait3A_265 = arith.constant 0 : i32
      %dma_wait3A_266 = tpu.memref_slice %arg4[%add3A, %add3A_243, %dma_wait3A_264, %dma_wait3A_265] : memref<32x125x1x80xi32, #tpu.memory_space<hbm>> -> memref<1x1x1x80xi32, #tpu.memory_space<hbm>>
      %dma_wait3A_267 = tpu.memref_squeeze %dma_wait3A_266 : memref<1x1x1x80xi32, #tpu.memory_space<hbm>> -> memref<1x80xi32, #tpu.memory_space<hbm>>
      %dma_wait3A_268 = tpu.memref_slice %arg12[%dma_wait3A_259] : memref<3x!tpu.dma_semaphore, #tpu.memory_space<semaphore_mem>> -> memref<1x!tpu.dma_semaphore, #tpu.memory_space<semaphore_mem>>
      %dma_wait3A_269 = tpu.memref_squeeze %dma_wait3A_268 : memref<1x!tpu.dma_semaphore, #tpu.memory_space<semaphore_mem>> -> memref<!tpu.dma_semaphore, #tpu.memory_space<semaphore_mem>>
      %dma_wait3A_270 = arith.constant 0 : i32
      %dma_wait3A_271 = arith.constant 0 : i32
      %dma_wait3A_272 = tpu.memref_slice %arg10[%dma_wait3A_258, %dma_wait3A_270, %dma_wait3A_271] : memref<3x1x80xi32, #tpu.memory_space<vmem>> -> memref<1x1x80xi32, #tpu.memory_space<vmem>>
      %dma_wait3A_273 = tpu.memref_squeeze %dma_wait3A_272 : memref<1x1x80xi32, #tpu.memory_space<vmem>> -> memref<1x80xi32, #tpu.memory_space<vmem>>
      %dma_wait3A_274 = arith.constant 0 : i32
      %dma_wait3A_275 = arith.constant 0 : i32
      %dma_wait3A_276 = tpu.memref_slice %arg4[%add3A, %add3A_243, %dma_wait3A_274, %dma_wait3A_275] : memref<32x125x1x80xi32, #tpu.memory_space<hbm>> -> memref<1x1x1x80xi32, #tpu.memory_space<hbm>>
      %dma_wait3A_277 = tpu.memref_squeeze %dma_wait3A_276 : memref<1x1x1x80xi32, #tpu.memory_space<hbm>> -> memref<1x80xi32, #tpu.memory_space<hbm>>
      tpu.wait_dma2 semaphore(%dma_wait3A_269 : memref<!tpu.dma_semaphore, #tpu.memory_space<semaphore_mem>>) src(%dma_wait3A_277 : memref<1x80xi32, #tpu.memory_space<hbm>>) dst(%dma_wait3A_273 : memref<1x80xi32, #tpu.memory_space<vmem>>)
      %dma_start3A_278 = arith.constant 0 : i32
      %dma_start3A_279 = arith.constant 0 : i32
      %dma_start3A_280 = arith.constant 0 : i32
      %dma_start3A_281 = arith.constant 0 : i32
      %dma_start3A_282 = arith.constant 0 : i32
      %dma_start3A_283 = arith.constant 0 : i32
      %dma_start3A_284 = tpu.memref_slice %arg9[%dma_start3A_278, %dma_start3A_282, %dma_start3A_283] : memref<3x80x128xf32, #tpu.memory_space<vmem>> -> memref<1x80x128xf32, #tpu.memory_space<vmem>>
      %dma_start3A_285 = tpu.memref_squeeze %dma_start3A_284 : memref<1x80x128xf32, #tpu.memory_space<vmem>> -> memref<80x128xf32, #tpu.memory_space<vmem>>
      %dma_start3A_286 = arith.constant 0 : i32
      %dma_start3A_287 = tpu.memref_slice %arg10[%dma_start3A_279, %dma_start3A_280, %dma_start3A_286] : memref<3x1x80xi32, #tpu.memory_space<vmem>> -> memref<1x1x80xi32, #tpu.memory_space<vmem>>
      %dma_start3A_288 = tpu.memref_squeeze %dma_start3A_287 : memref<1x1x80xi32, #tpu.memory_space<vmem>> -> memref<80xi32, #tpu.memory_space<vmem>>
      %dma_start3A_289 = arith.constant 0 : i32
      %dma_start3A_290 = arith.constant 0 : i32
      %dma_start3A_291 = tpu.memref_slice %arg7[%dma_start3A_289, %dma_start3A_290] : memref<10240x128xf32, #tpu.memory_space<vmem_shared>> -> memref<10240x128xf32, #tpu.memory_space<vmem_shared>>
      %dma_start3A_292 = tpu.memref_slice %arg13[%dma_start3A_281] : memref<3x!tpu.dma_semaphore, #tpu.memory_space<semaphore_mem>> -> memref<1x!tpu.dma_semaphore, #tpu.memory_space<semaphore_mem>>
      %dma_start3A_293 = tpu.memref_squeeze %dma_start3A_292 : memref<1x!tpu.dma_semaphore, #tpu.memory_space<semaphore_mem>> -> memref<!tpu.dma_semaphore, #tpu.memory_space<semaphore_mem>>
      tpu.enqueue_indirect_dma source(%dma_start3A_285 : memref<80x128xf32, #tpu.memory_space<vmem>>) target(%dma_start3A_291 : memref<10240x128xf32, #tpu.memory_space<vmem_shared>>) offsets(%dma_start3A_288 : memref<80xi32, #tpu.memory_space<vmem>>) semaphore(%dma_start3A_293 : memref<!tpu.dma_semaphore, #tpu.memory_space<semaphore_mem>>) {add = true}
      %ge3A = arith.constant 1 : i32
      %ge3A_294 = arith.cmpi sge, %add3A_243, %ge3A : i32
      %convert_element_type3A = arith.extui %ge3A_294 : i1 to i32
      %cond3A = arith.constant 0 : i32
      %cond3A_295 = arith.cmpi ne, %convert_element_type3A, %cond3A : i32
      scf.if %cond3A_295 {
        %dma_wait3A_522 = arith.constant 2 : i32
        %dma_wait3A_523 = arith.constant 2 : i32
        %dma_wait3A_524 = arith.constant 0 : i32
        %dma_wait3A_525 = arith.constant 2 : i32
        %dma_wait3A_526 = arith.constant 0 : i32
        %dma_wait3A_527 = arith.constant 0 : i32
        %dma_wait3A_528 = tpu.memref_slice %arg9[%dma_wait3A_522, %dma_wait3A_526, %dma_wait3A_527] : memref<3x80x128xf32, #tpu.memory_space<vmem>> -> memref<1x80x128xf32, #tpu.memory_space<vmem>>
        %dma_wait3A_529 = tpu.memref_squeeze %dma_wait3A_528 : memref<1x80x128xf32, #tpu.memory_space<vmem>> -> memref<80x128xf32, #tpu.memory_space<vmem>>
        %dma_wait3A_530 = arith.constant 0 : i32
        %dma_wait3A_531 = tpu.memref_slice %arg10[%dma_wait3A_523, %dma_wait3A_524, %dma_wait3A_530] : memref<3x1x80xi32, #tpu.memory_space<vmem>> -> memref<1x1x80xi32, #tpu.memory_space<vmem>>
        %dma_wait3A_532 = tpu.memref_squeeze %dma_wait3A_531 : memref<1x1x80xi32, #tpu.memory_space<vmem>> -> memref<80xi32, #tpu.memory_space<vmem>>
        %dma_wait3A_533 = arith.constant 0 : i32
        %dma_wait3A_534 = arith.constant 0 : i32
        %dma_wait3A_535 = tpu.memref_slice %arg7[%dma_wait3A_533, %dma_wait3A_534] : memref<10240x128xf32, #tpu.memory_space<vmem_shared>> -> memref<10240x128xf32, #tpu.memory_space<vmem_shared>>
        %dma_wait3A_536 = tpu.memref_slice %arg13[%dma_wait3A_525] : memref<3x!tpu.dma_semaphore, #tpu.memory_space<semaphore_mem>> -> memref<1x!tpu.dma_semaphore, #tpu.memory_space<semaphore_mem>>
        %dma_wait3A_537 = tpu.memref_squeeze %dma_wait3A_536 : memref<1x!tpu.dma_semaphore, #tpu.memory_space<semaphore_mem>> -> memref<!tpu.dma_semaphore, #tpu.memory_space<semaphore_mem>>
        tpu.wait_indirect_dma semaphore(%dma_wait3A_537 : memref<!tpu.dma_semaphore, #tpu.memory_space<semaphore_mem>>) src(%dma_wait3A_529 : memref<80x128xf32, #tpu.memory_space<vmem>>) dst(%dma_wait3A_535 : memref<10240x128xf32, #tpu.memory_space<vmem_shared>>)
      } else {
      }
      %add3A_296 = arith.constant 2 : i32
      %add3A_297 = arith.addi %add3A_243, %add3A_296 : i32
      %dma_start3A_298 = arith.constant 2 : i32
      %dma_start3A_299 = arith.constant 2 : i32
      %dma_start3A_300 = arith.constant 0 : i32
      %dma_start3A_301 = arith.constant 0 : i32
      %dma_start3A_302 = tpu.memref_slice %arg9[%dma_start3A_298, %dma_start3A_300, %dma_start3A_301] : memref<3x80x128xf32, #tpu.memory_space<vmem>> -> memref<1x80x128xf32, #tpu.memory_space<vmem>>
      %dma_start3A_303 = tpu.memref_squeeze %dma_start3A_302 : memref<1x80x128xf32, #tpu.memory_space<vmem>> -> memref<80x128xf32, #tpu.memory_space<vmem>>
      %dma_start3A_304 = arith.constant 0 : i32
      %dma_start3A_305 = tpu.memref_slice %arg8[%add3A_297, %dma_start3A_304] : memref<125x80xi32, #tpu.memory_space<vmem>> -> memref<1x80xi32, #tpu.memory_space<vmem>>
      %dma_start3A_306 = tpu.memref_squeeze %dma_start3A_305 : memref<1x80xi32, #tpu.memory_space<vmem>> -> memref<80xi32, #tpu.memory_space<vmem>>
      %dma_start3A_307 = arith.constant 0 : i32
      %dma_start3A_308 = arith.constant 0 : i32
      %dma_start3A_309 = tpu.memref_slice %arg2[%dma_start3A_307, %dma_start3A_308] : memref<10240x128xf32, #tpu.memory_space<hbm>> -> memref<10240x128xf32, #tpu.memory_space<hbm>>
      %dma_start3A_310 = tpu.memref_slice %arg11[%dma_start3A_299] : memref<3x!tpu.dma_semaphore, #tpu.memory_space<semaphore_mem>> -> memref<1x!tpu.dma_semaphore, #tpu.memory_space<semaphore_mem>>
      %dma_start3A_311 = tpu.memref_squeeze %dma_start3A_310 : memref<1x!tpu.dma_semaphore, #tpu.memory_space<semaphore_mem>> -> memref<!tpu.dma_semaphore, #tpu.memory_space<semaphore_mem>>
      tpu.enqueue_indirect_dma source(%dma_start3A_309 : memref<10240x128xf32, #tpu.memory_space<hbm>>) target(%dma_start3A_303 : memref<80x128xf32, #tpu.memory_space<vmem>>) offsets(%dma_start3A_306 : memref<80xi32, #tpu.memory_space<vmem>>) semaphore(%dma_start3A_311 : memref<!tpu.dma_semaphore, #tpu.memory_space<semaphore_mem>>)
      %dma_start3A_312 = arith.constant 2 : i32
      %dma_start3A_313 = arith.constant 2 : i32
      %dma_start3A_314 = arith.constant 0 : i32
      %dma_start3A_315 = arith.constant 0 : i32
      %dma_start3A_316 = tpu.memref_slice %arg10[%dma_start3A_312, %dma_start3A_314, %dma_start3A_315] : memref<3x1x80xi32, #tpu.memory_space<vmem>> -> memref<1x1x80xi32, #tpu.memory_space<vmem>>
      %dma_start3A_317 = tpu.memref_squeeze %dma_start3A_316 : memref<1x1x80xi32, #tpu.memory_space<vmem>> -> memref<1x80xi32, #tpu.memory_space<vmem>>
      %dma_start3A_318 = arith.constant 0 : i32
      %dma_start3A_319 = arith.constant 0 : i32
      %dma_start3A_320 = tpu.memref_slice %arg4[%add3A, %add3A_297, %dma_start3A_318, %dma_start3A_319] : memref<32x125x1x80xi32, #tpu.memory_space<hbm>> -> memref<1x1x1x80xi32, #tpu.memory_space<hbm>>
      %dma_start3A_321 = tpu.memref_squeeze %dma_start3A_320 : memref<1x1x1x80xi32, #tpu.memory_space<hbm>> -> memref<1x80xi32, #tpu.memory_space<hbm>>
      %dma_start3A_322 = tpu.memref_slice %arg12[%dma_start3A_313] : memref<3x!tpu.dma_semaphore, #tpu.memory_space<semaphore_mem>> -> memref<1x!tpu.dma_semaphore, #tpu.memory_space<semaphore_mem>>
      %dma_start3A_323 = tpu.memref_squeeze %dma_start3A_322 : memref<1x!tpu.dma_semaphore, #tpu.memory_space<semaphore_mem>> -> memref<!tpu.dma_semaphore, #tpu.memory_space<semaphore_mem>>
      %dma_start3A_324 = arith.constant 0 : i32
      %dma_start3A_325 = arith.constant 0 : i32
      %dma_start3A_326 = tpu.memref_slice %arg10[%dma_start3A_312, %dma_start3A_324, %dma_start3A_325] : memref<3x1x80xi32, #tpu.memory_space<vmem>> -> memref<1x1x80xi32, #tpu.memory_space<vmem>>
      %dma_start3A_327 = tpu.memref_squeeze %dma_start3A_326 : memref<1x1x80xi32, #tpu.memory_space<vmem>> -> memref<1x80xi32, #tpu.memory_space<vmem>>
      %dma_start3A_328 = arith.constant 0 : i32
      %dma_start3A_329 = arith.constant 0 : i32
      %dma_start3A_330 = tpu.memref_slice %arg4[%add3A, %add3A_297, %dma_start3A_328, %dma_start3A_329] : memref<32x125x1x80xi32, #tpu.memory_space<hbm>> -> memref<1x1x1x80xi32, #tpu.memory_space<hbm>>
      %dma_start3A_331 = tpu.memref_squeeze %dma_start3A_330 : memref<1x1x1x80xi32, #tpu.memory_space<hbm>> -> memref<1x80xi32, #tpu.memory_space<hbm>>
      tpu.enqueue_dma source(%dma_start3A_331 : memref<1x80xi32, #tpu.memory_space<hbm>>) target(%dma_start3A_327 : memref<1x80xi32, #tpu.memory_space<vmem>>) target_semaphore(%dma_start3A_323 : memref<!tpu.dma_semaphore, #tpu.memory_space<semaphore_mem>>)
      %mul3A_332 = arith.constant 3 : i32
      %mul3A_333 = arith.muli %scan3A_239, %mul3A_332 : i32
      %add3A_334 = arith.constant 1 : i32
      %add3A_335 = arith.addi %mul3A_333, %add3A_334 : i32
      %dma_wait3A_336 = arith.constant 1 : i32
      %dma_wait3A_337 = arith.constant 1 : i32
      %dma_wait3A_338 = arith.constant 0 : i32
      %dma_wait3A_339 = arith.constant 0 : i32
      %dma_wait3A_340 = tpu.memref_slice %arg9[%dma_wait3A_336, %dma_wait3A_338, %dma_wait3A_339] : memref<3x80x128xf32, #tpu.memory_space<vmem>> -> memref<1x80x128xf32, #tpu.memory_space<vmem>>
      %dma_wait3A_341 = tpu.memref_squeeze %dma_wait3A_340 : memref<1x80x128xf32, #tpu.memory_space<vmem>> -> memref<80x128xf32, #tpu.memory_space<vmem>>
      %dma_wait3A_342 = arith.constant 0 : i32
      %dma_wait3A_343 = tpu.memref_slice %arg8[%add3A_335, %dma_wait3A_342] : memref<125x80xi32, #tpu.memory_space<vmem>> -> memref<1x80xi32, #tpu.memory_space<vmem>>
      %dma_wait3A_344 = tpu.memref_squeeze %dma_wait3A_343 : memref<1x80xi32, #tpu.memory_space<vmem>> -> memref<80xi32, #tpu.memory_space<vmem>>
      %dma_wait3A_345 = arith.constant 0 : i32
      %dma_wait3A_346 = arith.constant 0 : i32
      %dma_wait3A_347 = tpu.memref_slice %arg2[%dma_wait3A_345, %dma_wait3A_346] : memref<10240x128xf32, #tpu.memory_space<hbm>> -> memref<10240x128xf32, #tpu.memory_space<hbm>>
      %dma_wait3A_348 = tpu.memref_slice %arg11[%dma_wait3A_337] : memref<3x!tpu.dma_semaphore, #tpu.memory_space<semaphore_mem>> -> memref<1x!tpu.dma_semaphore, #tpu.memory_space<semaphore_mem>>
      %dma_wait3A_349 = tpu.memref_squeeze %dma_wait3A_348 : memref<1x!tpu.dma_semaphore, #tpu.memory_space<semaphore_mem>> -> memref<!tpu.dma_semaphore, #tpu.memory_space<semaphore_mem>>
      tpu.wait_indirect_dma semaphore(%dma_wait3A_349 : memref<!tpu.dma_semaphore, #tpu.memory_space<semaphore_mem>>) src(%dma_wait3A_347 : memref<10240x128xf32, #tpu.memory_space<hbm>>) dst(%dma_wait3A_341 : memref<80x128xf32, #tpu.memory_space<vmem>>)
      %dma_wait3A_350 = arith.constant 1 : i32
      %dma_wait3A_351 = arith.constant 1 : i32
      %dma_wait3A_352 = arith.constant 0 : i32
      %dma_wait3A_353 = arith.constant 0 : i32
      %dma_wait3A_354 = tpu.memref_slice %arg10[%dma_wait3A_350, %dma_wait3A_352, %dma_wait3A_353] : memref<3x1x80xi32, #tpu.memory_space<vmem>> -> memref<1x1x80xi32, #tpu.memory_space<vmem>>
      %dma_wait3A_355 = tpu.memref_squeeze %dma_wait3A_354 : memref<1x1x80xi32, #tpu.memory_space<vmem>> -> memref<1x80xi32, #tpu.memory_space<vmem>>
      %dma_wait3A_356 = arith.constant 0 : i32
      %dma_wait3A_357 = arith.constant 0 : i32
      %dma_wait3A_358 = tpu.memref_slice %arg4[%add3A, %add3A_335, %dma_wait3A_356, %dma_wait3A_357] : memref<32x125x1x80xi32, #tpu.memory_space<hbm>> -> memref<1x1x1x80xi32, #tpu.memory_space<hbm>>
      %dma_wait3A_359 = tpu.memref_squeeze %dma_wait3A_358 : memref<1x1x1x80xi32, #tpu.memory_space<hbm>> -> memref<1x80xi32, #tpu.memory_space<hbm>>
      %dma_wait3A_360 = tpu.memref_slice %arg12[%dma_wait3A_351] : memref<3x!tpu.dma_semaphore, #tpu.memory_space<semaphore_mem>> -> memref<1x!tpu.dma_semaphore, #tpu.memory_space<semaphore_mem>>
      %dma_wait3A_361 = tpu.memref_squeeze %dma_wait3A_360 : memref<1x!tpu.dma_semaphore, #tpu.memory_space<semaphore_mem>> -> memref<!tpu.dma_semaphore, #tpu.memory_space<semaphore_mem>>
      %dma_wait3A_362 = arith.constant 0 : i32
      %dma_wait3A_363 = arith.constant 0 : i32
      %dma_wait3A_364 = tpu.memref_slice %arg10[%dma_wait3A_350, %dma_wait3A_362, %dma_wait3A_363] : memref<3x1x80xi32, #tpu.memory_space<vmem>> -> memref<1x1x80xi32, #tpu.memory_space<vmem>>
      %dma_wait3A_365 = tpu.memref_squeeze %dma_wait3A_364 : memref<1x1x80xi32, #tpu.memory_space<vmem>> -> memref<1x80xi32, #tpu.memory_space<vmem>>
      %dma_wait3A_366 = arith.constant 0 : i32
      %dma_wait3A_367 = arith.constant 0 : i32
      %dma_wait3A_368 = tpu.memref_slice %arg4[%add3A, %add3A_335, %dma_wait3A_366, %dma_wait3A_367] : memref<32x125x1x80xi32, #tpu.memory_space<hbm>> -> memref<1x1x1x80xi32, #tpu.memory_space<hbm>>
      %dma_wait3A_369 = tpu.memref_squeeze %dma_wait3A_368 : memref<1x1x1x80xi32, #tpu.memory_space<hbm>> -> memref<1x80xi32, #tpu.memory_space<hbm>>
      tpu.wait_dma2 semaphore(%dma_wait3A_361 : memref<!tpu.dma_semaphore, #tpu.memory_space<semaphore_mem>>) src(%dma_wait3A_369 : memref<1x80xi32, #tpu.memory_space<hbm>>) dst(%dma_wait3A_365 : memref<1x80xi32, #tpu.memory_space<vmem>>)
      %dma_start3A_370 = arith.constant 1 : i32
      %dma_start3A_371 = arith.constant 1 : i32
      %dma_start3A_372 = arith.constant 0 : i32
      %dma_start3A_373 = arith.constant 1 : i32
      %dma_start3A_374 = arith.constant 0 : i32
      %dma_start3A_375 = arith.constant 0 : i32
      %dma_start3A_376 = tpu.memref_slice %arg9[%dma_start3A_370, %dma_start3A_374, %dma_start3A_375] : memref<3x80x128xf32, #tpu.memory_space<vmem>> -> memref<1x80x128xf32, #tpu.memory_space<vmem>>
      %dma_start3A_377 = tpu.memref_squeeze %dma_start3A_376 : memref<1x80x128xf32, #tpu.memory_space<vmem>> -> memref<80x128xf32, #tpu.memory_space<vmem>>
      %dma_start3A_378 = arith.constant 0 : i32
      %dma_start3A_379 = tpu.memref_slice %arg10[%dma_start3A_371, %dma_start3A_372, %dma_start3A_378] : memref<3x1x80xi32, #tpu.memory_space<vmem>> -> memref<1x1x80xi32, #tpu.memory_space<vmem>>
      %dma_start3A_380 = tpu.memref_squeeze %dma_start3A_379 : memref<1x1x80xi32, #tpu.memory_space<vmem>> -> memref<80xi32, #tpu.memory_space<vmem>>
      %dma_start3A_381 = arith.constant 0 : i32
      %dma_start3A_382 = arith.constant 0 : i32
      %dma_start3A_383 = tpu.memref_slice %arg7[%dma_start3A_381, %dma_start3A_382] : memref<10240x128xf32, #tpu.memory_space<vmem_shared>> -> memref<10240x128xf32, #tpu.memory_space<vmem_shared>>
      %dma_start3A_384 = tpu.memref_slice %arg13[%dma_start3A_373] : memref<3x!tpu.dma_semaphore, #tpu.memory_space<semaphore_mem>> -> memref<1x!tpu.dma_semaphore, #tpu.memory_space<semaphore_mem>>
      %dma_start3A_385 = tpu.memref_squeeze %dma_start3A_384 : memref<1x!tpu.dma_semaphore, #tpu.memory_space<semaphore_mem>> -> memref<!tpu.dma_semaphore, #tpu.memory_space<semaphore_mem>>
      tpu.enqueue_indirect_dma source(%dma_start3A_377 : memref<80x128xf32, #tpu.memory_space<vmem>>) target(%dma_start3A_383 : memref<10240x128xf32, #tpu.memory_space<vmem_shared>>) offsets(%dma_start3A_380 : memref<80xi32, #tpu.memory_space<vmem>>) semaphore(%dma_start3A_385 : memref<!tpu.dma_semaphore, #tpu.memory_space<semaphore_mem>>) {add = true}
      %ge3A_386 = arith.constant 1 : i32
      %ge3A_387 = arith.cmpi sge, %add3A_335, %ge3A_386 : i32
      %convert_element_type3A_388 = arith.extui %ge3A_387 : i1 to i32
      %cond3A_389 = arith.constant 0 : i32
      %cond3A_390 = arith.cmpi ne, %convert_element_type3A_388, %cond3A_389 : i32
      scf.if %cond3A_390 {
        %dma_wait3A_522 = arith.constant 0 : i32
        %dma_wait3A_523 = arith.constant 0 : i32
        %dma_wait3A_524 = arith.constant 0 : i32
        %dma_wait3A_525 = arith.constant 0 : i32
        %dma_wait3A_526 = arith.constant 0 : i32
        %dma_wait3A_527 = arith.constant 0 : i32
        %dma_wait3A_528 = tpu.memref_slice %arg9[%dma_wait3A_522, %dma_wait3A_526, %dma_wait3A_527] : memref<3x80x128xf32, #tpu.memory_space<vmem>> -> memref<1x80x128xf32, #tpu.memory_space<vmem>>
        %dma_wait3A_529 = tpu.memref_squeeze %dma_wait3A_528 : memref<1x80x128xf32, #tpu.memory_space<vmem>> -> memref<80x128xf32, #tpu.memory_space<vmem>>
        %dma_wait3A_530 = arith.constant 0 : i32
        %dma_wait3A_531 = tpu.memref_slice %arg10[%dma_wait3A_523, %dma_wait3A_524, %dma_wait3A_530] : memref<3x1x80xi32, #tpu.memory_space<vmem>> -> memref<1x1x80xi32, #tpu.memory_space<vmem>>
        %dma_wait3A_532 = tpu.memref_squeeze %dma_wait3A_531 : memref<1x1x80xi32, #tpu.memory_space<vmem>> -> memref<80xi32, #tpu.memory_space<vmem>>
        %dma_wait3A_533 = arith.constant 0 : i32
        %dma_wait3A_534 = arith.constant 0 : i32
        %dma_wait3A_535 = tpu.memref_slice %arg7[%dma_wait3A_533, %dma_wait3A_534] : memref<10240x128xf32, #tpu.memory_space<vmem_shared>> -> memref<10240x128xf32, #tpu.memory_space<vmem_shared>>
        %dma_wait3A_536 = tpu.memref_slice %arg13[%dma_wait3A_525] : memref<3x!tpu.dma_semaphore, #tpu.memory_space<semaphore_mem>> -> memref<1x!tpu.dma_semaphore, #tpu.memory_space<semaphore_mem>>
        %dma_wait3A_537 = tpu.memref_squeeze %dma_wait3A_536 : memref<1x!tpu.dma_semaphore, #tpu.memory_space<semaphore_mem>> -> memref<!tpu.dma_semaphore, #tpu.memory_space<semaphore_mem>>
        tpu.wait_indirect_dma semaphore(%dma_wait3A_537 : memref<!tpu.dma_semaphore, #tpu.memory_space<semaphore_mem>>) src(%dma_wait3A_529 : memref<80x128xf32, #tpu.memory_space<vmem>>) dst(%dma_wait3A_535 : memref<10240x128xf32, #tpu.memory_space<vmem_shared>>)
      } else {
      }
      %add3A_391 = arith.constant 2 : i32
      %add3A_392 = arith.addi %add3A_335, %add3A_391 : i32
      %dma_start3A_393 = arith.constant 0 : i32
      %dma_start3A_394 = arith.constant 0 : i32
      %dma_start3A_395 = arith.constant 0 : i32
      %dma_start3A_396 = arith.constant 0 : i32
      %dma_start3A_397 = tpu.memref_slice %arg9[%dma_start3A_393, %dma_start3A_395, %dma_start3A_396] : memref<3x80x128xf32, #tpu.memory_space<vmem>> -> memref<1x80x128xf32, #tpu.memory_space<vmem>>
      %dma_start3A_398 = tpu.memref_squeeze %dma_start3A_397 : memref<1x80x128xf32, #tpu.memory_space<vmem>> -> memref<80x128xf32, #tpu.memory_space<vmem>>
      %dma_start3A_399 = arith.constant 0 : i32
      %dma_start3A_400 = tpu.memref_slice %arg8[%add3A_392, %dma_start3A_399] : memref<125x80xi32, #tpu.memory_space<vmem>> -> memref<1x80xi32, #tpu.memory_space<vmem>>
      %dma_start3A_401 = tpu.memref_squeeze %dma_start3A_400 : memref<1x80xi32, #tpu.memory_space<vmem>> -> memref<80xi32, #tpu.memory_space<vmem>>
      %dma_start3A_402 = arith.constant 0 : i32
      %dma_start3A_403 = arith.constant 0 : i32
      %dma_start3A_404 = tpu.memref_slice %arg2[%dma_start3A_402, %dma_start3A_403] : memref<10240x128xf32, #tpu.memory_space<hbm>> -> memref<10240x128xf32, #tpu.memory_space<hbm>>
      %dma_start3A_405 = tpu.memref_slice %arg11[%dma_start3A_394] : memref<3x!tpu.dma_semaphore, #tpu.memory_space<semaphore_mem>> -> memref<1x!tpu.dma_semaphore, #tpu.memory_space<semaphore_mem>>
      %dma_start3A_406 = tpu.memref_squeeze %dma_start3A_405 : memref<1x!tpu.dma_semaphore, #tpu.memory_space<semaphore_mem>> -> memref<!tpu.dma_semaphore, #tpu.memory_space<semaphore_mem>>
      tpu.enqueue_indirect_dma source(%dma_start3A_404 : memref<10240x128xf32, #tpu.memory_space<hbm>>) target(%dma_start3A_398 : memref<80x128xf32, #tpu.memory_space<vmem>>) offsets(%dma_start3A_401 : memref<80xi32, #tpu.memory_space<vmem>>) semaphore(%dma_start3A_406 : memref<!tpu.dma_semaphore, #tpu.memory_space<semaphore_mem>>)
      %dma_start3A_407 = arith.constant 0 : i32
      %dma_start3A_408 = arith.constant 0 : i32
      %dma_start3A_409 = arith.constant 0 : i32
      %dma_start3A_410 = arith.constant 0 : i32
      %dma_start3A_411 = tpu.memref_slice %arg10[%dma_start3A_407, %dma_start3A_409, %dma_start3A_410] : memref<3x1x80xi32, #tpu.memory_space<vmem>> -> memref<1x1x80xi32, #tpu.memory_space<vmem>>
      %dma_start3A_412 = tpu.memref_squeeze %dma_start3A_411 : memref<1x1x80xi32, #tpu.memory_space<vmem>> -> memref<1x80xi32, #tpu.memory_space<vmem>>
      %dma_start3A_413 = arith.constant 0 : i32
      %dma_start3A_414 = arith.constant 0 : i32
      %dma_start3A_415 = tpu.memref_slice %arg4[%add3A, %add3A_392, %dma_start3A_413, %dma_start3A_414] : memref<32x125x1x80xi32, #tpu.memory_space<hbm>> -> memref<1x1x1x80xi32, #tpu.memory_space<hbm>>
      %dma_start3A_416 = tpu.memref_squeeze %dma_start3A_415 : memref<1x1x1x80xi32, #tpu.memory_space<hbm>> -> memref<1x80xi32, #tpu.memory_space<hbm>>
      %dma_start3A_417 = tpu.memref_slice %arg12[%dma_start3A_408] : memref<3x!tpu.dma_semaphore, #tpu.memory_space<semaphore_mem>> -> memref<1x!tpu.dma_semaphore, #tpu.memory_space<semaphore_mem>>
      %dma_start3A_418 = tpu.memref_squeeze %dma_start3A_417 : memref<1x!tpu.dma_semaphore, #tpu.memory_space<semaphore_mem>> -> memref<!tpu.dma_semaphore, #tpu.memory_space<semaphore_mem>>
      %dma_start3A_419 = arith.constant 0 : i32
      %dma_start3A_420 = arith.constant 0 : i32
      %dma_start3A_421 = tpu.memref_slice %arg10[%dma_start3A_407, %dma_start3A_419, %dma_start3A_420] : memref<3x1x80xi32, #tpu.memory_space<vmem>> -> memref<1x1x80xi32, #tpu.memory_space<vmem>>
      %dma_start3A_422 = tpu.memref_squeeze %dma_start3A_421 : memref<1x1x80xi32, #tpu.memory_space<vmem>> -> memref<1x80xi32, #tpu.memory_space<vmem>>
      %dma_start3A_423 = arith.constant 0 : i32
      %dma_start3A_424 = arith.constant 0 : i32
      %dma_start3A_425 = tpu.memref_slice %arg4[%add3A, %add3A_392, %dma_start3A_423, %dma_start3A_424] : memref<32x125x1x80xi32, #tpu.memory_space<hbm>> -> memref<1x1x1x80xi32, #tpu.memory_space<hbm>>
      %dma_start3A_426 = tpu.memref_squeeze %dma_start3A_425 : memref<1x1x1x80xi32, #tpu.memory_space<hbm>> -> memref<1x80xi32, #tpu.memory_space<hbm>>
      tpu.enqueue_dma source(%dma_start3A_426 : memref<1x80xi32, #tpu.memory_space<hbm>>) target(%dma_start3A_422 : memref<1x80xi32, #tpu.memory_space<vmem>>) target_semaphore(%dma_start3A_418 : memref<!tpu.dma_semaphore, #tpu.memory_space<semaphore_mem>>)
      %mul3A_427 = arith.constant 3 : i32
      %mul3A_428 = arith.muli %scan3A_239, %mul3A_427 : i32
      %add3A_429 = arith.constant 2 : i32
      %add3A_430 = arith.addi %mul3A_428, %add3A_429 : i32
      %dma_wait3A_431 = arith.constant 2 : i32
      %dma_wait3A_432 = arith.constant 2 : i32
      %dma_wait3A_433 = arith.constant 0 : i32
      %dma_wait3A_434 = arith.constant 0 : i32
      %dma_wait3A_435 = tpu.memref_slice %arg9[%dma_wait3A_431, %dma_wait3A_433, %dma_wait3A_434] : memref<3x80x128xf32, #tpu.memory_space<vmem>> -> memref<1x80x128xf32, #tpu.memory_space<vmem>>
      %dma_wait3A_436 = tpu.memref_squeeze %dma_wait3A_435 : memref<1x80x128xf32, #tpu.memory_space<vmem>> -> memref<80x128xf32, #tpu.memory_space<vmem>>
      %dma_wait3A_437 = arith.constant 0 : i32
      %dma_wait3A_438 = tpu.memref_slice %arg8[%add3A_430, %dma_wait3A_437] : memref<125x80xi32, #tpu.memory_space<vmem>> -> memref<1x80xi32, #tpu.memory_space<vmem>>
      %dma_wait3A_439 = tpu.memref_squeeze %dma_wait3A_438 : memref<1x80xi32, #tpu.memory_space<vmem>> -> memref<80xi32, #tpu.memory_space<vmem>>
      %dma_wait3A_440 = arith.constant 0 : i32
      %dma_wait3A_441 = arith.constant 0 : i32
      %dma_wait3A_442 = tpu.memref_slice %arg2[%dma_wait3A_440, %dma_wait3A_441] : memref<10240x128xf32, #tpu.memory_space<hbm>> -> memref<10240x128xf32, #tpu.memory_space<hbm>>
      %dma_wait3A_443 = tpu.memref_slice %arg11[%dma_wait3A_432] : memref<3x!tpu.dma_semaphore, #tpu.memory_space<semaphore_mem>> -> memref<1x!tpu.dma_semaphore, #tpu.memory_space<semaphore_mem>>
      %dma_wait3A_444 = tpu.memref_squeeze %dma_wait3A_443 : memref<1x!tpu.dma_semaphore, #tpu.memory_space<semaphore_mem>> -> memref<!tpu.dma_semaphore, #tpu.memory_space<semaphore_mem>>
      tpu.wait_indirect_dma semaphore(%dma_wait3A_444 : memref<!tpu.dma_semaphore, #tpu.memory_space<semaphore_mem>>) src(%dma_wait3A_442 : memref<10240x128xf32, #tpu.memory_space<hbm>>) dst(%dma_wait3A_436 : memref<80x128xf32, #tpu.memory_space<vmem>>)
      %dma_wait3A_445 = arith.constant 2 : i32
      %dma_wait3A_446 = arith.constant 2 : i32
      %dma_wait3A_447 = arith.constant 0 : i32
      %dma_wait3A_448 = arith.constant 0 : i32
      %dma_wait3A_449 = tpu.memref_slice %arg10[%dma_wait3A_445, %dma_wait3A_447, %dma_wait3A_448] : memref<3x1x80xi32, #tpu.memory_space<vmem>> -> memref<1x1x80xi32, #tpu.memory_space<vmem>>
      %dma_wait3A_450 = tpu.memref_squeeze %dma_wait3A_449 : memref<1x1x80xi32, #tpu.memory_space<vmem>> -> memref<1x80xi32, #tpu.memory_space<vmem>>
      %dma_wait3A_451 = arith.constant 0 : i32
      %dma_wait3A_452 = arith.constant 0 : i32
      %dma_wait3A_453 = tpu.memref_slice %arg4[%add3A, %add3A_430, %dma_wait3A_451, %dma_wait3A_452] : memref<32x125x1x80xi32, #tpu.memory_space<hbm>> -> memref<1x1x1x80xi32, #tpu.memory_space<hbm>>
      %dma_wait3A_454 = tpu.memref_squeeze %dma_wait3A_453 : memref<1x1x1x80xi32, #tpu.memory_space<hbm>> -> memref<1x80xi32, #tpu.memory_space<hbm>>
      %dma_wait3A_455 = tpu.memref_slice %arg12[%dma_wait3A_446] : memref<3x!tpu.dma_semaphore, #tpu.memory_space<semaphore_mem>> -> memref<1x!tpu.dma_semaphore, #tpu.memory_space<semaphore_mem>>
      %dma_wait3A_456 = tpu.memref_squeeze %dma_wait3A_455 : memref<1x!tpu.dma_semaphore, #tpu.memory_space<semaphore_mem>> -> memref<!tpu.dma_semaphore, #tpu.memory_space<semaphore_mem>>
      %dma_wait3A_457 = arith.constant 0 : i32
      %dma_wait3A_458 = arith.constant 0 : i32
      %dma_wait3A_459 = tpu.memref_slice %arg10[%dma_wait3A_445, %dma_wait3A_457, %dma_wait3A_458] : memref<3x1x80xi32, #tpu.memory_space<vmem>> -> memref<1x1x80xi32, #tpu.memory_space<vmem>>
      %dma_wait3A_460 = tpu.memref_squeeze %dma_wait3A_459 : memref<1x1x80xi32, #tpu.memory_space<vmem>> -> memref<1x80xi32, #tpu.memory_space<vmem>>
      %dma_wait3A_461 = arith.constant 0 : i32
      %dma_wait3A_462 = arith.constant 0 : i32
      %dma_wait3A_463 = tpu.memref_slice %arg4[%add3A, %add3A_430, %dma_wait3A_461, %dma_wait3A_462] : memref<32x125x1x80xi32, #tpu.memory_space<hbm>> -> memref<1x1x1x80xi32, #tpu.memory_space<hbm>>
      %dma_wait3A_464 = tpu.memref_squeeze %dma_wait3A_463 : memref<1x1x1x80xi32, #tpu.memory_space<hbm>> -> memref<1x80xi32, #tpu.memory_space<hbm>>
      tpu.wait_dma2 semaphore(%dma_wait3A_456 : memref<!tpu.dma_semaphore, #tpu.memory_space<semaphore_mem>>) src(%dma_wait3A_464 : memref<1x80xi32, #tpu.memory_space<hbm>>) dst(%dma_wait3A_460 : memref<1x80xi32, #tpu.memory_space<vmem>>)
      %dma_start3A_465 = arith.constant 2 : i32
      %dma_start3A_466 = arith.constant 2 : i32
      %dma_start3A_467 = arith.constant 0 : i32
      %dma_start3A_468 = arith.constant 2 : i32
      %dma_start3A_469 = arith.constant 0 : i32
      %dma_start3A_470 = arith.constant 0 : i32
      %dma_start3A_471 = tpu.memref_slice %arg9[%dma_start3A_465, %dma_start3A_469, %dma_start3A_470] : memref<3x80x128xf32, #tpu.memory_space<vmem>> -> memref<1x80x128xf32, #tpu.memory_space<vmem>>
      %dma_start3A_472 = tpu.memref_squeeze %dma_start3A_471 : memref<1x80x128xf32, #tpu.memory_space<vmem>> -> memref<80x128xf32, #tpu.memory_space<vmem>>
      %dma_start3A_473 = arith.constant 0 : i32
      %dma_start3A_474 = tpu.memref_slice %arg10[%dma_start3A_466, %dma_start3A_467, %dma_start3A_473] : memref<3x1x80xi32, #tpu.memory_space<vmem>> -> memref<1x1x80xi32, #tpu.memory_space<vmem>>
      %dma_start3A_475 = tpu.memref_squeeze %dma_start3A_474 : memref<1x1x80xi32, #tpu.memory_space<vmem>> -> memref<80xi32, #tpu.memory_space<vmem>>
      %dma_start3A_476 = arith.constant 0 : i32
      %dma_start3A_477 = arith.constant 0 : i32
      %dma_start3A_478 = tpu.memref_slice %arg7[%dma_start3A_476, %dma_start3A_477] : memref<10240x128xf32, #tpu.memory_space<vmem_shared>> -> memref<10240x128xf32, #tpu.memory_space<vmem_shared>>
      %dma_start3A_479 = tpu.memref_slice %arg13[%dma_start3A_468] : memref<3x!tpu.dma_semaphore, #tpu.memory_space<semaphore_mem>> -> memref<1x!tpu.dma_semaphore, #tpu.memory_space<semaphore_mem>>
      %dma_start3A_480 = tpu.memref_squeeze %dma_start3A_479 : memref<1x!tpu.dma_semaphore, #tpu.memory_space<semaphore_mem>> -> memref<!tpu.dma_semaphore, #tpu.memory_space<semaphore_mem>>
      tpu.enqueue_indirect_dma source(%dma_start3A_472 : memref<80x128xf32, #tpu.memory_space<vmem>>) target(%dma_start3A_478 : memref<10240x128xf32, #tpu.memory_space<vmem_shared>>) offsets(%dma_start3A_475 : memref<80xi32, #tpu.memory_space<vmem>>) semaphore(%dma_start3A_480 : memref<!tpu.dma_semaphore, #tpu.memory_space<semaphore_mem>>) {add = true}
      %ge3A_481 = arith.constant 1 : i32
      %ge3A_482 = arith.cmpi sge, %add3A_430, %ge3A_481 : i32
      %convert_element_type3A_483 = arith.extui %ge3A_482 : i1 to i32
      %cond3A_484 = arith.constant 0 : i32
      %cond3A_485 = arith.cmpi ne, %convert_element_type3A_483, %cond3A_484 : i32
      scf.if %cond3A_485 {
        %dma_wait3A_522 = arith.constant 1 : i32
        %dma_wait3A_523 = arith.constant 1 : i32
        %dma_wait3A_524 = arith.constant 0 : i32
        %dma_wait3A_525 = arith.constant 1 : i32
        %dma_wait3A_526 = arith.constant 0 : i32
        %dma_wait3A_527 = arith.constant 0 : i32
        %dma_wait3A_528 = tpu.memref_slice %arg9[%dma_wait3A_522, %dma_wait3A_526, %dma_wait3A_527] : memref<3x80x128xf32, #tpu.memory_space<vmem>> -> memref<1x80x128xf32, #tpu.memory_space<vmem>>
        %dma_wait3A_529 = tpu.memref_squeeze %dma_wait3A_528 : memref<1x80x128xf32, #tpu.memory_space<vmem>> -> memref<80x128xf32, #tpu.memory_space<vmem>>
        %dma_wait3A_530 = arith.constant 0 : i32
        %dma_wait3A_531 = tpu.memref_slice %arg10[%dma_wait3A_523, %dma_wait3A_524, %dma_wait3A_530] : memref<3x1x80xi32, #tpu.memory_space<vmem>> -> memref<1x1x80xi32, #tpu.memory_space<vmem>>
        %dma_wait3A_532 = tpu.memref_squeeze %dma_wait3A_531 : memref<1x1x80xi32, #tpu.memory_space<vmem>> -> memref<80xi32, #tpu.memory_space<vmem>>
        %dma_wait3A_533 = arith.constant 0 : i32
        %dma_wait3A_534 = arith.constant 0 : i32
        %dma_wait3A_535 = tpu.memref_slice %arg7[%dma_wait3A_533, %dma_wait3A_534] : memref<10240x128xf32, #tpu.memory_space<vmem_shared>> -> memref<10240x128xf32, #tpu.memory_space<vmem_shared>>
        %dma_wait3A_536 = tpu.memref_slice %arg13[%dma_wait3A_525] : memref<3x!tpu.dma_semaphore, #tpu.memory_space<semaphore_mem>> -> memref<1x!tpu.dma_semaphore, #tpu.memory_space<semaphore_mem>>
        %dma_wait3A_537 = tpu.memref_squeeze %dma_wait3A_536 : memref<1x!tpu.dma_semaphore, #tpu.memory_space<semaphore_mem>> -> memref<!tpu.dma_semaphore, #tpu.memory_space<semaphore_mem>>
        tpu.wait_indirect_dma semaphore(%dma_wait3A_537 : memref<!tpu.dma_semaphore, #tpu.memory_space<semaphore_mem>>) src(%dma_wait3A_529 : memref<80x128xf32, #tpu.memory_space<vmem>>) dst(%dma_wait3A_535 : memref<10240x128xf32, #tpu.memory_space<vmem_shared>>)
      } else {
      }
      %add3A_486 = arith.constant 2 : i32
      %add3A_487 = arith.addi %add3A_430, %add3A_486 : i32
      %dma_start3A_488 = arith.constant 1 : i32
      %dma_start3A_489 = arith.constant 1 : i32
      %dma_start3A_490 = arith.constant 0 : i32
      %dma_start3A_491 = arith.constant 0 : i32
      %dma_start3A_492 = tpu.memref_slice %arg9[%dma_start3A_488, %dma_start3A_490, %dma_start3A_491] : memref<3x80x128xf32, #tpu.memory_space<vmem>> -> memref<1x80x128xf32, #tpu.memory_space<vmem>>
      %dma_start3A_493 = tpu.memref_squeeze %dma_start3A_492 : memref<1x80x128xf32, #tpu.memory_space<vmem>> -> memref<80x128xf32, #tpu.memory_space<vmem>>
      %dma_start3A_494 = arith.constant 0 : i32
      %dma_start3A_495 = tpu.memref_slice %arg8[%add3A_487, %dma_start3A_494] : memref<125x80xi32, #tpu.memory_space<vmem>> -> memref<1x80xi32, #tpu.memory_space<vmem>>
      %dma_start3A_496 = tpu.memref_squeeze %dma_start3A_495 : memref<1x80xi32, #tpu.memory_space<vmem>> -> memref<80xi32, #tpu.memory_space<vmem>>
      %dma_start3A_497 = arith.constant 0 : i32
      %dma_start3A_498 = arith.constant 0 : i32
      %dma_start3A_499 = tpu.memref_slice %arg2[%dma_start3A_497, %dma_start3A_498] : memref<10240x128xf32, #tpu.memory_space<hbm>> -> memref<10240x128xf32, #tpu.memory_space<hbm>>
      %dma_start3A_500 = tpu.memref_slice %arg11[%dma_start3A_489] : memref<3x!tpu.dma_semaphore, #tpu.memory_space<semaphore_mem>> -> memref<1x!tpu.dma_semaphore, #tpu.memory_space<semaphore_mem>>
      %dma_start3A_501 = tpu.memref_squeeze %dma_start3A_500 : memref<1x!tpu.dma_semaphore, #tpu.memory_space<semaphore_mem>> -> memref<!tpu.dma_semaphore, #tpu.memory_space<semaphore_mem>>
      tpu.enqueue_indirect_dma source(%dma_start3A_499 : memref<10240x128xf32, #tpu.memory_space<hbm>>) target(%dma_start3A_493 : memref<80x128xf32, #tpu.memory_space<vmem>>) offsets(%dma_start3A_496 : memref<80xi32, #tpu.memory_space<vmem>>) semaphore(%dma_start3A_501 : memref<!tpu.dma_semaphore, #tpu.memory_space<semaphore_mem>>)
      %dma_start3A_502 = arith.constant 1 : i32
      %dma_start3A_503 = arith.constant 1 : i32
      %dma_start3A_504 = arith.constant 0 : i32
      %dma_start3A_505 = arith.constant 0 : i32
      %dma_start3A_506 = tpu.memref_slice %arg10[%dma_start3A_502, %dma_start3A_504, %dma_start3A_505] : memref<3x1x80xi32, #tpu.memory_space<vmem>> -> memref<1x1x80xi32, #tpu.memory_space<vmem>>
      %dma_start3A_507 = tpu.memref_squeeze %dma_start3A_506 : memref<1x1x80xi32, #tpu.memory_space<vmem>> -> memref<1x80xi32, #tpu.memory_space<vmem>>
      %dma_start3A_508 = arith.constant 0 : i32
      %dma_start3A_509 = arith.constant 0 : i32
      %dma_start3A_510 = tpu.memref_slice %arg4[%add3A, %add3A_487, %dma_start3A_508, %dma_start3A_509] : memref<32x125x1x80xi32, #tpu.memory_space<hbm>> -> memref<1x1x1x80xi32, #tpu.memory_space<hbm>>
      %dma_start3A_511 = tpu.memref_squeeze %dma_start3A_510 : memref<1x1x1x80xi32, #tpu.memory_space<hbm>> -> memref<1x80xi32, #tpu.memory_space<hbm>>
      %dma_start3A_512 = tpu.memref_slice %arg12[%dma_start3A_503] : memref<3x!tpu.dma_semaphore, #tpu.memory_space<semaphore_mem>> -> memref<1x!tpu.dma_semaphore, #tpu.memory_space<semaphore_mem>>
      %dma_start3A_513 = tpu.memref_squeeze %dma_start3A_512 : memref<1x!tpu.dma_semaphore, #tpu.memory_space<semaphore_mem>> -> memref<!tpu.dma_semaphore, #tpu.memory_space<semaphore_mem>>
      %dma_start3A_514 = arith.constant 0 : i32
      %dma_start3A_515 = arith.constant 0 : i32
      %dma_start3A_516 = tpu.memref_slice %arg10[%dma_start3A_502, %dma_start3A_514, %dma_start3A_515] : memref<3x1x80xi32, #tpu.memory_space<vmem>> -> memref<1x1x80xi32, #tpu.memory_space<vmem>>
      %dma_start3A_517 = tpu.memref_squeeze %dma_start3A_516 : memref<1x1x80xi32, #tpu.memory_space<vmem>> -> memref<1x80xi32, #tpu.memory_space<vmem>>
      %dma_start3A_518 = arith.constant 0 : i32
      %dma_start3A_519 = arith.constant 0 : i32
      %dma_start3A_520 = tpu.memref_slice %arg4[%add3A, %add3A_487, %dma_start3A_518, %dma_start3A_519] : memref<32x125x1x80xi32, #tpu.memory_space<hbm>> -> memref<1x1x1x80xi32, #tpu.memory_space<hbm>>
      %dma_start3A_521 = tpu.memref_squeeze %dma_start3A_520 : memref<1x1x1x80xi32, #tpu.memory_space<hbm>> -> memref<1x80xi32, #tpu.memory_space<hbm>>
      tpu.enqueue_dma source(%dma_start3A_521 : memref<1x80xi32, #tpu.memory_space<hbm>>) target(%dma_start3A_517 : memref<1x80xi32, #tpu.memory_space<vmem>>) target_semaphore(%dma_start3A_513 : memref<!tpu.dma_semaphore, #tpu.memory_space<semaphore_mem>>)
    }
    %scan3A_81 = arith.constant 41 : i32
    %dma_wait3A_82 = arith.constant 123 : i32
    %dma_wait3A_83 = arith.constant 0 : i32
    %dma_wait3A_84 = arith.constant 0 : i32
    %dma_wait3A_85 = arith.constant 0 : i32
    %dma_wait3A_86 = arith.constant 0 : i32
    %dma_wait3A_87 = tpu.memref_slice %arg9[%dma_wait3A_83, %dma_wait3A_85, %dma_wait3A_86] : memref<3x80x128xf32, #tpu.memory_space<vmem>> -> memref<1x80x128xf32, #tpu.memory_space<vmem>>
    %dma_wait3A_88 = tpu.memref_squeeze %dma_wait3A_87 : memref<1x80x128xf32, #tpu.memory_space<vmem>> -> memref<80x128xf32, #tpu.memory_space<vmem>>
    %dma_wait3A_89 = arith.constant 0 : i32
    %dma_wait3A_90 = tpu.memref_slice %arg8[%dma_wait3A_82, %dma_wait3A_89] : memref<125x80xi32, #tpu.memory_space<vmem>> -> memref<1x80xi32, #tpu.memory_space<vmem>>
    %dma_wait3A_91 = tpu.memref_squeeze %dma_wait3A_90 : memref<1x80xi32, #tpu.memory_space<vmem>> -> memref<80xi32, #tpu.memory_space<vmem>>
    %dma_wait3A_92 = arith.constant 0 : i32
    %dma_wait3A_93 = arith.constant 0 : i32
    %dma_wait3A_94 = tpu.memref_slice %arg2[%dma_wait3A_92, %dma_wait3A_93] : memref<10240x128xf32, #tpu.memory_space<hbm>> -> memref<10240x128xf32, #tpu.memory_space<hbm>>
    %dma_wait3A_95 = tpu.memref_slice %arg11[%dma_wait3A_84] : memref<3x!tpu.dma_semaphore, #tpu.memory_space<semaphore_mem>> -> memref<1x!tpu.dma_semaphore, #tpu.memory_space<semaphore_mem>>
    %dma_wait3A_96 = tpu.memref_squeeze %dma_wait3A_95 : memref<1x!tpu.dma_semaphore, #tpu.memory_space<semaphore_mem>> -> memref<!tpu.dma_semaphore, #tpu.memory_space<semaphore_mem>>
    tpu.wait_indirect_dma semaphore(%dma_wait3A_96 : memref<!tpu.dma_semaphore, #tpu.memory_space<semaphore_mem>>) src(%dma_wait3A_94 : memref<10240x128xf32, #tpu.memory_space<hbm>>) dst(%dma_wait3A_88 : memref<80x128xf32, #tpu.memory_space<vmem>>)
    %dma_wait3A_97 = arith.constant 123 : i32
    %dma_wait3A_98 = arith.constant 0 : i32
    %dma_wait3A_99 = arith.constant 0 : i32
    %dma_wait3A_100 = arith.constant 0 : i32
    %dma_wait3A_101 = arith.constant 0 : i32
    %dma_wait3A_102 = tpu.memref_slice %arg10[%dma_wait3A_98, %dma_wait3A_100, %dma_wait3A_101] : memref<3x1x80xi32, #tpu.memory_space<vmem>> -> memref<1x1x80xi32, #tpu.memory_space<vmem>>
    %dma_wait3A_103 = tpu.memref_squeeze %dma_wait3A_102 : memref<1x1x80xi32, #tpu.memory_space<vmem>> -> memref<1x80xi32, #tpu.memory_space<vmem>>
    %dma_wait3A_104 = arith.constant 0 : i32
    %dma_wait3A_105 = arith.constant 0 : i32
    %dma_wait3A_106 = tpu.memref_slice %arg4[%add3A, %dma_wait3A_97, %dma_wait3A_104, %dma_wait3A_105] : memref<32x125x1x80xi32, #tpu.memory_space<hbm>> -> memref<1x1x1x80xi32, #tpu.memory_space<hbm>>
    %dma_wait3A_107 = tpu.memref_squeeze %dma_wait3A_106 : memref<1x1x1x80xi32, #tpu.memory_space<hbm>> -> memref<1x80xi32, #tpu.memory_space<hbm>>
    %dma_wait3A_108 = tpu.memref_slice %arg12[%dma_wait3A_99] : memref<3x!tpu.dma_semaphore, #tpu.memory_space<semaphore_mem>> -> memref<1x!tpu.dma_semaphore, #tpu.memory_space<semaphore_mem>>
    %dma_wait3A_109 = tpu.memref_squeeze %dma_wait3A_108 : memref<1x!tpu.dma_semaphore, #tpu.memory_space<semaphore_mem>> -> memref<!tpu.dma_semaphore, #tpu.memory_space<semaphore_mem>>
    %dma_wait3A_110 = arith.constant 0 : i32
    %dma_wait3A_111 = arith.constant 0 : i32
    %dma_wait3A_112 = tpu.memref_slice %arg10[%dma_wait3A_98, %dma_wait3A_110, %dma_wait3A_111] : memref<3x1x80xi32, #tpu.memory_space<vmem>> -> memref<1x1x80xi32, #tpu.memory_space<vmem>>
    %dma_wait3A_113 = tpu.memref_squeeze %dma_wait3A_112 : memref<1x1x80xi32, #tpu.memory_space<vmem>> -> memref<1x80xi32, #tpu.memory_space<vmem>>
    %dma_wait3A_114 = arith.constant 0 : i32
    %dma_wait3A_115 = arith.constant 0 : i32
    %dma_wait3A_116 = tpu.memref_slice %arg4[%add3A, %dma_wait3A_97, %dma_wait3A_114, %dma_wait3A_115] : memref<32x125x1x80xi32, #tpu.memory_space<hbm>> -> memref<1x1x1x80xi32, #tpu.memory_space<hbm>>
    %dma_wait3A_117 = tpu.memref_squeeze %dma_wait3A_116 : memref<1x1x1x80xi32, #tpu.memory_space<hbm>> -> memref<1x80xi32, #tpu.memory_space<hbm>>
    tpu.wait_dma2 semaphore(%dma_wait3A_109 : memref<!tpu.dma_semaphore, #tpu.memory_space<semaphore_mem>>) src(%dma_wait3A_117 : memref<1x80xi32, #tpu.memory_space<hbm>>) dst(%dma_wait3A_113 : memref<1x80xi32, #tpu.memory_space<vmem>>)
    %dma_wait3A_118 = arith.constant 2 : i32
    %dma_wait3A_119 = arith.constant 2 : i32
    %dma_wait3A_120 = arith.constant 0 : i32
    %dma_wait3A_121 = arith.constant 2 : i32
    %dma_wait3A_122 = arith.constant 0 : i32
    %dma_wait3A_123 = arith.constant 0 : i32
    %dma_wait3A_124 = tpu.memref_slice %arg9[%dma_wait3A_118, %dma_wait3A_122, %dma_wait3A_123] : memref<3x80x128xf32, #tpu.memory_space<vmem>> -> memref<1x80x128xf32, #tpu.memory_space<vmem>>
    %dma_wait3A_125 = tpu.memref_squeeze %dma_wait3A_124 : memref<1x80x128xf32, #tpu.memory_space<vmem>> -> memref<80x128xf32, #tpu.memory_space<vmem>>
    %dma_wait3A_126 = arith.constant 0 : i32
    %dma_wait3A_127 = tpu.memref_slice %arg10[%dma_wait3A_119, %dma_wait3A_120, %dma_wait3A_126] : memref<3x1x80xi32, #tpu.memory_space<vmem>> -> memref<1x1x80xi32, #tpu.memory_space<vmem>>
    %dma_wait3A_128 = tpu.memref_squeeze %dma_wait3A_127 : memref<1x1x80xi32, #tpu.memory_space<vmem>> -> memref<80xi32, #tpu.memory_space<vmem>>
    %dma_wait3A_129 = arith.constant 0 : i32
    %dma_wait3A_130 = arith.constant 0 : i32
    %dma_wait3A_131 = tpu.memref_slice %arg7[%dma_wait3A_129, %dma_wait3A_130] : memref<10240x128xf32, #tpu.memory_space<vmem_shared>> -> memref<10240x128xf32, #tpu.memory_space<vmem_shared>>
    %dma_wait3A_132 = tpu.memref_slice %arg13[%dma_wait3A_121] : memref<3x!tpu.dma_semaphore, #tpu.memory_space<semaphore_mem>> -> memref<1x!tpu.dma_semaphore, #tpu.memory_space<semaphore_mem>>
    %dma_wait3A_133 = tpu.memref_squeeze %dma_wait3A_132 : memref<1x!tpu.dma_semaphore, #tpu.memory_space<semaphore_mem>> -> memref<!tpu.dma_semaphore, #tpu.memory_space<semaphore_mem>>
    tpu.wait_indirect_dma semaphore(%dma_wait3A_133 : memref<!tpu.dma_semaphore, #tpu.memory_space<semaphore_mem>>) src(%dma_wait3A_125 : memref<80x128xf32, #tpu.memory_space<vmem>>) dst(%dma_wait3A_131 : memref<10240x128xf32, #tpu.memory_space<vmem_shared>>)
    %dma_start3A_134 = arith.constant 0 : i32
    %dma_start3A_135 = arith.constant 0 : i32
    %dma_start3A_136 = arith.constant 0 : i32
    %dma_start3A_137 = arith.constant 0 : i32
    %dma_start3A_138 = arith.constant 0 : i32
    %dma_start3A_139 = arith.constant 0 : i32
    %dma_start3A_140 = tpu.memref_slice %arg9[%dma_start3A_134, %dma_start3A_138, %dma_start3A_139] : memref<3x80x128xf32, #tpu.memory_space<vmem>> -> memref<1x80x128xf32, #tpu.memory_space<vmem>>
    %dma_start3A_141 = tpu.memref_squeeze %dma_start3A_140 : memref<1x80x128xf32, #tpu.memory_space<vmem>> -> memref<80x128xf32, #tpu.memory_space<vmem>>
    %dma_start3A_142 = arith.constant 0 : i32
    %dma_start3A_143 = tpu.memref_slice %arg10[%dma_start3A_135, %dma_start3A_136, %dma_start3A_142] : memref<3x1x80xi32, #tpu.memory_space<vmem>> -> memref<1x1x80xi32, #tpu.memory_space<vmem>>
    %dma_start3A_144 = tpu.memref_squeeze %dma_start3A_143 : memref<1x1x80xi32, #tpu.memory_space<vmem>> -> memref<80xi32, #tpu.memory_space<vmem>>
    %dma_start3A_145 = arith.constant 0 : i32
    %dma_start3A_146 = arith.constant 0 : i32
    %dma_start3A_147 = tpu.memref_slice %arg7[%dma_start3A_145, %dma_start3A_146] : memref<10240x128xf32, #tpu.memory_space<vmem_shared>> -> memref<10240x128xf32, #tpu.memory_space<vmem_shared>>
    %dma_start3A_148 = tpu.memref_slice %arg13[%dma_start3A_137] : memref<3x!tpu.dma_semaphore, #tpu.memory_space<semaphore_mem>> -> memref<1x!tpu.dma_semaphore, #tpu.memory_space<semaphore_mem>>
    %dma_start3A_149 = tpu.memref_squeeze %dma_start3A_148 : memref<1x!tpu.dma_semaphore, #tpu.memory_space<semaphore_mem>> -> memref<!tpu.dma_semaphore, #tpu.memory_space<semaphore_mem>>
    tpu.enqueue_indirect_dma source(%dma_start3A_141 : memref<80x128xf32, #tpu.memory_space<vmem>>) target(%dma_start3A_147 : memref<10240x128xf32, #tpu.memory_space<vmem_shared>>) offsets(%dma_start3A_144 : memref<80xi32, #tpu.memory_space<vmem>>) semaphore(%dma_start3A_149 : memref<!tpu.dma_semaphore, #tpu.memory_space<semaphore_mem>>) {add = true}
    %dma_wait3A_150 = arith.constant 124 : i32
    %dma_wait3A_151 = arith.constant 1 : i32
    %dma_wait3A_152 = arith.constant 1 : i32
    %dma_wait3A_153 = arith.constant 0 : i32
    %dma_wait3A_154 = arith.constant 0 : i32
    %dma_wait3A_155 = tpu.memref_slice %arg9[%dma_wait3A_151, %dma_wait3A_153, %dma_wait3A_154] : memref<3x80x128xf32, #tpu.memory_space<vmem>> -> memref<1x80x128xf32, #tpu.memory_space<vmem>>
    %dma_wait3A_156 = tpu.memref_squeeze %dma_wait3A_155 : memref<1x80x128xf32, #tpu.memory_space<vmem>> -> memref<80x128xf32, #tpu.memory_space<vmem>>
    %dma_wait3A_157 = arith.constant 0 : i32
    %dma_wait3A_158 = tpu.memref_slice %arg8[%dma_wait3A_150, %dma_wait3A_157] : memref<125x80xi32, #tpu.memory_space<vmem>> -> memref<1x80xi32, #tpu.memory_space<vmem>>
    %dma_wait3A_159 = tpu.memref_squeeze %dma_wait3A_158 : memref<1x80xi32, #tpu.memory_space<vmem>> -> memref<80xi32, #tpu.memory_space<vmem>>
    %dma_wait3A_160 = arith.constant 0 : i32
    %dma_wait3A_161 = arith.constant 0 : i32
    %dma_wait3A_162 = tpu.memref_slice %arg2[%dma_wait3A_160, %dma_wait3A_161] : memref<10240x128xf32, #tpu.memory_space<hbm>> -> memref<10240x128xf32, #tpu.memory_space<hbm>>
    %dma_wait3A_163 = tpu.memref_slice %arg11[%dma_wait3A_152] : memref<3x!tpu.dma_semaphore, #tpu.memory_space<semaphore_mem>> -> memref<1x!tpu.dma_semaphore, #tpu.memory_space<semaphore_mem>>
    %dma_wait3A_164 = tpu.memref_squeeze %dma_wait3A_163 : memref<1x!tpu.dma_semaphore, #tpu.memory_space<semaphore_mem>> -> memref<!tpu.dma_semaphore, #tpu.memory_space<semaphore_mem>>
    tpu.wait_indirect_dma semaphore(%dma_wait3A_164 : memref<!tpu.dma_semaphore, #tpu.memory_space<semaphore_mem>>) src(%dma_wait3A_162 : memref<10240x128xf32, #tpu.memory_space<hbm>>) dst(%dma_wait3A_156 : memref<80x128xf32, #tpu.memory_space<vmem>>)
    %dma_wait3A_165 = arith.constant 124 : i32
    %dma_wait3A_166 = arith.constant 1 : i32
    %dma_wait3A_167 = arith.constant 1 : i32
    %dma_wait3A_168 = arith.constant 0 : i32
    %dma_wait3A_169 = arith.constant 0 : i32
    %dma_wait3A_170 = tpu.memref_slice %arg10[%dma_wait3A_166, %dma_wait3A_168, %dma_wait3A_169] : memref<3x1x80xi32, #tpu.memory_space<vmem>> -> memref<1x1x80xi32, #tpu.memory_space<vmem>>
    %dma_wait3A_171 = tpu.memref_squeeze %dma_wait3A_170 : memref<1x1x80xi32, #tpu.memory_space<vmem>> -> memref<1x80xi32, #tpu.memory_space<vmem>>
    %dma_wait3A_172 = arith.constant 0 : i32
    %dma_wait3A_173 = arith.constant 0 : i32
    %dma_wait3A_174 = tpu.memref_slice %arg4[%add3A, %dma_wait3A_165, %dma_wait3A_172, %dma_wait3A_173] : memref<32x125x1x80xi32, #tpu.memory_space<hbm>> -> memref<1x1x1x80xi32, #tpu.memory_space<hbm>>
    %dma_wait3A_175 = tpu.memref_squeeze %dma_wait3A_174 : memref<1x1x1x80xi32, #tpu.memory_space<hbm>> -> memref<1x80xi32, #tpu.memory_space<hbm>>
    %dma_wait3A_176 = tpu.memref_slice %arg12[%dma_wait3A_167] : memref<3x!tpu.dma_semaphore, #tpu.memory_space<semaphore_mem>> -> memref<1x!tpu.dma_semaphore, #tpu.memory_space<semaphore_mem>>
    %dma_wait3A_177 = tpu.memref_squeeze %dma_wait3A_176 : memref<1x!tpu.dma_semaphore, #tpu.memory_space<semaphore_mem>> -> memref<!tpu.dma_semaphore, #tpu.memory_space<semaphore_mem>>
    %dma_wait3A_178 = arith.constant 0 : i32
    %dma_wait3A_179 = arith.constant 0 : i32
    %dma_wait3A_180 = tpu.memref_slice %arg10[%dma_wait3A_166, %dma_wait3A_178, %dma_wait3A_179] : memref<3x1x80xi32, #tpu.memory_space<vmem>> -> memref<1x1x80xi32, #tpu.memory_space<vmem>>
    %dma_wait3A_181 = tpu.memref_squeeze %dma_wait3A_180 : memref<1x1x80xi32, #tpu.memory_space<vmem>> -> memref<1x80xi32, #tpu.memory_space<vmem>>
    %dma_wait3A_182 = arith.constant 0 : i32
    %dma_wait3A_183 = arith.constant 0 : i32
    %dma_wait3A_184 = tpu.memref_slice %arg4[%add3A, %dma_wait3A_165, %dma_wait3A_182, %dma_wait3A_183] : memref<32x125x1x80xi32, #tpu.memory_space<hbm>> -> memref<1x1x1x80xi32, #tpu.memory_space<hbm>>
    %dma_wait3A_185 = tpu.memref_squeeze %dma_wait3A_184 : memref<1x1x1x80xi32, #tpu.memory_space<hbm>> -> memref<1x80xi32, #tpu.memory_space<hbm>>
    tpu.wait_dma2 semaphore(%dma_wait3A_177 : memref<!tpu.dma_semaphore, #tpu.memory_space<semaphore_mem>>) src(%dma_wait3A_185 : memref<1x80xi32, #tpu.memory_space<hbm>>) dst(%dma_wait3A_181 : memref<1x80xi32, #tpu.memory_space<vmem>>)
    %dma_wait3A_186 = arith.constant 0 : i32
    %dma_wait3A_187 = arith.constant 0 : i32
    %dma_wait3A_188 = arith.constant 0 : i32
    %dma_wait3A_189 = arith.constant 0 : i32
    %dma_wait3A_190 = arith.constant 0 : i32
    %dma_wait3A_191 = arith.constant 0 : i32
    %dma_wait3A_192 = tpu.memref_slice %arg9[%dma_wait3A_186, %dma_wait3A_190, %dma_wait3A_191] : memref<3x80x128xf32, #tpu.memory_space<vmem>> -> memref<1x80x128xf32, #tpu.memory_space<vmem>>
    %dma_wait3A_193 = tpu.memref_squeeze %dma_wait3A_192 : memref<1x80x128xf32, #tpu.memory_space<vmem>> -> memref<80x128xf32, #tpu.memory_space<vmem>>
    %dma_wait3A_194 = arith.constant 0 : i32
    %dma_wait3A_195 = tpu.memref_slice %arg10[%dma_wait3A_187, %dma_wait3A_188, %dma_wait3A_194] : memref<3x1x80xi32, #tpu.memory_space<vmem>> -> memref<1x1x80xi32, #tpu.memory_space<vmem>>
    %dma_wait3A_196 = tpu.memref_squeeze %dma_wait3A_195 : memref<1x1x80xi32, #tpu.memory_space<vmem>> -> memref<80xi32, #tpu.memory_space<vmem>>
    %dma_wait3A_197 = arith.constant 0 : i32
    %dma_wait3A_198 = arith.constant 0 : i32
    %dma_wait3A_199 = tpu.memref_slice %arg7[%dma_wait3A_197, %dma_wait3A_198] : memref<10240x128xf32, #tpu.memory_space<vmem_shared>> -> memref<10240x128xf32, #tpu.memory_space<vmem_shared>>
    %dma_wait3A_200 = tpu.memref_slice %arg13[%dma_wait3A_189] : memref<3x!tpu.dma_semaphore, #tpu.memory_space<semaphore_mem>> -> memref<1x!tpu.dma_semaphore, #tpu.memory_space<semaphore_mem>>
    %dma_wait3A_201 = tpu.memref_squeeze %dma_wait3A_200 : memref<1x!tpu.dma_semaphore, #tpu.memory_space<semaphore_mem>> -> memref<!tpu.dma_semaphore, #tpu.memory_space<semaphore_mem>>
    tpu.wait_indirect_dma semaphore(%dma_wait3A_201 : memref<!tpu.dma_semaphore, #tpu.memory_space<semaphore_mem>>) src(%dma_wait3A_193 : memref<80x128xf32, #tpu.memory_space<vmem>>) dst(%dma_wait3A_199 : memref<10240x128xf32, #tpu.memory_space<vmem_shared>>)
    %dma_start3A_202 = arith.constant 1 : i32
    %dma_start3A_203 = arith.constant 1 : i32
    %dma_start3A_204 = arith.constant 0 : i32
    %dma_start3A_205 = arith.constant 1 : i32
    %dma_start3A_206 = arith.constant 0 : i32
    %dma_start3A_207 = arith.constant 0 : i32
    %dma_start3A_208 = tpu.memref_slice %arg9[%dma_start3A_202, %dma_start3A_206, %dma_start3A_207] : memref<3x80x128xf32, #tpu.memory_space<vmem>> -> memref<1x80x128xf32, #tpu.memory_space<vmem>>
    %dma_start3A_209 = tpu.memref_squeeze %dma_start3A_208 : memref<1x80x128xf32, #tpu.memory_space<vmem>> -> memref<80x128xf32, #tpu.memory_space<vmem>>
    %dma_start3A_210 = arith.constant 0 : i32
    %dma_start3A_211 = tpu.memref_slice %arg10[%dma_start3A_203, %dma_start3A_204, %dma_start3A_210] : memref<3x1x80xi32, #tpu.memory_space<vmem>> -> memref<1x1x80xi32, #tpu.memory_space<vmem>>
    %dma_start3A_212 = tpu.memref_squeeze %dma_start3A_211 : memref<1x1x80xi32, #tpu.memory_space<vmem>> -> memref<80xi32, #tpu.memory_space<vmem>>
    %dma_start3A_213 = arith.constant 0 : i32
    %dma_start3A_214 = arith.constant 0 : i32
    %dma_start3A_215 = tpu.memref_slice %arg7[%dma_start3A_213, %dma_start3A_214] : memref<10240x128xf32, #tpu.memory_space<vmem_shared>> -> memref<10240x128xf32, #tpu.memory_space<vmem_shared>>
    %dma_start3A_216 = tpu.memref_slice %arg13[%dma_start3A_205] : memref<3x!tpu.dma_semaphore, #tpu.memory_space<semaphore_mem>> -> memref<1x!tpu.dma_semaphore, #tpu.memory_space<semaphore_mem>>
    %dma_start3A_217 = tpu.memref_squeeze %dma_start3A_216 : memref<1x!tpu.dma_semaphore, #tpu.memory_space<semaphore_mem>> -> memref<!tpu.dma_semaphore, #tpu.memory_space<semaphore_mem>>
    tpu.enqueue_indirect_dma source(%dma_start3A_209 : memref<80x128xf32, #tpu.memory_space<vmem>>) target(%dma_start3A_215 : memref<10240x128xf32, #tpu.memory_space<vmem_shared>>) offsets(%dma_start3A_212 : memref<80xi32, #tpu.memory_space<vmem>>) semaphore(%dma_start3A_217 : memref<!tpu.dma_semaphore, #tpu.memory_space<semaphore_mem>>) {add = true}
    %dma_wait3A_218 = arith.constant 1 : i32
    %dma_wait3A_219 = arith.constant 1 : i32
    %dma_wait3A_220 = arith.constant 0 : i32
    %dma_wait3A_221 = arith.constant 1 : i32
    %dma_wait3A_222 = arith.constant 0 : i32
    %dma_wait3A_223 = arith.constant 0 : i32
    %dma_wait3A_224 = tpu.memref_slice %arg9[%dma_wait3A_218, %dma_wait3A_222, %dma_wait3A_223] : memref<3x80x128xf32, #tpu.memory_space<vmem>> -> memref<1x80x128xf32, #tpu.memory_space<vmem>>
    %dma_wait3A_225 = tpu.memref_squeeze %dma_wait3A_224 : memref<1x80x128xf32, #tpu.memory_space<vmem>> -> memref<80x128xf32, #tpu.memory_space<vmem>>
    %dma_wait3A_226 = arith.constant 0 : i32
    %dma_wait3A_227 = tpu.memref_slice %arg10[%dma_wait3A_219, %dma_wait3A_220, %dma_wait3A_226] : memref<3x1x80xi32, #tpu.memory_space<vmem>> -> memref<1x1x80xi32, #tpu.memory_space<vmem>>
    %dma_wait3A_228 = tpu.memref_squeeze %dma_wait3A_227 : memref<1x1x80xi32, #tpu.memory_space<vmem>> -> memref<80xi32, #tpu.memory_space<vmem>>
    %dma_wait3A_229 = arith.constant 0 : i32
    %dma_wait3A_230 = arith.constant 0 : i32
    %dma_wait3A_231 = tpu.memref_slice %arg7[%dma_wait3A_229, %dma_wait3A_230] : memref<10240x128xf32, #tpu.memory_space<vmem_shared>> -> memref<10240x128xf32, #tpu.memory_space<vmem_shared>>
    %dma_wait3A_232 = tpu.memref_slice %arg13[%dma_wait3A_221] : memref<3x!tpu.dma_semaphore, #tpu.memory_space<semaphore_mem>> -> memref<1x!tpu.dma_semaphore, #tpu.memory_space<semaphore_mem>>
    %dma_wait3A_233 = tpu.memref_squeeze %dma_wait3A_232 : memref<1x!tpu.dma_semaphore, #tpu.memory_space<semaphore_mem>> -> memref<!tpu.dma_semaphore, #tpu.memory_space<semaphore_mem>>
    tpu.wait_indirect_dma semaphore(%dma_wait3A_233 : memref<!tpu.dma_semaphore, #tpu.memory_space<semaphore_mem>>) src(%dma_wait3A_225 : memref<80x128xf32, #tpu.memory_space<vmem>>) dst(%dma_wait3A_231 : memref<10240x128xf32, #tpu.memory_space<vmem_shared>>)
    %barrier3A_234 = arith.constant 0 : index
    tpu.barrier barrier_id(%barrier3A_234)
    %mul3A_235 = arith.constant 640 : i32
    %mul3A_236 = arith.muli %arg1, %mul3A_235 : i32
    %mul3A_237 = arith.constant 640 : i32
    %mul3A_238 = arith.muli %arg1, %mul3A_237 : i32
    "tpu.region"() ({
      %run_scoped3A = tpu.sem_alloc : memref<!tpu.dma_semaphore, #tpu.memory_space<semaphore_mem>>
      %dma_start3A_239 = arith.constant 0 : i32
      %dma_start3A_240 = tpu.memref_slice %arg6[%arg0, %mul3A_238, %dma_start3A_239] : memref<2x10240x128xf32, #tpu.memory_space<hbm>> -> memref<1x640x128xf32, #tpu.memory_space<hbm>>
      %dma_start3A_241 = tpu.memref_squeeze %dma_start3A_240 : memref<1x640x128xf32, #tpu.memory_space<hbm>> -> memref<640x128xf32, #tpu.memory_space<hbm>>
      %dma_start3A_242 = arith.constant 0 : i32
      %dma_start3A_243 = tpu.memref_slice %arg7[%mul3A_236, %dma_start3A_242] : memref<10240x128xf32, #tpu.memory_space<vmem_shared>> -> memref<640x128xf32, #tpu.memory_space<vmem_shared>>
      tpu.enqueue_dma source(%dma_start3A_243 : memref<640x128xf32, #tpu.memory_space<vmem_shared>>) target(%dma_start3A_241 : memref<640x128xf32, #tpu.memory_space<hbm>>) target_semaphore(%run_scoped3A : memref<!tpu.dma_semaphore, #tpu.memory_space<semaphore_mem>>)
      %dma_wait3A_244 = arith.constant 0 : i32
      %dma_wait3A_245 = tpu.memref_slice %arg6[%arg0, %mul3A_238, %dma_wait3A_244] : memref<2x10240x128xf32, #tpu.memory_space<hbm>> -> memref<1x640x128xf32, #tpu.memory_space<hbm>>
      %dma_wait3A_246 = tpu.memref_squeeze %dma_wait3A_245 : memref<1x640x128xf32, #tpu.memory_space<hbm>> -> memref<640x128xf32, #tpu.memory_space<hbm>>
      %dma_wait3A_247 = arith.constant 0 : i32
      %dma_wait3A_248 = tpu.memref_slice %arg7[%mul3A_236, %dma_wait3A_247] : memref<10240x128xf32, #tpu.memory_space<vmem_shared>> -> memref<640x128xf32, #tpu.memory_space<vmem_shared>>
      tpu.wait_dma2 semaphore(%run_scoped3A : memref<!tpu.dma_semaphore, #tpu.memory_space<semaphore_mem>>) src(%dma_wait3A_248 : memref<640x128xf32, #tpu.memory_space<vmem_shared>>) dst(%dma_wait3A_246 : memref<640x128xf32, #tpu.memory_space<hbm>>)
      tpu.yield
    }) : () -> ()
    return
  }
}

module attributes {stable_mosaic.version = 14 : i64} {
  func.func @_first_body(%arg0: i32, %arg1: memref<1024x128xf32, #tpu.memory_space<vmem>>, %arg2: memref<128x128xf32, #tpu.memory_space<vmem>>, %arg3: memref<1024x2xf32, #tpu.memory_space<vmem>>, %arg4: memref<1x1x1024xi32, #tpu.memory_space<vmem>>, %arg5: memref<1024x128xf32, #tpu.memory_space<vmem>>, %arg6: memref<128x128xf32, #tpu.memory_space<vmem>>) attributes {dimension_semantics = [#tpu.dimension_semantics<arbitrary>], iteration_bounds = array<i64: 10>, scalar_prefetch = 0 : i64, scratch_operands = 0 : i64, tpu.core_type = #tpu.core_type<tc>, window_params = [{transform_indices = @transform_0, window_bounds = array<i64: 1024, 128>}, {pipeline_mode = #tpu.pipeline_mode<synchronous>, transform_indices = @transform_1, window_bounds = array<i64: 128, 128>}, {transform_indices = @transform_2, window_bounds = array<i64: 1024, 2>}, {transform_indices = @transform_3, window_bounds = array<i64: 1, 1, 1024>}, {transform_indices = @transform_4, window_bounds = array<i64: 1024, 128>}, {pipeline_mode = #tpu.pipeline_mode<synchronous>, transform_indices = @transform_5, window_bounds = array<i64: 128, 128>}]} {
    %get3A = arith.constant 0 : index
    %get3A_0 = arith.constant 0 : index
    %get3A_1 = vector.load %arg3[%get3A, %get3A_0] : memref<1024x2xf32, #tpu.memory_space<vmem>>, vector<1024x2xf32>
    %reduce_sum3A = arith.constant dense<0.000000e+00> : vector<1024xf32>
    %reduce_sum3A_2 = vector.multi_reduction <add>, %get3A_1, %reduce_sum3A [1] : vector<1024x2xf32> to vector<1024xf32>
    %broadcast_in_dim3A = vector.shape_cast %reduce_sum3A_2 : vector<1024xf32> to vector<1024x1xf32>
    %add3A = arith.constant 1.000000e+00 : f32
    %add3A_3 = vector.broadcast %add3A : f32 to vector<1024x1xf32>
    %add3A_4 = arith.addf %add3A_3, %broadcast_in_dim3A : vector<1024x1xf32>
    %rsqrt3A = math.rsqrt %add3A_4 : vector<1024x1xf32>
    %get3A_5 = arith.constant 0 : index
    %get3A_6 = arith.constant 0 : index
    %get3A_7 = vector.load %arg1[%get3A_5, %get3A_6] : memref<1024x128xf32, #tpu.memory_space<vmem>>, vector<1024x128xf32>
    %get3A_8 = arith.constant 0 : index
    %get3A_9 = arith.constant 0 : index
    %get3A_10 = vector.load %arg2[%get3A_8, %get3A_9] : memref<128x128xf32, #tpu.memory_space<vmem>>, vector<128x128xf32>
    %dot_general3A = arith.constant dense<0.000000e+00> : vector<1024x128xf32>
    %dot_general3A_11 = tpu.matmul %get3A_7, %get3A_10, %dot_general3A {dimension_numbers = #tpu.dot_dimension_numbers<[1], [0], [0], [1], [0, 0, 1, 1], [], []>, transpose_lhs_hint = false} : vector<1024x128xf32>, vector<128x128xf32>, vector<1024x128xf32> -> vector<1024x128xf32>
    %mul3A = vector.broadcast %rsqrt3A : vector<1024x1xf32> to vector<1024x128xf32>
    %mul3A_12 = arith.mulf %mul3A, %dot_general3A_11 : vector<1024x128xf32>
    %swap3A = arith.constant 0 : index
    %swap3A_13 = arith.constant 0 : index
    %swap3A_14 = vector.load %arg5[%swap3A, %swap3A_13] : memref<1024x128xf32, #tpu.memory_space<vmem>>, vector<1024x128xf32>
    tpu.vector_store %arg5[%swap3A, %swap3A_13], %mul3A_12 {strides = array<i32>} : memref<1024x128xf32, #tpu.memory_space<vmem>>, vector<1024x128xf32>,
    %get3A_15 = arith.constant 0 : index
    %get3A_16 = arith.constant 0 : index
    %get3A_17 = arith.constant 0 : index
    %get3A_18 = vector.load %arg4[%get3A_15, %get3A_16, %get3A_17] : memref<1x1x1024xi32, #tpu.memory_space<vmem>>, vector<1x1x1024xi32>
    %get3A_19 = vector.shape_cast %get3A_18 : vector<1x1x1024xi32> to vector<1x1024xi32>
    %iota3A = tpu.iota {dimensions = array<i32: 0>} : vector<128x1024xi32>
    %broadcast_in_dim3A_20 = vector.shape_cast %get3A_19 : vector<1x1024xi32> to vector<1x1024xi32>
    %broadcast_in_dim3A_21 = vector.broadcast %broadcast_in_dim3A_20 : vector<1x1024xi32> to vector<128x1024xi32>
    %eq3A = arith.cmpi eq, %broadcast_in_dim3A_21, %iota3A : vector<128x1024xi32>
    %convert_element_type3A = arith.extui %eq3A : vector<128x1024xi1> to vector<128x1024xi32>
    %convert_element_type3A_22 = arith.sitofp %convert_element_type3A : vector<128x1024xi32> to vector<128x1024xf32>
    %eq3A_23 = arith.constant 0 : i32
    %eq3A_24 = arith.cmpi eq, %arg0, %eq3A_23 : i32
    %convert_element_type3A_25 = arith.extui %eq3A_24 : i1 to i32
    %cond3A = arith.constant 0 : i32
    %cond3A_26 = arith.cmpi ne, %convert_element_type3A_25, %cond3A : i32
    scf.if %cond3A_26 {
      %broadcast_in_dim3A_38 = arith.constant 0.000000e+00 : f32
      %broadcast_in_dim3A_39 = vector.broadcast %broadcast_in_dim3A_38 : f32 to vector<128x128xf32>
      %swap3A_40 = arith.constant 0 : index
      %swap3A_41 = arith.constant 0 : index
      %swap3A_42 = vector.load %arg6[%swap3A_40, %swap3A_41] : memref<128x128xf32, #tpu.memory_space<vmem>>, vector<128x128xf32>
      tpu.vector_store %arg6[%swap3A_40, %swap3A_41], %broadcast_in_dim3A_39 {strides = array<i32>} : memref<128x128xf32, #tpu.memory_space<vmem>>, vector<128x128xf32>,
    } else {
    }
    %get3A_27 = arith.constant 0 : index
    %get3A_28 = arith.constant 0 : index
    %get3A_29 = vector.load %arg6[%get3A_27, %get3A_28] : memref<128x128xf32, #tpu.memory_space<vmem>>, vector<128x128xf32>
    %broadcast_in_dim3A_30 = arith.constant 1.000000e+00 : f32
    %broadcast_in_dim3A_31 = vector.broadcast %broadcast_in_dim3A_30 : f32 to vector<1024x128xf32>
    %dot_general3A_32 = arith.constant dense<0.000000e+00> : vector<128x128xf32>
    %dot_general3A_33 = tpu.matmul %convert_element_type3A_22, %broadcast_in_dim3A_31, %dot_general3A_32 {dimension_numbers = #tpu.dot_dimension_numbers<[1], [0], [0], [1], [0, 0, 1, 1], [], []>, transpose_lhs_hint = false} : vector<128x1024xf32>, vector<1024x128xf32>, vector<128x128xf32> -> vector<128x128xf32>
    %add3A_34 = arith.addf %get3A_29, %dot_general3A_33 : vector<128x128xf32>
    %swap3A_35 = arith.constant 0 : index
    %swap3A_36 = arith.constant 0 : index
    %swap3A_37 = vector.load %arg6[%swap3A_35, %swap3A_36] : memref<128x128xf32, #tpu.memory_space<vmem>>, vector<128x128xf32>
    tpu.vector_store %arg6[%swap3A_35, %swap3A_36], %add3A_34 {strides = array<i32>} : memref<128x128xf32, #tpu.memory_space<vmem>>, vector<128x128xf32>,
    return
  }
  func.func @transform_0(%arg0: i32) -> (i32, i32) {
    %c0_i32 = arith.constant 0 : i32
    %c0_i32_0 = arith.constant 0 : i32
    return %arg0, %c0_i32 : i32, i32
  }
  func.func @transform_1(%arg0: i32) -> (i32, i32) {
    %c0_i32 = arith.constant 0 : i32
    %c0_i32_0 = arith.constant 0 : i32
    %c0_i32_1 = arith.constant 0 : i32
    return %c0_i32, %c0_i32_0 : i32, i32
  }
  func.func @transform_2(%arg0: i32) -> (i32, i32) {
    %c0_i32 = arith.constant 0 : i32
    %c0_i32_0 = arith.constant 0 : i32
    return %arg0, %c0_i32 : i32, i32
  }
  func.func @transform_3(%arg0: i32) -> (i32, i32, i32) {
    %c0_i32 = arith.constant 0 : i32
    %c0_i32_0 = arith.constant 0 : i32
    %c0_i32_1 = arith.constant 0 : i32
    return %arg0, %c0_i32, %c0_i32_0 : i32, i32, i32
  }
  func.func @transform_4(%arg0: i32) -> (i32, i32) {
    %c0_i32 = arith.constant 0 : i32
    %c0_i32_0 = arith.constant 0 : i32
    return %arg0, %c0_i32 : i32, i32
  }
  func.func @transform_5(%arg0: i32) -> (i32, i32) {
    %c0_i32 = arith.constant 0 : i32
    %c0_i32_0 = arith.constant 0 : i32
    %c0_i32_1 = arith.constant 0 : i32
    return %c0_i32, %c0_i32_0 : i32, i32
  }
}

module attributes {stable_mosaic.version = 14 : i64} {
  func.func @_layer_body(%arg0: i32, %arg1: memref<2x1024x128xf32, #tpu.memory_space<vmem>>, %arg2: memref<1024x128xf32, #tpu.memory_space<vmem>>, %arg3: memref<1024x2xf32, #tpu.memory_space<vmem>>, %arg4: memref<1x128xf32, #tpu.memory_space<vmem>>, %arg5: memref<128x128xf32, #tpu.memory_space<vmem>>, %arg6: memref<1x1x1024xi32, #tpu.memory_space<vmem>>, %arg7: memref<1024x128xf32, #tpu.memory_space<vmem>>, %arg8: memref<128x128xf32, #tpu.memory_space<vmem>>) attributes {dimension_semantics = [#tpu.dimension_semantics<arbitrary>], iteration_bounds = array<i64: 10>, scalar_prefetch = 0 : i64, scratch_operands = 0 : i64, tpu.core_type = #tpu.core_type<tc>, window_params = [{transform_indices = @transform_0, window_bounds = array<i64: 2, 1024, 128>}, {transform_indices = @transform_1, window_bounds = array<i64: 1024, 128>}, {transform_indices = @transform_2, window_bounds = array<i64: 1024, 2>}, {pipeline_mode = #tpu.pipeline_mode<synchronous>, transform_indices = @transform_3, window_bounds = array<i64: 1, 128>}, {pipeline_mode = #tpu.pipeline_mode<synchronous>, transform_indices = @transform_4, window_bounds = array<i64: 128, 128>}, {transform_indices = @transform_5, window_bounds = array<i64: 1, 1, 1024>}, {transform_indices = @transform_6, window_bounds = array<i64: 1024, 128>}, {pipeline_mode = #tpu.pipeline_mode<synchronous>, transform_indices = @transform_7, window_bounds = array<i64: 128, 128>}]} {
    %get3A = arith.constant 0 : index
    %get3A_0 = arith.constant 0 : index
    %get3A_1 = vector.load %arg3[%get3A, %get3A_0] : memref<1024x2xf32, #tpu.memory_space<vmem>>, vector<1024x2xf32>
    %reduce_sum3A = arith.constant dense<0.000000e+00> : vector<1024xf32>
    %reduce_sum3A_2 = vector.multi_reduction <add>, %get3A_1, %reduce_sum3A [1] : vector<1024x2xf32> to vector<1024xf32>
    %broadcast_in_dim3A = vector.shape_cast %reduce_sum3A_2 : vector<1024xf32> to vector<1024x1xf32>
    %add3A = arith.constant 1.000000e+00 : f32
    %add3A_3 = vector.broadcast %add3A : f32 to vector<1024x1xf32>
    %add3A_4 = arith.addf %add3A_3, %broadcast_in_dim3A : vector<1024x1xf32>
    %rsqrt3A = math.rsqrt %add3A_4 : vector<1024x1xf32>
    %get3A_5 = arith.constant 0 : index
    %get3A_6 = arith.constant 0 : index
    %get3A_7 = arith.constant 0 : index
    %get3A_8 = vector.load %arg1[%get3A_5, %get3A_6, %get3A_7] : memref<2x1024x128xf32, #tpu.memory_space<vmem>>, vector<1x1024x128xf32>
    %get3A_9 = vector.shape_cast %get3A_8 : vector<1x1024x128xf32> to vector<1024x128xf32>
    %get3A_10 = arith.constant 1 : index
    %get3A_11 = arith.constant 0 : index
    %get3A_12 = arith.constant 0 : index
    %get3A_13 = vector.load %arg1[%get3A_10, %get3A_11, %get3A_12] : memref<2x1024x128xf32, #tpu.memory_space<vmem>>, vector<1x1024x128xf32>
    %get3A_14 = vector.shape_cast %get3A_13 : vector<1x1024x128xf32> to vector<1024x128xf32>
    %add3A_15 = arith.addf %get3A_9, %get3A_14 : vector<1024x128xf32>
    %get3A_16 = arith.constant 0 : index
    %get3A_17 = arith.constant 0 : index
    %get3A_18 = vector.load %arg2[%get3A_16, %get3A_17] : memref<1024x128xf32, #tpu.memory_space<vmem>>, vector<1024x128xf32>
    %add3A_19 = arith.addf %add3A_15, %get3A_18 : vector<1024x128xf32>
    %mul3A = vector.broadcast %rsqrt3A : vector<1024x1xf32> to vector<1024x128xf32>
    %mul3A_20 = arith.mulf %mul3A, %add3A_19 : vector<1024x128xf32>
    %get3A_21 = arith.constant 0 : index
    %get3A_22 = arith.constant 0 : index
    %get3A_23 = vector.load %arg4[%get3A_21, %get3A_22] : memref<1x128xf32, #tpu.memory_space<vmem>>, vector<1x128xf32>
    %add3A_24 = vector.broadcast %get3A_23 : vector<1x128xf32> to vector<1024x128xf32>
    %add3A_25 = arith.addf %mul3A_20, %add3A_24 : vector<1024x128xf32>
    %get3A_26 = arith.constant 0 : index
    %get3A_27 = arith.constant 0 : index
    %get3A_28 = vector.load %arg5[%get3A_26, %get3A_27] : memref<128x128xf32, #tpu.memory_space<vmem>>, vector<128x128xf32>
    %dot_general3A = arith.constant dense<0.000000e+00> : vector<1024x128xf32>
    %dot_general3A_29 = tpu.matmul %add3A_25, %get3A_28, %dot_general3A {dimension_numbers = #tpu.dot_dimension_numbers<[1], [0], [0], [1], [0, 0, 1, 1], [], []>, transpose_lhs_hint = false} : vector<1024x128xf32>, vector<128x128xf32>, vector<1024x128xf32> -> vector<1024x128xf32>
    %mul3A_30 = vector.broadcast %rsqrt3A : vector<1024x1xf32> to vector<1024x128xf32>
    %mul3A_31 = arith.mulf %mul3A_30, %dot_general3A_29 : vector<1024x128xf32>
    %swap3A = arith.constant 0 : index
    %swap3A_32 = arith.constant 0 : index
    %swap3A_33 = vector.load %arg7[%swap3A, %swap3A_32] : memref<1024x128xf32, #tpu.memory_space<vmem>>, vector<1024x128xf32>
    tpu.vector_store %arg7[%swap3A, %swap3A_32], %mul3A_31 {strides = array<i32>} : memref<1024x128xf32, #tpu.memory_space<vmem>>, vector<1024x128xf32>,
    %get3A_34 = arith.constant 0 : index
    %get3A_35 = arith.constant 0 : index
    %get3A_36 = arith.constant 0 : index
    %get3A_37 = vector.load %arg6[%get3A_34, %get3A_35, %get3A_36] : memref<1x1x1024xi32, #tpu.memory_space<vmem>>, vector<1x1x1024xi32>
    %get3A_38 = vector.shape_cast %get3A_37 : vector<1x1x1024xi32> to vector<1x1024xi32>
    %iota3A = tpu.iota {dimensions = array<i32: 0>} : vector<128x1024xi32>
    %broadcast_in_dim3A_39 = vector.shape_cast %get3A_38 : vector<1x1024xi32> to vector<1x1024xi32>
    %broadcast_in_dim3A_40 = vector.broadcast %broadcast_in_dim3A_39 : vector<1x1024xi32> to vector<128x1024xi32>
    %eq3A = arith.cmpi eq, %broadcast_in_dim3A_40, %iota3A : vector<128x1024xi32>
    %convert_element_type3A = arith.extui %eq3A : vector<128x1024xi1> to vector<128x1024xi32>
    %convert_element_type3A_41 = arith.sitofp %convert_element_type3A : vector<128x1024xi32> to vector<128x1024xf32>
    %eq3A_42 = arith.constant 0 : i32
    %eq3A_43 = arith.cmpi eq, %arg0, %eq3A_42 : i32
    %convert_element_type3A_44 = arith.extui %eq3A_43 : i1 to i32
    %cond3A = arith.constant 0 : i32
    %cond3A_45 = arith.cmpi ne, %convert_element_type3A_44, %cond3A : i32
    scf.if %cond3A_45 {
      %broadcast_in_dim3A_55 = arith.constant 0.000000e+00 : f32
      %broadcast_in_dim3A_56 = vector.broadcast %broadcast_in_dim3A_55 : f32 to vector<128x128xf32>
      %swap3A_57 = arith.constant 0 : index
      %swap3A_58 = arith.constant 0 : index
      %swap3A_59 = vector.load %arg8[%swap3A_57, %swap3A_58] : memref<128x128xf32, #tpu.memory_space<vmem>>, vector<128x128xf32>
      tpu.vector_store %arg8[%swap3A_57, %swap3A_58], %broadcast_in_dim3A_56 {strides = array<i32>} : memref<128x128xf32, #tpu.memory_space<vmem>>, vector<128x128xf32>,
    } else {
    }
    %get3A_46 = arith.constant 0 : index
    %get3A_47 = arith.constant 0 : index
    %get3A_48 = vector.load %arg8[%get3A_46, %get3A_47] : memref<128x128xf32, #tpu.memory_space<vmem>>, vector<128x128xf32>
    %dot_general3A_49 = arith.constant dense<0.000000e+00> : vector<128x128xf32>
    %dot_general3A_50 = tpu.matmul %convert_element_type3A_41, %add3A_25, %dot_general3A_49 {dimension_numbers = #tpu.dot_dimension_numbers<[1], [0], [0], [1], [0, 0, 1, 1], [], []>, transpose_lhs_hint = false} : vector<128x1024xf32>, vector<1024x128xf32>, vector<128x128xf32> -> vector<128x128xf32>
    %add3A_51 = arith.addf %get3A_48, %dot_general3A_50 : vector<128x128xf32>
    %swap3A_52 = arith.constant 0 : index
    %swap3A_53 = arith.constant 0 : index
    %swap3A_54 = vector.load %arg8[%swap3A_52, %swap3A_53] : memref<128x128xf32, #tpu.memory_space<vmem>>, vector<128x128xf32>
    tpu.vector_store %arg8[%swap3A_52, %swap3A_53], %add3A_51 {strides = array<i32>} : memref<128x128xf32, #tpu.memory_space<vmem>>, vector<128x128xf32>,
    return
  }
  func.func @transform_0(%arg0: i32) -> (i32, i32, i32) {
    %c0_i32 = arith.constant 0 : i32
    %c0_i32_0 = arith.constant 0 : i32
    %c0_i32_1 = arith.constant 0 : i32
    return %c0_i32, %arg0, %c0_i32_0 : i32, i32, i32
  }
  func.func @transform_1(%arg0: i32) -> (i32, i32) {
    %c0_i32 = arith.constant 0 : i32
    %c0_i32_0 = arith.constant 0 : i32
    return %arg0, %c0_i32 : i32, i32
  }
  func.func @transform_2(%arg0: i32) -> (i32, i32) {
    %c0_i32 = arith.constant 0 : i32
    %c0_i32_0 = arith.constant 0 : i32
    return %arg0, %c0_i32 : i32, i32
  }
  func.func @transform_3(%arg0: i32) -> (i32, i32) {
    %c0_i32 = arith.constant 0 : i32
    %c0_i32_0 = arith.constant 0 : i32
    %c0_i32_1 = arith.constant 0 : i32
    return %c0_i32, %c0_i32_0 : i32, i32
  }
  func.func @transform_4(%arg0: i32) -> (i32, i32) {
    %c0_i32 = arith.constant 0 : i32
    %c0_i32_0 = arith.constant 0 : i32
    %c0_i32_1 = arith.constant 0 : i32
    return %c0_i32, %c0_i32_0 : i32, i32
  }
  func.func @transform_5(%arg0: i32) -> (i32, i32, i32) {
    %c0_i32 = arith.constant 0 : i32
    %c0_i32_0 = arith.constant 0 : i32
    %c0_i32_1 = arith.constant 0 : i32
    return %arg0, %c0_i32, %c0_i32_0 : i32, i32, i32
  }
  func.func @transform_6(%arg0: i32) -> (i32, i32) {
    %c0_i32 = arith.constant 0 : i32
    %c0_i32_0 = arith.constant 0 : i32
    return %arg0, %c0_i32 : i32, i32
  }
  func.func @transform_7(%arg0: i32) -> (i32, i32) {
    %c0_i32 = arith.constant 0 : i32
    %c0_i32_0 = arith.constant 0 : i32
    %c0_i32_1 = arith.constant 0 : i32
    return %c0_i32, %c0_i32_0 : i32, i32
  }
}

module attributes {stable_mosaic.version = 14 : i64} {
  func.func @_last_body(%arg0: i32, %arg1: memref<2x1024x128xf32, #tpu.memory_space<vmem>>, %arg2: memref<1024x128xf32, #tpu.memory_space<vmem>>, %arg3: memref<1024x2xf32, #tpu.memory_space<vmem>>, %arg4: memref<1x128xf32, #tpu.memory_space<vmem>>, %arg5: memref<1x1x1024xi32, #tpu.memory_space<vmem>>, %arg6: memref<128x128xf32, #tpu.memory_space<vmem>>, %arg7: memref<128x128xf32, #tpu.memory_space<vmem>>, %arg8: memref<128x128xf32, #tpu.memory_space<vmem>>, %arg9: memref<384x384xf32, #tpu.memory_space<vmem>>, %arg10: memref<1x384xf32, #tpu.memory_space<vmem>>, %arg11: memref<384x128xf32, #tpu.memory_space<vmem>>, %arg12: memref<1x128xf32, #tpu.memory_space<vmem>>, %arg13: memref<128x128xf32, #tpu.memory_space<vmem>>, %arg14: memref<128x128xf32, #tpu.memory_space<vmem>>, %arg15: memref<128x128xf32, #tpu.memory_space<vmem>>) attributes {dimension_semantics = [#tpu.dimension_semantics<arbitrary>], iteration_bounds = array<i64: 10>, scalar_prefetch = 0 : i64, scratch_operands = 1 : i64, tpu.core_type = #tpu.core_type<tc>, window_params = [{transform_indices = @transform_0, window_bounds = array<i64: 2, 1024, 128>}, {transform_indices = @transform_1, window_bounds = array<i64: 1024, 128>}, {transform_indices = @transform_2, window_bounds = array<i64: 1024, 2>}, {pipeline_mode = #tpu.pipeline_mode<synchronous>, transform_indices = @transform_3, window_bounds = array<i64: 1, 128>}, {transform_indices = @transform_4, window_bounds = array<i64: 1, 1, 1024>}, {pipeline_mode = #tpu.pipeline_mode<synchronous>, transform_indices = @transform_5, window_bounds = array<i64: 128, 128>}, {pipeline_mode = #tpu.pipeline_mode<synchronous>, transform_indices = @transform_6, window_bounds = array<i64: 128, 128>}, {pipeline_mode = #tpu.pipeline_mode<synchronous>, transform_indices = @transform_7, window_bounds = array<i64: 128, 128>}, {pipeline_mode = #tpu.pipeline_mode<synchronous>, transform_indices = @transform_8, window_bounds = array<i64: 384, 384>}, {pipeline_mode = #tpu.pipeline_mode<synchronous>, transform_indices = @transform_9, window_bounds = array<i64: 1, 384>}, {pipeline_mode = #tpu.pipeline_mode<synchronous>, transform_indices = @transform_10, window_bounds = array<i64: 384, 128>}, {pipeline_mode = #tpu.pipeline_mode<synchronous>, transform_indices = @transform_11, window_bounds = array<i64: 1, 128>}, {pipeline_mode = #tpu.pipeline_mode<synchronous>, transform_indices = @transform_12, window_bounds = array<i64: 128, 128>}, {pipeline_mode = #tpu.pipeline_mode<synchronous>, transform_indices = @transform_13, window_bounds = array<i64: 128, 128>}]} {
    %get3A = arith.constant 0 : index
    %get3A_0 = arith.constant 0 : index
    %get3A_1 = vector.load %arg3[%get3A, %get3A_0] : memref<1024x2xf32, #tpu.memory_space<vmem>>, vector<1024x2xf32>
    %reduce_sum3A = arith.constant dense<0.000000e+00> : vector<1024xf32>
    %reduce_sum3A_2 = vector.multi_reduction <add>, %get3A_1, %reduce_sum3A [1] : vector<1024x2xf32> to vector<1024xf32>
    %broadcast_in_dim3A = vector.shape_cast %reduce_sum3A_2 : vector<1024xf32> to vector<1024x1xf32>
    %add3A = arith.constant 1.000000e+00 : f32
    %add3A_3 = vector.broadcast %add3A : f32 to vector<1024x1xf32>
    %add3A_4 = arith.addf %add3A_3, %broadcast_in_dim3A : vector<1024x1xf32>
    %rsqrt3A = math.rsqrt %add3A_4 : vector<1024x1xf32>
    %get3A_5 = arith.constant 0 : index
    %get3A_6 = arith.constant 0 : index
    %get3A_7 = arith.constant 0 : index
    %get3A_8 = vector.load %arg1[%get3A_5, %get3A_6, %get3A_7] : memref<2x1024x128xf32, #tpu.memory_space<vmem>>, vector<1x1024x128xf32>
    %get3A_9 = vector.shape_cast %get3A_8 : vector<1x1024x128xf32> to vector<1024x128xf32>
    %get3A_10 = arith.constant 1 : index
    %get3A_11 = arith.constant 0 : index
    %get3A_12 = arith.constant 0 : index
    %get3A_13 = vector.load %arg1[%get3A_10, %get3A_11, %get3A_12] : memref<2x1024x128xf32, #tpu.memory_space<vmem>>, vector<1x1024x128xf32>
    %get3A_14 = vector.shape_cast %get3A_13 : vector<1x1024x128xf32> to vector<1024x128xf32>
    %add3A_15 = arith.addf %get3A_9, %get3A_14 : vector<1024x128xf32>
    %get3A_16 = arith.constant 0 : index
    %get3A_17 = arith.constant 0 : index
    %get3A_18 = vector.load %arg2[%get3A_16, %get3A_17] : memref<1024x128xf32, #tpu.memory_space<vmem>>, vector<1024x128xf32>
    %add3A_19 = arith.addf %add3A_15, %get3A_18 : vector<1024x128xf32>
    %mul3A = vector.broadcast %rsqrt3A : vector<1024x1xf32> to vector<1024x128xf32>
    %mul3A_20 = arith.mulf %mul3A, %add3A_19 : vector<1024x128xf32>
    %get3A_21 = arith.constant 0 : index
    %get3A_22 = arith.constant 0 : index
    %get3A_23 = vector.load %arg4[%get3A_21, %get3A_22] : memref<1x128xf32, #tpu.memory_space<vmem>>, vector<1x128xf32>
    %add3A_24 = vector.broadcast %get3A_23 : vector<1x128xf32> to vector<1024x128xf32>
    %add3A_25 = arith.addf %mul3A_20, %add3A_24 : vector<1024x128xf32>
    %get3A_26 = arith.constant 0 : index
    %get3A_27 = arith.constant 0 : index
    %get3A_28 = arith.constant 0 : index
    %get3A_29 = vector.load %arg5[%get3A_26, %get3A_27, %get3A_28] : memref<1x1x1024xi32, #tpu.memory_space<vmem>>, vector<1x1x1024xi32>
    %get3A_30 = vector.shape_cast %get3A_29 : vector<1x1x1024xi32> to vector<1x1024xi32>
    %iota3A = tpu.iota {dimensions = array<i32: 0>} : vector<128x1024xi32>
    %broadcast_in_dim3A_31 = vector.shape_cast %get3A_30 : vector<1x1024xi32> to vector<1x1024xi32>
    %broadcast_in_dim3A_32 = vector.broadcast %broadcast_in_dim3A_31 : vector<1x1024xi32> to vector<128x1024xi32>
    %eq3A = arith.cmpi eq, %broadcast_in_dim3A_32, %iota3A : vector<128x1024xi32>
    %convert_element_type3A = arith.extui %eq3A : vector<128x1024xi1> to vector<128x1024xi32>
    %convert_element_type3A_33 = arith.sitofp %convert_element_type3A : vector<128x1024xi32> to vector<128x1024xf32>
    %eq3A_34 = arith.constant 0 : i32
    %eq3A_35 = arith.cmpi eq, %arg0, %eq3A_34 : i32
    %convert_element_type3A_36 = arith.extui %eq3A_35 : i1 to i32
    %cond3A = arith.constant 0 : i32
    %cond3A_37 = arith.cmpi ne, %convert_element_type3A_36, %cond3A : i32
    scf.if %cond3A_37 {
      %broadcast_in_dim3A_50 = arith.constant 0.000000e+00 : f32
      %broadcast_in_dim3A_51 = vector.broadcast %broadcast_in_dim3A_50 : f32 to vector<128x128xf32>
      %swap3A_52 = arith.constant 0 : index
      %swap3A_53 = arith.constant 0 : index
      %swap3A_54 = vector.load %arg15[%swap3A_52, %swap3A_53] : memref<128x128xf32, #tpu.memory_space<vmem>>, vector<128x128xf32>
      tpu.vector_store %arg15[%swap3A_52, %swap3A_53], %broadcast_in_dim3A_51 {strides = array<i32>} : memref<128x128xf32, #tpu.memory_space<vmem>>, vector<128x128xf32>,
    } else {
    }
    %get3A_38 = arith.constant 0 : index
    %get3A_39 = arith.constant 0 : index
    %get3A_40 = vector.load %arg15[%get3A_38, %get3A_39] : memref<128x128xf32, #tpu.memory_space<vmem>>, vector<128x128xf32>
    %dot_general3A = arith.constant dense<0.000000e+00> : vector<128x128xf32>
    %dot_general3A_41 = tpu.matmul %convert_element_type3A_33, %add3A_25, %dot_general3A {dimension_numbers = #tpu.dot_dimension_numbers<[1], [0], [0], [1], [0, 0, 1, 1], [], []>, transpose_lhs_hint = false} : vector<128x1024xf32>, vector<1024x128xf32>, vector<128x128xf32> -> vector<128x128xf32>
    %add3A_42 = arith.addf %get3A_40, %dot_general3A_41 : vector<128x128xf32>
    %swap3A = arith.constant 0 : index
    %swap3A_43 = arith.constant 0 : index
    %swap3A_44 = vector.load %arg15[%swap3A, %swap3A_43] : memref<128x128xf32, #tpu.memory_space<vmem>>, vector<128x128xf32>
    tpu.vector_store %arg15[%swap3A, %swap3A_43], %add3A_42 {strides = array<i32>} : memref<128x128xf32, #tpu.memory_space<vmem>>, vector<128x128xf32>,
    %eq3A_45 = arith.constant 9 : i32
    %eq3A_46 = arith.cmpi eq, %arg0, %eq3A_45 : i32
    %convert_element_type3A_47 = arith.extui %eq3A_46 : i1 to i32
    %cond3A_48 = arith.constant 0 : i32
    %cond3A_49 = arith.cmpi ne, %convert_element_type3A_47, %cond3A_48 : i32
    scf.if %cond3A_49 {
      %get3A_50 = arith.constant 0 : index
      %get3A_51 = arith.constant 0 : index
      %get3A_52 = vector.load %arg8[%get3A_50, %get3A_51] : memref<128x128xf32, #tpu.memory_space<vmem>>, vector<128x128xf32>
      %slice3A = vector.extract_strided_slice %get3A_52 {offsets = [0, 0], sizes = [128, 1], strides = [1, 1]} : vector<128x128xf32> to vector<128x1xf32>
      %max3A = arith.constant 1.000000e+00 : f32
      %max3A_53 = vector.broadcast %max3A : f32 to vector<128x1xf32>
      %max3A_54 = arith.maximumf %slice3A, %max3A_53 : vector<128x1xf32>
      %get3A_55 = arith.constant 0 : index
      %get3A_56 = arith.constant 0 : index
      %get3A_57 = vector.load %arg6[%get3A_55, %get3A_56] : memref<128x128xf32, #tpu.memory_space<vmem>>, vector<128x128xf32>
      %get3A_58 = arith.constant 0 : index
      %get3A_59 = arith.constant 0 : index
      %get3A_60 = vector.load %arg7[%get3A_58, %get3A_59] : memref<128x128xf32, #tpu.memory_space<vmem>>, vector<128x128xf32>
      %get3A_61 = arith.constant 0 : index
      %get3A_62 = arith.constant 0 : index
      %get3A_63 = vector.load %arg15[%get3A_61, %get3A_62] : memref<128x128xf32, #tpu.memory_space<vmem>>, vector<128x128xf32>
      %concatenate3A = tpu.concatenate %get3A_57, %get3A_60, %get3A_63 in 1 : vector<128x128xf32>, vector<128x128xf32>, vector<128x128xf32> -> vector<128x384xf32>
      %div3A = vector.broadcast %max3A_54 : vector<128x1xf32> to vector<128x384xf32>
      %div3A_64 = arith.divf %concatenate3A, %div3A : vector<128x384xf32>
      %get3A_65 = arith.constant 0 : index
      %get3A_66 = arith.constant 0 : index
      %get3A_67 = vector.load %arg9[%get3A_65, %get3A_66] : memref<384x384xf32, #tpu.memory_space<vmem>>, vector<384x384xf32>
      %dot_general3A_68 = arith.constant dense<0.000000e+00> : vector<128x384xf32>
      %dot_general3A_69 = tpu.matmul %div3A_64, %get3A_67, %dot_general3A_68 {dimension_numbers = #tpu.dot_dimension_numbers<[1], [0], [0], [1], [0, 0, 1, 1], [], []>, transpose_lhs_hint = false} : vector<128x384xf32>, vector<384x384xf32>, vector<128x384xf32> -> vector<128x384xf32>
      %get3A_70 = arith.constant 0 : index
      %get3A_71 = arith.constant 0 : index
      %get3A_72 = vector.load %arg10[%get3A_70, %get3A_71] : memref<1x384xf32, #tpu.memory_space<vmem>>, vector<1x384xf32>
      %add3A_73 = vector.broadcast %get3A_72 : vector<1x384xf32> to vector<128x384xf32>
      %add3A_74 = arith.addf %dot_general3A_69, %add3A_73 : vector<128x384xf32>
      %max3A_75 = arith.constant 0.000000e+00 : f32
      %max3A_76 = vector.broadcast %max3A_75 : f32 to vector<128x384xf32>
      %max3A_77 = arith.maximumf %add3A_74, %max3A_76 : vector<128x384xf32>
      %get3A_78 = arith.constant 0 : index
      %get3A_79 = arith.constant 0 : index
      %get3A_80 = vector.load %arg11[%get3A_78, %get3A_79] : memref<384x128xf32, #tpu.memory_space<vmem>>, vector<384x128xf32>
      %dot_general3A_81 = arith.constant dense<0.000000e+00> : vector<128x128xf32>
      %dot_general3A_82 = tpu.matmul %max3A_77, %get3A_80, %dot_general3A_81 {dimension_numbers = #tpu.dot_dimension_numbers<[1], [0], [0], [1], [0, 0, 1, 1], [], []>, transpose_lhs_hint = false} : vector<128x384xf32>, vector<384x128xf32>, vector<128x128xf32> -> vector<128x128xf32>
      %get3A_83 = arith.constant 0 : index
      %get3A_84 = arith.constant 0 : index
      %get3A_85 = vector.load %arg12[%get3A_83, %get3A_84] : memref<1x128xf32, #tpu.memory_space<vmem>>, vector<1x128xf32>
      %add3A_86 = vector.broadcast %get3A_85 : vector<1x128xf32> to vector<128x128xf32>
      %add3A_87 = arith.addf %dot_general3A_82, %add3A_86 : vector<128x128xf32>
      %swap3A_88 = arith.constant 0 : index
      %swap3A_89 = arith.constant 0 : index
      %swap3A_90 = vector.load %arg13[%swap3A_88, %swap3A_89] : memref<128x128xf32, #tpu.memory_space<vmem>>, vector<128x128xf32>
      tpu.vector_store %arg13[%swap3A_88, %swap3A_89], %add3A_87 {strides = array<i32>} : memref<128x128xf32, #tpu.memory_space<vmem>>, vector<128x128xf32>,
      %iota3A_91 = tpu.iota {dimensions = array<i32: 1>} : vector<128x128xi32>
      %lt3A = arith.constant 16 : i32
      %lt3A_92 = vector.broadcast %lt3A : i32 to vector<128x128xi32>
      %lt3A_93 = arith.cmpi slt, %iota3A_91, %lt3A_92 : vector<128x128xi32>
      %jit3A = arith.constant -1.000000e+30 : f32
      %broadcast_in_dim3A_94 = vector.broadcast %jit3A : f32 to vector<128x128xf32>
      %select_n3A = arith.select %lt3A_93, %add3A_87, %broadcast_in_dim3A_94 : vector<128x128xi1>, vector<128x128xf32>
      %reduce_max3A = arith.constant dense<0xFF800000> : vector<128xf32>
      %reduce_max3A_95 = vector.multi_reduction <maximumf>, %select_n3A, %reduce_max3A [1] : vector<128x128xf32> to vector<128xf32>
      %broadcast_in_dim3A_96 = vector.shape_cast %reduce_max3A_95 : vector<128xf32> to vector<128x1xf32>
      %sub3A = vector.broadcast %broadcast_in_dim3A_96 : vector<128x1xf32> to vector<128x128xf32>
      %sub3A_97 = arith.subf %select_n3A, %sub3A : vector<128x128xf32>
      %exp3A = math.exp %sub3A_97 : vector<128x128xf32>
      %jit3A_98 = arith.constant 0.000000e+00 : f32
      %broadcast_in_dim3A_99 = vector.broadcast %jit3A_98 : f32 to vector<128x128xf32>
      %select_n3A_100 = arith.select %lt3A_93, %exp3A, %broadcast_in_dim3A_99 : vector<128x128xi1>, vector<128x128xf32>
      %reduce_sum3A_101 = arith.constant dense<0.000000e+00> : vector<128xf32>
      %reduce_sum3A_102 = vector.multi_reduction <add>, %select_n3A_100, %reduce_sum3A_101 [1] : vector<128x128xf32> to vector<128xf32>
      %broadcast_in_dim3A_103 = vector.shape_cast %reduce_sum3A_102 : vector<128xf32> to vector<128x1xf32>
      %sub3A_104 = vector.broadcast %broadcast_in_dim3A_96 : vector<128x1xf32> to vector<128x128xf32>
      %sub3A_105 = arith.subf %select_n3A, %sub3A_104 : vector<128x128xf32>
      %log3A = math.log %broadcast_in_dim3A_103 : vector<128x1xf32>
      %sub3A_106 = vector.broadcast %log3A : vector<128x1xf32> to vector<128x128xf32>
      %sub3A_107 = arith.subf %sub3A_105, %sub3A_106 : vector<128x128xf32>
      %swap3A_108 = arith.constant 0 : index
      %swap3A_109 = arith.constant 0 : index
      %swap3A_110 = vector.load %arg14[%swap3A_108, %swap3A_109] : memref<128x128xf32, #tpu.memory_space<vmem>>, vector<128x128xf32>
      tpu.vector_store %arg14[%swap3A_108, %swap3A_109], %sub3A_107 {strides = array<i32>} : memref<128x128xf32, #tpu.memory_space<vmem>>, vector<128x128xf32>,
    } else {
    }
    return
  }
  func.func @transform_0(%arg0: i32) -> (i32, i32, i32) {
    %c0_i32 = arith.constant 0 : i32
    %c0_i32_0 = arith.constant 0 : i32
    %c0_i32_1 = arith.constant 0 : i32
    return %c0_i32, %arg0, %c0_i32_0 : i32, i32, i32
  }
  func.func @transform_1(%arg0: i32) -> (i32, i32) {
    %c0_i32 = arith.constant 0 : i32
    %c0_i32_0 = arith.constant 0 : i32
    return %arg0, %c0_i32 : i32, i32
  }
  func.func @transform_2(%arg0: i32) -> (i32, i32) {
    %c0_i32 = arith.constant 0 : i32
    %c0_i32_0 = arith.constant 0 : i32
    return %arg0, %c0_i32 : i32, i32
  }
  func.func @transform_3(%arg0: i32) -> (i32, i32) {
    %c0_i32 = arith.constant 0 : i32
    %c0_i32_0 = arith.constant 0 : i32
    %c0_i32_1 = arith.constant 0 : i32
    return %c0_i32, %c0_i32_0 : i32, i32
  }
  func.func @transform_4(%arg0: i32) -> (i32, i32, i32) {
    %c0_i32 = arith.constant 0 : i32
    %c0_i32_0 = arith.constant 0 : i32
    %c0_i32_1 = arith.constant 0 : i32
    return %arg0, %c0_i32, %c0_i32_0 : i32, i32, i32
  }
  func.func @transform_5(%arg0: i32) -> (i32, i32) {
    %c0_i32 = arith.constant 0 : i32
    %c0_i32_0 = arith.constant 0 : i32
    %c0_i32_1 = arith.constant 0 : i32
    return %c0_i32, %c0_i32_0 : i32, i32
  }
  func.func @transform_6(%arg0: i32) -> (i32, i32) {
    %c0_i32 = arith.constant 0 : i32
    %c0_i32_0 = arith.constant 0 : i32
    %c0_i32_1 = arith.constant 0 : i32
    return %c0_i32, %c0_i32_0 : i32, i32
  }
  func.func @transform_7(%arg0: i32) -> (i32, i32) {
    %c0_i32 = arith.constant 0 : i32
    %c0_i32_0 = arith.constant 0 : i32
    %c0_i32_1 = arith.constant 0 : i32
    return %c0_i32, %c0_i32_0 : i32, i32
  }
  func.func @transform_8(%arg0: i32) -> (i32, i32) {
    %c0_i32 = arith.constant 0 : i32
    %c0_i32_0 = arith.constant 0 : i32
    %c0_i32_1 = arith.constant 0 : i32
    return %c0_i32, %c0_i32_0 : i32, i32
  }
  func.func @transform_9(%arg0: i32) -> (i32, i32) {
    %c0_i32 = arith.constant 0 : i32
    %c0_i32_0 = arith.constant 0 : i32
    %c0_i32_1 = arith.constant 0 : i32
    return %c0_i32, %c0_i32_0 : i32, i32
  }
  func.func @transform_10(%arg0: i32) -> (i32, i32) {
    %c0_i32 = arith.constant 0 : i32
    %c0_i32_0 = arith.constant 0 : i32
    %c0_i32_1 = arith.constant 0 : i32
    return %c0_i32, %c0_i32_0 : i32, i32
  }
  func.func @transform_11(%arg0: i32) -> (i32, i32) {
    %c0_i32 = arith.constant 0 : i32
    %c0_i32_0 = arith.constant 0 : i32
    %c0_i32_1 = arith.constant 0 : i32
    return %c0_i32, %c0_i32_0 : i32, i32
  }
  func.func @transform_12(%arg0: i32) -> (i32, i32) {
    %c0_i32 = arith.constant 0 : i32
    %c0_i32_0 = arith.constant 0 : i32
    %c0_i32_1 = arith.constant 0 : i32
    return %c0_i32, %c0_i32_0 : i32, i32
  }
  func.func @transform_13(%arg0: i32) -> (i32, i32) {
    %c0_i32 = arith.constant 0 : i32
    %c0_i32_0 = arith.constant 0 : i32
    %c0_i32_1 = arith.constant 0 : i32
    return %c0_i32, %c0_i32_0 : i32, i32
  }
}

</mosaic_0001>

<sc_bundles>
// kernel: kernel.10.cloned.1.call-start
scs
__scs_entry_jumppad:
0x0: {  	(pc) =	sbr.rel $0x88, $3  }
0x1: {  	(tag) =	ssettag $0x0;
	lr =	simm.s32 $0x1  }
0x2: {  	[smem:$0x3F94] =	sst lr;
	_ =	strace $0xD0000000  }
0x3: {  	_ = 	snop  }
0x4: {  	_ = 	snop  }
0x5: {  	_ = 	snop  }
0x6: {  	_ = 	snop  }
0x7: {  	_ = 	snop  }
__scs_overlays_trampoline_lowered:
0x8: {  	[smem:$0x3FA3] =	sst s0  }
0x9: {  	[smem:$0x3FA4] =	sst s1  }
0xa: {  	[smem:$0x3FA5] =	sst s2  }
0xb: {  	[smem:$0x3FA6] =	sst s3  }
0xc: {  	[smem:$0x3FA7] =	sst s4  }
0xd: {  	[smem:$0x3FA8] =	sst s5  }
0xe: {  	[smem:$0x3FA9] =	sst s6  }
0xf: {  	[smem:$0x3FAA] =	sst s7  }
0x10: {  	[smem:$0x3FAB] =	sst s8  }
0x11: {  	[smem:$0x3FAC] =	sst s9;
	s0 =	simm.s32 @!p0 $0x0  }
0x12: {  	s1 =	sld [smem:$0x3F92];
	s0 =	simm.s32 @p0 $0x1  }
0x13: {  	[smem:$0x3FAD] =	sst s0;
	s0 =	simm.s32 @!p1 $0x0  }
0x14: {  	s2 =	sld [smem:$0x3F91];
	s0 =	simm.s32 @p1 $0x1  }
0x15: {  	[smem:$0x3FAE] =	sst s0;
	s0 =	simm.s32 @!p2 $0x0  }
0x16: {  	s3 =	sld [smem:$0x3FDB];
	s0 =	simm.s32 @p2 $0x1  }
0x17: {  	s4 =	simm.s32 $0x1BF5;
	[smem:$0x3FB0] =	sst s0  }
0x18: {  	s0 =	sld [smem:$0x3F93];
	_ =	swait.ge [sflag:s4], $0x0  }
0x19: {  	s7 =	sld [smem:$0x3F94]  }
0x1a: {  	s8 =	sadd.s32 $0xFFFFE003, lr  }
0x1b: {  	s9 =	sadd.s32 $0xFFFFFEF7, lr;
	s5 =	simm.s32 $0xFFFFFFFF;
	p2 =	slt.u32 s8, $0xFFFFF086  }
0x1c: {  	p1 =	slt.u32 s9, $0xF7A;
	s5 =	simm.s32 @!p2 $0x0  }
0x1d: {  	s5 =	simm.s32 @p1 $0x1;
	p0 =	seq.s32 s7, s2  }
0x1e: {  	s7 =	smul.u32 @!p0 $0xF7A, s2;
	p2 =	seq.s32 @!p0 s5, $0x0  }
0x1f: {  	s9 =	smul.u32 $0xF7A, s1;
	s8 =	simm.s32 @!p0 $0x1BF5;
	p2 =	por !p2, p0  }
0x20: {  	[sflag:s8] =	ssyncset.s32 @!p0 $0xFFFFF086;
	s6 =	sadd.s32 @!p0 s3, s7;
	s7 =	simm.s32 @!p0 $0x108  }
0x21: {  	s3 =	sadd.s32 s3, s9;
	s6 =	sadd.s32 @!p0 $0x88, s6;
	s7 =	simm.s32 @p2 $0x1082  }
0x22: {  	[simem:s7], [sflag:s8] =	dma.local @!p0 [hbm:s6], $0xF7A  }
0x23: {  	s9 =	sor.u32 $0xD0000000, s2;
	s6 =	simm.s32 $0x108;
	_ =	swait.ge @!p0 [sflag:s8], $0x0  }
0x24: {  	s3 =	sadd.s32 $0x88, s3;
	s6 =	simm.s32 @!p1 $0x1082;
	[sflag:s4] =	ssyncset.s32 $0xFFFFF086  }
0x25: {  	[simem:s6], [sflag:s4] =	dma.local [hbm:s3], $0xF7A  }
0x26: {  	[smem:$0x3F94] =	sst s1;
	(tag) =	ssettag s2;
	_ =	strace s9  }
0x27: {  	s1 =	sld [smem:$0x3FA4]  }
0x28: {  	s2 =	sld [smem:$0x3FA5]  }
0x29: {  	s4 =	sld [smem:$0x3FA7]  }
0x2a: {  	p0 =	seq.s32 s5, $0x0;
	s5 =	sld [smem:$0x3FA8]  }
0x2b: {  	s6 =	sld [smem:$0x3FA9]  }
0x2c: {  	s7 =	sld [smem:$0x3FAA]  }
0x2d: {  	s3 =	simm.s32 $0x108;
	s8 =	sld [smem:$0x3FAB]  }
0x2e: {  	s3 =	simm.s32 @!p0 $0x1082;
	s9 =	sld [smem:$0x3FAC]  }
0x2f: {  	lr =	sadd.s32 s0, s3;
	s0 =	sld [smem:$0x3FA3]  }
0x30: {  	s3 =	sld [smem:$0x3FA6]  }
0x31: {  	[smem:$0x3FAF] =	sst s10  }
0x32: {  	s10 =	sld [smem:$0x3FAD];
	_ =	sdelay $0x3  }
0x33: {  	p0 =	seq.s32 s10, $0x1;
	s10 =	sld [smem:$0x3FAF];
	_ =	sdelay $0x3  }
0x34: {  	[smem:$0x3FAF] =	sst s10  }
0x35: {  	s10 =	sld [smem:$0x3FAE];
	_ =	sdelay $0x3  }
0x36: {  	p1 =	seq.s32 s10, $0x1;
	s10 =	sld [smem:$0x3FAF];
	_ =	sdelay $0x3  }
0x37: {  	[smem:$0x3FAF] =	sst s10  }
0x38: {  	s10 =	sld [smem:$0x3FB0]  }
0x39: {  	_ = 	snop;
	(pc) =	sbr.ind lr, $3  }
0x3a: {  	_ = 	snop  }
0x3b: {  	_ = 	snop  }
0x3c: {  	p2 =	seq.s32 s10, $0x1;
	s10 =	sld [smem:$0x3FAF]  }
0x3d: {  	_ =	shalt  }
0x3e: {  	_ =	shalt  }
0x3f: {  	_ =	shalt  }
0x40: {  	_ =	shalt  }
0x41: {  	_ =	shalt  }
0x42: {  	_ =	shalt  }
0x43: {  	_ =	shalt  }
0x44: {  	_ =	shalt  }
0x45: {  	_ =	shalt  }
0x46: {  	_ =	shalt  }
0x47: {  	_ =	shalt  }
0x48: {  	_ =	shalt  }
0x49: {  	_ =	shalt  }
0x4a: {  	_ =	shalt  }
0x4b: {  	_ =	shalt  }
0x4c: {  	_ =	shalt  }
0x4d: {  	_ =	shalt  }
0x4e: {  	_ =	shalt  }
0x4f: {  	_ =	shalt  }
0x50: {  	_ =	shalt  }
0x51: {  	_ =	shalt  }
0x52: {  	_ =	shalt  }
0x53: {  	_ =	shalt  }
0x54: {  	_ =	shalt  }
0x55: {  	_ =	shalt  }
0x56: {  	_ =	shalt  }
0x57: {  	_ =	shalt  }
0x58: {  	_ =	shalt  }
0x59: {  	_ =	shalt  }
0x5a: {  	_ =	shalt  }
0x5b: {  	_ =	shalt  }
0x5c: {  	_ =	shalt  }
0x5d: {  	_ =	shalt  }
0x5e: {  	_ =	shalt  }
0x5f: {  	_ =	shalt  }
0x60: {  	_ =	shalt  }
0x61: {  	_ =	shalt  }
0x62: {  	_ =	shalt  }
0x63: {  	_ =	shalt  }
0x64: {  	_ =	shalt  }
0x65: {  	_ =	shalt  }
0x66: {  	_ =	shalt  }
0x67: {  	_ =	shalt  }
0x68: {  	_ =	shalt  }
0x69: {  	_ =	shalt  }
0x6a: {  	_ =	shalt  }
0x6b: {  	_ =	shalt  }
0x6c: {  	_ =	shalt  }
0x6d: {  	_ =	shalt  }
0x6e: {  	_ =	shalt  }
0x6f: {  	_ =	shalt  }
0x70: {  	_ =	shalt  }
0x71: {  	_ =	shalt  }
0x72: {  	_ =	shalt  }
0x73: {  	_ =	shalt  }
0x74: {  	_ =	shalt  }
0x75: {  	_ =	shalt  }
0x76: {  	_ =	shalt  }
0x77: {  	_ =	shalt  }
0x78: {  	_ =	shalt  }
0x79: {  	_ =	shalt  }
0x7a: {  	_ =	shalt  }
0x7b: {  	_ =	shalt  }
0x7c: {  	_ =	shalt  }
0x7d: {  	_ =	shalt  }
0x7e: {  	_ =	shalt  }
0x7f: {  	_ =	shalt  }
0x80: {  	_ =	shalt  }
0x81: {  	_ =	shalt  }
0x82: {  	_ =	shalt  }
0x83: {  	_ =	shalt  }
0x84: {  	_ =	shalt  }
0x85: {  	_ =	shalt  }
0x86: {  	_ =	shalt  }
0x87: {  	_ =	shalt  }
.Lfunc_end0:
.L_simem_size_0:
called_computation_lowered:
.L_overlay_start_0:
0x88: {  	s2 =	sld [smem:$0x3FD9]  }
0x89: {  	s3 =	sld [smem:$0x3FFE];
	_ =	sdelay $0x1  }
0x8a: {  	s1 =	srdreg.scid  }
0x8b: {  	s0 =	sand.u32 $0x1, s1  }
0x8c: {  	s16 =	sshll.u32 s0, $0xA;
	s2 =	sadd.s32 s3, s2  }
0x8d: {  	s2 =	sadd.s32 s2, s16  }
0x8e: {  	[smem:$0x3FBB] =	sst s2  }
0x8f: {  	_ = 	snop  }
0x90: {  	(tm) =	ssettm $0x1  }
0x91: {  	s17 =	sld [smem:$0x3FFB];
	_ =	sdelay $0x3  }
0x92: {  	_ =	strace s17  }
0x93: {  	s2 =	sld [smem:$0x3FFC];
	_ =	sdelay $0x3  }
0x94: {  	_ =	strace s2  }
0x95: {  	s2 =	sld [smem:$0x3FFD];
	_ =	sdelay $0x3  }
0x96: {  	_ =	strace s2  }
0x97: {  	_ =	strace $0x8FFFFFFF  }
0x98: {  	s18 =	sld [smem:$0x3FDB];
	_ =	sdelay $0x1  }
0x99: {  	s19 =	simm.s32 $_scs_section_size  }
0x9a: {  	s4 =	simm.s32 $_size__tile_overlayer_lowered;
	s5 =	simm.s32 $_tile_overlayer_lowered  }
0x9b: {  	s22 =	simm.s32 $0x1BFF;
	s21 =	sshll.u32 s5, $0x1;
	s2 =	sadd.s32 s19, s18  }
0x9c: {  	s6 =	simm.s32 $0x0;
	s20 =	sshll.u32 s4, $0x1;
	s4 =	sadd.s32 s21, s2  }
0x9d: {  	[timem:s6], [sflag:s22] =	dma.local [hbm:s4], s20  }
0x9e: {  	_ =	swait.ge [sflag:s22], s20  }
0x9f: {  	s3 =	ssub.s32 $0x0, s20;
	[sflag:s22] =	ssyncset.done $0x0  }
0xa0: {  	[sflag:s22] =	ssyncadd.s32 s3;
	_ =	sdelay $0x1  }
0xa1: {  	s23 =	simm.s32 $0x1B8B  }
0xa2: {  	_ =	swait.ge [sflag:s23], $0x1  }
0xa3: {  	[sflag:s23] =	ssyncset.done $0x0  }
0xa4: {  	s25 =	simm.s32 $0x1B8E;
	s24 =	sld [smem:$0x3FFE];
	[sflag:s23] =	ssyncadd.s32 $0xFFFFFFFF  }
0xa5: {  	s26 =	simm.s32 $execute0_lowered;
	[smem:$0x3FD2] =	sst s25  }
0xa6: {  	s4 =	sshll.u32 s26, $0x1;
	_ =	strace $0x80000046;
	[dreg:$0x1] =	wrdreg $0xFFFFFFFF  }
0xa7: {  	s28 =	simm.s32 $_size_execute0_lowered;
	s2 =	sadd.s32 s2, s4;
	[dreg:$0x0] =	wrdreg $0x0  }
0xa8: {  	s4 =	sshll.u32 s28, $0x1;
	[dreg:$0x2] =	wrdreg s2  }
0xa9: {  	[dreg:$0x3] =	wrdreg s4  }
0xaa: {  	[dreg:$0x4] =	wrdreg $0xC0  }
0xab: {  	_ =	task [dreg:s6], $0x5FFFF  }
0xac: {  	[dreg:$0x1] =	wrdreg $0xFFFFFFFF  }
0xad: {  	[dreg:$0x0] =	wrdreg $0x60  }
0xae: {  	[dreg:$0x2] =	wrdreg s24  }
0xaf: {  	[dreg:$0x3] =	wrdreg $0x0  }
0xb0: {  	[dreg:$0x4] =	wrdreg $0x9  }
0xb1: {  	_ =	task.clear_ibuf [dreg:s6], $0x5FFFF;
	_ =	strace $0x90000046  }
0xb2: {  	s29 =	simm.s32 $0x9;
	_ =	strace $0x80000048  }
0xb3: {  	_ =	swait.ge [sflag:s29], $0x1  }
0xb4: {  	[sflag:s29] =	ssyncadd.s32 $0xFFFFFFFF  }
0xb5: {  	_ =	strace $0x90000048  }
0xb6: {  	_ =	sfence  }
0xb7: {  	s30 =	sld [smem:$0x0];
	_ =	sdelay $0x2  }
0xb8: {  	s31 =	sshll.u32 s1, $0xD;
	s1 =	sshrl.u32 s1, $0x2  }
0xb9: {  	s3 =	sand.u32 $0x4000, s31;
	s1 =	sadd.s32 s1, s30  }
0xba: {  	s0 =	sor.u32 s3, s0;
	s1 =	sshll.u32 s1, $0x11  }
0xbb: {  	s0 =	sor.u32 s1, s0  }
0xbc: {  	s0 =	sadd.s32 $0x8F2B, s0  }
0xbd: {  	[sflag:s0] =	ssyncadd.remote.s32 $0x1  }
0xbe: {  	_ =	sfence.sel $0xFFFF  }
0xbf: {  	[dreg:$0x0] =	wrdreg $0xFFFFFFFF;
	(pc) =	sbr.abs _section_cstart, $3  }
0xc0: {  	[dreg:$0x1] =	wrdreg $0xFFFFFFFF  }
0xc1: {  	_ =	task.clear_ibuf [dreg:s6], $0x2FFFF;
	_ =	strace $0x9FFFFFFF  }
0xc2: {  	(tm) =	ssettm $0x7FFFFFFF  }
0xc3: {  	_ =	shalt  }
tec
execute0_lowered:
.L_overlay_start_1:
0x0: {  	(tag) =	ssettag $0x1  }
0x1: {  	s4 =	rddreg [dreg:$0x0]  }
0x2: {  	s2 =	rddreg [dreg:$0x1]  }
0x3: {  	s0 =	rddreg [dreg:$0x2]  }
0x4: {  	s3 =	simm.s32 $0x0;
	s1 =	stileid.u32;
	s5 =	srdreg.scid  }
0x5: {  	s13 =	simm.s32 $0x1;
	s14 =	simm.s32 $0x20;
	s15 =	simm.s32 $0x10  }
0x6: {  	s16 =	simm.s32 $0x0;
	[smem:$0x7FF] =	sst s3;
	s6 =	smul.u32 $0x500, s1  }
0x7: {  	s5 =	sand.u32 $0x1, s5;
	s7 =	sshll.u32 s1, $0xB;
	s8 =	smul.u32 $0x280, s1  }
0x8: {  	s31 =	sshll.u32 s1, $0x6;
	s9 =	sshll.u32 s5, $0x7;
	_ =	strace $0x80000047  }
0x9: {  	s7 =	sadd.s32 s7, s4;
	s10 =	ssub.s32 $0x2, s5;
	s5 =	sshll.u32 s5, $0xF  }
0xa: {  	s6 =	sor.u32 s9, s6;
	s29 =	sshrl.u32 s8, $0x3;
	s30 =	sshrl.u32 s10, $0x1  }
0xb: {  	s12 =	sadd.s32 s8, s2;
	s7 =	sadd.s32 s5, s7;
	s5 =	sor.u32 $0x1C02, s31  }
0xc: {  	s6 =	sshrl.u32 s6, $0x3;
	s9 =	sadd.s32 s29, s4;
	s10 =	ssub.s32 s10, s30  }
0xd: {  	s11 =	sadd.s32 s6, s4;
	s4 =	sadd.s32 $0x14E00, s9;
	s6 =	sadd.s32 $0x4E00, s7  }
0xe: {  	s8 =	smax.u32 s10, $0x1;
	s9 =	sshrl.u32 s12, $0x3;
	s10 =	simm.s32 $0x2  }
0xf: {  	v0 =	vimm.f32 $1.000000000e+00;
	s12 =	simm.s32 $0x4280;
	s7 =	sadd.s32 $0x15400, s11;
	s11 =	simm.s32 $0x50  }
.LBB2_1:
0x10: {  	[spmem:s9], [sflag:s5] =	dma.local [hbm:s4], $0x50  }
0x11: {  	_ =	swait.ge [sflag:s10], $0x50  }
0x12: {  	[sflag:s10] =	ssyncset.done $0x0  }
0x13: {  	s17 =	simm.s32 $0x280;
	[sflag:s10] =	ssyncadd.s32 $0xFFFFFFB0  }
0x14: {  	[tilespmem:s17], [sflag:$0x2] =	stream.linear.gather [hbm4b:s6+s3], $0x3E80, $0x38;
	[tilespmem:$0x4300] =	vst v63  }
0x15: {  	_ =	swait.ge [sflag:s10], $0x3E80  }
0x16: {  	[sflag:s10] =	ssyncset.done $0x0  }
0x17: {  	[sflag:s10] =	ssyncadd.s32 $0xFFFFC180  }
0x18: {  	[tilespmem:$0x4280] =	vst v0  }
0x19: {  	[tilespmem:$0x4290] =	vst v0  }
0x1a: {  	[tilespmem:$0x42A0] =	vst v0  }
0x1b: {  	[tilespmem:$0x42B0] =	vst v0  }
0x1c: {  	p0 =	por $0x1, $0x1;
	[tilespmem:$0x42C0] =	vst v0  }
0x1d: {  	s19 =	simm.s32 @!p0 $0x1;
	[bflag:$0x0] =	sbarrier.arrive $0xFFFF  }
0x1e: {  	_ =	swait.ge @!p0 [sflag:s19], $0x50  }
0x1f: {  	[sflag:s19] =	ssyncset.done @!p0 $0x0  }
0x20: {  	s18 =	simm.s32 $0x1;
	[sflag:s19] =	ssyncadd.s32 @!p0 $0xFFFFFFB0;
	s19 =	simm.s32 $0x300  }
.LBB2_2:
0x21: {  	[spmem:s2] =	stream.indirect.scatter.add.f32 [tilespmem:s12], [sflag:$0x1], $0x1, s17, s11, $0xb8;
	[tilespmem:$0x4300] =	vst v63  }
0x22: {  	p0 =	slt.u32 s18, $0x8;
	s18 =	sadd.s32 $0x1, s18  }
0x23: {  	p1 =	sne.s32 s18, $0x7D  }
.Ltmp0:
0x24: {  	(pc) =	sbr.rel @p1 .LBB2_2-.Ltmp0, $4  }
0x25: {  	s17 =	smov.u32 s19;
	s20 =	simm.s32 @!p0 $0x1  }
0x26: {  	_ =	swait.ge @!p0 [sflag:s20], $0x50  }
0x27: {  	[sflag:s20] =	ssyncset.done @!p0 $0x0  }
0x28: {  	s19 =	sadd.s32 $0x80, s19;
	[sflag:s20] =	ssyncadd.s32 @!p0 $0xFFFFFFB0  }
0x29: {  	[spmem:s2] =	stream.indirect.scatter.add.f32 [tilespmem:s12], [sflag:$0x1], $0x1, s17, s11, $0xb8;
	[tilespmem:$0x4300] =	vst v63  }
0x2a: {  	_ =	swait.ge [sflag:s13], $0x50  }
0x2b: {  	[sflag:s13] =	ssyncset.done $0x0  }
0x2c: {  	[sflag:s13] =	ssyncadd.s32 $0xFFFFFFB0  }
0x2d: {  	_ =	swait.ge [sflag:s13], $0x50  }
0x2e: {  	[sflag:s13] =	ssyncset.done $0x0  }
0x2f: {  	[sflag:s13] =	ssyncadd.s32 $0xFFFFFFB0  }
0x30: {  	_ =	swait.ge [sflag:s13], $0x50  }
0x31: {  	[sflag:s13] =	ssyncset.done $0x0  }
0x32: {  	[sflag:s13] =	ssyncadd.s32 $0xFFFFFFB0  }
0x33: {  	_ =	swait.ge [sflag:s13], $0x50  }
0x34: {  	[sflag:s13] =	ssyncset.done $0x0  }
0x35: {  	[sflag:s13] =	ssyncadd.s32 $0xFFFFFFB0  }
0x36: {  	_ =	swait.ge [sflag:s13], $0x50  }
0x37: {  	[sflag:s13] =	ssyncset.done $0x0  }
0x38: {  	[sflag:s13] =	ssyncadd.s32 $0xFFFFFFB0  }
0x39: {  	_ =	swait.ge [sflag:s13], $0x50  }
0x3a: {  	[sflag:s13] =	ssyncset.done $0x0  }
0x3b: {  	[sflag:s13] =	ssyncadd.s32 $0xFFFFFFB0  }
0x3c: {  	_ =	swait.ge [sflag:s13], $0x50  }
0x3d: {  	[sflag:s13] =	ssyncset.done $0x0  }
0x3e: {  	[sflag:s13] =	ssyncadd.s32 $0xFFFFFFB0  }
0x3f: {  	_ =	swait.ge [sflag:s13], $0x50  }
0x40: {  	s16 =	sadd.s32 $0x1, s16;
	[sflag:s13] =	ssyncset.done $0x0  }
0x41: {  	p0 =	sne.s32 s16, s8;
	[sflag:s13] =	ssyncadd.s32 $0xFFFFFFB0  }
.Ltmp1:
0x42: {  	[bflag:$0x0] =	sbarrier.arrive $0xFFFF;
	(pc) =	sbr.rel @p0 .LBB2_1-.Ltmp1, $4  }
0x43: {  	[hbm:s7@s14], [sflag:s5] =	dma.strided [spmem:s9@s15], $0x50, s13, $0x10   }
0x44: {  	_ =	swait.ge [sflag:s10], $0x50  }
0x45: {  	[sflag:s10] =	ssyncset.done $0x0  }
0x46: {  	[sflag:s10] =	ssyncadd.s32 $0xFFFFFFB0  }
0x47: {  	_ =	sfence.sel $0x180000  }
0x48: {  	[bflag:$0x0] =	sbarrier.arrive $0xFFFF  }
0x49: {  	p0 =	sne.s32 s1, $0x0;
	_ =	strace $0x90000047  }
0x4a: {  	s0 =	sadd.s32 @!p0 $0x100000, s0;
	[bflag:$0x2] =	sbarrier.arrive $0xFFFF  }
0x4b: {  	[sflag:s0] =	ssyncadd.tile.s32 @!p0 $0x1;
	_ =	shalt  }
.Lfunc_end2:
_tile_overlayer_lowered:
.L_overlay_start_2:
0x4c: {  	(tag) =	ssettag $0x2  }
0x4d: {  	s0 =	rddreg [dreg:$0x0];
	s2 =	stileid.u32  }
0x4e: {  	s1 =	rddreg [dreg:$0x1];
	p0 =	sne.s32 s2, $0x0  }
0x4f: {  	s3 =	rddreg [dreg:$0x2];
	[bflag:$0x3] =	sbarrier.arrive $0xFFFF;
	s2 =	simm.s32 @!p0 $0x1C02  }
0x50: {  	[timem:s3], [sflag:s2] =	dma.local @!p0 [hbm:s0], s1  }
0x51: {  	s0 =	simm.s32 @!p0 $0x2  }
0x52: {  	_ =	swait.ge @!p0 [sflag:s0], s1  }
0x53: {  	s1 =	ssub.s32 @!p0 $0x0, s1;
	[sflag:s0] =	ssyncset.done @!p0 $0x0  }
0x54: {  	[sflag:s0] =	ssyncadd.s32 @!p0 s1  }
0x55: {  	[bflag:$0x3] =	sbarrier.arrive $0xFFFF  }
0x56: {  	_ =	shalt  }

// kernel: kernel.13.cloned.1.call-start
scs
__scs_entry_jumppad:
0x0: {  	(pc) =	sbr.rel $0x88, $3  }
0x1: {  	(tag) =	ssettag $0x0;
	lr =	simm.s32 $0x1  }
0x2: {  	[smem:$0x3F94] =	sst lr;
	_ =	strace $0xD0000000  }
0x3: {  	_ = 	snop  }
0x4: {  	_ = 	snop  }
0x5: {  	_ = 	snop  }
0x6: {  	_ = 	snop  }
0x7: {  	_ = 	snop  }
__scs_overlays_trampoline_lowered:
0x8: {  	[smem:$0x3FA3] =	sst s0  }
0x9: {  	[smem:$0x3FA4] =	sst s1  }
0xa: {  	[smem:$0x3FA5] =	sst s2  }
0xb: {  	[smem:$0x3FA6] =	sst s3  }
0xc: {  	[smem:$0x3FA7] =	sst s4  }
0xd: {  	[smem:$0x3FA8] =	sst s5  }
0xe: {  	[smem:$0x3FA9] =	sst s6  }
0xf: {  	[smem:$0x3FAA] =	sst s7  }
0x10: {  	[smem:$0x3FAB] =	sst s8  }
0x11: {  	[smem:$0x3FAC] =	sst s9;
	s0 =	simm.s32 @!p0 $0x0  }
0x12: {  	s1 =	sld [smem:$0x3F92];
	s0 =	simm.s32 @p0 $0x1  }
0x13: {  	[smem:$0x3FAD] =	sst s0;
	s0 =	simm.s32 @!p1 $0x0  }
0x14: {  	s2 =	sld [smem:$0x3F91];
	s0 =	simm.s32 @p1 $0x1  }
0x15: {  	[smem:$0x3FAE] =	sst s0;
	s0 =	simm.s32 @!p2 $0x0  }
0x16: {  	s3 =	sld [smem:$0x3FDB];
	s0 =	simm.s32 @p2 $0x1  }
0x17: {  	s4 =	simm.s32 $0x1BF5;
	[smem:$0x3FB0] =	sst s0  }
0x18: {  	s0 =	sld [smem:$0x3F93];
	_ =	swait.ge [sflag:s4], $0x0  }
0x19: {  	s7 =	sld [smem:$0x3F94]  }
0x1a: {  	s8 =	sadd.s32 $0xFFFFE003, lr  }
0x1b: {  	s9 =	sadd.s32 $0xFFFFFEF7, lr;
	s5 =	simm.s32 $0xFFFFFFFF;
	p2 =	slt.u32 s8, $0xFFFFF086  }
0x1c: {  	p1 =	slt.u32 s9, $0xF7A;
	s5 =	simm.s32 @!p2 $0x0  }
0x1d: {  	s5 =	simm.s32 @p1 $0x1;
	p0 =	seq.s32 s7, s2  }
0x1e: {  	s7 =	smul.u32 @!p0 $0xF7A, s2;
	p2 =	seq.s32 @!p0 s5, $0x0  }
0x1f: {  	s9 =	smul.u32 $0xF7A, s1;
	s8 =	simm.s32 @!p0 $0x1BF5;
	p2 =	por !p2, p0  }
0x20: {  	[sflag:s8] =	ssyncset.s32 @!p0 $0xFFFFF086;
	s6 =	sadd.s32 @!p0 s3, s7;
	s7 =	simm.s32 @!p0 $0x108  }
0x21: {  	s3 =	sadd.s32 s3, s9;
	s6 =	sadd.s32 @!p0 $0x88, s6;
	s7 =	simm.s32 @p2 $0x1082  }
0x22: {  	[simem:s7], [sflag:s8] =	dma.local @!p0 [hbm:s6], $0xF7A  }
0x23: {  	s9 =	sor.u32 $0xD0000000, s2;
	s6 =	simm.s32 $0x108;
	_ =	swait.ge @!p0 [sflag:s8], $0x0  }
0x24: {  	s3 =	sadd.s32 $0x88, s3;
	s6 =	simm.s32 @!p1 $0x1082;
	[sflag:s4] =	ssyncset.s32 $0xFFFFF086  }
0x25: {  	[simem:s6], [sflag:s4] =	dma.local [hbm:s3], $0xF7A  }
0x26: {  	[smem:$0x3F94] =	sst s1;
	(tag) =	ssettag s2;
	_ =	strace s9  }
0x27: {  	s1 =	sld [smem:$0x3FA4]  }
0x28: {  	s2 =	sld [smem:$0x3FA5]  }
0x29: {  	s4 =	sld [smem:$0x3FA7]  }
0x2a: {  	p0 =	seq.s32 s5, $0x0;
	s5 =	sld [smem:$0x3FA8]  }
0x2b: {  	s6 =	sld [smem:$0x3FA9]  }
0x2c: {  	s7 =	sld [smem:$0x3FAA]  }
0x2d: {  	s3 =	simm.s32 $0x108;
	s8 =	sld [smem:$0x3FAB]  }
0x2e: {  	s3 =	simm.s32 @!p0 $0x1082;
	s9 =	sld [smem:$0x3FAC]  }
0x2f: {  	lr =	sadd.s32 s0, s3;
	s0 =	sld [smem:$0x3FA3]  }
0x30: {  	s3 =	sld [smem:$0x3FA6]  }
0x31: {  	[smem:$0x3FAF] =	sst s10  }
0x32: {  	s10 =	sld [smem:$0x3FAD];
	_ =	sdelay $0x3  }
0x33: {  	p0 =	seq.s32 s10, $0x1;
	s10 =	sld [smem:$0x3FAF];
	_ =	sdelay $0x3  }
0x34: {  	[smem:$0x3FAF] =	sst s10  }
0x35: {  	s10 =	sld [smem:$0x3FAE];
	_ =	sdelay $0x3  }
0x36: {  	p1 =	seq.s32 s10, $0x1;
	s10 =	sld [smem:$0x3FAF];
	_ =	sdelay $0x3  }
0x37: {  	[smem:$0x3FAF] =	sst s10  }
0x38: {  	s10 =	sld [smem:$0x3FB0]  }
0x39: {  	_ = 	snop;
	(pc) =	sbr.ind lr, $3  }
0x3a: {  	_ = 	snop  }
0x3b: {  	_ = 	snop  }
0x3c: {  	p2 =	seq.s32 s10, $0x1;
	s10 =	sld [smem:$0x3FAF]  }
0x3d: {  	_ =	shalt  }
0x3e: {  	_ =	shalt  }
0x3f: {  	_ =	shalt  }
0x40: {  	_ =	shalt  }
0x41: {  	_ =	shalt  }
0x42: {  	_ =	shalt  }
0x43: {  	_ =	shalt  }
0x44: {  	_ =	shalt  }
0x45: {  	_ =	shalt  }
0x46: {  	_ =	shalt  }
0x47: {  	_ =	shalt  }
0x48: {  	_ =	shalt  }
0x49: {  	_ =	shalt  }
0x4a: {  	_ =	shalt  }
0x4b: {  	_ =	shalt  }
0x4c: {  	_ =	shalt  }
0x4d: {  	_ =	shalt  }
0x4e: {  	_ =	shalt  }
0x4f: {  	_ =	shalt  }
0x50: {  	_ =	shalt  }
0x51: {  	_ =	shalt  }
0x52: {  	_ =	shalt  }
0x53: {  	_ =	shalt  }
0x54: {  	_ =	shalt  }
0x55: {  	_ =	shalt  }
0x56: {  	_ =	shalt  }
0x57: {  	_ =	shalt  }
0x58: {  	_ =	shalt  }
0x59: {  	_ =	shalt  }
0x5a: {  	_ =	shalt  }
0x5b: {  	_ =	shalt  }
0x5c: {  	_ =	shalt  }
0x5d: {  	_ =	shalt  }
0x5e: {  	_ =	shalt  }
0x5f: {  	_ =	shalt  }
0x60: {  	_ =	shalt  }
0x61: {  	_ =	shalt  }
0x62: {  	_ =	shalt  }
0x63: {  	_ =	shalt  }
0x64: {  	_ =	shalt  }
0x65: {  	_ =	shalt  }
0x66: {  	_ =	shalt  }
0x67: {  	_ =	shalt  }
0x68: {  	_ =	shalt  }
0x69: {  	_ =	shalt  }
0x6a: {  	_ =	shalt  }
0x6b: {  	_ =	shalt  }
0x6c: {  	_ =	shalt  }
0x6d: {  	_ =	shalt  }
0x6e: {  	_ =	shalt  }
0x6f: {  	_ =	shalt  }
0x70: {  	_ =	shalt  }
0x71: {  	_ =	shalt  }
0x72: {  	_ =	shalt  }
0x73: {  	_ =	shalt  }
0x74: {  	_ =	shalt  }
0x75: {  	_ =	shalt  }
0x76: {  	_ =	shalt  }
0x77: {  	_ =	shalt  }
0x78: {  	_ =	shalt  }
0x79: {  	_ =	shalt  }
0x7a: {  	_ =	shalt  }
0x7b: {  	_ =	shalt  }
0x7c: {  	_ =	shalt  }
0x7d: {  	_ =	shalt  }
0x7e: {  	_ =	shalt  }
0x7f: {  	_ =	shalt  }
0x80: {  	_ =	shalt  }
0x81: {  	_ =	shalt  }
0x82: {  	_ =	shalt  }
0x83: {  	_ =	shalt  }
0x84: {  	_ =	shalt  }
0x85: {  	_ =	shalt  }
0x86: {  	_ =	shalt  }
0x87: {  	_ =	shalt  }
.Lfunc_end0:
.L_simem_size_0:
called_computation.1_lowered:
.L_overlay_start_0:
0x88: {  	s2 =	sld [smem:$0x3FD9]  }
0x89: {  	s3 =	sld [smem:$0x3FFE];
	_ =	sdelay $0x1  }
0x8a: {  	s1 =	srdreg.scid  }
0x8b: {  	s0 =	sand.u32 $0x1, s1  }
0x8c: {  	s16 =	sshll.u32 s0, $0xA;
	s2 =	sadd.s32 s3, s2  }
0x8d: {  	s2 =	sadd.s32 s2, s16  }
0x8e: {  	[smem:$0x3FBB] =	sst s2  }
0x8f: {  	_ = 	snop  }
0x90: {  	(tm) =	ssettm $0x1  }
0x91: {  	s17 =	sld [smem:$0x3FFB];
	_ =	sdelay $0x3  }
0x92: {  	_ =	strace s17  }
0x93: {  	s2 =	sld [smem:$0x3FFC];
	_ =	sdelay $0x3  }
0x94: {  	_ =	strace s2  }
0x95: {  	s2 =	sld [smem:$0x3FFD];
	_ =	sdelay $0x3  }
0x96: {  	_ =	strace s2  }
0x97: {  	_ =	strace $0x8FFFFFFF  }
0x98: {  	s18 =	sld [smem:$0x3FDB];
	_ =	sdelay $0x1  }
0x99: {  	s19 =	simm.s32 $_scs_section_size  }
0x9a: {  	s4 =	simm.s32 $_size__tile_overlayer_lowered;
	s5 =	simm.s32 $_tile_overlayer_lowered  }
0x9b: {  	s22 =	simm.s32 $0x1BFF;
	s21 =	sshll.u32 s5, $0x1;
	s2 =	sadd.s32 s19, s18  }
0x9c: {  	s6 =	simm.s32 $0x0;
	s20 =	sshll.u32 s4, $0x1;
	s4 =	sadd.s32 s21, s2  }
0x9d: {  	[timem:s6], [sflag:s22] =	dma.local [hbm:s4], s20  }
0x9e: {  	_ =	swait.ge [sflag:s22], s20  }
0x9f: {  	s3 =	ssub.s32 $0x0, s20;
	[sflag:s22] =	ssyncset.done $0x0  }
0xa0: {  	[sflag:s22] =	ssyncadd.s32 s3;
	_ =	sdelay $0x1  }
0xa1: {  	s23 =	simm.s32 $0x1B8B  }
0xa2: {  	_ =	swait.ge [sflag:s23], $0x1  }
0xa3: {  	[sflag:s23] =	ssyncset.done $0x0  }
0xa4: {  	s25 =	simm.s32 $0x1B8E;
	s24 =	sld [smem:$0x3FFE];
	[sflag:s23] =	ssyncadd.s32 $0xFFFFFFFF  }
0xa5: {  	s26 =	simm.s32 $execute0_lowered;
	[smem:$0x3FD2] =	sst s25  }
0xa6: {  	s4 =	sshll.u32 s26, $0x1;
	_ =	strace $0x80000049;
	[dreg:$0x1] =	wrdreg $0xFFFFFFFF  }
0xa7: {  	s28 =	simm.s32 $_size_execute0_lowered;
	s2 =	sadd.s32 s2, s4;
	[dreg:$0x0] =	wrdreg $0x0  }
0xa8: {  	s4 =	sshll.u32 s28, $0x1;
	[dreg:$0x2] =	wrdreg s2  }
0xa9: {  	[dreg:$0x3] =	wrdreg s4  }
0xaa: {  	[dreg:$0x4] =	wrdreg $0xC0  }
0xab: {  	_ =	task [dreg:s6], $0x5FFFF  }
0xac: {  	[dreg:$0x1] =	wrdreg $0xFFFFFFFF  }
0xad: {  	[dreg:$0x0] =	wrdreg $0x60  }
0xae: {  	[dreg:$0x2] =	wrdreg s24  }
0xaf: {  	[dreg:$0x3] =	wrdreg $0x0  }
0xb0: {  	[dreg:$0x4] =	wrdreg $0x9  }
0xb1: {  	_ =	task.clear_ibuf [dreg:s6], $0x5FFFF;
	_ =	strace $0x90000049  }
0xb2: {  	s29 =	simm.s32 $0x9;
	_ =	strace $0x8000004B  }
0xb3: {  	_ =	swait.ge [sflag:s29], $0x1  }
0xb4: {  	[sflag:s29] =	ssyncadd.s32 $0xFFFFFFFF  }
0xb5: {  	_ =	strace $0x9000004B  }
0xb6: {  	_ =	sfence  }
0xb7: {  	s30 =	sld [smem:$0x0];
	_ =	sdelay $0x2  }
0xb8: {  	s31 =	sshll.u32 s1, $0xD;
	s1 =	sshrl.u32 s1, $0x2  }
0xb9: {  	s3 =	sand.u32 $0x4000, s31;
	s1 =	sadd.s32 s1, s30  }
0xba: {  	s0 =	sor.u32 s3, s0;
	s1 =	sshll.u32 s1, $0x11  }
0xbb: {  	s0 =	sor.u32 s1, s0  }
0xbc: {  	s0 =	sadd.s32 $0x8F2B, s0  }
0xbd: {  	[sflag:s0] =	ssyncadd.remote.s32 $0x1  }
0xbe: {  	_ =	sfence.sel $0xFFFF  }
0xbf: {  	[dreg:$0x0] =	wrdreg $0xFFFFFFFF;
	(pc) =	sbr.abs _section_cstart, $3  }
0xc0: {  	[dreg:$0x1] =	wrdreg $0xFFFFFFFF  }
0xc1: {  	_ =	task.clear_ibuf [dreg:s6], $0x2FFFF;
	_ =	strace $0x9FFFFFFF  }
0xc2: {  	(tm) =	ssettm $0x7FFFFFFF  }
0xc3: {  	_ =	shalt  }
tec
execute0_lowered:
.L_overlay_start_1:
0x0: {  	(tag) =	ssettag $0x1  }
0x1: {  	s0 =	rddreg [dreg:$0x0];
	s1 =	srdreg.scid  }
0x2: {  	s2 =	rddreg [dreg:$0x1];
	s12 =	stileid.u32;
	s3 =	simm.s32 $0x0  }
0x3: {  	s28 =	simm.s32 $0x1F880;
	s29 =	simm.s32 $0xA;
	s30 =	simm.s32 $0x1  }
0x4: {  	s31 =	simm.s32 $0x4;
	s1 =	sand.u32 $0x1, s1;
	s8 =	smul.u32 $0x14000, s12  }
0x5: {  	[smem:$0x7FF] =	sst s3;
	s9 =	sadd.s32 $0x15E00, s0;
	s26 =	smul.u32 $0x50000, s12  }
0x6: {  	s10 =	sadd.s32 $0x4E00, s0;
	s17 =	sshll.u32 s12, $0x6;
	s18 =	smul.u32 $0x3E80, s12  }
0x7: {  	s4 =	sshll.u32 s1, $0x4;
	s6 =	smul.u32 $0x140000, s1;
	_ =	strace $0x8000004A  }
0x8: {  	[dreg:$0x3] =	wrdreg s10;
	s13 =	ssub.s32 $0x2, s1;
	s1 =	smul.u32 $0x3E800, s1  }
0x9: {  	[dreg:$0x4] =	wrdreg s17;
	s10 =	simm.s32 $0x6;
	s5 =	sor.u32 s12, s4  }
0xa: {  	s4 =	sadd.s32 $0x35800, s0;
	s11 =	sshrl.u32 s13, $0x1;
	s12 =	simm.s32 $0x0  }
0xb: {  	s7 =	sshll.u32 s5, $0xB;
	s6 =	sadd.s32 s8, s6;
	s8 =	sshrl.u32 s26, $0x2  }
0xc: {  	s5 =	smul.u32 $0x3E80, s5;
	s14 =	ssub.s32 s13, s11;
	s22 =	sadd.s32 s18, s1  }
0xd: {  	s11 =	simm.s32 $0x8;
	s7 =	sadd.s32 s7, s0;
	s6 =	sshrl.u32 s6, $0x3  }
0xe: {  	s15 =	sadd.s32 s8, s2;
	s8 =	sor.u32 $0x1C0A, s17;
	s20 =	smax.u32 s14, $0x1  }
0xf: {  	s25 =	sadd.s32 $0x380, s22;
	s0 =	sadd.s32 s6, s0;
	[dreg:$0x5] =	wrdreg s8  }
0x10: {  	s5 =	sshrl.u32 s5, $0x3;
	s7 =	sadd.s32 $0x25800, s7;
	[dreg:$0x9] =	wrdreg s20  }
0x11: {  	s1 =	sshrl.u32 s25, $0x3;
	s25 =	simm.s32 $0x1F900;
	s6 =	simm.s32 $0x9  }
0x12: {  	s8 =	sadd.s32 s9, s5;
	[dreg:$0x6] =	wrdreg s7;
	s0 =	sadd.s32 $0x5D800, s0  }
0x13: {  	s5 =	sadd.s32 $0x300, s22;
	s16 =	sadd.s32 s1, s9;
	s1 =	simm.s32 $0x1D000  }
0x14: {  	s7 =	simm.s32 $0x7;
	s19 =	sadd.s32 $0x10, s8;
	[dreg:$0x8] =	wrdreg s0  }
0x15: {  	s21 =	sadd.s32 $0x20, s8;
	s23 =	sadd.s32 $0x30, s8;
	[dreg:$0x7] =	wrdreg s19  }
0x16: {  	s24 =	sadd.s32 $0x40, s8;
	s0 =	sadd.s32 $0x280, s22;
	[dreg:$0xa] =	wrdreg s21  }
0x17: {  	s26 =	sshrl.u32 s5, $0x3;
	s22 =	simm.s32 $0x50;
	[dreg:$0xb] =	wrdreg s23  }
0x18: {  	s5 =	simm.s32 $0x5;
	[dreg:$0xc] =	wrdreg s24;
	s0 =	sshrl.u32 s0, $0x3  }
0x19: {  	s17 =	sadd.s32 s26, s9;
	s19 =	sshrl.u32 s15, $0x3;
	s21 =	simm.s32 $0xB  }
0x1a: {  	s23 =	simm.s32 $0x18000;
	s24 =	simm.s32 $0x1F800;
	s26 =	simm.s32 $0x1A800  }
0x1b: {  	s18 =	sadd.s32 s0, s9;
	s0 =	simm.s32 $0x2;
	s9 =	simm.s32 $0x3  }
.LBB2_1:
0x1c: {  	s13 =	rddreg [dreg:$0x3]  }
0x1d: {  	s14 =	rddreg [dreg:$0x5]  }
0x1e: {  	[spmem:s19], [sflag:s14] =	dma.local [hbm:s13], $0x2800  }
0x1f: {  	s15 =	simm.s32 $0x14000;
	s13 =	rddreg [dreg:$0x6]  }
0x20: {  	[tilespmem:s15], [sflag:$0xB] =	stream.linear.gather [hbm4b:s13+s3], $0x3E80, $0x38;
	[tilespmem:$0x1F980] =	vst v63  }
0x21: {  	_ =	swait.ge [sflag:s21], $0x3E80  }
0x22: {  	[sflag:s21] =	ssyncset.done $0x0  }
0x23: {  	[sflag:s21] =	ssyncadd.s32 $0xFFFFC180  }
0x24: {  	[tilespmem:s23], [sflag:$0x1] =	stream.indirect.gather [hbm4b:s4+s22], $0x80, s15, s22, $0xb8;
	[tilespmem:$0x1F980] =	vst v63  }
0x25: {  	_ = 	snop  }
0x26: {  	[tilespmem:s24], [sflag:$0x4] =	stream.linear.gather [hbm4b:s8+s3], $0x80, $0x38;
	[tilespmem:$0x1F980] =	vst v63  }
0x27: {  	s20 =	simm.s32 $0x14080  }
0x28: {  	[tilespmem:s26], [sflag:$0x2] =	stream.indirect.gather [hbm4b:s4+s22], $0x80, s20, s22, $0xb8;
	[tilespmem:$0x1F980] =	vst v63  }
0x29: {  	s14 =	rddreg [dreg:$0x7]  }
0x2a: {  	[tilespmem:s28], [sflag:$0x5] =	stream.linear.gather [hbm4b:s14+s3], $0x80, $0x38;
	[tilespmem:$0x1F980] =	vst v63  }
0x2b: {  	_ =	swait.ge [sflag:s29], $0x2800  }
0x2c: {  	[sflag:s29] =	ssyncset.done $0x0  }
0x2d: {  	[sflag:s29] =	ssyncadd.s32 $0xFFFFD800  }
0x2e: {  	[bflag:$0x0] =	sbarrier.arrive $0xFFFF  }
0x2f: {  	_ =	swait.ge [sflag:s30], $0x2800  }
0x30: {  	[sflag:s30] =	ssyncset.done $0x0  }
0x31: {  	[sflag:s30] =	ssyncadd.s32 $0xFFFFD800  }
0x32: {  	_ =	swait.ge [sflag:s31], $0x80  }
0x33: {  	[sflag:s31] =	ssyncset.done $0x0  }
0x34: {  	[sflag:s31] =	ssyncadd.s32 $0xFFFFFF80  }
0x35: {  	[spmem:s2] =	stream.indirect.scatter.add.f32 [tilespmem:s23], [sflag:$0x7], $0x80, s24, s22, $0xb8;
	[tilespmem:$0x1F980] =	vst v63  }
0x36: {  	s15 =	simm.s32 $0x14100  }
0x37: {  	[tilespmem:s1], [sflag:$0x3] =	stream.indirect.gather [hbm4b:s4+s22], $0x80, s15, s22, $0xb8;
	[tilespmem:$0x1F980] =	vst v63  }
0x38: {  	s20 =	rddreg [dreg:$0xa]  }
0x39: {  	[tilespmem:s25], [sflag:$0x6] =	stream.linear.gather [hbm4b:s20+s3], $0x80, $0x38;
	[tilespmem:$0x1F980] =	vst v63  }
0x3a: {  	_ =	swait.ge [sflag:s0], $0x2800  }
0x3b: {  	[sflag:s0] =	ssyncset.done $0x0  }
0x3c: {  	[sflag:s0] =	ssyncadd.s32 $0xFFFFD800  }
0x3d: {  	_ =	swait.ge [sflag:s5], $0x80  }
0x3e: {  	[sflag:s5] =	ssyncset.done $0x0  }
0x3f: {  	[sflag:s5] =	ssyncadd.s32 $0xFFFFFF80  }
0x40: {  	[spmem:s2] =	stream.indirect.scatter.add.f32 [tilespmem:s26], [sflag:$0x8], $0x80, s28, s22, $0xb8;
	[tilespmem:$0x1F980] =	vst v63  }
0x41: {  	_ =	swait.ge [sflag:s7], $0x2800  }
0x42: {  	[sflag:s7] =	ssyncset.done $0x0  }
0x43: {  	s14 =	simm.s32 $0x14180;
	[sflag:s7] =	ssyncadd.s32 $0xFFFFD800  }
0x44: {  	[tilespmem:s23], [sflag:$0x1] =	stream.indirect.gather [hbm4b:s4+s22], $0x80, s14, s22, $0xb8;
	[tilespmem:$0x1F980] =	vst v63  }
0x45: {  	s15 =	rddreg [dreg:$0xb]  }
0x46: {  	[tilespmem:s24], [sflag:$0x4] =	stream.linear.gather [hbm4b:s15+s3], $0x80, $0x38;
	[tilespmem:$0x1F980] =	vst v63  }
0x47: {  	_ =	swait.ge [sflag:s9], $0x2800  }
0x48: {  	[sflag:s9] =	ssyncset.done $0x0  }
0x49: {  	[sflag:s9] =	ssyncadd.s32 $0xFFFFD800  }
0x4a: {  	_ =	swait.ge [sflag:s10], $0x80  }
0x4b: {  	[sflag:s10] =	ssyncset.done $0x0  }
0x4c: {  	[sflag:s10] =	ssyncadd.s32 $0xFFFFFF80  }
0x4d: {  	[spmem:s2] =	stream.indirect.scatter.add.f32 [tilespmem:s1], [sflag:$0x9], $0x80, s25, s22, $0xb8;
	[tilespmem:$0x1F980] =	vst v63  }
0x4e: {  	_ =	swait.ge [sflag:s11], $0x2800  }
0x4f: {  	[sflag:s11] =	ssyncset.done $0x0  }
0x50: {  	s20 =	simm.s32 $0x14200;
	[sflag:s11] =	ssyncadd.s32 $0xFFFFD800  }
0x51: {  	[tilespmem:s26], [sflag:$0x2] =	stream.indirect.gather [hbm4b:s4+s22], $0x80, s20, s22, $0xb8;
	[tilespmem:$0x1F980] =	vst v63  }
0x52: {  	s14 =	rddreg [dreg:$0xc]  }
0x53: {  	[tilespmem:s28], [sflag:$0x5] =	stream.linear.gather [hbm4b:s14+s3], $0x80, $0x38;
	[tilespmem:$0x1F980] =	vst v63  }
0x54: {  	_ =	swait.ge [sflag:s30], $0x2800  }
0x55: {  	[sflag:s30] =	ssyncset.done $0x0  }
0x56: {  	[sflag:s30] =	ssyncadd.s32 $0xFFFFD800  }
0x57: {  	_ =	swait.ge [sflag:s31], $0x80  }
0x58: {  	[sflag:s31] =	ssyncset.done $0x0  }
0x59: {  	[sflag:s31] =	ssyncadd.s32 $0xFFFFFF80  }
0x5a: {  	[spmem:s2] =	stream.indirect.scatter.add.f32 [tilespmem:s23], [sflag:$0x7], $0x80, s24, s22, $0xb8;
	[tilespmem:$0x1F980] =	vst v63  }
0x5b: {  	_ =	swait.ge [sflag:s6], $0x2800  }
0x5c: {  	[sflag:s6] =	ssyncset.done $0x0  }
0x5d: {  	s15 =	simm.s32 $0x14280;
	[sflag:s6] =	ssyncadd.s32 $0xFFFFD800  }
0x5e: {  	[tilespmem:s1], [sflag:$0x3] =	stream.indirect.gather [hbm4b:s4+s22], $0x80, s15, s22, $0xb8;
	[tilespmem:$0x1F980] =	vst v63  }
0x5f: {  	s20 =	sadd.s32 $0x0, s18  }
0x60: {  	[tilespmem:s25], [sflag:$0x6] =	stream.linear.gather [hbm4b:s20+s3], $0x80, $0x38;
	[tilespmem:$0x1F980] =	vst v63  }
0x61: {  	_ =	swait.ge [sflag:s0], $0x2800  }
0x62: {  	[sflag:s0] =	ssyncset.done $0x0  }
0x63: {  	[sflag:s0] =	ssyncadd.s32 $0xFFFFD800  }
0x64: {  	_ =	swait.ge [sflag:s5], $0x80  }
0x65: {  	[sflag:s5] =	ssyncset.done $0x0  }
0x66: {  	[sflag:s5] =	ssyncadd.s32 $0xFFFFFF80  }
0x67: {  	[spmem:s2] =	stream.indirect.scatter.add.f32 [tilespmem:s26], [sflag:$0x8], $0x80, s28, s22, $0xb8;
	[tilespmem:$0x1F980] =	vst v63  }
0x68: {  	_ =	swait.ge [sflag:s7], $0x2800  }
0x69: {  	[sflag:s7] =	ssyncset.done $0x0  }
0x6a: {  	s14 =	simm.s32 $0x14300;
	[sflag:s7] =	ssyncadd.s32 $0xFFFFD800  }
0x6b: {  	[tilespmem:s23], [sflag:$0x1] =	stream.indirect.gather [hbm4b:s4+s22], $0x80, s14, s22, $0xb8;
	[tilespmem:$0x1F980] =	vst v63  }
0x6c: {  	s15 =	sadd.s32 $0x0, s17  }
0x6d: {  	[tilespmem:s24], [sflag:$0x4] =	stream.linear.gather [hbm4b:s15+s3], $0x80, $0x38;
	[tilespmem:$0x1F980] =	vst v63  }
0x6e: {  	_ =	swait.ge [sflag:s9], $0x2800  }
0x6f: {  	[sflag:s9] =	ssyncset.done $0x0  }
0x70: {  	[sflag:s9] =	ssyncadd.s32 $0xFFFFD800  }
0x71: {  	_ =	swait.ge [sflag:s10], $0x80  }
0x72: {  	[sflag:s10] =	ssyncset.done $0x0  }
0x73: {  	[sflag:s10] =	ssyncadd.s32 $0xFFFFFF80  }
0x74: {  	[spmem:s2] =	stream.indirect.scatter.add.f32 [tilespmem:s1], [sflag:$0x9], $0x80, s25, s22, $0xb8;
	[tilespmem:$0x1F980] =	vst v63  }
0x75: {  	_ =	swait.ge [sflag:s11], $0x2800  }
0x76: {  	s13 =	simm.s32 $0x30;
	s20 =	simm.s32 $0x14380;
	[sflag:s11] =	ssyncset.done $0x0  }
0x77: {  	s14 =	simm.s32 $0x14500;
	s15 =	sadd.s32 $0x0, s16;
	[sflag:s11] =	ssyncadd.s32 $0xFFFFD800  }
0x78: {  	[tilespmem:s26], [sflag:$0x2] =	stream.indirect.gather [hbm4b:s4+s22], $0x80, s20, s22, $0xb8;
	[tilespmem:$0x1F980] =	vst v63  }
.LBB2_2:
0x79: {  	[tilespmem:s28], [sflag:$0x5] =	stream.linear.gather [hbm4b:s15+s3], $0x80, $0x38;
	[tilespmem:$0x1F980] =	vst v63  }
0x7a: {  	s15 =	smov.u32 s13  }
0x7b: {  	p0 =	sne.s32 s13, $0x750;
	s13 =	sadd.s32 $0x30, s13;
	_ =	swait.ge [sflag:s30], $0x2800  }
0x7c: {  	[sflag:s30] =	ssyncset.done $0x0  }
0x7d: {  	[sflag:s30] =	ssyncadd.s32 $0xFFFFD800  }
0x7e: {  	_ =	swait.ge [sflag:s31], $0x80  }
0x7f: {  	[sflag:s31] =	ssyncset.done $0x0  }
0x80: {  	[sflag:s31] =	ssyncadd.s32 $0xFFFFFF80  }
0x81: {  	[spmem:s2] =	stream.indirect.scatter.add.f32 [tilespmem:s23], [sflag:$0x7], $0x80, s24, s22, $0xb8;
	[tilespmem:$0x1F980] =	vst v63  }
0x82: {  	_ =	swait.ge [sflag:s6], $0x2800  }
0x83: {  	[sflag:s6] =	ssyncset.done $0x0  }
0x84: {  	s20 =	sadd.s32 $0xFFFFFF00, s14;
	[sflag:s6] =	ssyncadd.s32 $0xFFFFD800  }
0x85: {  	[tilespmem:s1], [sflag:$0x3] =	stream.indirect.gather [hbm4b:s4+s22], $0x80, s20, s22, $0xb8;
	[tilespmem:$0x1F980] =	vst v63  }
0x86: {  	s20 =	sadd.s32 s15, s18  }
0x87: {  	[tilespmem:s25], [sflag:$0x6] =	stream.linear.gather [hbm4b:s20+s3], $0x80, $0x38;
	[tilespmem:$0x1F980] =	vst v63  }
0x88: {  	_ =	swait.ge [sflag:s0], $0x2800  }
0x89: {  	[sflag:s0] =	ssyncset.done $0x0  }
0x8a: {  	[sflag:s0] =	ssyncadd.s32 $0xFFFFD800  }
0x8b: {  	_ =	swait.ge [sflag:s5], $0x80  }
0x8c: {  	[sflag:s5] =	ssyncset.done $0x0  }
0x8d: {  	[sflag:s5] =	ssyncadd.s32 $0xFFFFFF80  }
0x8e: {  	[spmem:s2] =	stream.indirect.scatter.add.f32 [tilespmem:s26], [sflag:$0x8], $0x80, s28, s22, $0xb8;
	[tilespmem:$0x1F980] =	vst v63  }
0x8f: {  	_ =	swait.ge [sflag:s7], $0x2800  }
0x90: {  	[sflag:s7] =	ssyncset.done $0x0  }
0x91: {  	s20 =	sadd.s32 $0xFFFFFF80, s14;
	[sflag:s7] =	ssyncadd.s32 $0xFFFFD800  }
0x92: {  	[tilespmem:s23], [sflag:$0x1] =	stream.indirect.gather [hbm4b:s4+s22], $0x80, s20, s22, $0xb8;
	[tilespmem:$0x1F980] =	vst v63  }
0x93: {  	s20 =	sadd.s32 s15, s17  }
0x94: {  	[tilespmem:s24], [sflag:$0x4] =	stream.linear.gather [hbm4b:s20+s3], $0x80, $0x38;
	[tilespmem:$0x1F980] =	vst v63  }
0x95: {  	_ =	swait.ge [sflag:s9], $0x2800  }
0x96: {  	[sflag:s9] =	ssyncset.done $0x0  }
0x97: {  	[sflag:s9] =	ssyncadd.s32 $0xFFFFD800  }
0x98: {  	_ =	swait.ge [sflag:s10], $0x80  }
0x99: {  	[sflag:s10] =	ssyncset.done $0x0  }
0x9a: {  	[sflag:s10] =	ssyncadd.s32 $0xFFFFFF80  }
0x9b: {  	[spmem:s2] =	stream.indirect.scatter.add.f32 [tilespmem:s1], [sflag:$0x9], $0x80, s25, s22, $0xb8;
	[tilespmem:$0x1F980] =	vst v63  }
.Ltmp0:
0x9c: {  	_ =	swait.ge [sflag:s11], $0x2800;
	(pc) =	sbr.rel @p0 .LBB2_2-.Ltmp0, $4  }
0x9d: {  	[sflag:s11] =	ssyncset.done $0x0  }
0x9e: {  	[sflag:s11] =	ssyncadd.s32 $0xFFFFD800  }
0x9f: {  	[tilespmem:s26], [sflag:$0x2] =	stream.indirect.gather [hbm4b:s4+s22], $0x80, s14, s22, $0xb8;
	[tilespmem:$0x1F980] =	vst v63  }
0xa0: {  	s15 =	sadd.s32 s15, s16;
	s14 =	sadd.s32 $0x180, s14  }
0xa1: {  	[tilespmem:s28], [sflag:$0x5] =	stream.linear.gather [hbm4b:s15+s3], $0x80, $0x38;
	[tilespmem:$0x1F980] =	vst v63  }
0xa2: {  	_ =	swait.ge [sflag:s30], $0x2800  }
0xa3: {  	[sflag:s30] =	ssyncset.done $0x0  }
0xa4: {  	[sflag:s30] =	ssyncadd.s32 $0xFFFFD800  }
0xa5: {  	_ =	swait.ge [sflag:s31], $0x80  }
0xa6: {  	[sflag:s31] =	ssyncset.done $0x0  }
0xa7: {  	[sflag:s31] =	ssyncadd.s32 $0xFFFFFF80  }
0xa8: {  	_ =	swait.ge [sflag:s6], $0x2800  }
0xa9: {  	[sflag:s6] =	ssyncset.done $0x0  }
0xaa: {  	[sflag:s6] =	ssyncadd.s32 $0xFFFFD800  }
0xab: {  	[spmem:s2] =	stream.indirect.scatter.add.f32 [tilespmem:s23], [sflag:$0x7], $0x80, s24, s22, $0xb8;
	[tilespmem:$0x1F980] =	vst v63  }
0xac: {  	_ =	swait.ge [sflag:s0], $0x2800  }
0xad: {  	[sflag:s0] =	ssyncset.done $0x0  }
0xae: {  	[sflag:s0] =	ssyncadd.s32 $0xFFFFD800  }
0xaf: {  	_ =	swait.ge [sflag:s5], $0x80  }
0xb0: {  	[sflag:s5] =	ssyncset.done $0x0  }
0xb1: {  	[sflag:s5] =	ssyncadd.s32 $0xFFFFFF80  }
0xb2: {  	_ =	swait.ge [sflag:s7], $0x2800  }
0xb3: {  	[sflag:s7] =	ssyncset.done $0x0  }
0xb4: {  	[sflag:s7] =	ssyncadd.s32 $0xFFFFD800  }
0xb5: {  	[spmem:s2] =	stream.indirect.scatter.add.f32 [tilespmem:s26], [sflag:$0x8], $0x80, s28, s22, $0xb8;
	[tilespmem:$0x1F980] =	vst v63  }
0xb6: {  	_ =	swait.ge [sflag:s11], $0x2800  }
0xb7: {  	[sflag:s11] =	ssyncset.done $0x0  }
0xb8: {  	[sflag:s11] =	ssyncadd.s32 $0xFFFFD800  }
0xb9: {  	[bflag:$0x0] =	sbarrier.arrive $0xFFFF  }
0xba: {  	s13 =	rddreg [dreg:$0x4]  }
0xbb: {  	s14 =	rddreg [dreg:$0x8];
	s13 =	sor.u32 $0x1C0B, s13  }
0xbc: {  	[hbm:s14], [sflag:s13] =	dma.local [spmem:s19], $0x2800  }
0xbd: {  	_ =	swait.ge [sflag:s21], $0x2800  }
0xbe: {  	s12 =	sadd.s32 $0x1, s12;
	s20 =	rddreg [dreg:$0x9]  }
0xbf: {  	p0 =	sne.s32 s12, s20  }
.Ltmp1:
0xc0: {  	_ = 	snop;
	(pc) =	sbr.rel @p0 .LBB2_1-.Ltmp1, $3  }
0xc1: {  	_ =	sdelay $0x1  }
0xc2: {  	[sflag:s21] =	ssyncset.done $0x0  }
0xc3: {  	[sflag:s21] =	ssyncadd.s32 $0xFFFFD800  }
0xc4: {  	_ =	sfence.sel $0x180000  }
0xc5: {  	[bflag:$0x0] =	sbarrier.arrive $0xFFFF  }
0xc6: {  	_ =	strace $0x9000004A  }
0xc7: {  	s0 =	stileid.u32;
	[bflag:$0x2] =	sbarrier.arrive $0xFFFF  }
0xc8: {  	p0 =	sne.s32 s0, $0x0;
	s0 =	rddreg [dreg:$0x2]  }
0xc9: {  	s0 =	sadd.s32 @!p0 $0x100000, s0  }
0xca: {  	[sflag:s0] =	ssyncadd.tile.s32 @!p0 $0x1;
	_ =	shalt  }
.Lfunc_end2:
_tile_overlayer_lowered:
.L_overlay_start_2:
0xcb: {  	(tag) =	ssettag $0x2  }
0xcc: {  	s0 =	rddreg [dreg:$0x0];
	s2 =	stileid.u32  }
0xcd: {  	s1 =	rddreg [dreg:$0x1];
	p0 =	sne.s32 s2, $0x0  }
0xce: {  	s3 =	rddreg [dreg:$0x2];
	[bflag:$0x3] =	sbarrier.arrive $0xFFFF;
	s2 =	simm.s32 @!p0 $0x1C0B  }
0xcf: {  	[timem:s3], [sflag:s2] =	dma.local @!p0 [hbm:s0], s1  }
0xd0: {  	s0 =	simm.s32 @!p0 $0xB  }
0xd1: {  	_ =	swait.ge @!p0 [sflag:s0], s1  }
0xd2: {  	s1 =	ssub.s32 @!p0 $0x0, s1;
	[sflag:s0] =	ssyncset.done @!p0 $0x0  }
0xd3: {  	[sflag:s0] =	ssyncadd.s32 @!p0 s1  }
0xd4: {  	[bflag:$0x3] =	sbarrier.arrive $0xFFFF  }
0xd5: {  	_ =	shalt  }

// kernel: kernel.16.cloned.1.call-start
scs
__scs_entry_jumppad:
0x0: {  	(pc) =	sbr.rel $0x88, $3  }
0x1: {  	(tag) =	ssettag $0x0;
	lr =	simm.s32 $0x1  }
0x2: {  	[smem:$0x3F94] =	sst lr;
	_ =	strace $0xD0000000  }
0x3: {  	_ = 	snop  }
0x4: {  	_ = 	snop  }
0x5: {  	_ = 	snop  }
0x6: {  	_ = 	snop  }
0x7: {  	_ = 	snop  }
__scs_overlays_trampoline_lowered:
0x8: {  	[smem:$0x3FA3] =	sst s0  }
0x9: {  	[smem:$0x3FA4] =	sst s1  }
0xa: {  	[smem:$0x3FA5] =	sst s2  }
0xb: {  	[smem:$0x3FA6] =	sst s3  }
0xc: {  	[smem:$0x3FA7] =	sst s4  }
0xd: {  	[smem:$0x3FA8] =	sst s5  }
0xe: {  	[smem:$0x3FA9] =	sst s6  }
0xf: {  	[smem:$0x3FAA] =	sst s7  }
0x10: {  	[smem:$0x3FAB] =	sst s8  }
0x11: {  	[smem:$0x3FAC] =	sst s9;
	s0 =	simm.s32 @!p0 $0x0  }
0x12: {  	s1 =	sld [smem:$0x3F92];
	s0 =	simm.s32 @p0 $0x1  }
0x13: {  	[smem:$0x3FAD] =	sst s0;
	s0 =	simm.s32 @!p1 $0x0  }
0x14: {  	s2 =	sld [smem:$0x3F91];
	s0 =	simm.s32 @p1 $0x1  }
0x15: {  	[smem:$0x3FAE] =	sst s0;
	s0 =	simm.s32 @!p2 $0x0  }
0x16: {  	s3 =	sld [smem:$0x3FDB];
	s0 =	simm.s32 @p2 $0x1  }
0x17: {  	s4 =	simm.s32 $0x1BF5;
	[smem:$0x3FB0] =	sst s0  }
0x18: {  	s0 =	sld [smem:$0x3F93];
	_ =	swait.ge [sflag:s4], $0x0  }
0x19: {  	s7 =	sld [smem:$0x3F94]  }
0x1a: {  	s8 =	sadd.s32 $0xFFFFE003, lr  }
0x1b: {  	s9 =	sadd.s32 $0xFFFFFEF7, lr;
	s5 =	simm.s32 $0xFFFFFFFF;
	p2 =	slt.u32 s8, $0xFFFFF086  }
0x1c: {  	p1 =	slt.u32 s9, $0xF7A;
	s5 =	simm.s32 @!p2 $0x0  }
0x1d: {  	s5 =	simm.s32 @p1 $0x1;
	p0 =	seq.s32 s7, s2  }
0x1e: {  	s7 =	smul.u32 @!p0 $0xF7A, s2;
	p2 =	seq.s32 @!p0 s5, $0x0  }
0x1f: {  	s9 =	smul.u32 $0xF7A, s1;
	s8 =	simm.s32 @!p0 $0x1BF5;
	p2 =	por !p2, p0  }
0x20: {  	[sflag:s8] =	ssyncset.s32 @!p0 $0xFFFFF086;
	s6 =	sadd.s32 @!p0 s3, s7;
	s7 =	simm.s32 @!p0 $0x108  }
0x21: {  	s3 =	sadd.s32 s3, s9;
	s6 =	sadd.s32 @!p0 $0x88, s6;
	s7 =	simm.s32 @p2 $0x1082  }
0x22: {  	[simem:s7], [sflag:s8] =	dma.local @!p0 [hbm:s6], $0xF7A  }
0x23: {  	s9 =	sor.u32 $0xD0000000, s2;
	s6 =	simm.s32 $0x108;
	_ =	swait.ge @!p0 [sflag:s8], $0x0  }
0x24: {  	s3 =	sadd.s32 $0x88, s3;
	s6 =	simm.s32 @!p1 $0x1082;
	[sflag:s4] =	ssyncset.s32 $0xFFFFF086  }
0x25: {  	[simem:s6], [sflag:s4] =	dma.local [hbm:s3], $0xF7A  }
0x26: {  	[smem:$0x3F94] =	sst s1;
	(tag) =	ssettag s2;
	_ =	strace s9  }
0x27: {  	s1 =	sld [smem:$0x3FA4]  }
0x28: {  	s2 =	sld [smem:$0x3FA5]  }
0x29: {  	s4 =	sld [smem:$0x3FA7]  }
0x2a: {  	p0 =	seq.s32 s5, $0x0;
	s5 =	sld [smem:$0x3FA8]  }
0x2b: {  	s6 =	sld [smem:$0x3FA9]  }
0x2c: {  	s7 =	sld [smem:$0x3FAA]  }
0x2d: {  	s3 =	simm.s32 $0x108;
	s8 =	sld [smem:$0x3FAB]  }
0x2e: {  	s3 =	simm.s32 @!p0 $0x1082;
	s9 =	sld [smem:$0x3FAC]  }
0x2f: {  	lr =	sadd.s32 s0, s3;
	s0 =	sld [smem:$0x3FA3]  }
0x30: {  	s3 =	sld [smem:$0x3FA6]  }
0x31: {  	[smem:$0x3FAF] =	sst s10  }
0x32: {  	s10 =	sld [smem:$0x3FAD];
	_ =	sdelay $0x3  }
0x33: {  	p0 =	seq.s32 s10, $0x1;
	s10 =	sld [smem:$0x3FAF];
	_ =	sdelay $0x3  }
0x34: {  	[smem:$0x3FAF] =	sst s10  }
0x35: {  	s10 =	sld [smem:$0x3FAE];
	_ =	sdelay $0x3  }
0x36: {  	p1 =	seq.s32 s10, $0x1;
	s10 =	sld [smem:$0x3FAF];
	_ =	sdelay $0x3  }
0x37: {  	[smem:$0x3FAF] =	sst s10  }
0x38: {  	s10 =	sld [smem:$0x3FB0]  }
0x39: {  	_ = 	snop;
	(pc) =	sbr.ind lr, $3  }
0x3a: {  	_ = 	snop  }
0x3b: {  	_ = 	snop  }
0x3c: {  	p2 =	seq.s32 s10, $0x1;
	s10 =	sld [smem:$0x3FAF]  }
0x3d: {  	_ =	shalt  }
0x3e: {  	_ =	shalt  }
0x3f: {  	_ =	shalt  }
0x40: {  	_ =	shalt  }
0x41: {  	_ =	shalt  }
0x42: {  	_ =	shalt  }
0x43: {  	_ =	shalt  }
0x44: {  	_ =	shalt  }
0x45: {  	_ =	shalt  }
0x46: {  	_ =	shalt  }
0x47: {  	_ =	shalt  }
0x48: {  	_ =	shalt  }
0x49: {  	_ =	shalt  }
0x4a: {  	_ =	shalt  }
0x4b: {  	_ =	shalt  }
0x4c: {  	_ =	shalt  }
0x4d: {  	_ =	shalt  }
0x4e: {  	_ =	shalt  }
0x4f: {  	_ =	shalt  }
0x50: {  	_ =	shalt  }
0x51: {  	_ =	shalt  }
0x52: {  	_ =	shalt  }
0x53: {  	_ =	shalt  }
0x54: {  	_ =	shalt  }
0x55: {  	_ =	shalt  }
0x56: {  	_ =	shalt  }
0x57: {  	_ =	shalt  }
0x58: {  	_ =	shalt  }
0x59: {  	_ =	shalt  }
0x5a: {  	_ =	shalt  }
0x5b: {  	_ =	shalt  }
0x5c: {  	_ =	shalt  }
0x5d: {  	_ =	shalt  }
0x5e: {  	_ =	shalt  }
0x5f: {  	_ =	shalt  }
0x60: {  	_ =	shalt  }
0x61: {  	_ =	shalt  }
0x62: {  	_ =	shalt  }
0x63: {  	_ =	shalt  }
0x64: {  	_ =	shalt  }
0x65: {  	_ =	shalt  }
0x66: {  	_ =	shalt  }
0x67: {  	_ =	shalt  }
0x68: {  	_ =	shalt  }
0x69: {  	_ =	shalt  }
0x6a: {  	_ =	shalt  }
0x6b: {  	_ =	shalt  }
0x6c: {  	_ =	shalt  }
0x6d: {  	_ =	shalt  }
0x6e: {  	_ =	shalt  }
0x6f: {  	_ =	shalt  }
0x70: {  	_ =	shalt  }
0x71: {  	_ =	shalt  }
0x72: {  	_ =	shalt  }
0x73: {  	_ =	shalt  }
0x74: {  	_ =	shalt  }
0x75: {  	_ =	shalt  }
0x76: {  	_ =	shalt  }
0x77: {  	_ =	shalt  }
0x78: {  	_ =	shalt  }
0x79: {  	_ =	shalt  }
0x7a: {  	_ =	shalt  }
0x7b: {  	_ =	shalt  }
0x7c: {  	_ =	shalt  }
0x7d: {  	_ =	shalt  }
0x7e: {  	_ =	shalt  }
0x7f: {  	_ =	shalt  }
0x80: {  	_ =	shalt  }
0x81: {  	_ =	shalt  }
0x82: {  	_ =	shalt  }
0x83: {  	_ =	shalt  }
0x84: {  	_ =	shalt  }
0x85: {  	_ =	shalt  }
0x86: {  	_ =	shalt  }
0x87: {  	_ =	shalt  }
.Lfunc_end0:
.L_simem_size_0:
called_computation.2_lowered:
.L_overlay_start_0:
0x88: {  	s2 =	sld [smem:$0x3FD9]  }
0x89: {  	s3 =	sld [smem:$0x3FFE];
	_ =	sdelay $0x1  }
0x8a: {  	s1 =	srdreg.scid  }
0x8b: {  	s0 =	sand.u32 $0x1, s1  }
0x8c: {  	s16 =	sshll.u32 s0, $0xA;
	s2 =	sadd.s32 s3, s2  }
0x8d: {  	s2 =	sadd.s32 s2, s16  }
0x8e: {  	[smem:$0x3FBB] =	sst s2  }
0x8f: {  	_ = 	snop  }
0x90: {  	(tm) =	ssettm $0x1  }
0x91: {  	s17 =	sld [smem:$0x3FFB];
	_ =	sdelay $0x3  }
0x92: {  	_ =	strace s17  }
0x93: {  	s2 =	sld [smem:$0x3FFC];
	_ =	sdelay $0x3  }
0x94: {  	_ =	strace s2  }
0x95: {  	s2 =	sld [smem:$0x3FFD];
	_ =	sdelay $0x3  }
0x96: {  	_ =	strace s2  }
0x97: {  	_ =	strace $0x8FFFFFFF  }
0x98: {  	s18 =	sld [smem:$0x3FDB];
	_ =	sdelay $0x1  }
0x99: {  	s19 =	simm.s32 $_scs_section_size  }
0x9a: {  	s4 =	simm.s32 $_size__tile_overlayer_lowered;
	s5 =	simm.s32 $_tile_overlayer_lowered  }
0x9b: {  	s22 =	simm.s32 $0x1BFF;
	s21 =	sshll.u32 s5, $0x1;
	s2 =	sadd.s32 s19, s18  }
0x9c: {  	s6 =	simm.s32 $0x0;
	s20 =	sshll.u32 s4, $0x1;
	s4 =	sadd.s32 s21, s2  }
0x9d: {  	[timem:s6], [sflag:s22] =	dma.local [hbm:s4], s20  }
0x9e: {  	_ =	swait.ge [sflag:s22], s20  }
0x9f: {  	s3 =	ssub.s32 $0x0, s20;
	[sflag:s22] =	ssyncset.done $0x0  }
0xa0: {  	[sflag:s22] =	ssyncadd.s32 s3;
	_ =	sdelay $0x1  }
0xa1: {  	s23 =	simm.s32 $0x1B8B  }
0xa2: {  	_ =	swait.ge [sflag:s23], $0x1  }
0xa3: {  	[sflag:s23] =	ssyncset.done $0x0  }
0xa4: {  	s25 =	simm.s32 $0x1B8E;
	s24 =	sld [smem:$0x3FFE];
	[sflag:s23] =	ssyncadd.s32 $0xFFFFFFFF  }
0xa5: {  	s26 =	simm.s32 $execute0_lowered;
	[smem:$0x3FD2] =	sst s25  }
0xa6: {  	s4 =	sshll.u32 s26, $0x1;
	_ =	strace $0x8000004C;
	[dreg:$0x1] =	wrdreg $0xFFFFFFFF  }
0xa7: {  	s28 =	simm.s32 $_size_execute0_lowered;
	s2 =	sadd.s32 s2, s4;
	[dreg:$0x0] =	wrdreg $0x0  }
0xa8: {  	s4 =	sshll.u32 s28, $0x1;
	[dreg:$0x2] =	wrdreg s2  }
0xa9: {  	[dreg:$0x3] =	wrdreg s4  }
0xaa: {  	[dreg:$0x4] =	wrdreg $0xC0  }
0xab: {  	_ =	task [dreg:s6], $0x5FFFF  }
0xac: {  	[dreg:$0x1] =	wrdreg $0xFFFFFFFF  }
0xad: {  	[dreg:$0x0] =	wrdreg $0x60  }
0xae: {  	[dreg:$0x2] =	wrdreg s24  }
0xaf: {  	[dreg:$0x3] =	wrdreg $0x0  }
0xb0: {  	[dreg:$0x4] =	wrdreg $0x9  }
0xb1: {  	_ =	task.clear_ibuf [dreg:s6], $0x5FFFF;
	_ =	strace $0x9000004C  }
0xb2: {  	s29 =	simm.s32 $0x9;
	_ =	strace $0x8000004E  }
0xb3: {  	_ =	swait.ge [sflag:s29], $0x1  }
0xb4: {  	[sflag:s29] =	ssyncadd.s32 $0xFFFFFFFF  }
0xb5: {  	_ =	strace $0x9000004E  }
0xb6: {  	_ =	sfence  }
0xb7: {  	s30 =	sld [smem:$0x0];
	_ =	sdelay $0x2  }
0xb8: {  	s31 =	sshll.u32 s1, $0xD;
	s1 =	sshrl.u32 s1, $0x2  }
0xb9: {  	s3 =	sand.u32 $0x4000, s31;
	s1 =	sadd.s32 s1, s30  }
0xba: {  	s0 =	sor.u32 s3, s0;
	s1 =	sshll.u32 s1, $0x11  }
0xbb: {  	s0 =	sor.u32 s1, s0  }
0xbc: {  	s0 =	sadd.s32 $0x8F2B, s0  }
0xbd: {  	[sflag:s0] =	ssyncadd.remote.s32 $0x1  }
0xbe: {  	_ =	sfence.sel $0xFFFF  }
0xbf: {  	[dreg:$0x0] =	wrdreg $0xFFFFFFFF;
	(pc) =	sbr.abs _section_cstart, $3  }
0xc0: {  	[dreg:$0x1] =	wrdreg $0xFFFFFFFF  }
0xc1: {  	_ =	task.clear_ibuf [dreg:s6], $0x2FFFF;
	_ =	strace $0x9FFFFFFF  }
0xc2: {  	(tm) =	ssettm $0x7FFFFFFF  }
0xc3: {  	_ =	shalt  }
tec
execute0_lowered:
.L_overlay_start_1:
0x0: {  	(tag) =	ssettag $0x1  }
0x1: {  	s0 =	rddreg [dreg:$0x0];
	s1 =	srdreg.scid  }
0x2: {  	s2 =	rddreg [dreg:$0x1];
	s12 =	stileid.u32;
	s3 =	simm.s32 $0x0  }
0x3: {  	s28 =	simm.s32 $0x1F880;
	s29 =	simm.s32 $0xA;
	s30 =	simm.s32 $0x1  }
0x4: {  	s31 =	simm.s32 $0x4;
	s1 =	sand.u32 $0x1, s1;
	s8 =	smul.u32 $0x14000, s12  }
0x5: {  	[smem:$0x7FF] =	sst s3;
	s9 =	sadd.s32 $0x15E00, s0;
	s26 =	smul.u32 $0x50000, s12  }
0x6: {  	s10 =	sadd.s32 $0x4E00, s0;
	s17 =	sshll.u32 s12, $0x6;
	s18 =	smul.u32 $0x3E80, s12  }
0x7: {  	s4 =	sshll.u32 s1, $0x4;
	s6 =	smul.u32 $0x140000, s1;
	_ =	strace $0x8000004D  }
0x8: {  	[dreg:$0x3] =	wrdreg s10;
	s13 =	ssub.s32 $0x2, s1;
	s1 =	smul.u32 $0x3E800, s1  }
0x9: {  	[dreg:$0x4] =	wrdreg s17;
	s10 =	simm.s32 $0x6;
	s5 =	sor.u32 s12, s4  }
0xa: {  	s4 =	sadd.s32 $0x35800, s0;
	s11 =	sshrl.u32 s13, $0x1;
	s12 =	simm.s32 $0x0  }
0xb: {  	s7 =	sshll.u32 s5, $0xB;
	s6 =	sadd.s32 s8, s6;
	s8 =	sshrl.u32 s26, $0x2  }
0xc: {  	s5 =	smul.u32 $0x3E80, s5;
	s14 =	ssub.s32 s13, s11;
	s22 =	sadd.s32 s18, s1  }
0xd: {  	s11 =	simm.s32 $0x8;
	s7 =	sadd.s32 s7, s0;
	s6 =	sshrl.u32 s6, $0x3  }
0xe: {  	s15 =	sadd.s32 s8, s2;
	s8 =	sor.u32 $0x1C0A, s17;
	s20 =	smax.u32 s14, $0x1  }
0xf: {  	s25 =	sadd.s32 $0x380, s22;
	s0 =	sadd.s32 s6, s0;
	[dreg:$0x5] =	wrdreg s8  }
0x10: {  	s5 =	sshrl.u32 s5, $0x3;
	s7 =	sadd.s32 $0x25800, s7;
	[dreg:$0x9] =	wrdreg s20  }
0x11: {  	s1 =	sshrl.u32 s25, $0x3;
	s25 =	simm.s32 $0x1F900;
	s6 =	simm.s32 $0x9  }
0x12: {  	s8 =	sadd.s32 s9, s5;
	[dreg:$0x6] =	wrdreg s7;
	s0 =	sadd.s32 $0x5D800, s0  }
0x13: {  	s5 =	sadd.s32 $0x300, s22;
	s16 =	sadd.s32 s1, s9;
	s1 =	simm.s32 $0x1D000  }
0x14: {  	s7 =	simm.s32 $0x7;
	s19 =	sadd.s32 $0x10, s8;
	[dreg:$0x8] =	wrdreg s0  }
0x15: {  	s21 =	sadd.s32 $0x20, s8;
	s23 =	sadd.s32 $0x30, s8;
	[dreg:$0x7] =	wrdreg s19  }
0x16: {  	s24 =	sadd.s32 $0x40, s8;
	s0 =	sadd.s32 $0x280, s22;
	[dreg:$0xa] =	wrdreg s21  }
0x17: {  	s26 =	sshrl.u32 s5, $0x3;
	s22 =	simm.s32 $0x50;
	[dreg:$0xb] =	wrdreg s23  }
0x18: {  	s5 =	simm.s32 $0x5;
	[dreg:$0xc] =	wrdreg s24;
	s0 =	sshrl.u32 s0, $0x3  }
0x19: {  	s17 =	sadd.s32 s26, s9;
	s19 =	sshrl.u32 s15, $0x3;
	s21 =	simm.s32 $0xB  }
0x1a: {  	s23 =	simm.s32 $0x18000;
	s24 =	simm.s32 $0x1F800;
	s26 =	simm.s32 $0x1A800  }
0x1b: {  	s18 =	sadd.s32 s0, s9;
	s0 =	simm.s32 $0x2;
	s9 =	simm.s32 $0x3  }
.LBB2_1:
0x1c: {  	s13 =	rddreg [dreg:$0x3]  }
0x1d: {  	s14 =	rddreg [dreg:$0x5]  }
0x1e: {  	[spmem:s19], [sflag:s14] =	dma.local [hbm:s13], $0x2800  }
0x1f: {  	s15 =	simm.s32 $0x14000;
	s13 =	rddreg [dreg:$0x6]  }
0x20: {  	[tilespmem:s15], [sflag:$0xB] =	stream.linear.gather [hbm4b:s13+s3], $0x3E80, $0x38;
	[tilespmem:$0x1F980] =	vst v63  }
0x21: {  	_ =	swait.ge [sflag:s21], $0x3E80  }
0x22: {  	[sflag:s21] =	ssyncset.done $0x0  }
0x23: {  	[sflag:s21] =	ssyncadd.s32 $0xFFFFC180  }
0x24: {  	[tilespmem:s23], [sflag:$0x1] =	stream.indirect.gather [hbm4b:s4+s22], $0x80, s15, s22, $0xb8;
	[tilespmem:$0x1F980] =	vst v63  }
0x25: {  	_ = 	snop  }
0x26: {  	[tilespmem:s24], [sflag:$0x4] =	stream.linear.gather [hbm4b:s8+s3], $0x80, $0x38;
	[tilespmem:$0x1F980] =	vst v63  }
0x27: {  	s20 =	simm.s32 $0x14080  }
0x28: {  	[tilespmem:s26], [sflag:$0x2] =	stream.indirect.gather [hbm4b:s4+s22], $0x80, s20, s22, $0xb8;
	[tilespmem:$0x1F980] =	vst v63  }
0x29: {  	s14 =	rddreg [dreg:$0x7]  }
0x2a: {  	[tilespmem:s28], [sflag:$0x5] =	stream.linear.gather [hbm4b:s14+s3], $0x80, $0x38;
	[tilespmem:$0x1F980] =	vst v63  }
0x2b: {  	_ =	swait.ge [sflag:s29], $0x2800  }
0x2c: {  	[sflag:s29] =	ssyncset.done $0x0  }
0x2d: {  	[sflag:s29] =	ssyncadd.s32 $0xFFFFD800  }
0x2e: {  	[bflag:$0x0] =	sbarrier.arrive $0xFFFF  }
0x2f: {  	_ =	swait.ge [sflag:s30], $0x2800  }
0x30: {  	[sflag:s30] =	ssyncset.done $0x0  }
0x31: {  	[sflag:s30] =	ssyncadd.s32 $0xFFFFD800  }
0x32: {  	_ =	swait.ge [sflag:s31], $0x80  }
0x33: {  	[sflag:s31] =	ssyncset.done $0x0  }
0x34: {  	[sflag:s31] =	ssyncadd.s32 $0xFFFFFF80  }
0x35: {  	[spmem:s2] =	stream.indirect.scatter.add.f32 [tilespmem:s23], [sflag:$0x7], $0x80, s24, s22, $0xb8;
	[tilespmem:$0x1F980] =	vst v63  }
0x36: {  	s15 =	simm.s32 $0x14100  }
0x37: {  	[tilespmem:s1], [sflag:$0x3] =	stream.indirect.gather [hbm4b:s4+s22], $0x80, s15, s22, $0xb8;
	[tilespmem:$0x1F980] =	vst v63  }
0x38: {  	s20 =	rddreg [dreg:$0xa]  }
0x39: {  	[tilespmem:s25], [sflag:$0x6] =	stream.linear.gather [hbm4b:s20+s3], $0x80, $0x38;
	[tilespmem:$0x1F980] =	vst v63  }
0x3a: {  	_ =	swait.ge [sflag:s0], $0x2800  }
0x3b: {  	[sflag:s0] =	ssyncset.done $0x0  }
0x3c: {  	[sflag:s0] =	ssyncadd.s32 $0xFFFFD800  }
0x3d: {  	_ =	swait.ge [sflag:s5], $0x80  }
0x3e: {  	[sflag:s5] =	ssyncset.done $0x0  }
0x3f: {  	[sflag:s5] =	ssyncadd.s32 $0xFFFFFF80  }
0x40: {  	[spmem:s2] =	stream.indirect.scatter.add.f32 [tilespmem:s26], [sflag:$0x8], $0x80, s28, s22, $0xb8;
	[tilespmem:$0x1F980] =	vst v63  }
0x41: {  	_ =	swait.ge [sflag:s7], $0x2800  }
0x42: {  	[sflag:s7] =	ssyncset.done $0x0  }
0x43: {  	s14 =	simm.s32 $0x14180;
	[sflag:s7] =	ssyncadd.s32 $0xFFFFD800  }
0x44: {  	[tilespmem:s23], [sflag:$0x1] =	stream.indirect.gather [hbm4b:s4+s22], $0x80, s14, s22, $0xb8;
	[tilespmem:$0x1F980] =	vst v63  }
0x45: {  	s15 =	rddreg [dreg:$0xb]  }
0x46: {  	[tilespmem:s24], [sflag:$0x4] =	stream.linear.gather [hbm4b:s15+s3], $0x80, $0x38;
	[tilespmem:$0x1F980] =	vst v63  }
0x47: {  	_ =	swait.ge [sflag:s9], $0x2800  }
0x48: {  	[sflag:s9] =	ssyncset.done $0x0  }
0x49: {  	[sflag:s9] =	ssyncadd.s32 $0xFFFFD800  }
0x4a: {  	_ =	swait.ge [sflag:s10], $0x80  }
0x4b: {  	[sflag:s10] =	ssyncset.done $0x0  }
0x4c: {  	[sflag:s10] =	ssyncadd.s32 $0xFFFFFF80  }
0x4d: {  	[spmem:s2] =	stream.indirect.scatter.add.f32 [tilespmem:s1], [sflag:$0x9], $0x80, s25, s22, $0xb8;
	[tilespmem:$0x1F980] =	vst v63  }
0x4e: {  	_ =	swait.ge [sflag:s11], $0x2800  }
0x4f: {  	[sflag:s11] =	ssyncset.done $0x0  }
0x50: {  	s20 =	simm.s32 $0x14200;
	[sflag:s11] =	ssyncadd.s32 $0xFFFFD800  }
0x51: {  	[tilespmem:s26], [sflag:$0x2] =	stream.indirect.gather [hbm4b:s4+s22], $0x80, s20, s22, $0xb8;
	[tilespmem:$0x1F980] =	vst v63  }
0x52: {  	s14 =	rddreg [dreg:$0xc]  }
0x53: {  	[tilespmem:s28], [sflag:$0x5] =	stream.linear.gather [hbm4b:s14+s3], $0x80, $0x38;
	[tilespmem:$0x1F980] =	vst v63  }
0x54: {  	_ =	swait.ge [sflag:s30], $0x2800  }
0x55: {  	[sflag:s30] =	ssyncset.done $0x0  }
0x56: {  	[sflag:s30] =	ssyncadd.s32 $0xFFFFD800  }
0x57: {  	_ =	swait.ge [sflag:s31], $0x80  }
0x58: {  	[sflag:s31] =	ssyncset.done $0x0  }
0x59: {  	[sflag:s31] =	ssyncadd.s32 $0xFFFFFF80  }
0x5a: {  	[spmem:s2] =	stream.indirect.scatter.add.f32 [tilespmem:s23], [sflag:$0x7], $0x80, s24, s22, $0xb8;
	[tilespmem:$0x1F980] =	vst v63  }
0x5b: {  	_ =	swait.ge [sflag:s6], $0x2800  }
0x5c: {  	[sflag:s6] =	ssyncset.done $0x0  }
0x5d: {  	s15 =	simm.s32 $0x14280;
	[sflag:s6] =	ssyncadd.s32 $0xFFFFD800  }
0x5e: {  	[tilespmem:s1], [sflag:$0x3] =	stream.indirect.gather [hbm4b:s4+s22], $0x80, s15, s22, $0xb8;
	[tilespmem:$0x1F980] =	vst v63  }
0x5f: {  	s20 =	sadd.s32 $0x0, s18  }
0x60: {  	[tilespmem:s25], [sflag:$0x6] =	stream.linear.gather [hbm4b:s20+s3], $0x80, $0x38;
	[tilespmem:$0x1F980] =	vst v63  }
0x61: {  	_ =	swait.ge [sflag:s0], $0x2800  }
0x62: {  	[sflag:s0] =	ssyncset.done $0x0  }
0x63: {  	[sflag:s0] =	ssyncadd.s32 $0xFFFFD800  }
0x64: {  	_ =	swait.ge [sflag:s5], $0x80  }
0x65: {  	[sflag:s5] =	ssyncset.done $0x0  }
0x66: {  	[sflag:s5] =	ssyncadd.s32 $0xFFFFFF80  }
0x67: {  	[spmem:s2] =	stream.indirect.scatter.add.f32 [tilespmem:s26], [sflag:$0x8], $0x80, s28, s22, $0xb8;
	[tilespmem:$0x1F980] =	vst v63  }
0x68: {  	_ =	swait.ge [sflag:s7], $0x2800  }
0x69: {  	[sflag:s7] =	ssyncset.done $0x0  }
0x6a: {  	s14 =	simm.s32 $0x14300;
	[sflag:s7] =	ssyncadd.s32 $0xFFFFD800  }
0x6b: {  	[tilespmem:s23], [sflag:$0x1] =	stream.indirect.gather [hbm4b:s4+s22], $0x80, s14, s22, $0xb8;
	[tilespmem:$0x1F980] =	vst v63  }
0x6c: {  	s15 =	sadd.s32 $0x0, s17  }
0x6d: {  	[tilespmem:s24], [sflag:$0x4] =	stream.linear.gather [hbm4b:s15+s3], $0x80, $0x38;
	[tilespmem:$0x1F980] =	vst v63  }
0x6e: {  	_ =	swait.ge [sflag:s9], $0x2800  }
0x6f: {  	[sflag:s9] =	ssyncset.done $0x0  }
0x70: {  	[sflag:s9] =	ssyncadd.s32 $0xFFFFD800  }
0x71: {  	_ =	swait.ge [sflag:s10], $0x80  }
0x72: {  	[sflag:s10] =	ssyncset.done $0x0  }
0x73: {  	[sflag:s10] =	ssyncadd.s32 $0xFFFFFF80  }
0x74: {  	[spmem:s2] =	stream.indirect.scatter.add.f32 [tilespmem:s1], [sflag:$0x9], $0x80, s25, s22, $0xb8;
	[tilespmem:$0x1F980] =	vst v63  }
0x75: {  	_ =	swait.ge [sflag:s11], $0x2800  }
0x76: {  	s13 =	simm.s32 $0x30;
	s20 =	simm.s32 $0x14380;
	[sflag:s11] =	ssyncset.done $0x0  }
0x77: {  	s14 =	simm.s32 $0x14500;
	s15 =	sadd.s32 $0x0, s16;
	[sflag:s11] =	ssyncadd.s32 $0xFFFFD800  }
0x78: {  	[tilespmem:s26], [sflag:$0x2] =	stream.indirect.gather [hbm4b:s4+s22], $0x80, s20, s22, $0xb8;
	[tilespmem:$0x1F980] =	vst v63  }
.LBB2_2:
0x79: {  	[tilespmem:s28], [sflag:$0x5] =	stream.linear.gather [hbm4b:s15+s3], $0x80, $0x38;
	[tilespmem:$0x1F980] =	vst v63  }
0x7a: {  	s15 =	smov.u32 s13  }
0x7b: {  	p0 =	sne.s32 s13, $0x750;
	s13 =	sadd.s32 $0x30, s13;
	_ =	swait.ge [sflag:s30], $0x2800  }
0x7c: {  	[sflag:s30] =	ssyncset.done $0x0  }
0x7d: {  	[sflag:s30] =	ssyncadd.s32 $0xFFFFD800  }
0x7e: {  	_ =	swait.ge [sflag:s31], $0x80  }
0x7f: {  	[sflag:s31] =	ssyncset.done $0x0  }
0x80: {  	[sflag:s31] =	ssyncadd.s32 $0xFFFFFF80  }
0x81: {  	[spmem:s2] =	stream.indirect.scatter.add.f32 [tilespmem:s23], [sflag:$0x7], $0x80, s24, s22, $0xb8;
	[tilespmem:$0x1F980] =	vst v63  }
0x82: {  	_ =	swait.ge [sflag:s6], $0x2800  }
0x83: {  	[sflag:s6] =	ssyncset.done $0x0  }
0x84: {  	s20 =	sadd.s32 $0xFFFFFF00, s14;
	[sflag:s6] =	ssyncadd.s32 $0xFFFFD800  }
0x85: {  	[tilespmem:s1], [sflag:$0x3] =	stream.indirect.gather [hbm4b:s4+s22], $0x80, s20, s22, $0xb8;
	[tilespmem:$0x1F980] =	vst v63  }
0x86: {  	s20 =	sadd.s32 s15, s18  }
0x87: {  	[tilespmem:s25], [sflag:$0x6] =	stream.linear.gather [hbm4b:s20+s3], $0x80, $0x38;
	[tilespmem:$0x1F980] =	vst v63  }
0x88: {  	_ =	swait.ge [sflag:s0], $0x2800  }
0x89: {  	[sflag:s0] =	ssyncset.done $0x0  }
0x8a: {  	[sflag:s0] =	ssyncadd.s32 $0xFFFFD800  }
0x8b: {  	_ =	swait.ge [sflag:s5], $0x80  }
0x8c: {  	[sflag:s5] =	ssyncset.done $0x0  }
0x8d: {  	[sflag:s5] =	ssyncadd.s32 $0xFFFFFF80  }
0x8e: {  	[spmem:s2] =	stream.indirect.scatter.add.f32 [tilespmem:s26], [sflag:$0x8], $0x80, s28, s22, $0xb8;
	[tilespmem:$0x1F980] =	vst v63  }
0x8f: {  	_ =	swait.ge [sflag:s7], $0x2800  }
0x90: {  	[sflag:s7] =	ssyncset.done $0x0  }
0x91: {  	s20 =	sadd.s32 $0xFFFFFF80, s14;
	[sflag:s7] =	ssyncadd.s32 $0xFFFFD800  }
0x92: {  	[tilespmem:s23], [sflag:$0x1] =	stream.indirect.gather [hbm4b:s4+s22], $0x80, s20, s22, $0xb8;
	[tilespmem:$0x1F980] =	vst v63  }
0x93: {  	s20 =	sadd.s32 s15, s17  }
0x94: {  	[tilespmem:s24], [sflag:$0x4] =	stream.linear.gather [hbm4b:s20+s3], $0x80, $0x38;
	[tilespmem:$0x1F980] =	vst v63  }
0x95: {  	_ =	swait.ge [sflag:s9], $0x2800  }
0x96: {  	[sflag:s9] =	ssyncset.done $0x0  }
0x97: {  	[sflag:s9] =	ssyncadd.s32 $0xFFFFD800  }
0x98: {  	_ =	swait.ge [sflag:s10], $0x80  }
0x99: {  	[sflag:s10] =	ssyncset.done $0x0  }
0x9a: {  	[sflag:s10] =	ssyncadd.s32 $0xFFFFFF80  }
0x9b: {  	[spmem:s2] =	stream.indirect.scatter.add.f32 [tilespmem:s1], [sflag:$0x9], $0x80, s25, s22, $0xb8;
	[tilespmem:$0x1F980] =	vst v63  }
.Ltmp0:
0x9c: {  	_ =	swait.ge [sflag:s11], $0x2800;
	(pc) =	sbr.rel @p0 .LBB2_2-.Ltmp0, $4  }
0x9d: {  	[sflag:s11] =	ssyncset.done $0x0  }
0x9e: {  	[sflag:s11] =	ssyncadd.s32 $0xFFFFD800  }
0x9f: {  	[tilespmem:s26], [sflag:$0x2] =	stream.indirect.gather [hbm4b:s4+s22], $0x80, s14, s22, $0xb8;
	[tilespmem:$0x1F980] =	vst v63  }
0xa0: {  	s15 =	sadd.s32 s15, s16;
	s14 =	sadd.s32 $0x180, s14  }
0xa1: {  	[tilespmem:s28], [sflag:$0x5] =	stream.linear.gather [hbm4b:s15+s3], $0x80, $0x38;
	[tilespmem:$0x1F980] =	vst v63  }
0xa2: {  	_ =	swait.ge [sflag:s30], $0x2800  }
0xa3: {  	[sflag:s30] =	ssyncset.done $0x0  }
0xa4: {  	[sflag:s30] =	ssyncadd.s32 $0xFFFFD800  }
0xa5: {  	_ =	swait.ge [sflag:s31], $0x80  }
0xa6: {  	[sflag:s31] =	ssyncset.done $0x0  }
0xa7: {  	[sflag:s31] =	ssyncadd.s32 $0xFFFFFF80  }
0xa8: {  	_ =	swait.ge [sflag:s6], $0x2800  }
0xa9: {  	[sflag:s6] =	ssyncset.done $0x0  }
0xaa: {  	[sflag:s6] =	ssyncadd.s32 $0xFFFFD800  }
0xab: {  	[spmem:s2] =	stream.indirect.scatter.add.f32 [tilespmem:s23], [sflag:$0x7], $0x80, s24, s22, $0xb8;
	[tilespmem:$0x1F980] =	vst v63  }
0xac: {  	_ =	swait.ge [sflag:s0], $0x2800  }
0xad: {  	[sflag:s0] =	ssyncset.done $0x0  }
0xae: {  	[sflag:s0] =	ssyncadd.s32 $0xFFFFD800  }
0xaf: {  	_ =	swait.ge [sflag:s5], $0x80  }
0xb0: {  	[sflag:s5] =	ssyncset.done $0x0  }
0xb1: {  	[sflag:s5] =	ssyncadd.s32 $0xFFFFFF80  }
0xb2: {  	_ =	swait.ge [sflag:s7], $0x2800  }
0xb3: {  	[sflag:s7] =	ssyncset.done $0x0  }
0xb4: {  	[sflag:s7] =	ssyncadd.s32 $0xFFFFD800  }
0xb5: {  	[spmem:s2] =	stream.indirect.scatter.add.f32 [tilespmem:s26], [sflag:$0x8], $0x80, s28, s22, $0xb8;
	[tilespmem:$0x1F980] =	vst v63  }
0xb6: {  	_ =	swait.ge [sflag:s11], $0x2800  }
0xb7: {  	[sflag:s11] =	ssyncset.done $0x0  }
0xb8: {  	[sflag:s11] =	ssyncadd.s32 $0xFFFFD800  }
0xb9: {  	[bflag:$0x0] =	sbarrier.arrive $0xFFFF  }
0xba: {  	s13 =	rddreg [dreg:$0x4]  }
0xbb: {  	s14 =	rddreg [dreg:$0x8];
	s13 =	sor.u32 $0x1C0B, s13  }
0xbc: {  	[hbm:s14], [sflag:s13] =	dma.local [spmem:s19], $0x2800  }
0xbd: {  	_ =	swait.ge [sflag:s21], $0x2800  }
0xbe: {  	s12 =	sadd.s32 $0x1, s12;
	s20 =	rddreg [dreg:$0x9]  }
0xbf: {  	p0 =	sne.s32 s12, s20  }
.Ltmp1:
0xc0: {  	_ = 	snop;
	(pc) =	sbr.rel @p0 .LBB2_1-.Ltmp1, $3  }
0xc1: {  	_ =	sdelay $0x1  }
0xc2: {  	[sflag:s21] =	ssyncset.done $0x0  }
0xc3: {  	[sflag:s21] =	ssyncadd.s32 $0xFFFFD800  }
0xc4: {  	_ =	sfence.sel $0x180000  }
0xc5: {  	[bflag:$0x0] =	sbarrier.arrive $0xFFFF  }
0xc6: {  	_ =	strace $0x9000004D  }
0xc7: {  	s0 =	stileid.u32;
	[bflag:$0x2] =	sbarrier.arrive $0xFFFF  }
0xc8: {  	p0 =	sne.s32 s0, $0x0;
	s0 =	rddreg [dreg:$0x2]  }
0xc9: {  	s0 =	sadd.s32 @!p0 $0x100000, s0  }
0xca: {  	[sflag:s0] =	ssyncadd.tile.s32 @!p0 $0x1;
	_ =	shalt  }
.Lfunc_end2:
_tile_overlayer_lowered:
.L_overlay_start_2:
0xcb: {  	(tag) =	ssettag $0x2  }
0xcc: {  	s0 =	rddreg [dreg:$0x0];
	s2 =	stileid.u32  }
0xcd: {  	s1 =	rddreg [dreg:$0x1];
	p0 =	sne.s32 s2, $0x0  }
0xce: {  	s3 =	rddreg [dreg:$0x2];
	[bflag:$0x3] =	sbarrier.arrive $0xFFFF;
	s2 =	simm.s32 @!p0 $0x1C0B  }
0xcf: {  	[timem:s3], [sflag:s2] =	dma.local @!p0 [hbm:s0], s1  }
0xd0: {  	s0 =	simm.s32 @!p0 $0xB  }
0xd1: {  	_ =	swait.ge @!p0 [sflag:s0], s1  }
0xd2: {  	s1 =	ssub.s32 @!p0 $0x0, s1;
	[sflag:s0] =	ssyncset.done @!p0 $0x0  }
0xd3: {  	[sflag:s0] =	ssyncadd.s32 @!p0 s1  }
0xd4: {  	[bflag:$0x3] =	sbarrier.arrive $0xFFFF  }
0xd5: {  	_ =	shalt  }

// kernel: kernel.19.cloned.1.call-start
scs
__scs_entry_jumppad:
0x0: {  	(pc) =	sbr.rel $0x88, $3  }
0x1: {  	(tag) =	ssettag $0x0;
	lr =	simm.s32 $0x1  }
0x2: {  	[smem:$0x3F94] =	sst lr;
	_ =	strace $0xD0000000  }
0x3: {  	_ = 	snop  }
0x4: {  	_ = 	snop  }
0x5: {  	_ = 	snop  }
0x6: {  	_ = 	snop  }
0x7: {  	_ = 	snop  }
__scs_overlays_trampoline_lowered:
0x8: {  	[smem:$0x3FA3] =	sst s0  }
0x9: {  	[smem:$0x3FA4] =	sst s1  }
0xa: {  	[smem:$0x3FA5] =	sst s2  }
0xb: {  	[smem:$0x3FA6] =	sst s3  }
0xc: {  	[smem:$0x3FA7] =	sst s4  }
0xd: {  	[smem:$0x3FA8] =	sst s5  }
0xe: {  	[smem:$0x3FA9] =	sst s6  }
0xf: {  	[smem:$0x3FAA] =	sst s7  }
0x10: {  	[smem:$0x3FAB] =	sst s8  }
0x11: {  	[smem:$0x3FAC] =	sst s9;
	s0 =	simm.s32 @!p0 $0x0  }
0x12: {  	s1 =	sld [smem:$0x3F92];
	s0 =	simm.s32 @p0 $0x1  }
0x13: {  	[smem:$0x3FAD] =	sst s0;
	s0 =	simm.s32 @!p1 $0x0  }
0x14: {  	s2 =	sld [smem:$0x3F91];
	s0 =	simm.s32 @p1 $0x1  }
0x15: {  	[smem:$0x3FAE] =	sst s0;
	s0 =	simm.s32 @!p2 $0x0  }
0x16: {  	s3 =	sld [smem:$0x3FDB];
	s0 =	simm.s32 @p2 $0x1  }
0x17: {  	s4 =	simm.s32 $0x1BF5;
	[smem:$0x3FB0] =	sst s0  }
0x18: {  	s0 =	sld [smem:$0x3F93];
	_ =	swait.ge [sflag:s4], $0x0  }
0x19: {  	s7 =	sld [smem:$0x3F94]  }
0x1a: {  	s8 =	sadd.s32 $0xFFFFE003, lr  }
0x1b: {  	s9 =	sadd.s32 $0xFFFFFEF7, lr;
	s5 =	simm.s32 $0xFFFFFFFF;
	p2 =	slt.u32 s8, $0xFFFFF086  }
0x1c: {  	p1 =	slt.u32 s9, $0xF7A;
	s5 =	simm.s32 @!p2 $0x0  }
0x1d: {  	s5 =	simm.s32 @p1 $0x1;
	p0 =	seq.s32 s7, s2  }
0x1e: {  	s7 =	smul.u32 @!p0 $0xF7A, s2;
	p2 =	seq.s32 @!p0 s5, $0x0  }
0x1f: {  	s9 =	smul.u32 $0xF7A, s1;
	s8 =	simm.s32 @!p0 $0x1BF5;
	p2 =	por !p2, p0  }
0x20: {  	[sflag:s8] =	ssyncset.s32 @!p0 $0xFFFFF086;
	s6 =	sadd.s32 @!p0 s3, s7;
	s7 =	simm.s32 @!p0 $0x108  }
0x21: {  	s3 =	sadd.s32 s3, s9;
	s6 =	sadd.s32 @!p0 $0x88, s6;
	s7 =	simm.s32 @p2 $0x1082  }
0x22: {  	[simem:s7], [sflag:s8] =	dma.local @!p0 [hbm:s6], $0xF7A  }
0x23: {  	s9 =	sor.u32 $0xD0000000, s2;
	s6 =	simm.s32 $0x108;
	_ =	swait.ge @!p0 [sflag:s8], $0x0  }
0x24: {  	s3 =	sadd.s32 $0x88, s3;
	s6 =	simm.s32 @!p1 $0x1082;
	[sflag:s4] =	ssyncset.s32 $0xFFFFF086  }
0x25: {  	[simem:s6], [sflag:s4] =	dma.local [hbm:s3], $0xF7A  }
0x26: {  	[smem:$0x3F94] =	sst s1;
	(tag) =	ssettag s2;
	_ =	strace s9  }
0x27: {  	s1 =	sld [smem:$0x3FA4]  }
0x28: {  	s2 =	sld [smem:$0x3FA5]  }
0x29: {  	s4 =	sld [smem:$0x3FA7]  }
0x2a: {  	p0 =	seq.s32 s5, $0x0;
	s5 =	sld [smem:$0x3FA8]  }
0x2b: {  	s6 =	sld [smem:$0x3FA9]  }
0x2c: {  	s7 =	sld [smem:$0x3FAA]  }
0x2d: {  	s3 =	simm.s32 $0x108;
	s8 =	sld [smem:$0x3FAB]  }
0x2e: {  	s3 =	simm.s32 @!p0 $0x1082;
	s9 =	sld [smem:$0x3FAC]  }
0x2f: {  	lr =	sadd.s32 s0, s3;
	s0 =	sld [smem:$0x3FA3]  }
0x30: {  	s3 =	sld [smem:$0x3FA6]  }
0x31: {  	[smem:$0x3FAF] =	sst s10  }
0x32: {  	s10 =	sld [smem:$0x3FAD];
	_ =	sdelay $0x3  }
0x33: {  	p0 =	seq.s32 s10, $0x1;
	s10 =	sld [smem:$0x3FAF];
	_ =	sdelay $0x3  }
0x34: {  	[smem:$0x3FAF] =	sst s10  }
0x35: {  	s10 =	sld [smem:$0x3FAE];
	_ =	sdelay $0x3  }
0x36: {  	p1 =	seq.s32 s10, $0x1;
	s10 =	sld [smem:$0x3FAF];
	_ =	sdelay $0x3  }
0x37: {  	[smem:$0x3FAF] =	sst s10  }
0x38: {  	s10 =	sld [smem:$0x3FB0]  }
0x39: {  	_ = 	snop;
	(pc) =	sbr.ind lr, $3  }
0x3a: {  	_ = 	snop  }
0x3b: {  	_ = 	snop  }
0x3c: {  	p2 =	seq.s32 s10, $0x1;
	s10 =	sld [smem:$0x3FAF]  }
0x3d: {  	_ =	shalt  }
0x3e: {  	_ =	shalt  }
0x3f: {  	_ =	shalt  }
0x40: {  	_ =	shalt  }
0x41: {  	_ =	shalt  }
0x42: {  	_ =	shalt  }
0x43: {  	_ =	shalt  }
0x44: {  	_ =	shalt  }
0x45: {  	_ =	shalt  }
0x46: {  	_ =	shalt  }
0x47: {  	_ =	shalt  }
0x48: {  	_ =	shalt  }
0x49: {  	_ =	shalt  }
0x4a: {  	_ =	shalt  }
0x4b: {  	_ =	shalt  }
0x4c: {  	_ =	shalt  }
0x4d: {  	_ =	shalt  }
0x4e: {  	_ =	shalt  }
0x4f: {  	_ =	shalt  }
0x50: {  	_ =	shalt  }
0x51: {  	_ =	shalt  }
0x52: {  	_ =	shalt  }
0x53: {  	_ =	shalt  }
0x54: {  	_ =	shalt  }
0x55: {  	_ =	shalt  }
0x56: {  	_ =	shalt  }
0x57: {  	_ =	shalt  }
0x58: {  	_ =	shalt  }
0x59: {  	_ =	shalt  }
0x5a: {  	_ =	shalt  }
0x5b: {  	_ =	shalt  }
0x5c: {  	_ =	shalt  }
0x5d: {  	_ =	shalt  }
0x5e: {  	_ =	shalt  }
0x5f: {  	_ =	shalt  }
0x60: {  	_ =	shalt  }
0x61: {  	_ =	shalt  }
0x62: {  	_ =	shalt  }
0x63: {  	_ =	shalt  }
0x64: {  	_ =	shalt  }
0x65: {  	_ =	shalt  }
0x66: {  	_ =	shalt  }
0x67: {  	_ =	shalt  }
0x68: {  	_ =	shalt  }
0x69: {  	_ =	shalt  }
0x6a: {  	_ =	shalt  }
0x6b: {  	_ =	shalt  }
0x6c: {  	_ =	shalt  }
0x6d: {  	_ =	shalt  }
0x6e: {  	_ =	shalt  }
0x6f: {  	_ =	shalt  }
0x70: {  	_ =	shalt  }
0x71: {  	_ =	shalt  }
0x72: {  	_ =	shalt  }
0x73: {  	_ =	shalt  }
0x74: {  	_ =	shalt  }
0x75: {  	_ =	shalt  }
0x76: {  	_ =	shalt  }
0x77: {  	_ =	shalt  }
0x78: {  	_ =	shalt  }
0x79: {  	_ =	shalt  }
0x7a: {  	_ =	shalt  }
0x7b: {  	_ =	shalt  }
0x7c: {  	_ =	shalt  }
0x7d: {  	_ =	shalt  }
0x7e: {  	_ =	shalt  }
0x7f: {  	_ =	shalt  }
0x80: {  	_ =	shalt  }
0x81: {  	_ =	shalt  }
0x82: {  	_ =	shalt  }
0x83: {  	_ =	shalt  }
0x84: {  	_ =	shalt  }
0x85: {  	_ =	shalt  }
0x86: {  	_ =	shalt  }
0x87: {  	_ =	shalt  }
.Lfunc_end0:
.L_simem_size_0:
called_computation.3_lowered:
.L_overlay_start_0:
0x88: {  	s2 =	sld [smem:$0x3FD9]  }
0x89: {  	s3 =	sld [smem:$0x3FFE];
	_ =	sdelay $0x1  }
0x8a: {  	s1 =	srdreg.scid  }
0x8b: {  	s0 =	sand.u32 $0x1, s1  }
0x8c: {  	s16 =	sshll.u32 s0, $0xA;
	s2 =	sadd.s32 s3, s2  }
0x8d: {  	s2 =	sadd.s32 s2, s16  }
0x8e: {  	[smem:$0x3FBB] =	sst s2  }
0x8f: {  	_ = 	snop  }
0x90: {  	(tm) =	ssettm $0x1  }
0x91: {  	s17 =	sld [smem:$0x3FFB];
	_ =	sdelay $0x3  }
0x92: {  	_ =	strace s17  }
0x93: {  	s2 =	sld [smem:$0x3FFC];
	_ =	sdelay $0x3  }
0x94: {  	_ =	strace s2  }
0x95: {  	s2 =	sld [smem:$0x3FFD];
	_ =	sdelay $0x3  }
0x96: {  	_ =	strace s2  }
0x97: {  	_ =	strace $0x8FFFFFFF  }
0x98: {  	s18 =	sld [smem:$0x3FDB];
	_ =	sdelay $0x1  }
0x99: {  	s19 =	simm.s32 $_scs_section_size  }
0x9a: {  	s4 =	simm.s32 $_size__tile_overlayer_lowered;
	s5 =	simm.s32 $_tile_overlayer_lowered  }
0x9b: {  	s22 =	simm.s32 $0x1BFF;
	s21 =	sshll.u32 s5, $0x1;
	s2 =	sadd.s32 s19, s18  }
0x9c: {  	s6 =	simm.s32 $0x0;
	s20 =	sshll.u32 s4, $0x1;
	s4 =	sadd.s32 s21, s2  }
0x9d: {  	[timem:s6], [sflag:s22] =	dma.local [hbm:s4], s20  }
0x9e: {  	_ =	swait.ge [sflag:s22], s20  }
0x9f: {  	s3 =	ssub.s32 $0x0, s20;
	[sflag:s22] =	ssyncset.done $0x0  }
0xa0: {  	[sflag:s22] =	ssyncadd.s32 s3;
	_ =	sdelay $0x1  }
0xa1: {  	s23 =	simm.s32 $0x1B8B  }
0xa2: {  	_ =	swait.ge [sflag:s23], $0x1  }
0xa3: {  	[sflag:s23] =	ssyncset.done $0x0  }
0xa4: {  	s25 =	simm.s32 $0x1B8E;
	s24 =	sld [smem:$0x3FFE];
	[sflag:s23] =	ssyncadd.s32 $0xFFFFFFFF  }
0xa5: {  	s26 =	simm.s32 $execute0_lowered;
	[smem:$0x3FD2] =	sst s25  }
0xa6: {  	s4 =	sshll.u32 s26, $0x1;
	_ =	strace $0x8000004F;
	[dreg:$0x1] =	wrdreg $0xFFFFFFFF  }
0xa7: {  	s28 =	simm.s32 $_size_execute0_lowered;
	s2 =	sadd.s32 s2, s4;
	[dreg:$0x0] =	wrdreg $0x0  }
0xa8: {  	s4 =	sshll.u32 s28, $0x1;
	[dreg:$0x2] =	wrdreg s2  }
0xa9: {  	[dreg:$0x3] =	wrdreg s4  }
0xaa: {  	[dreg:$0x4] =	wrdreg $0xC0  }
0xab: {  	_ =	task [dreg:s6], $0x5FFFF  }
0xac: {  	[dreg:$0x1] =	wrdreg $0xFFFFFFFF  }
0xad: {  	[dreg:$0x0] =	wrdreg $0x60  }
0xae: {  	[dreg:$0x2] =	wrdreg s24  }
0xaf: {  	[dreg:$0x3] =	wrdreg $0x0  }
0xb0: {  	[dreg:$0x4] =	wrdreg $0x9  }
0xb1: {  	_ =	task.clear_ibuf [dreg:s6], $0x5FFFF;
	_ =	strace $0x9000004F  }
0xb2: {  	s29 =	simm.s32 $0x9;
	_ =	strace $0x80000051  }
0xb3: {  	_ =	swait.ge [sflag:s29], $0x1  }
0xb4: {  	[sflag:s29] =	ssyncadd.s32 $0xFFFFFFFF  }
0xb5: {  	_ =	strace $0x90000051  }
0xb6: {  	_ =	sfence  }
0xb7: {  	s30 =	sld [smem:$0x0];
	_ =	sdelay $0x2  }
0xb8: {  	s31 =	sshll.u32 s1, $0xD;
	s1 =	sshrl.u32 s1, $0x2  }
0xb9: {  	s3 =	sand.u32 $0x4000, s31;
	s1 =	sadd.s32 s1, s30  }
0xba: {  	s0 =	sor.u32 s3, s0;
	s1 =	sshll.u32 s1, $0x11  }
0xbb: {  	s0 =	sor.u32 s1, s0  }
0xbc: {  	s0 =	sadd.s32 $0x8F2B, s0  }
0xbd: {  	[sflag:s0] =	ssyncadd.remote.s32 $0x1  }
0xbe: {  	_ =	sfence.sel $0xFFFF  }
0xbf: {  	[dreg:$0x0] =	wrdreg $0xFFFFFFFF;
	(pc) =	sbr.abs _section_cstart, $3  }
0xc0: {  	[dreg:$0x1] =	wrdreg $0xFFFFFFFF  }
0xc1: {  	_ =	task.clear_ibuf [dreg:s6], $0x2FFFF;
	_ =	strace $0x9FFFFFFF  }
0xc2: {  	(tm) =	ssettm $0x7FFFFFFF  }
0xc3: {  	_ =	shalt  }
tec
execute0_lowered:
.L_overlay_start_1:
0x0: {  	(tag) =	ssettag $0x1  }
0x1: {  	s0 =	rddreg [dreg:$0x0];
	s1 =	srdreg.scid  }
0x2: {  	s2 =	rddreg [dreg:$0x1];
	s12 =	stileid.u32;
	s3 =	simm.s32 $0x0  }
0x3: {  	s28 =	simm.s32 $0x1F880;
	s29 =	simm.s32 $0xA;
	s30 =	simm.s32 $0x1  }
0x4: {  	s31 =	simm.s32 $0x4;
	s1 =	sand.u32 $0x1, s1;
	s8 =	smul.u32 $0x14000, s12  }
0x5: {  	[smem:$0x7FF] =	sst s3;
	s9 =	sadd.s32 $0x15E00, s0;
	s26 =	smul.u32 $0x50000, s12  }
0x6: {  	s10 =	sadd.s32 $0x4E00, s0;
	s17 =	sshll.u32 s12, $0x6;
	s18 =	smul.u32 $0x3E80, s12  }
0x7: {  	s4 =	sshll.u32 s1, $0x4;
	s6 =	smul.u32 $0x140000, s1;
	_ =	strace $0x80000050  }
0x8: {  	[dreg:$0x3] =	wrdreg s10;
	s13 =	ssub.s32 $0x2, s1;
	s1 =	smul.u32 $0x3E800, s1  }
0x9: {  	[dreg:$0x4] =	wrdreg s17;
	s10 =	simm.s32 $0x6;
	s5 =	sor.u32 s12, s4  }
0xa: {  	s4 =	sadd.s32 $0x35800, s0;
	s11 =	sshrl.u32 s13, $0x1;
	s12 =	simm.s32 $0x0  }
0xb: {  	s7 =	sshll.u32 s5, $0xB;
	s6 =	sadd.s32 s8, s6;
	s8 =	sshrl.u32 s26, $0x2  }
0xc: {  	s5 =	smul.u32 $0x3E80, s5;
	s14 =	ssub.s32 s13, s11;
	s22 =	sadd.s32 s18, s1  }
0xd: {  	s11 =	simm.s32 $0x8;
	s7 =	sadd.s32 s7, s0;
	s6 =	sshrl.u32 s6, $0x3  }
0xe: {  	s15 =	sadd.s32 s8, s2;
	s8 =	sor.u32 $0x1C0A, s17;
	s20 =	smax.u32 s14, $0x1  }
0xf: {  	s25 =	sadd.s32 $0x380, s22;
	s0 =	sadd.s32 s6, s0;
	[dreg:$0x5] =	wrdreg s8  }
0x10: {  	s5 =	sshrl.u32 s5, $0x3;
	s7 =	sadd.s32 $0x25800, s7;
	[dreg:$0x9] =	wrdreg s20  }
0x11: {  	s1 =	sshrl.u32 s25, $0x3;
	s25 =	simm.s32 $0x1F900;
	s6 =	simm.s32 $0x9  }
0x12: {  	s8 =	sadd.s32 s9, s5;
	[dreg:$0x6] =	wrdreg s7;
	s0 =	sadd.s32 $0x5D800, s0  }
0x13: {  	s5 =	sadd.s32 $0x300, s22;
	s16 =	sadd.s32 s1, s9;
	s1 =	simm.s32 $0x1D000  }
0x14: {  	s7 =	simm.s32 $0x7;
	s19 =	sadd.s32 $0x10, s8;
	[dreg:$0x8] =	wrdreg s0  }
0x15: {  	s21 =	sadd.s32 $0x20, s8;
	s23 =	sadd.s32 $0x30, s8;
	[dreg:$0x7] =	wrdreg s19  }
0x16: {  	s24 =	sadd.s32 $0x40, s8;
	s0 =	sadd.s32 $0x280, s22;
	[dreg:$0xa] =	wrdreg s21  }
0x17: {  	s26 =	sshrl.u32 s5, $0x3;
	s22 =	simm.s32 $0x50;
	[dreg:$0xb] =	wrdreg s23  }
0x18: {  	s5 =	simm.s32 $0x5;
	[dreg:$0xc] =	wrdreg s24;
	s0 =	sshrl.u32 s0, $0x3  }
0x19: {  	s17 =	sadd.s32 s26, s9;
	s19 =	sshrl.u32 s15, $0x3;
	s21 =	simm.s32 $0xB  }
0x1a: {  	s23 =	simm.s32 $0x18000;
	s24 =	simm.s32 $0x1F800;
	s26 =	simm.s32 $0x1A800  }
0x1b: {  	s18 =	sadd.s32 s0, s9;
	s0 =	simm.s32 $0x2;
	s9 =	simm.s32 $0x3  }
.LBB2_1:
0x1c: {  	s13 =	rddreg [dreg:$0x3]  }
0x1d: {  	s14 =	rddreg [dreg:$0x5]  }
0x1e: {  	[spmem:s19], [sflag:s14] =	dma.local [hbm:s13], $0x2800  }
0x1f: {  	s15 =	simm.s32 $0x14000;
	s13 =	rddreg [dreg:$0x6]  }
0x20: {  	[tilespmem:s15], [sflag:$0xB] =	stream.linear.gather [hbm4b:s13+s3], $0x3E80, $0x38;
	[tilespmem:$0x1F980] =	vst v63  }
0x21: {  	_ =	swait.ge [sflag:s21], $0x3E80  }
0x22: {  	[sflag:s21] =	ssyncset.done $0x0  }
0x23: {  	[sflag:s21] =	ssyncadd.s32 $0xFFFFC180  }
0x24: {  	[tilespmem:s23], [sflag:$0x1] =	stream.indirect.gather [hbm4b:s4+s22], $0x80, s15, s22, $0xb8;
	[tilespmem:$0x1F980] =	vst v63  }
0x25: {  	_ = 	snop  }
0x26: {  	[tilespmem:s24], [sflag:$0x4] =	stream.linear.gather [hbm4b:s8+s3], $0x80, $0x38;
	[tilespmem:$0x1F980] =	vst v63  }
0x27: {  	s20 =	simm.s32 $0x14080  }
0x28: {  	[tilespmem:s26], [sflag:$0x2] =	stream.indirect.gather [hbm4b:s4+s22], $0x80, s20, s22, $0xb8;
	[tilespmem:$0x1F980] =	vst v63  }
0x29: {  	s14 =	rddreg [dreg:$0x7]  }
0x2a: {  	[tilespmem:s28], [sflag:$0x5] =	stream.linear.gather [hbm4b:s14+s3], $0x80, $0x38;
	[tilespmem:$0x1F980] =	vst v63  }
0x2b: {  	_ =	swait.ge [sflag:s29], $0x2800  }
0x2c: {  	[sflag:s29] =	ssyncset.done $0x0  }
0x2d: {  	[sflag:s29] =	ssyncadd.s32 $0xFFFFD800  }
0x2e: {  	[bflag:$0x0] =	sbarrier.arrive $0xFFFF  }
0x2f: {  	_ =	swait.ge [sflag:s30], $0x2800  }
0x30: {  	[sflag:s30] =	ssyncset.done $0x0  }
0x31: {  	[sflag:s30] =	ssyncadd.s32 $0xFFFFD800  }
0x32: {  	_ =	swait.ge [sflag:s31], $0x80  }
0x33: {  	[sflag:s31] =	ssyncset.done $0x0  }
0x34: {  	[sflag:s31] =	ssyncadd.s32 $0xFFFFFF80  }
0x35: {  	[spmem:s2] =	stream.indirect.scatter.add.f32 [tilespmem:s23], [sflag:$0x7], $0x80, s24, s22, $0xb8;
	[tilespmem:$0x1F980] =	vst v63  }
0x36: {  	s15 =	simm.s32 $0x14100  }
0x37: {  	[tilespmem:s1], [sflag:$0x3] =	stream.indirect.gather [hbm4b:s4+s22], $0x80, s15, s22, $0xb8;
	[tilespmem:$0x1F980] =	vst v63  }
0x38: {  	s20 =	rddreg [dreg:$0xa]  }
0x39: {  	[tilespmem:s25], [sflag:$0x6] =	stream.linear.gather [hbm4b:s20+s3], $0x80, $0x38;
	[tilespmem:$0x1F980] =	vst v63  }
0x3a: {  	_ =	swait.ge [sflag:s0], $0x2800  }
0x3b: {  	[sflag:s0] =	ssyncset.done $0x0  }
0x3c: {  	[sflag:s0] =	ssyncadd.s32 $0xFFFFD800  }
0x3d: {  	_ =	swait.ge [sflag:s5], $0x80  }
0x3e: {  	[sflag:s5] =	ssyncset.done $0x0  }
0x3f: {  	[sflag:s5] =	ssyncadd.s32 $0xFFFFFF80  }
0x40: {  	[spmem:s2] =	stream.indirect.scatter.add.f32 [tilespmem:s26], [sflag:$0x8], $0x80, s28, s22, $0xb8;
	[tilespmem:$0x1F980] =	vst v63  }
0x41: {  	_ =	swait.ge [sflag:s7], $0x2800  }
0x42: {  	[sflag:s7] =	ssyncset.done $0x0  }
0x43: {  	s14 =	simm.s32 $0x14180;
	[sflag:s7] =	ssyncadd.s32 $0xFFFFD800  }
0x44: {  	[tilespmem:s23], [sflag:$0x1] =	stream.indirect.gather [hbm4b:s4+s22], $0x80, s14, s22, $0xb8;
	[tilespmem:$0x1F980] =	vst v63  }
0x45: {  	s15 =	rddreg [dreg:$0xb]  }
0x46: {  	[tilespmem:s24], [sflag:$0x4] =	stream.linear.gather [hbm4b:s15+s3], $0x80, $0x38;
	[tilespmem:$0x1F980] =	vst v63  }
0x47: {  	_ =	swait.ge [sflag:s9], $0x2800  }
0x48: {  	[sflag:s9] =	ssyncset.done $0x0  }
0x49: {  	[sflag:s9] =	ssyncadd.s32 $0xFFFFD800  }
0x4a: {  	_ =	swait.ge [sflag:s10], $0x80  }
0x4b: {  	[sflag:s10] =	ssyncset.done $0x0  }
0x4c: {  	[sflag:s10] =	ssyncadd.s32 $0xFFFFFF80  }
0x4d: {  	[spmem:s2] =	stream.indirect.scatter.add.f32 [tilespmem:s1], [sflag:$0x9], $0x80, s25, s22, $0xb8;
	[tilespmem:$0x1F980] =	vst v63  }
0x4e: {  	_ =	swait.ge [sflag:s11], $0x2800  }
0x4f: {  	[sflag:s11] =	ssyncset.done $0x0  }
0x50: {  	s20 =	simm.s32 $0x14200;
	[sflag:s11] =	ssyncadd.s32 $0xFFFFD800  }
0x51: {  	[tilespmem:s26], [sflag:$0x2] =	stream.indirect.gather [hbm4b:s4+s22], $0x80, s20, s22, $0xb8;
	[tilespmem:$0x1F980] =	vst v63  }
0x52: {  	s14 =	rddreg [dreg:$0xc]  }
0x53: {  	[tilespmem:s28], [sflag:$0x5] =	stream.linear.gather [hbm4b:s14+s3], $0x80, $0x38;
	[tilespmem:$0x1F980] =	vst v63  }
0x54: {  	_ =	swait.ge [sflag:s30], $0x2800  }
0x55: {  	[sflag:s30] =	ssyncset.done $0x0  }
0x56: {  	[sflag:s30] =	ssyncadd.s32 $0xFFFFD800  }
0x57: {  	_ =	swait.ge [sflag:s31], $0x80  }
0x58: {  	[sflag:s31] =	ssyncset.done $0x0  }
0x59: {  	[sflag:s31] =	ssyncadd.s32 $0xFFFFFF80  }
0x5a: {  	[spmem:s2] =	stream.indirect.scatter.add.f32 [tilespmem:s23], [sflag:$0x7], $0x80, s24, s22, $0xb8;
	[tilespmem:$0x1F980] =	vst v63  }
0x5b: {  	_ =	swait.ge [sflag:s6], $0x2800  }
0x5c: {  	[sflag:s6] =	ssyncset.done $0x0  }
0x5d: {  	s15 =	simm.s32 $0x14280;
	[sflag:s6] =	ssyncadd.s32 $0xFFFFD800  }
0x5e: {  	[tilespmem:s1], [sflag:$0x3] =	stream.indirect.gather [hbm4b:s4+s22], $0x80, s15, s22, $0xb8;
	[tilespmem:$0x1F980] =	vst v63  }
0x5f: {  	s20 =	sadd.s32 $0x0, s18  }
0x60: {  	[tilespmem:s25], [sflag:$0x6] =	stream.linear.gather [hbm4b:s20+s3], $0x80, $0x38;
	[tilespmem:$0x1F980] =	vst v63  }
0x61: {  	_ =	swait.ge [sflag:s0], $0x2800  }
0x62: {  	[sflag:s0] =	ssyncset.done $0x0  }
0x63: {  	[sflag:s0] =	ssyncadd.s32 $0xFFFFD800  }
0x64: {  	_ =	swait.ge [sflag:s5], $0x80  }
0x65: {  	[sflag:s5] =	ssyncset.done $0x0  }
0x66: {  	[sflag:s5] =	ssyncadd.s32 $0xFFFFFF80  }
0x67: {  	[spmem:s2] =	stream.indirect.scatter.add.f32 [tilespmem:s26], [sflag:$0x8], $0x80, s28, s22, $0xb8;
	[tilespmem:$0x1F980] =	vst v63  }
0x68: {  	_ =	swait.ge [sflag:s7], $0x2800  }
0x69: {  	[sflag:s7] =	ssyncset.done $0x0  }
0x6a: {  	s14 =	simm.s32 $0x14300;
	[sflag:s7] =	ssyncadd.s32 $0xFFFFD800  }
0x6b: {  	[tilespmem:s23], [sflag:$0x1] =	stream.indirect.gather [hbm4b:s4+s22], $0x80, s14, s22, $0xb8;
	[tilespmem:$0x1F980] =	vst v63  }
0x6c: {  	s15 =	sadd.s32 $0x0, s17  }
0x6d: {  	[tilespmem:s24], [sflag:$0x4] =	stream.linear.gather [hbm4b:s15+s3], $0x80, $0x38;
	[tilespmem:$0x1F980] =	vst v63  }
0x6e: {  	_ =	swait.ge [sflag:s9], $0x2800  }
0x6f: {  	[sflag:s9] =	ssyncset.done $0x0  }
0x70: {  	[sflag:s9] =	ssyncadd.s32 $0xFFFFD800  }
0x71: {  	_ =	swait.ge [sflag:s10], $0x80  }
0x72: {  	[sflag:s10] =	ssyncset.done $0x0  }
0x73: {  	[sflag:s10] =	ssyncadd.s32 $0xFFFFFF80  }
0x74: {  	[spmem:s2] =	stream.indirect.scatter.add.f32 [tilespmem:s1], [sflag:$0x9], $0x80, s25, s22, $0xb8;
	[tilespmem:$0x1F980] =	vst v63  }
0x75: {  	_ =	swait.ge [sflag:s11], $0x2800  }
0x76: {  	s13 =	simm.s32 $0x30;
	s20 =	simm.s32 $0x14380;
	[sflag:s11] =	ssyncset.done $0x0  }
0x77: {  	s14 =	simm.s32 $0x14500;
	s15 =	sadd.s32 $0x0, s16;
	[sflag:s11] =	ssyncadd.s32 $0xFFFFD800  }
0x78: {  	[tilespmem:s26], [sflag:$0x2] =	stream.indirect.gather [hbm4b:s4+s22], $0x80, s20, s22, $0xb8;
	[tilespmem:$0x1F980] =	vst v63  }
.LBB2_2:
0x79: {  	[tilespmem:s28], [sflag:$0x5] =	stream.linear.gather [hbm4b:s15+s3], $0x80, $0x38;
	[tilespmem:$0x1F980] =	vst v63  }
0x7a: {  	s15 =	smov.u32 s13  }
0x7b: {  	p0 =	sne.s32 s13, $0x750;
	s13 =	sadd.s32 $0x30, s13;
	_ =	swait.ge [sflag:s30], $0x2800  }
0x7c: {  	[sflag:s30] =	ssyncset.done $0x0  }
0x7d: {  	[sflag:s30] =	ssyncadd.s32 $0xFFFFD800  }
0x7e: {  	_ =	swait.ge [sflag:s31], $0x80  }
0x7f: {  	[sflag:s31] =	ssyncset.done $0x0  }
0x80: {  	[sflag:s31] =	ssyncadd.s32 $0xFFFFFF80  }
0x81: {  	[spmem:s2] =	stream.indirect.scatter.add.f32 [tilespmem:s23], [sflag:$0x7], $0x80, s24, s22, $0xb8;
	[tilespmem:$0x1F980] =	vst v63  }
0x82: {  	_ =	swait.ge [sflag:s6], $0x2800  }
0x83: {  	[sflag:s6] =	ssyncset.done $0x0  }
0x84: {  	s20 =	sadd.s32 $0xFFFFFF00, s14;
	[sflag:s6] =	ssyncadd.s32 $0xFFFFD800  }
0x85: {  	[tilespmem:s1], [sflag:$0x3] =	stream.indirect.gather [hbm4b:s4+s22], $0x80, s20, s22, $0xb8;
	[tilespmem:$0x1F980] =	vst v63  }
0x86: {  	s20 =	sadd.s32 s15, s18  }
0x87: {  	[tilespmem:s25], [sflag:$0x6] =	stream.linear.gather [hbm4b:s20+s3], $0x80, $0x38;
	[tilespmem:$0x1F980] =	vst v63  }
0x88: {  	_ =	swait.ge [sflag:s0], $0x2800  }
0x89: {  	[sflag:s0] =	ssyncset.done $0x0  }
0x8a: {  	[sflag:s0] =	ssyncadd.s32 $0xFFFFD800  }
0x8b: {  	_ =	swait.ge [sflag:s5], $0x80  }
0x8c: {  	[sflag:s5] =	ssyncset.done $0x0  }
0x8d: {  	[sflag:s5] =	ssyncadd.s32 $0xFFFFFF80  }
0x8e: {  	[spmem:s2] =	stream.indirect.scatter.add.f32 [tilespmem:s26], [sflag:$0x8], $0x80, s28, s22, $0xb8;
	[tilespmem:$0x1F980] =	vst v63  }
0x8f: {  	_ =	swait.ge [sflag:s7], $0x2800  }
0x90: {  	[sflag:s7] =	ssyncset.done $0x0  }
0x91: {  	s20 =	sadd.s32 $0xFFFFFF80, s14;
	[sflag:s7] =	ssyncadd.s32 $0xFFFFD800  }
0x92: {  	[tilespmem:s23], [sflag:$0x1] =	stream.indirect.gather [hbm4b:s4+s22], $0x80, s20, s22, $0xb8;
	[tilespmem:$0x1F980] =	vst v63  }
0x93: {  	s20 =	sadd.s32 s15, s17  }
0x94: {  	[tilespmem:s24], [sflag:$0x4] =	stream.linear.gather [hbm4b:s20+s3], $0x80, $0x38;
	[tilespmem:$0x1F980] =	vst v63  }
0x95: {  	_ =	swait.ge [sflag:s9], $0x2800  }
0x96: {  	[sflag:s9] =	ssyncset.done $0x0  }
0x97: {  	[sflag:s9] =	ssyncadd.s32 $0xFFFFD800  }
0x98: {  	_ =	swait.ge [sflag:s10], $0x80  }
0x99: {  	[sflag:s10] =	ssyncset.done $0x0  }
0x9a: {  	[sflag:s10] =	ssyncadd.s32 $0xFFFFFF80  }
0x9b: {  	[spmem:s2] =	stream.indirect.scatter.add.f32 [tilespmem:s1], [sflag:$0x9], $0x80, s25, s22, $0xb8;
	[tilespmem:$0x1F980] =	vst v63  }
.Ltmp0:
0x9c: {  	_ =	swait.ge [sflag:s11], $0x2800;
	(pc) =	sbr.rel @p0 .LBB2_2-.Ltmp0, $4  }
0x9d: {  	[sflag:s11] =	ssyncset.done $0x0  }
0x9e: {  	[sflag:s11] =	ssyncadd.s32 $0xFFFFD800  }
0x9f: {  	[tilespmem:s26], [sflag:$0x2] =	stream.indirect.gather [hbm4b:s4+s22], $0x80, s14, s22, $0xb8;
	[tilespmem:$0x1F980] =	vst v63  }
0xa0: {  	s15 =	sadd.s32 s15, s16;
	s14 =	sadd.s32 $0x180, s14  }
0xa1: {  	[tilespmem:s28], [sflag:$0x5] =	stream.linear.gather [hbm4b:s15+s3], $0x80, $0x38;
	[tilespmem:$0x1F980] =	vst v63  }
0xa2: {  	_ =	swait.ge [sflag:s30], $0x2800  }
0xa3: {  	[sflag:s30] =	ssyncset.done $0x0  }
0xa4: {  	[sflag:s30] =	ssyncadd.s32 $0xFFFFD800  }
0xa5: {  	_ =	swait.ge [sflag:s31], $0x80  }
0xa6: {  	[sflag:s31] =	ssyncset.done $0x0  }
0xa7: {  	[sflag:s31] =	ssyncadd.s32 $0xFFFFFF80  }
0xa8: {  	_ =	swait.ge [sflag:s6], $0x2800  }
0xa9: {  	[sflag:s6] =	ssyncset.done $0x0  }
0xaa: {  	[sflag:s6] =	ssyncadd.s32 $0xFFFFD800  }
0xab: {  	[spmem:s2] =	stream.indirect.scatter.add.f32 [tilespmem:s23], [sflag:$0x7], $0x80, s24, s22, $0xb8;
	[tilespmem:$0x1F980] =	vst v63  }
0xac: {  	_ =	swait.ge [sflag:s0], $0x2800  }
0xad: {  	[sflag:s0] =	ssyncset.done $0x0  }
0xae: {  	[sflag:s0] =	ssyncadd.s32 $0xFFFFD800  }
0xaf: {  	_ =	swait.ge [sflag:s5], $0x80  }
0xb0: {  	[sflag:s5] =	ssyncset.done $0x0  }
0xb1: {  	[sflag:s5] =	ssyncadd.s32 $0xFFFFFF80  }
0xb2: {  	_ =	swait.ge [sflag:s7], $0x2800  }
0xb3: {  	[sflag:s7] =	ssyncset.done $0x0  }
0xb4: {  	[sflag:s7] =	ssyncadd.s32 $0xFFFFD800  }
0xb5: {  	[spmem:s2] =	stream.indirect.scatter.add.f32 [tilespmem:s26], [sflag:$0x8], $0x80, s28, s22, $0xb8;
	[tilespmem:$0x1F980] =	vst v63  }
0xb6: {  	_ =	swait.ge [sflag:s11], $0x2800  }
0xb7: {  	[sflag:s11] =	ssyncset.done $0x0  }
0xb8: {  	[sflag:s11] =	ssyncadd.s32 $0xFFFFD800  }
0xb9: {  	[bflag:$0x0] =	sbarrier.arrive $0xFFFF  }
0xba: {  	s13 =	rddreg [dreg:$0x4]  }
0xbb: {  	s14 =	rddreg [dreg:$0x8];
	s13 =	sor.u32 $0x1C0B, s13  }
0xbc: {  	[hbm:s14], [sflag:s13] =	dma.local [spmem:s19], $0x2800  }
0xbd: {  	_ =	swait.ge [sflag:s21], $0x2800  }
0xbe: {  	s12 =	sadd.s32 $0x1, s12;
	s20 =	rddreg [dreg:$0x9]  }
0xbf: {  	p0 =	sne.s32 s12, s20  }
.Ltmp1:
0xc0: {  	_ = 	snop;
	(pc) =	sbr.rel @p0 .LBB2_1-.Ltmp1, $3  }
0xc1: {  	_ =	sdelay $0x1  }
0xc2: {  	[sflag:s21] =	ssyncset.done $0x0  }
0xc3: {  	[sflag:s21] =	ssyncadd.s32 $0xFFFFD800  }
0xc4: {  	_ =	sfence.sel $0x180000  }
0xc5: {  	[bflag:$0x0] =	sbarrier.arrive $0xFFFF  }
0xc6: {  	_ =	strace $0x90000050  }
0xc7: {  	s0 =	stileid.u32;
	[bflag:$0x2] =	sbarrier.arrive $0xFFFF  }
0xc8: {  	p0 =	sne.s32 s0, $0x0;
	s0 =	rddreg [dreg:$0x2]  }
0xc9: {  	s0 =	sadd.s32 @!p0 $0x100000, s0  }
0xca: {  	[sflag:s0] =	ssyncadd.tile.s32 @!p0 $0x1;
	_ =	shalt  }
.Lfunc_end2:
_tile_overlayer_lowered:
.L_overlay_start_2:
0xcb: {  	(tag) =	ssettag $0x2  }
0xcc: {  	s0 =	rddreg [dreg:$0x0];
	s2 =	stileid.u32  }
0xcd: {  	s1 =	rddreg [dreg:$0x1];
	p0 =	sne.s32 s2, $0x0  }
0xce: {  	s3 =	rddreg [dreg:$0x2];
	[bflag:$0x3] =	sbarrier.arrive $0xFFFF;
	s2 =	simm.s32 @!p0 $0x1C0B  }
0xcf: {  	[timem:s3], [sflag:s2] =	dma.local @!p0 [hbm:s0], s1  }
0xd0: {  	s0 =	simm.s32 @!p0 $0xB  }
0xd1: {  	_ =	swait.ge @!p0 [sflag:s0], s1  }
0xd2: {  	s1 =	ssub.s32 @!p0 $0x0, s1;
	[sflag:s0] =	ssyncset.done @!p0 $0x0  }
0xd3: {  	[sflag:s0] =	ssyncadd.s32 @!p0 s1  }
0xd4: {  	[bflag:$0x3] =	sbarrier.arrive $0xFFFF  }
0xd5: {  	_ =	shalt  }

</sc_bundles>
